<compile_context>
chip_gen: v7x
topology: tpu7x:2x2x1
jax: 0.10.2.dev20260603
libtpu: 0.0.44.dev20260713+nightly
codegen_flags: <defaults>
</compile_context>

<pallas_src>
import functools

import jax
import jax.numpy as jnp
from jax import lax
from jax.experimental import pallas as pl
from jax.experimental.pallas import tpu as pltpu
from jax.experimental.pallas import tpu_sc as plsc

_N = 10000
_E = 320000
_EL = 320000

_NC = 2
_NS = 16
_NW = _NC * _NS

_SUB = 80
_EPW = _E // _NW
_NSUB = _EPW // _SUB
_WB = 624
_WBL = _N - 15 * _WB
_NB = 4
_NBI = 25
_NBLK = _NSUB // _NBI


def _mesh():
    return plsc.VectorSubcoreMesh(
        core_axis_name="c", subcore_axis_name="s",
        num_cores=_NC, num_subcores=_NS)


def _segsum(tab, src3, dst3, zeros):
    D = tab.shape[1]

    def body(tab_ref, src_ref, dst_ref, zeros_ref, out_ref,
             sidx0, didx0, sidx1, rows, acc, gsem, ssem):
        cid = lax.axis_index("c")
        sid = lax.axis_index("s")
        wid = cid * _NS + sid
        pltpu.sync_copy(zeros_ref, acc.at[pl.ds(sid * _WB, _WB)])

        @pl.when(sid == _NS - 1)
        def _():
            pltpu.sync_copy(zeros_ref.at[pl.ds(0, _WBL - _WB)],
                            acc.at[pl.ds(_NS * _WB, _WBL - _WB)])

        plsc.subcore_barrier()

        pltpu.sync_copy(src_ref.at[wid, 0], sidx0)
        pltpu.sync_copy(dst_ref.at[wid, 0], didx0)
        for k in range(2):
            pltpu.async_copy(tab_ref.at[sidx0.at[k]], rows.at[k], gsem)

        def outer(b, carry):
            @pl.when(b >= 1)
            def _():
                pltpu.make_async_copy(tab_ref.at[pl.ds(0, _SUB)],
                                      rows.at[0], ssem).wait()
                pltpu.sync_copy(dst_ref.at[wid, b], didx0)

            @pl.when(jnp.logical_and(b + 1 < _NBLK, lax.rem(b, 2) == 1))
            def _():
                pltpu.sync_copy(src_ref.at[wid, b + 1], sidx0)

            @pl.when(jnp.logical_and(b + 1 < _NBLK, lax.rem(b, 2) == 0))
            def _():
                pltpu.sync_copy(src_ref.at[wid, b + 1], sidx1)

            def inner(c, carry2):
                g = b * _NBI + c

                @pl.when(c >= 1)
                def _():
                    pltpu.make_async_copy(tab_ref.at[pl.ds(0, _SUB)],
                                          rows.at[0], ssem).wait()

                gn = g + 2
                bn = lax.div(gn, _NBI)
                cn = lax.rem(gn, _NBI)

                @pl.when(jnp.logical_and(gn < _NSUB, lax.rem(bn, 2) == 0))
                def _():
                    pltpu.async_copy(tab_ref.at[sidx0.at[cn]],
                                     rows.at[lax.rem(gn, 3)], gsem)

                @pl.when(jnp.logical_and(gn < _NSUB, lax.rem(bn, 2) == 1))
                def _():
                    pltpu.async_copy(tab_ref.at[sidx1.at[cn]],
                                     rows.at[lax.rem(gn, 3)], gsem)

                pltpu.make_async_copy(tab_ref.at[pl.ds(0, _SUB)],
                                      rows.at[0], gsem).wait()
                pltpu.async_copy(rows.at[lax.rem(g, 3)],
                                 acc.at[didx0.at[c]], ssem, add=True)
                return carry2

            lax.fori_loop(0, _NBI, inner, 0)
            return carry

        lax.fori_loop(0, _NBLK, outer, 0)
        pltpu.make_async_copy(tab_ref.at[pl.ds(0, _SUB)], rows.at[0],
                              ssem).wait()
        plsc.subcore_barrier()
        pltpu.sync_copy(acc.at[pl.ds(sid * _WB, _WB)],
                        out_ref.at[pl.ds(cid * _N + sid * _WB, _WB)])

        @pl.when(sid == _NS - 1)
        def _():
            pltpu.sync_copy(acc.at[pl.ds(_NS * _WB, _WBL - _WB)],
                            out_ref.at[pl.ds(cid * _N + _NS * _WB,
                                             _WBL - _WB)])

    f = pl.kernel(
        body,
        out_type=jax.ShapeDtypeStruct((_NC * _N, D), jnp.float32),
        mesh=_mesh(),
        scratch_types=[
            pltpu.VMEM((_NBI, _SUB), jnp.int32),
            pltpu.VMEM((_NBI, _SUB), jnp.int32),
            pltpu.VMEM((_NBI, _SUB), jnp.int32),
            pltpu.VMEM((3, _SUB, D), jnp.float32),
            pltpu.VMEM_SHARED((_N, D), jnp.float32),
            pltpu.SemaphoreType.DMA,
            pltpu.SemaphoreType.DMA,
        ],
    )
    return f(tab, src3, dst3, zeros)


def _decode(z, s3, d3):
    D = z.shape[1]

    def body(z_ref, s_ref, d_ref, out_ref, sidx, didx, zs, zd, outv,
             buf, sem1, sem2):
        cid = lax.axis_index("c")
        sid = lax.axis_index("s")
        wid = cid * _NS + sid
        lane = lax.iota(jnp.int32, 16)
        for off in (16, 40, 64, 80):
            buf[pl.ds(off, 16)] = jnp.zeros((16,), jnp.float32)
        pltpu.sync_copy(s_ref.at[wid], sidx)
        pltpu.sync_copy(d_ref.at[wid], didx)

        for c in range(_NB - 1):
            pltpu.async_copy(z_ref.at[sidx.at[c]], zs.at[c], sem1)
            pltpu.async_copy(z_ref.at[didx.at[c]], zd.at[c], sem2)

        def sub(c, carry):
            @pl.when(c + _NB - 1 < _NSUB)
            def _():
                nb = (c + _NB - 1) & (_NB - 1)
                pltpu.async_copy(z_ref.at[sidx.at[c + _NB - 1]],
                                 zs.at[nb], sem1)
                pltpu.async_copy(z_ref.at[didx.at[c + _NB - 1]],
                                 zd.at[nb], sem2)

            b = jnp.int32(0) + (c & (_NB - 1))
            pltpu.make_async_copy(z_ref.at[pl.ds(0, _SUB)], zs.at[0],
                                  sem1).wait()
            pltpu.make_async_copy(z_ref.at[pl.ds(0, _SUB)], zd.at[0],
                                  sem2).wait()

            for g in range(_SUB // 16):
                def quad(it, tot):
                    for k in range(4):
                        t = it * 4 + k
                        e = g * 16 + t
                        p = zs[b, e, pl.ds(0, 16)] * zd[b, e, pl.ds(0, 16)]
                        for q in range(1, D // 16):
                            p = p + (zs[b, e, pl.ds(q * 16, 16)]
                                     * zd[b, e, pl.ds(q * 16, 16)])
                        buf[pl.ds(24 * k, 16)] = p
                        w = p + buf[pl.ds(24 * k + 8, 16)]
                        s = (((w[0] + w[1]) + (w[2] + w[3]))
                             + ((w[4] + w[5]) + (w[6] + w[7])))
                        tot = jnp.where(lane == t, s, tot)
                    return tot

                tot = lax.fori_loop(0, 4, quad,
                                    jnp.zeros((16,), jnp.float32))
                outv[pl.ds(c * _SUB + g * 16, 16)] = tot
            return carry

        lax.fori_loop(0, _NSUB, sub, 0)
        pltpu.sync_copy(outv, out_ref.at[pl.ds(wid * _EPW, _EPW)])

    f = pl.kernel(
        body,
        out_type=jax.ShapeDtypeStruct((_EL,), jnp.float32),
        mesh=_mesh(),
        scratch_types=[
            pltpu.VMEM((_NSUB, _SUB), jnp.int32),
            pltpu.VMEM((_NSUB, _SUB), jnp.int32),
            pltpu.VMEM((_NB, _SUB, D), jnp.float32),
            pltpu.VMEM((_NB, _SUB, D), jnp.float32),
            pltpu.VMEM((_EPW,), jnp.float32),
            pltpu.VMEM((96,), jnp.float32),
            pltpu.SemaphoreType.DMA,
            pltpu.SemaphoreType.DMA,
        ],
        compiler_params=pltpu.CompilerParams(needs_layout_passes=False,
                                             use_tc_tiling_on_sc=False),
    )
    return f(z, s3, d3)


def _mm_body(x_ref, w_ref, o_ref):
    o_ref[...] = jnp.dot(x_ref[...], w_ref[...],
                         preferred_element_type=jnp.float32)


def _tc_mm(x, w):
    return pl.pallas_call(
        _mm_body,
        out_shape=jax.ShapeDtypeStruct((x.shape[0], w.shape[1]), jnp.float32),
    )(x, w)


def _mid_body(y0_ref, m_ref, eps_ref, b11_ref, w12_ref, b12_ref, w21_ref,
              o_ref):
    m = m_ref[0:_N, :] + m_ref[_N:2 * _N, :]
    pre = (1.0 + eps_ref[0, 0]) * y0_ref[...] + m + b11_ref[...]
    a = jnp.maximum(pre, 0.0)
    h1 = jnp.maximum(
        jnp.dot(a, w12_ref[...], preferred_element_type=jnp.float32)
        + b12_ref[...], 0.0)
    o_ref[...] = jnp.dot(h1, w21_ref[...], preferred_element_type=jnp.float32)


def _tc_mid(y0, m0, eps1, b11, W12, b12, W21):
    return pl.pallas_call(
        _mid_body,
        out_shape=jax.ShapeDtypeStruct((_N, W21.shape[1]), jnp.float32),
    )(y0, m0, eps1, b11, W12, b12, W21)


def _out_body(y1_ref, m_ref, eps_ref, b21_ref, w22_ref, b22_ref, o_ref):
    m = m_ref[0:_N, :] + m_ref[_N:2 * _N, :]
    pre = (1.0 + eps_ref[0, 0]) * y1_ref[...] + m + b21_ref[...]
    a = jnp.maximum(pre, 0.0)
    o_ref[...] = jnp.dot(a, w22_ref[...],
                         preferred_element_type=jnp.float32) + b22_ref[...]


def _tc_out(y1, m1, eps2, b21, W22, b22):
    return pl.pallas_call(
        _out_body,
        out_shape=jax.ShapeDtypeStruct((_N, W22.shape[1]), jnp.float32),
    )(y1, m1, eps2, b21, W22, b22)


def kernel(x, edge_index, edge_label_index, eps1, W11, b11, W12, b12,
           eps2, W21, b21, W22, b22):
    src4 = edge_index[0].astype(jnp.int32).reshape(_NW, _NBLK, _NBI, _SUB)
    dst4 = edge_index[1].astype(jnp.int32).reshape(_NW, _NBLK, _NBI, _SUB)
    s3 = edge_label_index[0].astype(jnp.int32).reshape(_NW, _NSUB, _SUB)
    d3 = edge_label_index[1].astype(jnp.int32).reshape(_NW, _NSUB, _SUB)

    e1 = jnp.reshape(eps1, (1, 1)).astype(jnp.float32)
    e2 = jnp.reshape(eps2, (1, 1)).astype(jnp.float32)
    b11r = jnp.reshape(b11, (1, -1))
    b12r = jnp.reshape(b12, (1, -1))
    b21r = jnp.reshape(b21, (1, -1))
    b22r = jnp.reshape(b22, (1, -1))

    zeros128 = jnp.zeros((_WB, 128), jnp.float32)
    W21p = jnp.concatenate([W21, jnp.zeros((128, 64), jnp.float32)], axis=1)
    b21p = jnp.concatenate([b21r, jnp.zeros((1, 64), jnp.float32)], axis=1)
    W22p = jnp.concatenate([W22, jnp.zeros((64, 64), jnp.float32)], axis=0)

    y0 = _tc_mm(x, W11)
    m0 = _segsum(y0, src4, dst4, zeros128)
    y1 = _tc_mid(y0, m0, e1, b11r, W12, b12r, W21p)
    m1 = _segsum(y1, src4, dst4, zeros128)
    z = _tc_out(y1, m1, e2, b21p, W22p, b22r)
    logits = _decode(z, s3, d3)
    return logits

# --- scband reference (transcript-rebuilt; emitter-appended) ---
"""Pipeline reference for scband-link-gin-55980603736384 (READ-ONLY COPY).

The authoritative reference and input builder live on the scoring server;
editing this copy changes nothing except your own understanding.
"""

import jax, jax.numpy as jnp
import numpy as np

N = 10000
E = 320000
EL = 320000
D_IN = 128
D_HID = 128
D_OUT = 64


def setup_inputs(seed: int = 0) -> dict:
    key = jax.random.key(seed)
    ks = jax.random.split(key, 16)
    inp = {}
    inp["x"] = jax.random.normal(ks[0], (N, D_IN), dtype=jnp.float32)
    inp["edge_index"] = jax.random.randint(ks[1], (2, E), 0, N)
    inp["edge_label_index"] = jax.random.randint(ks[2], (2, EL), 0, N)
    # GIN layer 1: GINConv(MLP([D_IN, D_HID, D_HID])), train_eps
    inp["eps1"] = jnp.zeros((), dtype=jnp.float32)
    inp["W11"] = jax.random.normal(ks[3], (D_IN, D_HID), dtype=jnp.float32) * 0.05
    inp["b11"] = jnp.zeros((D_HID,), dtype=jnp.float32)
    inp["W12"] = jax.random.normal(ks[4], (D_HID, D_HID), dtype=jnp.float32) * 0.05
    inp["b12"] = jnp.zeros((D_HID,), dtype=jnp.float32)
    # GIN layer 2: GINConv(MLP([D_HID, D_OUT, D_OUT])), train_eps
    inp["eps2"] = jnp.zeros((), dtype=jnp.float32)
    inp["W21"] = jax.random.normal(ks[5], (D_HID, D_OUT), dtype=jnp.float32) * 0.05
    inp["b21"] = jnp.zeros((D_OUT,), dtype=jnp.float32)
    inp["W22"] = jax.random.normal(ks[6], (D_OUT, D_OUT), dtype=jnp.float32) * 0.05
    inp["b22"] = jnp.zeros((D_OUT,), dtype=jnp.float32)
    return inp


def _gin_layer(x, src, dst, eps, Wa, ba, Wb, bb):
    # GINConv: nn((1 + eps) * x + sum_{j in N(i)} x_j)
    msg = jax.ops.segment_sum(x[src], dst, num_segments=N)
    h = (1.0 + eps) * x + msg
    # MLP: Linear -> ReLU -> Linear (norm=None)
    h = jnp.maximum(h @ Wa + ba, 0.0)
    return h @ Wb + bb


def reference(x, edge_index, edge_label_index, eps1, W11, b11, W12, b12, eps2, W21, b21, W22, b22):
    src = edge_index[0]
    dst = edge_index[1]
    # encode: 2-layer GIN with ReLU between layers (BasicGNN act)
    h1 = _gin_layer(x, src, dst, eps1, W11, b11, W12, b12)
    h1 = jnp.maximum(h1, 0.0)
    z = _gin_layer(h1, src, dst, eps2, W21, b21, W22, b22)
    # decode: InnerProductDecoder, sigmoid=False
    s = edge_label_index[0]
    d = edge_label_index[1]
    logits = jnp.sum(z[s] * z[d], axis=-1)
    return logits.reshape(-1)

if __name__ == "__main__":
    import jax
    _d = setup_inputs()
    print(jax.jit(kernel)(*tuple(_d.values())))

</pallas_src>

<mosaic_0001>
#map = affine_map<(d0, d1) -> (0, 0)>
#map1 = affine_map<(d0, d1) -> (0, 0, 0, 0)>
module attributes {stable_mosaic.version = 14 : i64} {
  func.func @body(%arg0: i32, %arg1: i32, %arg2: memref<10000x128xf32, #tpu.memory_space<hbm>>, %arg3: memref<32x5x25x80xi32, #tpu.memory_space<hbm>>, %arg4: memref<32x5x25x80xi32, #tpu.memory_space<hbm>>, %arg5: memref<624x128xf32, #tpu.memory_space<hbm>>, %arg6: memref<20000x128xf32, #tpu.memory_space<hbm>>, %arg7: memref<25x80xi32, #tpu.memory_space<vmem>>, %arg8: memref<25x80xi32, #tpu.memory_space<vmem>>, %arg9: memref<25x80xi32, #tpu.memory_space<vmem>>, %arg10: memref<3x80x128xf32, #tpu.memory_space<vmem>>, %arg11: memref<10000x128xf32, #tpu.memory_space<vmem_shared>>, %arg12: memref<!tpu.dma_semaphore, #tpu.memory_space<semaphore_mem>>, %arg13: memref<!tpu.dma_semaphore, #tpu.memory_space<semaphore_mem>>) attributes {dimension_semantics = [#tpu.dimension_semantics<core_parallel>, #tpu.dimension_semantics<subcore_parallel>], iteration_bounds = array<i64: 2, 16>, scalar_prefetch = 0 : i64, scratch_operands = 7 : i64, tpu.core_type = #tpu.core_type<sc_vector_subcore>, window_params = [{transform_indices = #map}, {transform_indices = #map1}, {transform_indices = #map1}, {transform_indices = #map}, {transform_indices = #map}]} {
    %mul3A = arith.constant 16 : i32
    %mul3A_0 = arith.muli %arg0, %mul3A : i32
    %add3A = arith.addi %mul3A_0, %arg1 : i32
    %mul3A_1 = arith.constant 624 : i32
    %mul3A_2 = arith.muli %arg1, %mul3A_1 : i32
    "tpu.region"() ({
      %run_scoped3A_61 = tpu.sem_alloc : memref<!tpu.dma_semaphore, #tpu.memory_space<semaphore_mem>>
      %dma_start3A_62 = arith.constant 0 : i32
      %dma_start3A_63 = tpu.memref_slice %arg11[%mul3A_2, %dma_start3A_62] : memref<10000x128xf32, #tpu.memory_space<vmem_shared>> -> memref<624x128xf32, #tpu.memory_space<vmem_shared>>
      tpu.enqueue_dma source(%arg5 : memref<624x128xf32, #tpu.memory_space<hbm>>) target(%dma_start3A_63 : memref<624x128xf32, #tpu.memory_space<vmem_shared>>) target_semaphore(%run_scoped3A_61 : memref<!tpu.dma_semaphore, #tpu.memory_space<semaphore_mem>>)
      %dma_wait3A_64 = arith.constant 0 : i32
      %dma_wait3A_65 = tpu.memref_slice %arg11[%mul3A_2, %dma_wait3A_64] : memref<10000x128xf32, #tpu.memory_space<vmem_shared>> -> memref<624x128xf32, #tpu.memory_space<vmem_shared>>
      tpu.wait_dma2 semaphore(%run_scoped3A_61 : memref<!tpu.dma_semaphore, #tpu.memory_space<semaphore_mem>>) src(%arg5 : memref<624x128xf32, #tpu.memory_space<hbm>>) dst(%dma_wait3A_65 : memref<624x128xf32, #tpu.memory_space<vmem_shared>>)
      tpu.yield
    }) : () -> ()
    %eq3A = arith.constant 15 : i32
    %eq3A_3 = arith.cmpi eq, %arg1, %eq3A : i32
    %convert_element_type3A = arith.extui %eq3A_3 : i1 to i32
    %cond3A = arith.constant 0 : i32
    %cond3A_4 = arith.cmpi ne, %convert_element_type3A, %cond3A : i32
    scf.if %cond3A_4 {
      "tpu.region"() ({
        %run_scoped3A_61 = tpu.sem_alloc : memref<!tpu.dma_semaphore, #tpu.memory_space<semaphore_mem>>
        %dma_start3A_62 = arith.constant 9984 : i32
        %dma_start3A_63 = arith.constant 0 : i32
        %dma_start3A_64 = tpu.memref_slice %arg11[%dma_start3A_62, %dma_start3A_63] : memref<10000x128xf32, #tpu.memory_space<vmem_shared>> -> memref<16x128xf32, #tpu.memory_space<vmem_shared>>
        %dma_start3A_65 = arith.constant 0 : i32
        %dma_start3A_66 = arith.constant 0 : i32
        %dma_start3A_67 = tpu.memref_slice %arg5[%dma_start3A_65, %dma_start3A_66] : memref<624x128xf32, #tpu.memory_space<hbm>> -> memref<16x128xf32, #tpu.memory_space<hbm>>
        tpu.enqueue_dma source(%dma_start3A_67 : memref<16x128xf32, #tpu.memory_space<hbm>>) target(%dma_start3A_64 : memref<16x128xf32, #tpu.memory_space<vmem_shared>>) target_semaphore(%run_scoped3A_61 : memref<!tpu.dma_semaphore, #tpu.memory_space<semaphore_mem>>)
        %dma_wait3A_68 = arith.constant 9984 : i32
        %dma_wait3A_69 = arith.constant 0 : i32
        %dma_wait3A_70 = tpu.memref_slice %arg11[%dma_wait3A_68, %dma_wait3A_69] : memref<10000x128xf32, #tpu.memory_space<vmem_shared>> -> memref<16x128xf32, #tpu.memory_space<vmem_shared>>
        %dma_wait3A_71 = arith.constant 0 : i32
        %dma_wait3A_72 = arith.constant 0 : i32
        %dma_wait3A_73 = tpu.memref_slice %arg5[%dma_wait3A_71, %dma_wait3A_72] : memref<624x128xf32, #tpu.memory_space<hbm>> -> memref<16x128xf32, #tpu.memory_space<hbm>>
        tpu.wait_dma2 semaphore(%run_scoped3A_61 : memref<!tpu.dma_semaphore, #tpu.memory_space<semaphore_mem>>) src(%dma_wait3A_73 : memref<16x128xf32, #tpu.memory_space<hbm>>) dst(%dma_wait3A_70 : memref<16x128xf32, #tpu.memory_space<vmem_shared>>)
        tpu.yield
      }) : () -> ()
    } else {
    }
    %barrier3A = arith.constant 0 : index
    tpu.barrier barrier_id(%barrier3A)
    %run_scoped3A = arith.constant 0 : i32
    "tpu.region"() ({
      %run_scoped3A_61 = tpu.sem_alloc : memref<!tpu.dma_semaphore, #tpu.memory_space<semaphore_mem>>
      %dma_start3A_62 = arith.constant 0 : i32
      %dma_start3A_63 = arith.constant 0 : i32
      %dma_start3A_64 = tpu.memref_slice %arg3[%add3A, %run_scoped3A, %dma_start3A_62, %dma_start3A_63] : memref<32x5x25x80xi32, #tpu.memory_space<hbm>> -> memref<1x1x25x80xi32, #tpu.memory_space<hbm>>
      %dma_start3A_65 = tpu.memref_squeeze %dma_start3A_64 : memref<1x1x25x80xi32, #tpu.memory_space<hbm>> -> memref<25x80xi32, #tpu.memory_space<hbm>>
      %dma_start3A_66 = arith.constant 0 : i32
      %dma_start3A_67 = arith.constant 0 : i32
      %dma_start3A_68 = tpu.memref_slice %arg3[%add3A, %run_scoped3A, %dma_start3A_66, %dma_start3A_67] : memref<32x5x25x80xi32, #tpu.memory_space<hbm>> -> memref<1x1x25x80xi32, #tpu.memory_space<hbm>>
      %dma_start3A_69 = tpu.memref_squeeze %dma_start3A_68 : memref<1x1x25x80xi32, #tpu.memory_space<hbm>> -> memref<25x80xi32, #tpu.memory_space<hbm>>
      tpu.enqueue_dma source(%dma_start3A_69 : memref<25x80xi32, #tpu.memory_space<hbm>>) target(%arg7 : memref<25x80xi32, #tpu.memory_space<vmem>>) target_semaphore(%run_scoped3A_61 : memref<!tpu.dma_semaphore, #tpu.memory_space<semaphore_mem>>)
      %dma_wait3A_70 = arith.constant 0 : i32
      %dma_wait3A_71 = arith.constant 0 : i32
      %dma_wait3A_72 = tpu.memref_slice %arg3[%add3A, %run_scoped3A, %dma_wait3A_70, %dma_wait3A_71] : memref<32x5x25x80xi32, #tpu.memory_space<hbm>> -> memref<1x1x25x80xi32, #tpu.memory_space<hbm>>
      %dma_wait3A_73 = tpu.memref_squeeze %dma_wait3A_72 : memref<1x1x25x80xi32, #tpu.memory_space<hbm>> -> memref<25x80xi32, #tpu.memory_space<hbm>>
      %dma_wait3A_74 = arith.constant 0 : i32
      %dma_wait3A_75 = arith.constant 0 : i32
      %dma_wait3A_76 = tpu.memref_slice %arg3[%add3A, %run_scoped3A, %dma_wait3A_74, %dma_wait3A_75] : memref<32x5x25x80xi32, #tpu.memory_space<hbm>> -> memref<1x1x25x80xi32, #tpu.memory_space<hbm>>
      %dma_wait3A_77 = tpu.memref_squeeze %dma_wait3A_76 : memref<1x1x25x80xi32, #tpu.memory_space<hbm>> -> memref<25x80xi32, #tpu.memory_space<hbm>>
      tpu.wait_dma2 semaphore(%run_scoped3A_61 : memref<!tpu.dma_semaphore, #tpu.memory_space<semaphore_mem>>) src(%dma_wait3A_77 : memref<25x80xi32, #tpu.memory_space<hbm>>) dst(%arg7 : memref<25x80xi32, #tpu.memory_space<vmem>>)
      tpu.yield
    }) : () -> ()
    %run_scoped3A_5 = arith.constant 0 : i32
    "tpu.region"() ({
      %run_scoped3A_61 = tpu.sem_alloc : memref<!tpu.dma_semaphore, #tpu.memory_space<semaphore_mem>>
      %dma_start3A_62 = arith.constant 0 : i32
      %dma_start3A_63 = arith.constant 0 : i32
      %dma_start3A_64 = tpu.memref_slice %arg4[%add3A, %run_scoped3A_5, %dma_start3A_62, %dma_start3A_63] : memref<32x5x25x80xi32, #tpu.memory_space<hbm>> -> memref<1x1x25x80xi32, #tpu.memory_space<hbm>>
      %dma_start3A_65 = tpu.memref_squeeze %dma_start3A_64 : memref<1x1x25x80xi32, #tpu.memory_space<hbm>> -> memref<25x80xi32, #tpu.memory_space<hbm>>
      %dma_start3A_66 = arith.constant 0 : i32
      %dma_start3A_67 = arith.constant 0 : i32
      %dma_start3A_68 = tpu.memref_slice %arg4[%add3A, %run_scoped3A_5, %dma_start3A_66, %dma_start3A_67] : memref<32x5x25x80xi32, #tpu.memory_space<hbm>> -> memref<1x1x25x80xi32, #tpu.memory_space<hbm>>
      %dma_start3A_69 = tpu.memref_squeeze %dma_start3A_68 : memref<1x1x25x80xi32, #tpu.memory_space<hbm>> -> memref<25x80xi32, #tpu.memory_space<hbm>>
      tpu.enqueue_dma source(%dma_start3A_69 : memref<25x80xi32, #tpu.memory_space<hbm>>) target(%arg8 : memref<25x80xi32, #tpu.memory_space<vmem>>) target_semaphore(%run_scoped3A_61 : memref<!tpu.dma_semaphore, #tpu.memory_space<semaphore_mem>>)
      %dma_wait3A_70 = arith.constant 0 : i32
      %dma_wait3A_71 = arith.constant 0 : i32
      %dma_wait3A_72 = tpu.memref_slice %arg4[%add3A, %run_scoped3A_5, %dma_wait3A_70, %dma_wait3A_71] : memref<32x5x25x80xi32, #tpu.memory_space<hbm>> -> memref<1x1x25x80xi32, #tpu.memory_space<hbm>>
      %dma_wait3A_73 = tpu.memref_squeeze %dma_wait3A_72 : memref<1x1x25x80xi32, #tpu.memory_space<hbm>> -> memref<25x80xi32, #tpu.memory_space<hbm>>
      %dma_wait3A_74 = arith.constant 0 : i32
      %dma_wait3A_75 = arith.constant 0 : i32
      %dma_wait3A_76 = tpu.memref_slice %arg4[%add3A, %run_scoped3A_5, %dma_wait3A_74, %dma_wait3A_75] : memref<32x5x25x80xi32, #tpu.memory_space<hbm>> -> memref<1x1x25x80xi32, #tpu.memory_space<hbm>>
      %dma_wait3A_77 = tpu.memref_squeeze %dma_wait3A_76 : memref<1x1x25x80xi32, #tpu.memory_space<hbm>> -> memref<25x80xi32, #tpu.memory_space<hbm>>
      tpu.wait_dma2 semaphore(%run_scoped3A_61 : memref<!tpu.dma_semaphore, #tpu.memory_space<semaphore_mem>>) src(%dma_wait3A_77 : memref<25x80xi32, #tpu.memory_space<hbm>>) dst(%arg8 : memref<25x80xi32, #tpu.memory_space<vmem>>)
      tpu.yield
    }) : () -> ()
    %dma_start3A = arith.constant 0 : i32
    %dma_start3A_6 = arith.constant 0 : i32
    %dma_start3A_7 = arith.constant 0 : i32
    %dma_start3A_8 = arith.constant 0 : i32
    %dma_start3A_9 = tpu.memref_slice %arg10[%dma_start3A_6, %dma_start3A_7, %dma_start3A_8] : memref<3x80x128xf32, #tpu.memory_space<vmem>> -> memref<1x80x128xf32, #tpu.memory_space<vmem>>
    %dma_start3A_10 = tpu.memref_squeeze %dma_start3A_9 : memref<1x80x128xf32, #tpu.memory_space<vmem>> -> memref<80x128xf32, #tpu.memory_space<vmem>>
    %dma_start3A_11 = arith.constant 0 : i32
    %dma_start3A_12 = tpu.memref_slice %arg7[%dma_start3A, %dma_start3A_11] : memref<25x80xi32, #tpu.memory_space<vmem>> -> memref<1x80xi32, #tpu.memory_space<vmem>>
    %dma_start3A_13 = tpu.memref_squeeze %dma_start3A_12 : memref<1x80xi32, #tpu.memory_space<vmem>> -> memref<80xi32, #tpu.memory_space<vmem>>
    %dma_start3A_14 = arith.constant 0 : i32
    %dma_start3A_15 = arith.constant 0 : i32
    %dma_start3A_16 = tpu.memref_slice %arg2[%dma_start3A_14, %dma_start3A_15] : memref<10000x128xf32, #tpu.memory_space<hbm>> -> memref<10000x128xf32, #tpu.memory_space<hbm>>
    tpu.enqueue_indirect_dma source(%dma_start3A_16 : memref<10000x128xf32, #tpu.memory_space<hbm>>) target(%dma_start3A_10 : memref<80x128xf32, #tpu.memory_space<vmem>>) offsets(%dma_start3A_13 : memref<80xi32, #tpu.memory_space<vmem>>) semaphore(%arg12 : memref<!tpu.dma_semaphore, #tpu.memory_space<semaphore_mem>>)
    %dma_start3A_17 = arith.constant 1 : i32
    %dma_start3A_18 = arith.constant 1 : i32
    %dma_start3A_19 = arith.constant 0 : i32
    %dma_start3A_20 = arith.constant 0 : i32
    %dma_start3A_21 = tpu.memref_slice %arg10[%dma_start3A_18, %dma_start3A_19, %dma_start3A_20] : memref<3x80x128xf32, #tpu.memory_space<vmem>> -> memref<1x80x128xf32, #tpu.memory_space<vmem>>
    %dma_start3A_22 = tpu.memref_squeeze %dma_start3A_21 : memref<1x80x128xf32, #tpu.memory_space<vmem>> -> memref<80x128xf32, #tpu.memory_space<vmem>>
    %dma_start3A_23 = arith.constant 0 : i32
    %dma_start3A_24 = tpu.memref_slice %arg7[%dma_start3A_17, %dma_start3A_23] : memref<25x80xi32, #tpu.memory_space<vmem>> -> memref<1x80xi32, #tpu.memory_space<vmem>>
    %dma_start3A_25 = tpu.memref_squeeze %dma_start3A_24 : memref<1x80xi32, #tpu.memory_space<vmem>> -> memref<80xi32, #tpu.memory_space<vmem>>
    %dma_start3A_26 = arith.constant 0 : i32
    %dma_start3A_27 = arith.constant 0 : i32
    %dma_start3A_28 = tpu.memref_slice %arg2[%dma_start3A_26, %dma_start3A_27] : memref<10000x128xf32, #tpu.memory_space<hbm>> -> memref<10000x128xf32, #tpu.memory_space<hbm>>
    tpu.enqueue_indirect_dma source(%dma_start3A_28 : memref<10000x128xf32, #tpu.memory_space<hbm>>) target(%dma_start3A_22 : memref<80x128xf32, #tpu.memory_space<vmem>>) offsets(%dma_start3A_25 : memref<80xi32, #tpu.memory_space<vmem>>) semaphore(%arg12 : memref<!tpu.dma_semaphore, #tpu.memory_space<semaphore_mem>>)
    %scan3A = arith.constant 0 : i32
    %scan3A_29 = arith.constant 0 : i32
    %scan3A_30 = arith.constant 5 : i32
    %scan3A_31 = arith.addi %scan3A_29, %scan3A_30 : i32
    %scan3A_32 = arith.constant 1 : i32
    scf.for %scan3A_61 = %scan3A_29 to %scan3A_31 step %scan3A_32  : i32 {
      %ge3A = arith.constant 1 : i32
      %ge3A_62 = arith.cmpi sge, %scan3A_61, %ge3A : i32
      %convert_element_type3A_63 = arith.extui %ge3A_62 : i1 to i32
      %cond3A_64 = arith.constant 0 : i32
      %cond3A_65 = arith.cmpi ne, %convert_element_type3A_63, %cond3A_64 : i32
      scf.if %cond3A_65 {
        %dma_wait3A_93 = arith.constant 0 : i32
        %dma_wait3A_94 = arith.constant 0 : i32
        %dma_wait3A_95 = arith.constant 0 : i32
        %dma_wait3A_96 = tpu.memref_slice %arg10[%dma_wait3A_93, %dma_wait3A_94, %dma_wait3A_95] : memref<3x80x128xf32, #tpu.memory_space<vmem>> -> memref<1x80x128xf32, #tpu.memory_space<vmem>>
        %dma_wait3A_97 = tpu.memref_squeeze %dma_wait3A_96 : memref<1x80x128xf32, #tpu.memory_space<vmem>> -> memref<80x128xf32, #tpu.memory_space<vmem>>
        %dma_wait3A_98 = arith.constant 0 : i32
        %dma_wait3A_99 = arith.constant 0 : i32
        %dma_wait3A_100 = tpu.memref_slice %arg2[%dma_wait3A_98, %dma_wait3A_99] : memref<10000x128xf32, #tpu.memory_space<hbm>> -> memref<80x128xf32, #tpu.memory_space<hbm>>
        %dma_wait3A_101 = arith.constant 0 : i32
        %dma_wait3A_102 = arith.constant 0 : i32
        %dma_wait3A_103 = tpu.memref_slice %arg10[%dma_wait3A_93, %dma_wait3A_101, %dma_wait3A_102] : memref<3x80x128xf32, #tpu.memory_space<vmem>> -> memref<1x80x128xf32, #tpu.memory_space<vmem>>
        %dma_wait3A_104 = tpu.memref_squeeze %dma_wait3A_103 : memref<1x80x128xf32, #tpu.memory_space<vmem>> -> memref<80x128xf32, #tpu.memory_space<vmem>>
        %dma_wait3A_105 = arith.constant 0 : i32
        %dma_wait3A_106 = arith.constant 0 : i32
        %dma_wait3A_107 = tpu.memref_slice %arg2[%dma_wait3A_105, %dma_wait3A_106] : memref<10000x128xf32, #tpu.memory_space<hbm>> -> memref<80x128xf32, #tpu.memory_space<hbm>>
        tpu.wait_dma2 semaphore(%arg13 : memref<!tpu.dma_semaphore, #tpu.memory_space<semaphore_mem>>) src(%dma_wait3A_107 : memref<80x128xf32, #tpu.memory_space<hbm>>) dst(%dma_wait3A_104 : memref<80x128xf32, #tpu.memory_space<vmem>>)
        "tpu.region"() ({
          %run_scoped3A_108 = tpu.sem_alloc : memref<!tpu.dma_semaphore, #tpu.memory_space<semaphore_mem>>
          %dma_start3A_109 = arith.constant 0 : i32
          %dma_start3A_110 = arith.constant 0 : i32
          %dma_start3A_111 = tpu.memref_slice %arg4[%add3A, %scan3A_61, %dma_start3A_109, %dma_start3A_110] : memref<32x5x25x80xi32, #tpu.memory_space<hbm>> -> memref<1x1x25x80xi32, #tpu.memory_space<hbm>>
          %dma_start3A_112 = tpu.memref_squeeze %dma_start3A_111 : memref<1x1x25x80xi32, #tpu.memory_space<hbm>> -> memref<25x80xi32, #tpu.memory_space<hbm>>
          %dma_start3A_113 = arith.constant 0 : i32
          %dma_start3A_114 = arith.constant 0 : i32
          %dma_start3A_115 = tpu.memref_slice %arg4[%add3A, %scan3A_61, %dma_start3A_113, %dma_start3A_114] : memref<32x5x25x80xi32, #tpu.memory_space<hbm>> -> memref<1x1x25x80xi32, #tpu.memory_space<hbm>>
          %dma_start3A_116 = tpu.memref_squeeze %dma_start3A_115 : memref<1x1x25x80xi32, #tpu.memory_space<hbm>> -> memref<25x80xi32, #tpu.memory_space<hbm>>
          tpu.enqueue_dma source(%dma_start3A_116 : memref<25x80xi32, #tpu.memory_space<hbm>>) target(%arg8 : memref<25x80xi32, #tpu.memory_space<vmem>>) target_semaphore(%run_scoped3A_108 : memref<!tpu.dma_semaphore, #tpu.memory_space<semaphore_mem>>)
          %dma_wait3A_117 = arith.constant 0 : i32
          %dma_wait3A_118 = arith.constant 0 : i32
          %dma_wait3A_119 = tpu.memref_slice %arg4[%add3A, %scan3A_61, %dma_wait3A_117, %dma_wait3A_118] : memref<32x5x25x80xi32, #tpu.memory_space<hbm>> -> memref<1x1x25x80xi32, #tpu.memory_space<hbm>>
          %dma_wait3A_120 = tpu.memref_squeeze %dma_wait3A_119 : memref<1x1x25x80xi32, #tpu.memory_space<hbm>> -> memref<25x80xi32, #tpu.memory_space<hbm>>
          %dma_wait3A_121 = arith.constant 0 : i32
          %dma_wait3A_122 = arith.constant 0 : i32
          %dma_wait3A_123 = tpu.memref_slice %arg4[%add3A, %scan3A_61, %dma_wait3A_121, %dma_wait3A_122] : memref<32x5x25x80xi32, #tpu.memory_space<hbm>> -> memref<1x1x25x80xi32, #tpu.memory_space<hbm>>
          %dma_wait3A_124 = tpu.memref_squeeze %dma_wait3A_123 : memref<1x1x25x80xi32, #tpu.memory_space<hbm>> -> memref<25x80xi32, #tpu.memory_space<hbm>>
          tpu.wait_dma2 semaphore(%run_scoped3A_108 : memref<!tpu.dma_semaphore, #tpu.memory_space<semaphore_mem>>) src(%dma_wait3A_124 : memref<25x80xi32, #tpu.memory_space<hbm>>) dst(%arg8 : memref<25x80xi32, #tpu.memory_space<vmem>>)
          tpu.yield
        }) : () -> ()
      } else {
      }
      %add3A_66 = arith.constant 1 : i32
      %add3A_67 = arith.addi %scan3A_61, %add3A_66 : i32
      %lt3A = arith.constant 5 : i32
      %lt3A_68 = arith.cmpi slt, %add3A_67, %lt3A : i32
      %rem3A = arith.constant 2 : i32
      %rem3A_69 = arith.remsi %scan3A_61, %rem3A : i32
      %eq3A_70 = arith.constant 1 : i32
      %eq3A_71 = arith.cmpi eq, %rem3A_69, %eq3A_70 : i32
      %and3A = arith.andi %lt3A_68, %eq3A_71 : i1
      %convert_element_type3A_72 = arith.extui %and3A : i1 to i32
      %cond3A_73 = arith.constant 0 : i32
      %cond3A_74 = arith.cmpi ne, %convert_element_type3A_72, %cond3A_73 : i32
      scf.if %cond3A_74 {
        %add3A_93 = arith.constant 1 : i32
        %add3A_94 = arith.addi %scan3A_61, %add3A_93 : i32
        "tpu.region"() ({
          %run_scoped3A_95 = tpu.sem_alloc : memref<!tpu.dma_semaphore, #tpu.memory_space<semaphore_mem>>
          %dma_start3A_96 = arith.constant 0 : i32
          %dma_start3A_97 = arith.constant 0 : i32
          %dma_start3A_98 = tpu.memref_slice %arg3[%add3A, %add3A_94, %dma_start3A_96, %dma_start3A_97] : memref<32x5x25x80xi32, #tpu.memory_space<hbm>> -> memref<1x1x25x80xi32, #tpu.memory_space<hbm>>
          %dma_start3A_99 = tpu.memref_squeeze %dma_start3A_98 : memref<1x1x25x80xi32, #tpu.memory_space<hbm>> -> memref<25x80xi32, #tpu.memory_space<hbm>>
          %dma_start3A_100 = arith.constant 0 : i32
          %dma_start3A_101 = arith.constant 0 : i32
          %dma_start3A_102 = tpu.memref_slice %arg3[%add3A, %add3A_94, %dma_start3A_100, %dma_start3A_101] : memref<32x5x25x80xi32, #tpu.memory_space<hbm>> -> memref<1x1x25x80xi32, #tpu.memory_space<hbm>>
          %dma_start3A_103 = tpu.memref_squeeze %dma_start3A_102 : memref<1x1x25x80xi32, #tpu.memory_space<hbm>> -> memref<25x80xi32, #tpu.memory_space<hbm>>
          tpu.enqueue_dma source(%dma_start3A_103 : memref<25x80xi32, #tpu.memory_space<hbm>>) target(%arg7 : memref<25x80xi32, #tpu.memory_space<vmem>>) target_semaphore(%run_scoped3A_95 : memref<!tpu.dma_semaphore, #tpu.memory_space<semaphore_mem>>)
          %dma_wait3A_104 = arith.constant 0 : i32
          %dma_wait3A_105 = arith.constant 0 : i32
          %dma_wait3A_106 = tpu.memref_slice %arg3[%add3A, %add3A_94, %dma_wait3A_104, %dma_wait3A_105] : memref<32x5x25x80xi32, #tpu.memory_space<hbm>> -> memref<1x1x25x80xi32, #tpu.memory_space<hbm>>
          %dma_wait3A_107 = tpu.memref_squeeze %dma_wait3A_106 : memref<1x1x25x80xi32, #tpu.memory_space<hbm>> -> memref<25x80xi32, #tpu.memory_space<hbm>>
          %dma_wait3A_108 = arith.constant 0 : i32
          %dma_wait3A_109 = arith.constant 0 : i32
          %dma_wait3A_110 = tpu.memref_slice %arg3[%add3A, %add3A_94, %dma_wait3A_108, %dma_wait3A_109] : memref<32x5x25x80xi32, #tpu.memory_space<hbm>> -> memref<1x1x25x80xi32, #tpu.memory_space<hbm>>
          %dma_wait3A_111 = tpu.memref_squeeze %dma_wait3A_110 : memref<1x1x25x80xi32, #tpu.memory_space<hbm>> -> memref<25x80xi32, #tpu.memory_space<hbm>>
          tpu.wait_dma2 semaphore(%run_scoped3A_95 : memref<!tpu.dma_semaphore, #tpu.memory_space<semaphore_mem>>) src(%dma_wait3A_111 : memref<25x80xi32, #tpu.memory_space<hbm>>) dst(%arg7 : memref<25x80xi32, #tpu.memory_space<vmem>>)
          tpu.yield
        }) : () -> ()
      } else {
      }
      %add3A_75 = arith.constant 1 : i32
      %add3A_76 = arith.addi %scan3A_61, %add3A_75 : i32
      %lt3A_77 = arith.constant 5 : i32
      %lt3A_78 = arith.cmpi slt, %add3A_76, %lt3A_77 : i32
      %rem3A_79 = arith.constant 2 : i32
      %rem3A_80 = arith.remsi %scan3A_61, %rem3A_79 : i32
      %eq3A_81 = arith.constant 0 : i32
      %eq3A_82 = arith.cmpi eq, %rem3A_80, %eq3A_81 : i32
      %and3A_83 = arith.andi %lt3A_78, %eq3A_82 : i1
      %convert_element_type3A_84 = arith.extui %and3A_83 : i1 to i32
      %cond3A_85 = arith.constant 0 : i32
      %cond3A_86 = arith.cmpi ne, %convert_element_type3A_84, %cond3A_85 : i32
      scf.if %cond3A_86 {
        %add3A_93 = arith.constant 1 : i32
        %add3A_94 = arith.addi %scan3A_61, %add3A_93 : i32
        "tpu.region"() ({
          %run_scoped3A_95 = tpu.sem_alloc : memref<!tpu.dma_semaphore, #tpu.memory_space<semaphore_mem>>
          %dma_start3A_96 = arith.constant 0 : i32
          %dma_start3A_97 = arith.constant 0 : i32
          %dma_start3A_98 = tpu.memref_slice %arg3[%add3A, %add3A_94, %dma_start3A_96, %dma_start3A_97] : memref<32x5x25x80xi32, #tpu.memory_space<hbm>> -> memref<1x1x25x80xi32, #tpu.memory_space<hbm>>
          %dma_start3A_99 = tpu.memref_squeeze %dma_start3A_98 : memref<1x1x25x80xi32, #tpu.memory_space<hbm>> -> memref<25x80xi32, #tpu.memory_space<hbm>>
          %dma_start3A_100 = arith.constant 0 : i32
          %dma_start3A_101 = arith.constant 0 : i32
          %dma_start3A_102 = tpu.memref_slice %arg3[%add3A, %add3A_94, %dma_start3A_100, %dma_start3A_101] : memref<32x5x25x80xi32, #tpu.memory_space<hbm>> -> memref<1x1x25x80xi32, #tpu.memory_space<hbm>>
          %dma_start3A_103 = tpu.memref_squeeze %dma_start3A_102 : memref<1x1x25x80xi32, #tpu.memory_space<hbm>> -> memref<25x80xi32, #tpu.memory_space<hbm>>
          tpu.enqueue_dma source(%dma_start3A_103 : memref<25x80xi32, #tpu.memory_space<hbm>>) target(%arg9 : memref<25x80xi32, #tpu.memory_space<vmem>>) target_semaphore(%run_scoped3A_95 : memref<!tpu.dma_semaphore, #tpu.memory_space<semaphore_mem>>)
          %dma_wait3A_104 = arith.constant 0 : i32
          %dma_wait3A_105 = arith.constant 0 : i32
          %dma_wait3A_106 = tpu.memref_slice %arg3[%add3A, %add3A_94, %dma_wait3A_104, %dma_wait3A_105] : memref<32x5x25x80xi32, #tpu.memory_space<hbm>> -> memref<1x1x25x80xi32, #tpu.memory_space<hbm>>
          %dma_wait3A_107 = tpu.memref_squeeze %dma_wait3A_106 : memref<1x1x25x80xi32, #tpu.memory_space<hbm>> -> memref<25x80xi32, #tpu.memory_space<hbm>>
          %dma_wait3A_108 = arith.constant 0 : i32
          %dma_wait3A_109 = arith.constant 0 : i32
          %dma_wait3A_110 = tpu.memref_slice %arg3[%add3A, %add3A_94, %dma_wait3A_108, %dma_wait3A_109] : memref<32x5x25x80xi32, #tpu.memory_space<hbm>> -> memref<1x1x25x80xi32, #tpu.memory_space<hbm>>
          %dma_wait3A_111 = tpu.memref_squeeze %dma_wait3A_110 : memref<1x1x25x80xi32, #tpu.memory_space<hbm>> -> memref<25x80xi32, #tpu.memory_space<hbm>>
          tpu.wait_dma2 semaphore(%run_scoped3A_95 : memref<!tpu.dma_semaphore, #tpu.memory_space<semaphore_mem>>) src(%dma_wait3A_111 : memref<25x80xi32, #tpu.memory_space<hbm>>) dst(%arg9 : memref<25x80xi32, #tpu.memory_space<vmem>>)
          tpu.yield
        }) : () -> ()
      } else {
      }
      %scan3A_87 = arith.constant 0 : i32
      %scan3A_88 = arith.constant 0 : i32
      %scan3A_89 = arith.constant 25 : i32
      %scan3A_90 = arith.addi %scan3A_88, %scan3A_89 : i32
      %scan3A_91 = arith.constant 1 : i32
      scf.for %scan3A_93 = %scan3A_88 to %scan3A_90 step %scan3A_91  : i32 {
        %mul3A_94 = arith.constant 25 : i32
        %mul3A_95 = arith.muli %scan3A_61, %mul3A_94 : i32
        %add3A_96 = arith.addi %mul3A_95, %scan3A_93 : i32
        %ge3A_97 = arith.constant 1 : i32
        %ge3A_98 = arith.cmpi sge, %scan3A_93, %ge3A_97 : i32
        %convert_element_type3A_99 = arith.extui %ge3A_98 : i1 to i32
        %cond3A_100 = arith.constant 0 : i32
        %cond3A_101 = arith.cmpi ne, %convert_element_type3A_99, %cond3A_100 : i32
        scf.if %cond3A_101 {
          %dma_wait3A_154 = arith.constant 0 : i32
          %dma_wait3A_155 = arith.constant 0 : i32
          %dma_wait3A_156 = arith.constant 0 : i32
          %dma_wait3A_157 = tpu.memref_slice %arg10[%dma_wait3A_154, %dma_wait3A_155, %dma_wait3A_156] : memref<3x80x128xf32, #tpu.memory_space<vmem>> -> memref<1x80x128xf32, #tpu.memory_space<vmem>>
          %dma_wait3A_158 = tpu.memref_squeeze %dma_wait3A_157 : memref<1x80x128xf32, #tpu.memory_space<vmem>> -> memref<80x128xf32, #tpu.memory_space<vmem>>
          %dma_wait3A_159 = arith.constant 0 : i32
          %dma_wait3A_160 = arith.constant 0 : i32
          %dma_wait3A_161 = tpu.memref_slice %arg2[%dma_wait3A_159, %dma_wait3A_160] : memref<10000x128xf32, #tpu.memory_space<hbm>> -> memref<80x128xf32, #tpu.memory_space<hbm>>
          %dma_wait3A_162 = arith.constant 0 : i32
          %dma_wait3A_163 = arith.constant 0 : i32
          %dma_wait3A_164 = tpu.memref_slice %arg10[%dma_wait3A_154, %dma_wait3A_162, %dma_wait3A_163] : memref<3x80x128xf32, #tpu.memory_space<vmem>> -> memref<1x80x128xf32, #tpu.memory_space<vmem>>
          %dma_wait3A_165 = tpu.memref_squeeze %dma_wait3A_164 : memref<1x80x128xf32, #tpu.memory_space<vmem>> -> memref<80x128xf32, #tpu.memory_space<vmem>>
          %dma_wait3A_166 = arith.constant 0 : i32
          %dma_wait3A_167 = arith.constant 0 : i32
          %dma_wait3A_168 = tpu.memref_slice %arg2[%dma_wait3A_166, %dma_wait3A_167] : memref<10000x128xf32, #tpu.memory_space<hbm>> -> memref<80x128xf32, #tpu.memory_space<hbm>>
          tpu.wait_dma2 semaphore(%arg13 : memref<!tpu.dma_semaphore, #tpu.memory_space<semaphore_mem>>) src(%dma_wait3A_168 : memref<80x128xf32, #tpu.memory_space<hbm>>) dst(%dma_wait3A_165 : memref<80x128xf32, #tpu.memory_space<vmem>>)
        } else {
        }
        %add3A_102 = arith.constant 2 : i32
        %add3A_103 = arith.addi %add3A_96, %add3A_102 : i32
        %div3A = arith.constant 25 : i32
        %div3A_104 = arith.divsi %add3A_103, %div3A : i32
        %rem3A_105 = arith.constant 25 : i32
        %rem3A_106 = arith.remsi %add3A_103, %rem3A_105 : i32
        %lt3A_107 = arith.constant 125 : i32
        %lt3A_108 = arith.cmpi slt, %add3A_103, %lt3A_107 : i32
        %rem3A_109 = arith.constant 2 : i32
        %rem3A_110 = arith.remsi %div3A_104, %rem3A_109 : i32
        %eq3A_111 = arith.constant 0 : i32
        %eq3A_112 = arith.cmpi eq, %rem3A_110, %eq3A_111 : i32
        %and3A_113 = arith.andi %lt3A_108, %eq3A_112 : i1
        %convert_element_type3A_114 = arith.extui %and3A_113 : i1 to i32
        %cond3A_115 = arith.constant 0 : i32
        %cond3A_116 = arith.cmpi ne, %convert_element_type3A_114, %cond3A_115 : i32
        scf.if %cond3A_116 {
          %rem3A_154 = arith.constant 3 : i32
          %rem3A_155 = arith.remsi %add3A_103, %rem3A_154 : i32
          %dma_start3A_156 = arith.constant 0 : i32
          %dma_start3A_157 = arith.constant 0 : i32
          %dma_start3A_158 = tpu.memref_slice %arg10[%rem3A_155, %dma_start3A_156, %dma_start3A_157] : memref<3x80x128xf32, #tpu.memory_space<vmem>> -> memref<1x80x128xf32, #tpu.memory_space<vmem>>
          %dma_start3A_159 = tpu.memref_squeeze %dma_start3A_158 : memref<1x80x128xf32, #tpu.memory_space<vmem>> -> memref<80x128xf32, #tpu.memory_space<vmem>>
          %dma_start3A_160 = arith.constant 0 : i32
          %dma_start3A_161 = tpu.memref_slice %arg7[%rem3A_106, %dma_start3A_160] : memref<25x80xi32, #tpu.memory_space<vmem>> -> memref<1x80xi32, #tpu.memory_space<vmem>>
          %dma_start3A_162 = tpu.memref_squeeze %dma_start3A_161 : memref<1x80xi32, #tpu.memory_space<vmem>> -> memref<80xi32, #tpu.memory_space<vmem>>
          %dma_start3A_163 = arith.constant 0 : i32
          %dma_start3A_164 = arith.constant 0 : i32
          %dma_start3A_165 = tpu.memref_slice %arg2[%dma_start3A_163, %dma_start3A_164] : memref<10000x128xf32, #tpu.memory_space<hbm>> -> memref<10000x128xf32, #tpu.memory_space<hbm>>
          tpu.enqueue_indirect_dma source(%dma_start3A_165 : memref<10000x128xf32, #tpu.memory_space<hbm>>) target(%dma_start3A_159 : memref<80x128xf32, #tpu.memory_space<vmem>>) offsets(%dma_start3A_162 : memref<80xi32, #tpu.memory_space<vmem>>) semaphore(%arg12 : memref<!tpu.dma_semaphore, #tpu.memory_space<semaphore_mem>>)
        } else {
        }
        %lt3A_117 = arith.constant 125 : i32
        %lt3A_118 = arith.cmpi slt, %add3A_103, %lt3A_117 : i32
        %rem3A_119 = arith.constant 2 : i32
        %rem3A_120 = arith.remsi %div3A_104, %rem3A_119 : i32
        %eq3A_121 = arith.constant 1 : i32
        %eq3A_122 = arith.cmpi eq, %rem3A_120, %eq3A_121 : i32
        %and3A_123 = arith.andi %lt3A_118, %eq3A_122 : i1
        %convert_element_type3A_124 = arith.extui %and3A_123 : i1 to i32
        %cond3A_125 = arith.constant 0 : i32
        %cond3A_126 = arith.cmpi ne, %convert_element_type3A_124, %cond3A_125 : i32
        scf.if %cond3A_126 {
          %rem3A_154 = arith.constant 3 : i32
          %rem3A_155 = arith.remsi %add3A_103, %rem3A_154 : i32
          %dma_start3A_156 = arith.constant 0 : i32
          %dma_start3A_157 = arith.constant 0 : i32
          %dma_start3A_158 = tpu.memref_slice %arg10[%rem3A_155, %dma_start3A_156, %dma_start3A_157] : memref<3x80x128xf32, #tpu.memory_space<vmem>> -> memref<1x80x128xf32, #tpu.memory_space<vmem>>
          %dma_start3A_159 = tpu.memref_squeeze %dma_start3A_158 : memref<1x80x128xf32, #tpu.memory_space<vmem>> -> memref<80x128xf32, #tpu.memory_space<vmem>>
          %dma_start3A_160 = arith.constant 0 : i32
          %dma_start3A_161 = tpu.memref_slice %arg9[%rem3A_106, %dma_start3A_160] : memref<25x80xi32, #tpu.memory_space<vmem>> -> memref<1x80xi32, #tpu.memory_space<vmem>>
          %dma_start3A_162 = tpu.memref_squeeze %dma_start3A_161 : memref<1x80xi32, #tpu.memory_space<vmem>> -> memref<80xi32, #tpu.memory_space<vmem>>
          %dma_start3A_163 = arith.constant 0 : i32
          %dma_start3A_164 = arith.constant 0 : i32
          %dma_start3A_165 = tpu.memref_slice %arg2[%dma_start3A_163, %dma_start3A_164] : memref<10000x128xf32, #tpu.memory_space<hbm>> -> memref<10000x128xf32, #tpu.memory_space<hbm>>
          tpu.enqueue_indirect_dma source(%dma_start3A_165 : memref<10000x128xf32, #tpu.memory_space<hbm>>) target(%dma_start3A_159 : memref<80x128xf32, #tpu.memory_space<vmem>>) offsets(%dma_start3A_162 : memref<80xi32, #tpu.memory_space<vmem>>) semaphore(%arg12 : memref<!tpu.dma_semaphore, #tpu.memory_space<semaphore_mem>>)
        } else {
        }
        %dma_wait3A_127 = arith.constant 0 : i32
        %dma_wait3A_128 = arith.constant 0 : i32
        %dma_wait3A_129 = arith.constant 0 : i32
        %dma_wait3A_130 = tpu.memref_slice %arg10[%dma_wait3A_127, %dma_wait3A_128, %dma_wait3A_129] : memref<3x80x128xf32, #tpu.memory_space<vmem>> -> memref<1x80x128xf32, #tpu.memory_space<vmem>>
        %dma_wait3A_131 = tpu.memref_squeeze %dma_wait3A_130 : memref<1x80x128xf32, #tpu.memory_space<vmem>> -> memref<80x128xf32, #tpu.memory_space<vmem>>
        %dma_wait3A_132 = arith.constant 0 : i32
        %dma_wait3A_133 = arith.constant 0 : i32
        %dma_wait3A_134 = tpu.memref_slice %arg2[%dma_wait3A_132, %dma_wait3A_133] : memref<10000x128xf32, #tpu.memory_space<hbm>> -> memref<80x128xf32, #tpu.memory_space<hbm>>
        %dma_wait3A_135 = arith.constant 0 : i32
        %dma_wait3A_136 = arith.constant 0 : i32
        %dma_wait3A_137 = tpu.memref_slice %arg10[%dma_wait3A_127, %dma_wait3A_135, %dma_wait3A_136] : memref<3x80x128xf32, #tpu.memory_space<vmem>> -> memref<1x80x128xf32, #tpu.memory_space<vmem>>
        %dma_wait3A_138 = tpu.memref_squeeze %dma_wait3A_137 : memref<1x80x128xf32, #tpu.memory_space<vmem>> -> memref<80x128xf32, #tpu.memory_space<vmem>>
        %dma_wait3A_139 = arith.constant 0 : i32
        %dma_wait3A_140 = arith.constant 0 : i32
        %dma_wait3A_141 = tpu.memref_slice %arg2[%dma_wait3A_139, %dma_wait3A_140] : memref<10000x128xf32, #tpu.memory_space<hbm>> -> memref<80x128xf32, #tpu.memory_space<hbm>>
        tpu.wait_dma2 semaphore(%arg12 : memref<!tpu.dma_semaphore, #tpu.memory_space<semaphore_mem>>) src(%dma_wait3A_141 : memref<80x128xf32, #tpu.memory_space<hbm>>) dst(%dma_wait3A_138 : memref<80x128xf32, #tpu.memory_space<vmem>>)
        %rem3A_142 = arith.constant 3 : i32
        %rem3A_143 = arith.remsi %add3A_96, %rem3A_142 : i32
        %dma_start3A_144 = arith.constant 0 : i32
        %dma_start3A_145 = arith.constant 0 : i32
        %dma_start3A_146 = tpu.memref_slice %arg10[%rem3A_143, %dma_start3A_144, %dma_start3A_145] : memref<3x80x128xf32, #tpu.memory_space<vmem>> -> memref<1x80x128xf32, #tpu.memory_space<vmem>>
        %dma_start3A_147 = tpu.memref_squeeze %dma_start3A_146 : memref<1x80x128xf32, #tpu.memory_space<vmem>> -> memref<80x128xf32, #tpu.memory_space<vmem>>
        %dma_start3A_148 = arith.constant 0 : i32
        %dma_start3A_149 = tpu.memref_slice %arg8[%scan3A_93, %dma_start3A_148] : memref<25x80xi32, #tpu.memory_space<vmem>> -> memref<1x80xi32, #tpu.memory_space<vmem>>
        %dma_start3A_150 = tpu.memref_squeeze %dma_start3A_149 : memref<1x80xi32, #tpu.memory_space<vmem>> -> memref<80xi32, #tpu.memory_space<vmem>>
        %dma_start3A_151 = arith.constant 0 : i32
        %dma_start3A_152 = arith.constant 0 : i32
        %dma_start3A_153 = tpu.memref_slice %arg11[%dma_start3A_151, %dma_start3A_152] : memref<10000x128xf32, #tpu.memory_space<vmem_shared>> -> memref<10000x128xf32, #tpu.memory_space<vmem_shared>>
        tpu.enqueue_indirect_dma source(%dma_start3A_147 : memref<80x128xf32, #tpu.memory_space<vmem>>) target(%dma_start3A_153 : memref<10000x128xf32, #tpu.memory_space<vmem_shared>>) offsets(%dma_start3A_150 : memref<80xi32, #tpu.memory_space<vmem>>) semaphore(%arg13 : memref<!tpu.dma_semaphore, #tpu.memory_space<semaphore_mem>>) {add = true}
      }
      %scan3A_92 = arith.constant 25 : i32
    }
    %scan3A_33 = arith.constant 5 : i32
    %dma_wait3A = arith.constant 0 : i32
    %dma_wait3A_34 = arith.constant 0 : i32
    %dma_wait3A_35 = arith.constant 0 : i32
    %dma_wait3A_36 = tpu.memref_slice %arg10[%dma_wait3A, %dma_wait3A_34, %dma_wait3A_35] : memref<3x80x128xf32, #tpu.memory_space<vmem>> -> memref<1x80x128xf32, #tpu.memory_space<vmem>>
    %dma_wait3A_37 = tpu.memref_squeeze %dma_wait3A_36 : memref<1x80x128xf32, #tpu.memory_space<vmem>> -> memref<80x128xf32, #tpu.memory_space<vmem>>
    %dma_wait3A_38 = arith.constant 0 : i32
    %dma_wait3A_39 = arith.constant 0 : i32
    %dma_wait3A_40 = tpu.memref_slice %arg2[%dma_wait3A_38, %dma_wait3A_39] : memref<10000x128xf32, #tpu.memory_space<hbm>> -> memref<80x128xf32, #tpu.memory_space<hbm>>
    %dma_wait3A_41 = arith.constant 0 : i32
    %dma_wait3A_42 = arith.constant 0 : i32
    %dma_wait3A_43 = tpu.memref_slice %arg10[%dma_wait3A, %dma_wait3A_41, %dma_wait3A_42] : memref<3x80x128xf32, #tpu.memory_space<vmem>> -> memref<1x80x128xf32, #tpu.memory_space<vmem>>
    %dma_wait3A_44 = tpu.memref_squeeze %dma_wait3A_43 : memref<1x80x128xf32, #tpu.memory_space<vmem>> -> memref<80x128xf32, #tpu.memory_space<vmem>>
    %dma_wait3A_45 = arith.constant 0 : i32
    %dma_wait3A_46 = arith.constant 0 : i32
    %dma_wait3A_47 = tpu.memref_slice %arg2[%dma_wait3A_45, %dma_wait3A_46] : memref<10000x128xf32, #tpu.memory_space<hbm>> -> memref<80x128xf32, #tpu.memory_space<hbm>>
    tpu.wait_dma2 semaphore(%arg13 : memref<!tpu.dma_semaphore, #tpu.memory_space<semaphore_mem>>) src(%dma_wait3A_47 : memref<80x128xf32, #tpu.memory_space<hbm>>) dst(%dma_wait3A_44 : memref<80x128xf32, #tpu.memory_space<vmem>>)
    %barrier3A_48 = arith.constant 0 : index
    tpu.barrier barrier_id(%barrier3A_48)
    %mul3A_49 = arith.constant 624 : i32
    %mul3A_50 = arith.muli %arg1, %mul3A_49 : i32
    %mul3A_51 = arith.constant 10000 : i32
    %mul3A_52 = arith.muli %arg0, %mul3A_51 : i32
    %mul3A_53 = arith.constant 624 : i32
    %mul3A_54 = arith.muli %arg1, %mul3A_53 : i32
    %add3A_55 = arith.addi %mul3A_52, %mul3A_54 : i32
    "tpu.region"() ({
      %run_scoped3A_61 = tpu.sem_alloc : memref<!tpu.dma_semaphore, #tpu.memory_space<semaphore_mem>>
      %dma_start3A_62 = arith.constant 0 : i32
      %dma_start3A_63 = tpu.memref_slice %arg6[%add3A_55, %dma_start3A_62] : memref<20000x128xf32, #tpu.memory_space<hbm>> -> memref<624x128xf32, #tpu.memory_space<hbm>>
      %dma_start3A_64 = arith.constant 0 : i32
      %dma_start3A_65 = tpu.memref_slice %arg11[%mul3A_50, %dma_start3A_64] : memref<10000x128xf32, #tpu.memory_space<vmem_shared>> -> memref<624x128xf32, #tpu.memory_space<vmem_shared>>
      tpu.enqueue_dma source(%dma_start3A_65 : memref<624x128xf32, #tpu.memory_space<vmem_shared>>) target(%dma_start3A_63 : memref<624x128xf32, #tpu.memory_space<hbm>>) target_semaphore(%run_scoped3A_61 : memref<!tpu.dma_semaphore, #tpu.memory_space<semaphore_mem>>)
      %dma_wait3A_66 = arith.constant 0 : i32
      %dma_wait3A_67 = tpu.memref_slice %arg6[%add3A_55, %dma_wait3A_66] : memref<20000x128xf32, #tpu.memory_space<hbm>> -> memref<624x128xf32, #tpu.memory_space<hbm>>
      %dma_wait3A_68 = arith.constant 0 : i32
      %dma_wait3A_69 = tpu.memref_slice %arg11[%mul3A_50, %dma_wait3A_68] : memref<10000x128xf32, #tpu.memory_space<vmem_shared>> -> memref<624x128xf32, #tpu.memory_space<vmem_shared>>
      tpu.wait_dma2 semaphore(%run_scoped3A_61 : memref<!tpu.dma_semaphore, #tpu.memory_space<semaphore_mem>>) src(%dma_wait3A_69 : memref<624x128xf32, #tpu.memory_space<vmem_shared>>) dst(%dma_wait3A_67 : memref<624x128xf32, #tpu.memory_space<hbm>>)
      tpu.yield
    }) : () -> ()
    %eq3A_56 = arith.constant 15 : i32
    %eq3A_57 = arith.cmpi eq, %arg1, %eq3A_56 : i32
    %convert_element_type3A_58 = arith.extui %eq3A_57 : i1 to i32
    %cond3A_59 = arith.constant 0 : i32
    %cond3A_60 = arith.cmpi ne, %convert_element_type3A_58, %cond3A_59 : i32
    scf.if %cond3A_60 {
      %mul3A_61 = arith.constant 10000 : i32
      %mul3A_62 = arith.muli %arg0, %mul3A_61 : i32
      %add3A_63 = arith.constant 9984 : i32
      %add3A_64 = arith.addi %mul3A_62, %add3A_63 : i32
      "tpu.region"() ({
        %run_scoped3A_65 = tpu.sem_alloc : memref<!tpu.dma_semaphore, #tpu.memory_space<semaphore_mem>>
        %dma_start3A_66 = arith.constant 0 : i32
        %dma_start3A_67 = tpu.memref_slice %arg6[%add3A_64, %dma_start3A_66] : memref<20000x128xf32, #tpu.memory_space<hbm>> -> memref<16x128xf32, #tpu.memory_space<hbm>>
        %dma_start3A_68 = arith.constant 9984 : i32
        %dma_start3A_69 = arith.constant 0 : i32
        %dma_start3A_70 = tpu.memref_slice %arg11[%dma_start3A_68, %dma_start3A_69] : memref<10000x128xf32, #tpu.memory_space<vmem_shared>> -> memref<16x128xf32, #tpu.memory_space<vmem_shared>>
        tpu.enqueue_dma source(%dma_start3A_70 : memref<16x128xf32, #tpu.memory_space<vmem_shared>>) target(%dma_start3A_67 : memref<16x128xf32, #tpu.memory_space<hbm>>) target_semaphore(%run_scoped3A_65 : memref<!tpu.dma_semaphore, #tpu.memory_space<semaphore_mem>>)
        %dma_wait3A_71 = arith.constant 0 : i32
        %dma_wait3A_72 = tpu.memref_slice %arg6[%add3A_64, %dma_wait3A_71] : memref<20000x128xf32, #tpu.memory_space<hbm>> -> memref<16x128xf32, #tpu.memory_space<hbm>>
        %dma_wait3A_73 = arith.constant 9984 : i32
        %dma_wait3A_74 = arith.constant 0 : i32
        %dma_wait3A_75 = tpu.memref_slice %arg11[%dma_wait3A_73, %dma_wait3A_74] : memref<10000x128xf32, #tpu.memory_space<vmem_shared>> -> memref<16x128xf32, #tpu.memory_space<vmem_shared>>
        tpu.wait_dma2 semaphore(%run_scoped3A_65 : memref<!tpu.dma_semaphore, #tpu.memory_space<semaphore_mem>>) src(%dma_wait3A_75 : memref<16x128xf32, #tpu.memory_space<vmem_shared>>) dst(%dma_wait3A_72 : memref<16x128xf32, #tpu.memory_space<hbm>>)
        tpu.yield
      }) : () -> ()
    } else {
    }
    return
  }
}

#map = affine_map<(d0, d1) -> (0, 0)>
#map1 = affine_map<(d0, d1) -> (0, 0, 0)>
#map2 = affine_map<(d0, d1) -> (0)>
module attributes {stable_mosaic.version = 14 : i64} {
  func.func @body(%arg0: i32, %arg1: i32, %arg2: memref<10000x64xf32, #tpu.memory_space<hbm>>, %arg3: memref<32x125x80xi32, #tpu.memory_space<hbm>>, %arg4: memref<32x125x80xi32, #tpu.memory_space<hbm>>, %arg5: memref<320000xf32, #tpu.memory_space<hbm>>, %arg6: memref<125x80xi32, #tpu.memory_space<vmem>>, %arg7: memref<125x80xi32, #tpu.memory_space<vmem>>, %arg8: memref<4x80x64xf32, #tpu.memory_space<vmem>>, %arg9: memref<4x80x64xf32, #tpu.memory_space<vmem>>, %arg10: memref<10000xf32, #tpu.memory_space<vmem>>, %arg11: memref<96xf32, #tpu.memory_space<vmem>>, %arg12: memref<!tpu.dma_semaphore, #tpu.memory_space<semaphore_mem>>, %arg13: memref<!tpu.dma_semaphore, #tpu.memory_space<semaphore_mem>>) attributes {dimension_semantics = [#tpu.dimension_semantics<core_parallel>, #tpu.dimension_semantics<subcore_parallel>], iteration_bounds = array<i64: 2, 16>, scalar_prefetch = 0 : i64, scratch_operands = 8 : i64, tpu.core_type = #tpu.core_type<sc_vector_subcore>, window_params = [{transform_indices = #map}, {transform_indices = #map1}, {transform_indices = #map1}, {transform_indices = #map2}]} {
    %mul3A = arith.constant 16 : i32
    %mul3A_0 = arith.muli %arg0, %mul3A : i32
    %add3A = arith.addi %mul3A_0, %arg1 : i32
    %iota3A = tpu.iota {dimensions = array<i32: 0>} : vector<16xi32>
    %broadcast_in_dim3A = arith.constant 0.000000e+00 : f32
    %broadcast_in_dim3A_1 = vector.broadcast %broadcast_in_dim3A : f32 to vector<16xf32>
    %swap3A = arith.constant 16 : index
    %swap3A_2 = tpu.vector_load %arg11[%swap3A] {strides = array<i32>} : memref<96xf32, #tpu.memory_space<vmem>>, vector<16xf32>,
    tpu.vector_store %arg11[%swap3A], %broadcast_in_dim3A_1 {strides = array<i32>} : memref<96xf32, #tpu.memory_space<vmem>>, vector<16xf32>,
    %broadcast_in_dim3A_3 = arith.constant 0.000000e+00 : f32
    %broadcast_in_dim3A_4 = vector.broadcast %broadcast_in_dim3A_3 : f32 to vector<16xf32>
    %swap3A_5 = arith.constant 40 : index
    %swap3A_6 = tpu.vector_load %arg11[%swap3A_5] {strides = array<i32>} : memref<96xf32, #tpu.memory_space<vmem>>, vector<16xf32>,
    tpu.vector_store %arg11[%swap3A_5], %broadcast_in_dim3A_4 {strides = array<i32>} : memref<96xf32, #tpu.memory_space<vmem>>, vector<16xf32>,
    %broadcast_in_dim3A_7 = arith.constant 0.000000e+00 : f32
    %broadcast_in_dim3A_8 = vector.broadcast %broadcast_in_dim3A_7 : f32 to vector<16xf32>
    %swap3A_9 = arith.constant 64 : index
    %swap3A_10 = tpu.vector_load %arg11[%swap3A_9] {strides = array<i32>} : memref<96xf32, #tpu.memory_space<vmem>>, vector<16xf32>,
    tpu.vector_store %arg11[%swap3A_9], %broadcast_in_dim3A_8 {strides = array<i32>} : memref<96xf32, #tpu.memory_space<vmem>>, vector<16xf32>,
    %broadcast_in_dim3A_11 = arith.constant 0.000000e+00 : f32
    %broadcast_in_dim3A_12 = vector.broadcast %broadcast_in_dim3A_11 : f32 to vector<16xf32>
    %swap3A_13 = arith.constant 80 : index
    %swap3A_14 = tpu.vector_load %arg11[%swap3A_13] {strides = array<i32>} : memref<96xf32, #tpu.memory_space<vmem>>, vector<16xf32>,
    tpu.vector_store %arg11[%swap3A_13], %broadcast_in_dim3A_12 {strides = array<i32>} : memref<96xf32, #tpu.memory_space<vmem>>, vector<16xf32>,
    "tpu.region"() ({
      %run_scoped3A = tpu.sem_alloc : memref<!tpu.dma_semaphore, #tpu.memory_space<semaphore_mem>>
      %dma_start3A_93 = arith.constant 0 : i32
      %dma_start3A_94 = arith.constant 0 : i32
      %dma_start3A_95 = tpu.memref_slice %arg3[%add3A, %dma_start3A_93, %dma_start3A_94] : memref<32x125x80xi32, #tpu.memory_space<hbm>> -> memref<1x125x80xi32, #tpu.memory_space<hbm>>
      %dma_start3A_96 = tpu.memref_squeeze %dma_start3A_95 : memref<1x125x80xi32, #tpu.memory_space<hbm>> -> memref<125x80xi32, #tpu.memory_space<hbm>>
      %dma_start3A_97 = arith.constant 0 : i32
      %dma_start3A_98 = arith.constant 0 : i32
      %dma_start3A_99 = tpu.memref_slice %arg3[%add3A, %dma_start3A_97, %dma_start3A_98] : memref<32x125x80xi32, #tpu.memory_space<hbm>> -> memref<1x125x80xi32, #tpu.memory_space<hbm>>
      %dma_start3A_100 = tpu.memref_squeeze %dma_start3A_99 : memref<1x125x80xi32, #tpu.memory_space<hbm>> -> memref<125x80xi32, #tpu.memory_space<hbm>>
      tpu.enqueue_dma source(%dma_start3A_100 : memref<125x80xi32, #tpu.memory_space<hbm>>) target(%arg6 : memref<125x80xi32, #tpu.memory_space<vmem>>) target_semaphore(%run_scoped3A : memref<!tpu.dma_semaphore, #tpu.memory_space<semaphore_mem>>)
      %dma_wait3A = arith.constant 0 : i32
      %dma_wait3A_101 = arith.constant 0 : i32
      %dma_wait3A_102 = tpu.memref_slice %arg3[%add3A, %dma_wait3A, %dma_wait3A_101] : memref<32x125x80xi32, #tpu.memory_space<hbm>> -> memref<1x125x80xi32, #tpu.memory_space<hbm>>
      %dma_wait3A_103 = tpu.memref_squeeze %dma_wait3A_102 : memref<1x125x80xi32, #tpu.memory_space<hbm>> -> memref<125x80xi32, #tpu.memory_space<hbm>>
      %dma_wait3A_104 = arith.constant 0 : i32
      %dma_wait3A_105 = arith.constant 0 : i32
      %dma_wait3A_106 = tpu.memref_slice %arg3[%add3A, %dma_wait3A_104, %dma_wait3A_105] : memref<32x125x80xi32, #tpu.memory_space<hbm>> -> memref<1x125x80xi32, #tpu.memory_space<hbm>>
      %dma_wait3A_107 = tpu.memref_squeeze %dma_wait3A_106 : memref<1x125x80xi32, #tpu.memory_space<hbm>> -> memref<125x80xi32, #tpu.memory_space<hbm>>
      tpu.wait_dma2 semaphore(%run_scoped3A : memref<!tpu.dma_semaphore, #tpu.memory_space<semaphore_mem>>) src(%dma_wait3A_107 : memref<125x80xi32, #tpu.memory_space<hbm>>) dst(%arg6 : memref<125x80xi32, #tpu.memory_space<vmem>>)
      tpu.yield
    }) : () -> ()
    "tpu.region"() ({
      %run_scoped3A = tpu.sem_alloc : memref<!tpu.dma_semaphore, #tpu.memory_space<semaphore_mem>>
      %dma_start3A_93 = arith.constant 0 : i32
      %dma_start3A_94 = arith.constant 0 : i32
      %dma_start3A_95 = tpu.memref_slice %arg4[%add3A, %dma_start3A_93, %dma_start3A_94] : memref<32x125x80xi32, #tpu.memory_space<hbm>> -> memref<1x125x80xi32, #tpu.memory_space<hbm>>
      %dma_start3A_96 = tpu.memref_squeeze %dma_start3A_95 : memref<1x125x80xi32, #tpu.memory_space<hbm>> -> memref<125x80xi32, #tpu.memory_space<hbm>>
      %dma_start3A_97 = arith.constant 0 : i32
      %dma_start3A_98 = arith.constant 0 : i32
      %dma_start3A_99 = tpu.memref_slice %arg4[%add3A, %dma_start3A_97, %dma_start3A_98] : memref<32x125x80xi32, #tpu.memory_space<hbm>> -> memref<1x125x80xi32, #tpu.memory_space<hbm>>
      %dma_start3A_100 = tpu.memref_squeeze %dma_start3A_99 : memref<1x125x80xi32, #tpu.memory_space<hbm>> -> memref<125x80xi32, #tpu.memory_space<hbm>>
      tpu.enqueue_dma source(%dma_start3A_100 : memref<125x80xi32, #tpu.memory_space<hbm>>) target(%arg7 : memref<125x80xi32, #tpu.memory_space<vmem>>) target_semaphore(%run_scoped3A : memref<!tpu.dma_semaphore, #tpu.memory_space<semaphore_mem>>)
      %dma_wait3A = arith.constant 0 : i32
      %dma_wait3A_101 = arith.constant 0 : i32
      %dma_wait3A_102 = tpu.memref_slice %arg4[%add3A, %dma_wait3A, %dma_wait3A_101] : memref<32x125x80xi32, #tpu.memory_space<hbm>> -> memref<1x125x80xi32, #tpu.memory_space<hbm>>
      %dma_wait3A_103 = tpu.memref_squeeze %dma_wait3A_102 : memref<1x125x80xi32, #tpu.memory_space<hbm>> -> memref<125x80xi32, #tpu.memory_space<hbm>>
      %dma_wait3A_104 = arith.constant 0 : i32
      %dma_wait3A_105 = arith.constant 0 : i32
      %dma_wait3A_106 = tpu.memref_slice %arg4[%add3A, %dma_wait3A_104, %dma_wait3A_105] : memref<32x125x80xi32, #tpu.memory_space<hbm>> -> memref<1x125x80xi32, #tpu.memory_space<hbm>>
      %dma_wait3A_107 = tpu.memref_squeeze %dma_wait3A_106 : memref<1x125x80xi32, #tpu.memory_space<hbm>> -> memref<125x80xi32, #tpu.memory_space<hbm>>
      tpu.wait_dma2 semaphore(%run_scoped3A : memref<!tpu.dma_semaphore, #tpu.memory_space<semaphore_mem>>) src(%dma_wait3A_107 : memref<125x80xi32, #tpu.memory_space<hbm>>) dst(%arg7 : memref<125x80xi32, #tpu.memory_space<vmem>>)
      tpu.yield
    }) : () -> ()
    %dma_start3A = arith.constant 0 : i32
    %dma_start3A_15 = arith.constant 0 : i32
    %dma_start3A_16 = arith.constant 0 : i32
    %dma_start3A_17 = arith.constant 0 : i32
    %dma_start3A_18 = tpu.memref_slice %arg8[%dma_start3A_15, %dma_start3A_16, %dma_start3A_17] : memref<4x80x64xf32, #tpu.memory_space<vmem>> -> memref<1x80x64xf32, #tpu.memory_space<vmem>>
    %dma_start3A_19 = tpu.memref_squeeze %dma_start3A_18 : memref<1x80x64xf32, #tpu.memory_space<vmem>> -> memref<80x64xf32, #tpu.memory_space<vmem>>
    %dma_start3A_20 = arith.constant 0 : i32
    %dma_start3A_21 = tpu.memref_slice %arg6[%dma_start3A, %dma_start3A_20] : memref<125x80xi32, #tpu.memory_space<vmem>> -> memref<1x80xi32, #tpu.memory_space<vmem>>
    %dma_start3A_22 = tpu.memref_squeeze %dma_start3A_21 : memref<1x80xi32, #tpu.memory_space<vmem>> -> memref<80xi32, #tpu.memory_space<vmem>>
    %dma_start3A_23 = arith.constant 0 : i32
    %dma_start3A_24 = arith.constant 0 : i32
    %dma_start3A_25 = tpu.memref_slice %arg2[%dma_start3A_23, %dma_start3A_24] : memref<10000x64xf32, #tpu.memory_space<hbm>> -> memref<10000x64xf32, #tpu.memory_space<hbm>>
    tpu.enqueue_indirect_dma source(%dma_start3A_25 : memref<10000x64xf32, #tpu.memory_space<hbm>>) target(%dma_start3A_19 : memref<80x64xf32, #tpu.memory_space<vmem>>) offsets(%dma_start3A_22 : memref<80xi32, #tpu.memory_space<vmem>>) semaphore(%arg12 : memref<!tpu.dma_semaphore, #tpu.memory_space<semaphore_mem>>)
    %dma_start3A_26 = arith.constant 0 : i32
    %dma_start3A_27 = arith.constant 0 : i32
    %dma_start3A_28 = arith.constant 0 : i32
    %dma_start3A_29 = arith.constant 0 : i32
    %dma_start3A_30 = tpu.memref_slice %arg9[%dma_start3A_27, %dma_start3A_28, %dma_start3A_29] : memref<4x80x64xf32, #tpu.memory_space<vmem>> -> memref<1x80x64xf32, #tpu.memory_space<vmem>>
    %dma_start3A_31 = tpu.memref_squeeze %dma_start3A_30 : memref<1x80x64xf32, #tpu.memory_space<vmem>> -> memref<80x64xf32, #tpu.memory_space<vmem>>
    %dma_start3A_32 = arith.constant 0 : i32
    %dma_start3A_33 = tpu.memref_slice %arg7[%dma_start3A_26, %dma_start3A_32] : memref<125x80xi32, #tpu.memory_space<vmem>> -> memref<1x80xi32, #tpu.memory_space<vmem>>
    %dma_start3A_34 = tpu.memref_squeeze %dma_start3A_33 : memref<1x80xi32, #tpu.memory_space<vmem>> -> memref<80xi32, #tpu.memory_space<vmem>>
    %dma_start3A_35 = arith.constant 0 : i32
    %dma_start3A_36 = arith.constant 0 : i32
    %dma_start3A_37 = tpu.memref_slice %arg2[%dma_start3A_35, %dma_start3A_36] : memref<10000x64xf32, #tpu.memory_space<hbm>> -> memref<10000x64xf32, #tpu.memory_space<hbm>>
    tpu.enqueue_indirect_dma source(%dma_start3A_37 : memref<10000x64xf32, #tpu.memory_space<hbm>>) target(%dma_start3A_31 : memref<80x64xf32, #tpu.memory_space<vmem>>) offsets(%dma_start3A_34 : memref<80xi32, #tpu.memory_space<vmem>>) semaphore(%arg13 : memref<!tpu.dma_semaphore, #tpu.memory_space<semaphore_mem>>)
    %dma_start3A_38 = arith.constant 1 : i32
    %dma_start3A_39 = arith.constant 1 : i32
    %dma_start3A_40 = arith.constant 0 : i32
    %dma_start3A_41 = arith.constant 0 : i32
    %dma_start3A_42 = tpu.memref_slice %arg8[%dma_start3A_39, %dma_start3A_40, %dma_start3A_41] : memref<4x80x64xf32, #tpu.memory_space<vmem>> -> memref<1x80x64xf32, #tpu.memory_space<vmem>>
    %dma_start3A_43 = tpu.memref_squeeze %dma_start3A_42 : memref<1x80x64xf32, #tpu.memory_space<vmem>> -> memref<80x64xf32, #tpu.memory_space<vmem>>
    %dma_start3A_44 = arith.constant 0 : i32
    %dma_start3A_45 = tpu.memref_slice %arg6[%dma_start3A_38, %dma_start3A_44] : memref<125x80xi32, #tpu.memory_space<vmem>> -> memref<1x80xi32, #tpu.memory_space<vmem>>
    %dma_start3A_46 = tpu.memref_squeeze %dma_start3A_45 : memref<1x80xi32, #tpu.memory_space<vmem>> -> memref<80xi32, #tpu.memory_space<vmem>>
    %dma_start3A_47 = arith.constant 0 : i32
    %dma_start3A_48 = arith.constant 0 : i32
    %dma_start3A_49 = tpu.memref_slice %arg2[%dma_start3A_47, %dma_start3A_48] : memref<10000x64xf32, #tpu.memory_space<hbm>> -> memref<10000x64xf32, #tpu.memory_space<hbm>>
    tpu.enqueue_indirect_dma source(%dma_start3A_49 : memref<10000x64xf32, #tpu.memory_space<hbm>>) target(%dma_start3A_43 : memref<80x64xf32, #tpu.memory_space<vmem>>) offsets(%dma_start3A_46 : memref<80xi32, #tpu.memory_space<vmem>>) semaphore(%arg12 : memref<!tpu.dma_semaphore, #tpu.memory_space<semaphore_mem>>)
    %dma_start3A_50 = arith.constant 1 : i32
    %dma_start3A_51 = arith.constant 1 : i32
    %dma_start3A_52 = arith.constant 0 : i32
    %dma_start3A_53 = arith.constant 0 : i32
    %dma_start3A_54 = tpu.memref_slice %arg9[%dma_start3A_51, %dma_start3A_52, %dma_start3A_53] : memref<4x80x64xf32, #tpu.memory_space<vmem>> -> memref<1x80x64xf32, #tpu.memory_space<vmem>>
    %dma_start3A_55 = tpu.memref_squeeze %dma_start3A_54 : memref<1x80x64xf32, #tpu.memory_space<vmem>> -> memref<80x64xf32, #tpu.memory_space<vmem>>
    %dma_start3A_56 = arith.constant 0 : i32
    %dma_start3A_57 = tpu.memref_slice %arg7[%dma_start3A_50, %dma_start3A_56] : memref<125x80xi32, #tpu.memory_space<vmem>> -> memref<1x80xi32, #tpu.memory_space<vmem>>
    %dma_start3A_58 = tpu.memref_squeeze %dma_start3A_57 : memref<1x80xi32, #tpu.memory_space<vmem>> -> memref<80xi32, #tpu.memory_space<vmem>>
    %dma_start3A_59 = arith.constant 0 : i32
    %dma_start3A_60 = arith.constant 0 : i32
    %dma_start3A_61 = tpu.memref_slice %arg2[%dma_start3A_59, %dma_start3A_60] : memref<10000x64xf32, #tpu.memory_space<hbm>> -> memref<10000x64xf32, #tpu.memory_space<hbm>>
    tpu.enqueue_indirect_dma source(%dma_start3A_61 : memref<10000x64xf32, #tpu.memory_space<hbm>>) target(%dma_start3A_55 : memref<80x64xf32, #tpu.memory_space<vmem>>) offsets(%dma_start3A_58 : memref<80xi32, #tpu.memory_space<vmem>>) semaphore(%arg13 : memref<!tpu.dma_semaphore, #tpu.memory_space<semaphore_mem>>)
    %dma_start3A_62 = arith.constant 2 : i32
    %dma_start3A_63 = arith.constant 2 : i32
    %dma_start3A_64 = arith.constant 0 : i32
    %dma_start3A_65 = arith.constant 0 : i32
    %dma_start3A_66 = tpu.memref_slice %arg8[%dma_start3A_63, %dma_start3A_64, %dma_start3A_65] : memref<4x80x64xf32, #tpu.memory_space<vmem>> -> memref<1x80x64xf32, #tpu.memory_space<vmem>>
    %dma_start3A_67 = tpu.memref_squeeze %dma_start3A_66 : memref<1x80x64xf32, #tpu.memory_space<vmem>> -> memref<80x64xf32, #tpu.memory_space<vmem>>
    %dma_start3A_68 = arith.constant 0 : i32
    %dma_start3A_69 = tpu.memref_slice %arg6[%dma_start3A_62, %dma_start3A_68] : memref<125x80xi32, #tpu.memory_space<vmem>> -> memref<1x80xi32, #tpu.memory_space<vmem>>
    %dma_start3A_70 = tpu.memref_squeeze %dma_start3A_69 : memref<1x80xi32, #tpu.memory_space<vmem>> -> memref<80xi32, #tpu.memory_space<vmem>>
    %dma_start3A_71 = arith.constant 0 : i32
    %dma_start3A_72 = arith.constant 0 : i32
    %dma_start3A_73 = tpu.memref_slice %arg2[%dma_start3A_71, %dma_start3A_72] : memref<10000x64xf32, #tpu.memory_space<hbm>> -> memref<10000x64xf32, #tpu.memory_space<hbm>>
    tpu.enqueue_indirect_dma source(%dma_start3A_73 : memref<10000x64xf32, #tpu.memory_space<hbm>>) target(%dma_start3A_67 : memref<80x64xf32, #tpu.memory_space<vmem>>) offsets(%dma_start3A_70 : memref<80xi32, #tpu.memory_space<vmem>>) semaphore(%arg12 : memref<!tpu.dma_semaphore, #tpu.memory_space<semaphore_mem>>)
    %dma_start3A_74 = arith.constant 2 : i32
    %dma_start3A_75 = arith.constant 2 : i32
    %dma_start3A_76 = arith.constant 0 : i32
    %dma_start3A_77 = arith.constant 0 : i32
    %dma_start3A_78 = tpu.memref_slice %arg9[%dma_start3A_75, %dma_start3A_76, %dma_start3A_77] : memref<4x80x64xf32, #tpu.memory_space<vmem>> -> memref<1x80x64xf32, #tpu.memory_space<vmem>>
    %dma_start3A_79 = tpu.memref_squeeze %dma_start3A_78 : memref<1x80x64xf32, #tpu.memory_space<vmem>> -> memref<80x64xf32, #tpu.memory_space<vmem>>
    %dma_start3A_80 = arith.constant 0 : i32
    %dma_start3A_81 = tpu.memref_slice %arg7[%dma_start3A_74, %dma_start3A_80] : memref<125x80xi32, #tpu.memory_space<vmem>> -> memref<1x80xi32, #tpu.memory_space<vmem>>
    %dma_start3A_82 = tpu.memref_squeeze %dma_start3A_81 : memref<1x80xi32, #tpu.memory_space<vmem>> -> memref<80xi32, #tpu.memory_space<vmem>>
    %dma_start3A_83 = arith.constant 0 : i32
    %dma_start3A_84 = arith.constant 0 : i32
    %dma_start3A_85 = tpu.memref_slice %arg2[%dma_start3A_83, %dma_start3A_84] : memref<10000x64xf32, #tpu.memory_space<hbm>> -> memref<10000x64xf32, #tpu.memory_space<hbm>>
    tpu.enqueue_indirect_dma source(%dma_start3A_85 : memref<10000x64xf32, #tpu.memory_space<hbm>>) target(%dma_start3A_79 : memref<80x64xf32, #tpu.memory_space<vmem>>) offsets(%dma_start3A_82 : memref<80xi32, #tpu.memory_space<vmem>>) semaphore(%arg13 : memref<!tpu.dma_semaphore, #tpu.memory_space<semaphore_mem>>)
    %scan3A = arith.constant 0 : i32
    %scan3A_86 = arith.constant 0 : i32
    %scan3A_87 = arith.constant 125 : i32
    %scan3A_88 = arith.addi %scan3A_86, %scan3A_87 : i32
    %scan3A_89 = arith.constant 1 : i32
    scf.for %scan3A_93 = %scan3A_86 to %scan3A_88 step %scan3A_89  : i32 {
      %add3A_94 = arith.constant 4 : i32
      %add3A_95 = arith.addi %scan3A_93, %add3A_94 : i32
      %sub3A = arith.constant 1 : i32
      %sub3A_96 = arith.subi %add3A_95, %sub3A : i32
      %lt3A = arith.constant 125 : i32
      %lt3A_97 = arith.cmpi slt, %sub3A_96, %lt3A : i32
      %convert_element_type3A = arith.extui %lt3A_97 : i1 to i32
      %cond3A = arith.constant 0 : i32
      %cond3A_98 = arith.cmpi ne, %convert_element_type3A, %cond3A : i32
      scf.if %cond3A_98 {
        %add3A_201 = arith.constant 4 : i32
        %add3A_202 = arith.addi %scan3A_93, %add3A_201 : i32
        %sub3A_203 = arith.constant 1 : i32
        %sub3A_204 = arith.subi %add3A_202, %sub3A_203 : i32
        %and3A_205 = arith.constant 3 : i32
        %and3A_206 = arith.andi %sub3A_204, %and3A_205 : i32
        %add3A_207 = arith.constant 4 : i32
        %add3A_208 = arith.addi %scan3A_93, %add3A_207 : i32
        %sub3A_209 = arith.constant 1 : i32
        %sub3A_210 = arith.subi %add3A_208, %sub3A_209 : i32
        %dma_start3A_211 = arith.constant 0 : i32
        %dma_start3A_212 = arith.constant 0 : i32
        %dma_start3A_213 = tpu.memref_slice %arg8[%and3A_206, %dma_start3A_211, %dma_start3A_212] : memref<4x80x64xf32, #tpu.memory_space<vmem>> -> memref<1x80x64xf32, #tpu.memory_space<vmem>>
        %dma_start3A_214 = tpu.memref_squeeze %dma_start3A_213 : memref<1x80x64xf32, #tpu.memory_space<vmem>> -> memref<80x64xf32, #tpu.memory_space<vmem>>
        %dma_start3A_215 = arith.constant 0 : i32
        %dma_start3A_216 = tpu.memref_slice %arg6[%sub3A_210, %dma_start3A_215] : memref<125x80xi32, #tpu.memory_space<vmem>> -> memref<1x80xi32, #tpu.memory_space<vmem>>
        %dma_start3A_217 = tpu.memref_squeeze %dma_start3A_216 : memref<1x80xi32, #tpu.memory_space<vmem>> -> memref<80xi32, #tpu.memory_space<vmem>>
        %dma_start3A_218 = arith.constant 0 : i32
        %dma_start3A_219 = arith.constant 0 : i32
        %dma_start3A_220 = tpu.memref_slice %arg2[%dma_start3A_218, %dma_start3A_219] : memref<10000x64xf32, #tpu.memory_space<hbm>> -> memref<10000x64xf32, #tpu.memory_space<hbm>>
        tpu.enqueue_indirect_dma source(%dma_start3A_220 : memref<10000x64xf32, #tpu.memory_space<hbm>>) target(%dma_start3A_214 : memref<80x64xf32, #tpu.memory_space<vmem>>) offsets(%dma_start3A_217 : memref<80xi32, #tpu.memory_space<vmem>>) semaphore(%arg12 : memref<!tpu.dma_semaphore, #tpu.memory_space<semaphore_mem>>)
        %add3A_221 = arith.constant 4 : i32
        %add3A_222 = arith.addi %scan3A_93, %add3A_221 : i32
        %sub3A_223 = arith.constant 1 : i32
        %sub3A_224 = arith.subi %add3A_222, %sub3A_223 : i32
        %dma_start3A_225 = arith.constant 0 : i32
        %dma_start3A_226 = arith.constant 0 : i32
        %dma_start3A_227 = tpu.memref_slice %arg9[%and3A_206, %dma_start3A_225, %dma_start3A_226] : memref<4x80x64xf32, #tpu.memory_space<vmem>> -> memref<1x80x64xf32, #tpu.memory_space<vmem>>
        %dma_start3A_228 = tpu.memref_squeeze %dma_start3A_227 : memref<1x80x64xf32, #tpu.memory_space<vmem>> -> memref<80x64xf32, #tpu.memory_space<vmem>>
        %dma_start3A_229 = arith.constant 0 : i32
        %dma_start3A_230 = tpu.memref_slice %arg7[%sub3A_224, %dma_start3A_229] : memref<125x80xi32, #tpu.memory_space<vmem>> -> memref<1x80xi32, #tpu.memory_space<vmem>>
        %dma_start3A_231 = tpu.memref_squeeze %dma_start3A_230 : memref<1x80xi32, #tpu.memory_space<vmem>> -> memref<80xi32, #tpu.memory_space<vmem>>
        %dma_start3A_232 = arith.constant 0 : i32
        %dma_start3A_233 = arith.constant 0 : i32
        %dma_start3A_234 = tpu.memref_slice %arg2[%dma_start3A_232, %dma_start3A_233] : memref<10000x64xf32, #tpu.memory_space<hbm>> -> memref<10000x64xf32, #tpu.memory_space<hbm>>
        tpu.enqueue_indirect_dma source(%dma_start3A_234 : memref<10000x64xf32, #tpu.memory_space<hbm>>) target(%dma_start3A_228 : memref<80x64xf32, #tpu.memory_space<vmem>>) offsets(%dma_start3A_231 : memref<80xi32, #tpu.memory_space<vmem>>) semaphore(%arg13 : memref<!tpu.dma_semaphore, #tpu.memory_space<semaphore_mem>>)
      } else {
      }
      %and3A = arith.constant 3 : i32
      %and3A_99 = arith.andi %scan3A_93, %and3A : i32
      %add3A_100 = arith.constant 0 : i32
      %add3A_101 = arith.addi %add3A_100, %and3A_99 : i32
      %dma_wait3A = arith.constant 0 : i32
      %dma_wait3A_102 = arith.constant 0 : i32
      %dma_wait3A_103 = arith.constant 0 : i32
      %dma_wait3A_104 = tpu.memref_slice %arg8[%dma_wait3A, %dma_wait3A_102, %dma_wait3A_103] : memref<4x80x64xf32, #tpu.memory_space<vmem>> -> memref<1x80x64xf32, #tpu.memory_space<vmem>>
      %dma_wait3A_105 = tpu.memref_squeeze %dma_wait3A_104 : memref<1x80x64xf32, #tpu.memory_space<vmem>> -> memref<80x64xf32, #tpu.memory_space<vmem>>
      %dma_wait3A_106 = arith.constant 0 : i32
      %dma_wait3A_107 = arith.constant 0 : i32
      %dma_wait3A_108 = tpu.memref_slice %arg2[%dma_wait3A_106, %dma_wait3A_107] : memref<10000x64xf32, #tpu.memory_space<hbm>> -> memref<80x64xf32, #tpu.memory_space<hbm>>
      %dma_wait3A_109 = arith.constant 0 : i32
      %dma_wait3A_110 = arith.constant 0 : i32
      %dma_wait3A_111 = tpu.memref_slice %arg8[%dma_wait3A, %dma_wait3A_109, %dma_wait3A_110] : memref<4x80x64xf32, #tpu.memory_space<vmem>> -> memref<1x80x64xf32, #tpu.memory_space<vmem>>
      %dma_wait3A_112 = tpu.memref_squeeze %dma_wait3A_111 : memref<1x80x64xf32, #tpu.memory_space<vmem>> -> memref<80x64xf32, #tpu.memory_space<vmem>>
      %dma_wait3A_113 = arith.constant 0 : i32
      %dma_wait3A_114 = arith.constant 0 : i32
      %dma_wait3A_115 = tpu.memref_slice %arg2[%dma_wait3A_113, %dma_wait3A_114] : memref<10000x64xf32, #tpu.memory_space<hbm>> -> memref<80x64xf32, #tpu.memory_space<hbm>>
      tpu.wait_dma2 semaphore(%arg12 : memref<!tpu.dma_semaphore, #tpu.memory_space<semaphore_mem>>) src(%dma_wait3A_115 : memref<80x64xf32, #tpu.memory_space<hbm>>) dst(%dma_wait3A_112 : memref<80x64xf32, #tpu.memory_space<vmem>>)
      %dma_wait3A_116 = arith.constant 0 : i32
      %dma_wait3A_117 = arith.constant 0 : i32
      %dma_wait3A_118 = arith.constant 0 : i32
      %dma_wait3A_119 = tpu.memref_slice %arg9[%dma_wait3A_116, %dma_wait3A_117, %dma_wait3A_118] : memref<4x80x64xf32, #tpu.memory_space<vmem>> -> memref<1x80x64xf32, #tpu.memory_space<vmem>>
      %dma_wait3A_120 = tpu.memref_squeeze %dma_wait3A_119 : memref<1x80x64xf32, #tpu.memory_space<vmem>> -> memref<80x64xf32, #tpu.memory_space<vmem>>
      %dma_wait3A_121 = arith.constant 0 : i32
      %dma_wait3A_122 = arith.constant 0 : i32
      %dma_wait3A_123 = tpu.memref_slice %arg2[%dma_wait3A_121, %dma_wait3A_122] : memref<10000x64xf32, #tpu.memory_space<hbm>> -> memref<80x64xf32, #tpu.memory_space<hbm>>
      %dma_wait3A_124 = arith.constant 0 : i32
      %dma_wait3A_125 = arith.constant 0 : i32
      %dma_wait3A_126 = tpu.memref_slice %arg9[%dma_wait3A_116, %dma_wait3A_124, %dma_wait3A_125] : memref<4x80x64xf32, #tpu.memory_space<vmem>> -> memref<1x80x64xf32, #tpu.memory_space<vmem>>
      %dma_wait3A_127 = tpu.memref_squeeze %dma_wait3A_126 : memref<1x80x64xf32, #tpu.memory_space<vmem>> -> memref<80x64xf32, #tpu.memory_space<vmem>>
      %dma_wait3A_128 = arith.constant 0 : i32
      %dma_wait3A_129 = arith.constant 0 : i32
      %dma_wait3A_130 = tpu.memref_slice %arg2[%dma_wait3A_128, %dma_wait3A_129] : memref<10000x64xf32, #tpu.memory_space<hbm>> -> memref<80x64xf32, #tpu.memory_space<hbm>>
      tpu.wait_dma2 semaphore(%arg13 : memref<!tpu.dma_semaphore, #tpu.memory_space<semaphore_mem>>) src(%dma_wait3A_130 : memref<80x64xf32, #tpu.memory_space<hbm>>) dst(%dma_wait3A_127 : memref<80x64xf32, #tpu.memory_space<vmem>>)
      %broadcast_in_dim3A_131 = arith.constant 0.000000e+00 : f32
      %broadcast_in_dim3A_132 = vector.broadcast %broadcast_in_dim3A_131 : f32 to vector<16xf32>
      %scan3A_133 = arith.constant 0 : i32
      %scan3A_134 = arith.constant 4 : i32
      %scan3A_135 = arith.addi %scan3A_133, %scan3A_134 : i32
      %scan3A_136 = arith.constant 1 : i32
      %scan3A_137 = scf.for %scan3A_201 = %scan3A_133 to %scan3A_135 step %scan3A_136 iter_args(%scan3A_202 = %broadcast_in_dim3A_132) -> (vector<16xf32>)  : i32 {
        %mul3A_203 = arith.constant 4 : i32
        %mul3A_204 = arith.muli %scan3A_201, %mul3A_203 : i32
        %add3A_205 = arith.constant 0 : i32
        %add3A_206 = arith.addi %mul3A_204, %add3A_205 : i32
        %add3A_207 = arith.constant 0 : i32
        %add3A_208 = arith.addi %add3A_207, %add3A_206 : i32
        %get3A = arith.index_cast %add3A_101 : i32 to index
        %get3A_209 = arith.index_cast %add3A_208 : i32 to index
        %get3A_210 = arith.constant 0 : index
        %get3A_211 = tpu.vector_load %arg8[%get3A, %get3A_209, %get3A_210] {strides = array<i32>} : memref<4x80x64xf32, #tpu.memory_space<vmem>>, vector<16xf32>,
        %get3A_212 = arith.index_cast %add3A_101 : i32 to index
        %get3A_213 = arith.index_cast %add3A_208 : i32 to index
        %get3A_214 = arith.constant 0 : index
        %get3A_215 = tpu.vector_load %arg9[%get3A_212, %get3A_213, %get3A_214] {strides = array<i32>} : memref<4x80x64xf32, #tpu.memory_space<vmem>>, vector<16xf32>,
        %mul3A_216 = arith.mulf %get3A_211, %get3A_215 : vector<16xf32>
        %get3A_217 = arith.index_cast %add3A_101 : i32 to index
        %get3A_218 = arith.index_cast %add3A_208 : i32 to index
        %get3A_219 = arith.constant 16 : index
        %get3A_220 = tpu.vector_load %arg8[%get3A_217, %get3A_218, %get3A_219] {strides = array<i32>} : memref<4x80x64xf32, #tpu.memory_space<vmem>>, vector<16xf32>,
        %get3A_221 = arith.index_cast %add3A_101 : i32 to index
        %get3A_222 = arith.index_cast %add3A_208 : i32 to index
        %get3A_223 = arith.constant 16 : index
        %get3A_224 = tpu.vector_load %arg9[%get3A_221, %get3A_222, %get3A_223] {strides = array<i32>} : memref<4x80x64xf32, #tpu.memory_space<vmem>>, vector<16xf32>,
        %mul3A_225 = arith.mulf %get3A_220, %get3A_224 : vector<16xf32>
        %add3A_226 = arith.addf %mul3A_216, %mul3A_225 : vector<16xf32>
        %get3A_227 = arith.index_cast %add3A_101 : i32 to index
        %get3A_228 = arith.index_cast %add3A_208 : i32 to index
        %get3A_229 = arith.constant 32 : index
        %get3A_230 = tpu.vector_load %arg8[%get3A_227, %get3A_228, %get3A_229] {strides = array<i32>} : memref<4x80x64xf32, #tpu.memory_space<vmem>>, vector<16xf32>,
        %get3A_231 = arith.index_cast %add3A_101 : i32 to index
        %get3A_232 = arith.index_cast %add3A_208 : i32 to index
        %get3A_233 = arith.constant 32 : index
        %get3A_234 = tpu.vector_load %arg9[%get3A_231, %get3A_232, %get3A_233] {strides = array<i32>} : memref<4x80x64xf32, #tpu.memory_space<vmem>>, vector<16xf32>,
        %mul3A_235 = arith.mulf %get3A_230, %get3A_234 : vector<16xf32>
        %add3A_236 = arith.addf %add3A_226, %mul3A_235 : vector<16xf32>
        %get3A_237 = arith.index_cast %add3A_101 : i32 to index
        %get3A_238 = arith.index_cast %add3A_208 : i32 to index
        %get3A_239 = arith.constant 48 : index
        %get3A_240 = tpu.vector_load %arg8[%get3A_237, %get3A_238, %get3A_239] {strides = array<i32>} : memref<4x80x64xf32, #tpu.memory_space<vmem>>, vector<16xf32>,
        %get3A_241 = arith.index_cast %add3A_101 : i32 to index
        %get3A_242 = arith.index_cast %add3A_208 : i32 to index
        %get3A_243 = arith.constant 48 : index
        %get3A_244 = tpu.vector_load %arg9[%get3A_241, %get3A_242, %get3A_243] {strides = array<i32>} : memref<4x80x64xf32, #tpu.memory_space<vmem>>, vector<16xf32>,
        %mul3A_245 = arith.mulf %get3A_240, %get3A_244 : vector<16xf32>
        %add3A_246 = arith.addf %add3A_236, %mul3A_245 : vector<16xf32>
        %swap3A_247 = arith.constant 0 : index
        %swap3A_248 = tpu.vector_load %arg11[%swap3A_247] {strides = array<i32>} : memref<96xf32, #tpu.memory_space<vmem>>, vector<16xf32>,
        tpu.vector_store %arg11[%swap3A_247], %add3A_246 {strides = array<i32>} : memref<96xf32, #tpu.memory_space<vmem>>, vector<16xf32>,
        %get3A_249 = arith.constant 8 : index
        %get3A_250 = tpu.vector_load %arg11[%get3A_249] {strides = array<i32>} : memref<96xf32, #tpu.memory_space<vmem>>, vector<16xf32>,
        %add3A_251 = arith.addf %add3A_246, %get3A_250 : vector<16xf32>
        %slice3A = vector.extract_strided_slice %add3A_251 {offsets = [0], sizes = [1], strides = [1]} : vector<16xf32> to vector<1xf32>
        %squeeze3A = vector.extract %slice3A[0] : f32 from vector<1xf32>
        %slice3A_252 = vector.extract_strided_slice %add3A_251 {offsets = [1], sizes = [1], strides = [1]} : vector<16xf32> to vector<1xf32>
        %squeeze3A_253 = vector.extract %slice3A_252[0] : f32 from vector<1xf32>
        %add3A_254 = arith.addf %squeeze3A, %squeeze3A_253 : f32
        %slice3A_255 = vector.extract_strided_slice %add3A_251 {offsets = [2], sizes = [1], strides = [1]} : vector<16xf32> to vector<1xf32>
        %squeeze3A_256 = vector.extract %slice3A_255[0] : f32 from vector<1xf32>
        %slice3A_257 = vector.extract_strided_slice %add3A_251 {offsets = [3], sizes = [1], strides = [1]} : vector<16xf32> to vector<1xf32>
        %squeeze3A_258 = vector.extract %slice3A_257[0] : f32 from vector<1xf32>
        %add3A_259 = arith.addf %squeeze3A_256, %squeeze3A_258 : f32
        %add3A_260 = arith.addf %add3A_254, %add3A_259 : f32
        %slice3A_261 = vector.extract_strided_slice %add3A_251 {offsets = [4], sizes = [1], strides = [1]} : vector<16xf32> to vector<1xf32>
        %squeeze3A_262 = vector.extract %slice3A_261[0] : f32 from vector<1xf32>
        %slice3A_263 = vector.extract_strided_slice %add3A_251 {offsets = [5], sizes = [1], strides = [1]} : vector<16xf32> to vector<1xf32>
        %squeeze3A_264 = vector.extract %slice3A_263[0] : f32 from vector<1xf32>
        %add3A_265 = arith.addf %squeeze3A_262, %squeeze3A_264 : f32
        %slice3A_266 = vector.extract_strided_slice %add3A_251 {offsets = [6], sizes = [1], strides = [1]} : vector<16xf32> to vector<1xf32>
        %squeeze3A_267 = vector.extract %slice3A_266[0] : f32 from vector<1xf32>
        %slice3A_268 = vector.extract_strided_slice %add3A_251 {offsets = [7], sizes = [1], strides = [1]} : vector<16xf32> to vector<1xf32>
        %squeeze3A_269 = vector.extract %slice3A_268[0] : f32 from vector<1xf32>
        %add3A_270 = arith.addf %squeeze3A_267, %squeeze3A_269 : f32
        %add3A_271 = arith.addf %add3A_265, %add3A_270 : f32
        %add3A_272 = arith.addf %add3A_260, %add3A_271 : f32
        %eq3A = vector.broadcast %add3A_206 : i32 to vector<16xi32>
        %eq3A_273 = arith.cmpi eq, %iota3A, %eq3A : vector<16xi32>
        %broadcast_in_dim3A_274 = vector.broadcast %add3A_272 : f32 to vector<16xf32>
        %select_n3A = arith.select %eq3A_273, %broadcast_in_dim3A_274, %scan3A_202 : vector<16xi1>, vector<16xf32>
        %mul3A_275 = arith.constant 4 : i32
        %mul3A_276 = arith.muli %scan3A_201, %mul3A_275 : i32
        %add3A_277 = arith.constant 1 : i32
        %add3A_278 = arith.addi %mul3A_276, %add3A_277 : i32
        %add3A_279 = arith.constant 0 : i32
        %add3A_280 = arith.addi %add3A_279, %add3A_278 : i32
        %get3A_281 = arith.index_cast %add3A_101 : i32 to index
        %get3A_282 = arith.index_cast %add3A_280 : i32 to index
        %get3A_283 = arith.constant 0 : index
        %get3A_284 = tpu.vector_load %arg8[%get3A_281, %get3A_282, %get3A_283] {strides = array<i32>} : memref<4x80x64xf32, #tpu.memory_space<vmem>>, vector<16xf32>,
        %get3A_285 = arith.index_cast %add3A_101 : i32 to index
        %get3A_286 = arith.index_cast %add3A_280 : i32 to index
        %get3A_287 = arith.constant 0 : index
        %get3A_288 = tpu.vector_load %arg9[%get3A_285, %get3A_286, %get3A_287] {strides = array<i32>} : memref<4x80x64xf32, #tpu.memory_space<vmem>>, vector<16xf32>,
        %mul3A_289 = arith.mulf %get3A_284, %get3A_288 : vector<16xf32>
        %get3A_290 = arith.index_cast %add3A_101 : i32 to index
        %get3A_291 = arith.index_cast %add3A_280 : i32 to index
        %get3A_292 = arith.constant 16 : index
        %get3A_293 = tpu.vector_load %arg8[%get3A_290, %get3A_291, %get3A_292] {strides = array<i32>} : memref<4x80x64xf32, #tpu.memory_space<vmem>>, vector<16xf32>,
        %get3A_294 = arith.index_cast %add3A_101 : i32 to index
        %get3A_295 = arith.index_cast %add3A_280 : i32 to index
        %get3A_296 = arith.constant 16 : index
        %get3A_297 = tpu.vector_load %arg9[%get3A_294, %get3A_295, %get3A_296] {strides = array<i32>} : memref<4x80x64xf32, #tpu.memory_space<vmem>>, vector<16xf32>,
        %mul3A_298 = arith.mulf %get3A_293, %get3A_297 : vector<16xf32>
        %add3A_299 = arith.addf %mul3A_289, %mul3A_298 : vector<16xf32>
        %get3A_300 = arith.index_cast %add3A_101 : i32 to index
        %get3A_301 = arith.index_cast %add3A_280 : i32 to index
        %get3A_302 = arith.constant 32 : index
        %get3A_303 = tpu.vector_load %arg8[%get3A_300, %get3A_301, %get3A_302] {strides = array<i32>} : memref<4x80x64xf32, #tpu.memory_space<vmem>>, vector<16xf32>,
        %get3A_304 = arith.index_cast %add3A_101 : i32 to index
        %get3A_305 = arith.index_cast %add3A_280 : i32 to index
        %get3A_306 = arith.constant 32 : index
        %get3A_307 = tpu.vector_load %arg9[%get3A_304, %get3A_305, %get3A_306] {strides = array<i32>} : memref<4x80x64xf32, #tpu.memory_space<vmem>>, vector<16xf32>,
        %mul3A_308 = arith.mulf %get3A_303, %get3A_307 : vector<16xf32>
        %add3A_309 = arith.addf %add3A_299, %mul3A_308 : vector<16xf32>
        %get3A_310 = arith.index_cast %add3A_101 : i32 to index
        %get3A_311 = arith.index_cast %add3A_280 : i32 to index
        %get3A_312 = arith.constant 48 : index
        %get3A_313 = tpu.vector_load %arg8[%get3A_310, %get3A_311, %get3A_312] {strides = array<i32>} : memref<4x80x64xf32, #tpu.memory_space<vmem>>, vector<16xf32>,
        %get3A_314 = arith.index_cast %add3A_101 : i32 to index
        %get3A_315 = arith.index_cast %add3A_280 : i32 to index
        %get3A_316 = arith.constant 48 : index
        %get3A_317 = tpu.vector_load %arg9[%get3A_314, %get3A_315, %get3A_316] {strides = array<i32>} : memref<4x80x64xf32, #tpu.memory_space<vmem>>, vector<16xf32>,
        %mul3A_318 = arith.mulf %get3A_313, %get3A_317 : vector<16xf32>
        %add3A_319 = arith.addf %add3A_309, %mul3A_318 : vector<16xf32>
        %swap3A_320 = arith.constant 24 : index
        %swap3A_321 = tpu.vector_load %arg11[%swap3A_320] {strides = array<i32>} : memref<96xf32, #tpu.memory_space<vmem>>, vector<16xf32>,
        tpu.vector_store %arg11[%swap3A_320], %add3A_319 {strides = array<i32>} : memref<96xf32, #tpu.memory_space<vmem>>, vector<16xf32>,
        %get3A_322 = arith.constant 32 : index
        %get3A_323 = tpu.vector_load %arg11[%get3A_322] {strides = array<i32>} : memref<96xf32, #tpu.memory_space<vmem>>, vector<16xf32>,
        %add3A_324 = arith.addf %add3A_319, %get3A_323 : vector<16xf32>
        %slice3A_325 = vector.extract_strided_slice %add3A_324 {offsets = [0], sizes = [1], strides = [1]} : vector<16xf32> to vector<1xf32>
        %squeeze3A_326 = vector.extract %slice3A_325[0] : f32 from vector<1xf32>
        %slice3A_327 = vector.extract_strided_slice %add3A_324 {offsets = [1], sizes = [1], strides = [1]} : vector<16xf32> to vector<1xf32>
        %squeeze3A_328 = vector.extract %slice3A_327[0] : f32 from vector<1xf32>
        %add3A_329 = arith.addf %squeeze3A_326, %squeeze3A_328 : f32
        %slice3A_330 = vector.extract_strided_slice %add3A_324 {offsets = [2], sizes = [1], strides = [1]} : vector<16xf32> to vector<1xf32>
        %squeeze3A_331 = vector.extract %slice3A_330[0] : f32 from vector<1xf32>
        %slice3A_332 = vector.extract_strided_slice %add3A_324 {offsets = [3], sizes = [1], strides = [1]} : vector<16xf32> to vector<1xf32>
        %squeeze3A_333 = vector.extract %slice3A_332[0] : f32 from vector<1xf32>
        %add3A_334 = arith.addf %squeeze3A_331, %squeeze3A_333 : f32
        %add3A_335 = arith.addf %add3A_329, %add3A_334 : f32
        %slice3A_336 = vector.extract_strided_slice %add3A_324 {offsets = [4], sizes = [1], strides = [1]} : vector<16xf32> to vector<1xf32>
        %squeeze3A_337 = vector.extract %slice3A_336[0] : f32 from vector<1xf32>
        %slice3A_338 = vector.extract_strided_slice %add3A_324 {offsets = [5], sizes = [1], strides = [1]} : vector<16xf32> to vector<1xf32>
        %squeeze3A_339 = vector.extract %slice3A_338[0] : f32 from vector<1xf32>
        %add3A_340 = arith.addf %squeeze3A_337, %squeeze3A_339 : f32
        %slice3A_341 = vector.extract_strided_slice %add3A_324 {offsets = [6], sizes = [1], strides = [1]} : vector<16xf32> to vector<1xf32>
        %squeeze3A_342 = vector.extract %slice3A_341[0] : f32 from vector<1xf32>
        %slice3A_343 = vector.extract_strided_slice %add3A_324 {offsets = [7], sizes = [1], strides = [1]} : vector<16xf32> to vector<1xf32>
        %squeeze3A_344 = vector.extract %slice3A_343[0] : f32 from vector<1xf32>
        %add3A_345 = arith.addf %squeeze3A_342, %squeeze3A_344 : f32
        %add3A_346 = arith.addf %add3A_340, %add3A_345 : f32
        %add3A_347 = arith.addf %add3A_335, %add3A_346 : f32
        %eq3A_348 = vector.broadcast %add3A_278 : i32 to vector<16xi32>
        %eq3A_349 = arith.cmpi eq, %iota3A, %eq3A_348 : vector<16xi32>
        %broadcast_in_dim3A_350 = vector.broadcast %add3A_347 : f32 to vector<16xf32>
        %select_n3A_351 = arith.select %eq3A_349, %broadcast_in_dim3A_350, %select_n3A : vector<16xi1>, vector<16xf32>
        %mul3A_352 = arith.constant 4 : i32
        %mul3A_353 = arith.muli %scan3A_201, %mul3A_352 : i32
        %add3A_354 = arith.constant 2 : i32
        %add3A_355 = arith.addi %mul3A_353, %add3A_354 : i32
        %add3A_356 = arith.constant 0 : i32
        %add3A_357 = arith.addi %add3A_356, %add3A_355 : i32
        %get3A_358 = arith.index_cast %add3A_101 : i32 to index
        %get3A_359 = arith.index_cast %add3A_357 : i32 to index
        %get3A_360 = arith.constant 0 : index
        %get3A_361 = tpu.vector_load %arg8[%get3A_358, %get3A_359, %get3A_360] {strides = array<i32>} : memref<4x80x64xf32, #tpu.memory_space<vmem>>, vector<16xf32>,
        %get3A_362 = arith.index_cast %add3A_101 : i32 to index
        %get3A_363 = arith.index_cast %add3A_357 : i32 to index
        %get3A_364 = arith.constant 0 : index
        %get3A_365 = tpu.vector_load %arg9[%get3A_362, %get3A_363, %get3A_364] {strides = array<i32>} : memref<4x80x64xf32, #tpu.memory_space<vmem>>, vector<16xf32>,
        %mul3A_366 = arith.mulf %get3A_361, %get3A_365 : vector<16xf32>
        %get3A_367 = arith.index_cast %add3A_101 : i32 to index
        %get3A_368 = arith.index_cast %add3A_357 : i32 to index
        %get3A_369 = arith.constant 16 : index
        %get3A_370 = tpu.vector_load %arg8[%get3A_367, %get3A_368, %get3A_369] {strides = array<i32>} : memref<4x80x64xf32, #tpu.memory_space<vmem>>, vector<16xf32>,
        %get3A_371 = arith.index_cast %add3A_101 : i32 to index
        %get3A_372 = arith.index_cast %add3A_357 : i32 to index
        %get3A_373 = arith.constant 16 : index
        %get3A_374 = tpu.vector_load %arg9[%get3A_371, %get3A_372, %get3A_373] {strides = array<i32>} : memref<4x80x64xf32, #tpu.memory_space<vmem>>, vector<16xf32>,
        %mul3A_375 = arith.mulf %get3A_370, %get3A_374 : vector<16xf32>
        %add3A_376 = arith.addf %mul3A_366, %mul3A_375 : vector<16xf32>
        %get3A_377 = arith.index_cast %add3A_101 : i32 to index
        %get3A_378 = arith.index_cast %add3A_357 : i32 to index
        %get3A_379 = arith.constant 32 : index
        %get3A_380 = tpu.vector_load %arg8[%get3A_377, %get3A_378, %get3A_379] {strides = array<i32>} : memref<4x80x64xf32, #tpu.memory_space<vmem>>, vector<16xf32>,
        %get3A_381 = arith.index_cast %add3A_101 : i32 to index
        %get3A_382 = arith.index_cast %add3A_357 : i32 to index
        %get3A_383 = arith.constant 32 : index
        %get3A_384 = tpu.vector_load %arg9[%get3A_381, %get3A_382, %get3A_383] {strides = array<i32>} : memref<4x80x64xf32, #tpu.memory_space<vmem>>, vector<16xf32>,
        %mul3A_385 = arith.mulf %get3A_380, %get3A_384 : vector<16xf32>
        %add3A_386 = arith.addf %add3A_376, %mul3A_385 : vector<16xf32>
        %get3A_387 = arith.index_cast %add3A_101 : i32 to index
        %get3A_388 = arith.index_cast %add3A_357 : i32 to index
        %get3A_389 = arith.constant 48 : index
        %get3A_390 = tpu.vector_load %arg8[%get3A_387, %get3A_388, %get3A_389] {strides = array<i32>} : memref<4x80x64xf32, #tpu.memory_space<vmem>>, vector<16xf32>,
        %get3A_391 = arith.index_cast %add3A_101 : i32 to index
        %get3A_392 = arith.index_cast %add3A_357 : i32 to index
        %get3A_393 = arith.constant 48 : index
        %get3A_394 = tpu.vector_load %arg9[%get3A_391, %get3A_392, %get3A_393] {strides = array<i32>} : memref<4x80x64xf32, #tpu.memory_space<vmem>>, vector<16xf32>,
        %mul3A_395 = arith.mulf %get3A_390, %get3A_394 : vector<16xf32>
        %add3A_396 = arith.addf %add3A_386, %mul3A_395 : vector<16xf32>
        %swap3A_397 = arith.constant 48 : index
        %swap3A_398 = tpu.vector_load %arg11[%swap3A_397] {strides = array<i32>} : memref<96xf32, #tpu.memory_space<vmem>>, vector<16xf32>,
        tpu.vector_store %arg11[%swap3A_397], %add3A_396 {strides = array<i32>} : memref<96xf32, #tpu.memory_space<vmem>>, vector<16xf32>,
        %get3A_399 = arith.constant 56 : index
        %get3A_400 = tpu.vector_load %arg11[%get3A_399] {strides = array<i32>} : memref<96xf32, #tpu.memory_space<vmem>>, vector<16xf32>,
        %add3A_401 = arith.addf %add3A_396, %get3A_400 : vector<16xf32>
        %slice3A_402 = vector.extract_strided_slice %add3A_401 {offsets = [0], sizes = [1], strides = [1]} : vector<16xf32> to vector<1xf32>
        %squeeze3A_403 = vector.extract %slice3A_402[0] : f32 from vector<1xf32>
        %slice3A_404 = vector.extract_strided_slice %add3A_401 {offsets = [1], sizes = [1], strides = [1]} : vector<16xf32> to vector<1xf32>
        %squeeze3A_405 = vector.extract %slice3A_404[0] : f32 from vector<1xf32>
        %add3A_406 = arith.addf %squeeze3A_403, %squeeze3A_405 : f32
        %slice3A_407 = vector.extract_strided_slice %add3A_401 {offsets = [2], sizes = [1], strides = [1]} : vector<16xf32> to vector<1xf32>
        %squeeze3A_408 = vector.extract %slice3A_407[0] : f32 from vector<1xf32>
        %slice3A_409 = vector.extract_strided_slice %add3A_401 {offsets = [3], sizes = [1], strides = [1]} : vector<16xf32> to vector<1xf32>
        %squeeze3A_410 = vector.extract %slice3A_409[0] : f32 from vector<1xf32>
        %add3A_411 = arith.addf %squeeze3A_408, %squeeze3A_410 : f32
        %add3A_412 = arith.addf %add3A_406, %add3A_411 : f32
        %slice3A_413 = vector.extract_strided_slice %add3A_401 {offsets = [4], sizes = [1], strides = [1]} : vector<16xf32> to vector<1xf32>
        %squeeze3A_414 = vector.extract %slice3A_413[0] : f32 from vector<1xf32>
        %slice3A_415 = vector.extract_strided_slice %add3A_401 {offsets = [5], sizes = [1], strides = [1]} : vector<16xf32> to vector<1xf32>
        %squeeze3A_416 = vector.extract %slice3A_415[0] : f32 from vector<1xf32>
        %add3A_417 = arith.addf %squeeze3A_414, %squeeze3A_416 : f32
        %slice3A_418 = vector.extract_strided_slice %add3A_401 {offsets = [6], sizes = [1], strides = [1]} : vector<16xf32> to vector<1xf32>
        %squeeze3A_419 = vector.extract %slice3A_418[0] : f32 from vector<1xf32>
        %slice3A_420 = vector.extract_strided_slice %add3A_401 {offsets = [7], sizes = [1], strides = [1]} : vector<16xf32> to vector<1xf32>
        %squeeze3A_421 = vector.extract %slice3A_420[0] : f32 from vector<1xf32>
        %add3A_422 = arith.addf %squeeze3A_419, %squeeze3A_421 : f32
        %add3A_423 = arith.addf %add3A_417, %add3A_422 : f32
        %add3A_424 = arith.addf %add3A_412, %add3A_423 : f32
        %eq3A_425 = vector.broadcast %add3A_355 : i32 to vector<16xi32>
        %eq3A_426 = arith.cmpi eq, %iota3A, %eq3A_425 : vector<16xi32>
        %broadcast_in_dim3A_427 = vector.broadcast %add3A_424 : f32 to vector<16xf32>
        %select_n3A_428 = arith.select %eq3A_426, %broadcast_in_dim3A_427, %select_n3A_351 : vector<16xi1>, vector<16xf32>
        %mul3A_429 = arith.constant 4 : i32
        %mul3A_430 = arith.muli %scan3A_201, %mul3A_429 : i32
        %add3A_431 = arith.constant 3 : i32
        %add3A_432 = arith.addi %mul3A_430, %add3A_431 : i32
        %add3A_433 = arith.constant 0 : i32
        %add3A_434 = arith.addi %add3A_433, %add3A_432 : i32
        %get3A_435 = arith.index_cast %add3A_101 : i32 to index
        %get3A_436 = arith.index_cast %add3A_434 : i32 to index
        %get3A_437 = arith.constant 0 : index
        %get3A_438 = tpu.vector_load %arg8[%get3A_435, %get3A_436, %get3A_437] {strides = array<i32>} : memref<4x80x64xf32, #tpu.memory_space<vmem>>, vector<16xf32>,
        %get3A_439 = arith.index_cast %add3A_101 : i32 to index
        %get3A_440 = arith.index_cast %add3A_434 : i32 to index
        %get3A_441 = arith.constant 0 : index
        %get3A_442 = tpu.vector_load %arg9[%get3A_439, %get3A_440, %get3A_441] {strides = array<i32>} : memref<4x80x64xf32, #tpu.memory_space<vmem>>, vector<16xf32>,
        %mul3A_443 = arith.mulf %get3A_438, %get3A_442 : vector<16xf32>
        %get3A_444 = arith.index_cast %add3A_101 : i32 to index
        %get3A_445 = arith.index_cast %add3A_434 : i32 to index
        %get3A_446 = arith.constant 16 : index
        %get3A_447 = tpu.vector_load %arg8[%get3A_444, %get3A_445, %get3A_446] {strides = array<i32>} : memref<4x80x64xf32, #tpu.memory_space<vmem>>, vector<16xf32>,
        %get3A_448 = arith.index_cast %add3A_101 : i32 to index
        %get3A_449 = arith.index_cast %add3A_434 : i32 to index
        %get3A_450 = arith.constant 16 : index
        %get3A_451 = tpu.vector_load %arg9[%get3A_448, %get3A_449, %get3A_450] {strides = array<i32>} : memref<4x80x64xf32, #tpu.memory_space<vmem>>, vector<16xf32>,
        %mul3A_452 = arith.mulf %get3A_447, %get3A_451 : vector<16xf32>
        %add3A_453 = arith.addf %mul3A_443, %mul3A_452 : vector<16xf32>
        %get3A_454 = arith.index_cast %add3A_101 : i32 to index
        %get3A_455 = arith.index_cast %add3A_434 : i32 to index
        %get3A_456 = arith.constant 32 : index
        %get3A_457 = tpu.vector_load %arg8[%get3A_454, %get3A_455, %get3A_456] {strides = array<i32>} : memref<4x80x64xf32, #tpu.memory_space<vmem>>, vector<16xf32>,
        %get3A_458 = arith.index_cast %add3A_101 : i32 to index
        %get3A_459 = arith.index_cast %add3A_434 : i32 to index
        %get3A_460 = arith.constant 32 : index
        %get3A_461 = tpu.vector_load %arg9[%get3A_458, %get3A_459, %get3A_460] {strides = array<i32>} : memref<4x80x64xf32, #tpu.memory_space<vmem>>, vector<16xf32>,
        %mul3A_462 = arith.mulf %get3A_457, %get3A_461 : vector<16xf32>
        %add3A_463 = arith.addf %add3A_453, %mul3A_462 : vector<16xf32>
        %get3A_464 = arith.index_cast %add3A_101 : i32 to index
        %get3A_465 = arith.index_cast %add3A_434 : i32 to index
        %get3A_466 = arith.constant 48 : index
        %get3A_467 = tpu.vector_load %arg8[%get3A_464, %get3A_465, %get3A_466] {strides = array<i32>} : memref<4x80x64xf32, #tpu.memory_space<vmem>>, vector<16xf32>,
        %get3A_468 = arith.index_cast %add3A_101 : i32 to index
        %get3A_469 = arith.index_cast %add3A_434 : i32 to index
        %get3A_470 = arith.constant 48 : index
        %get3A_471 = tpu.vector_load %arg9[%get3A_468, %get3A_469, %get3A_470] {strides = array<i32>} : memref<4x80x64xf32, #tpu.memory_space<vmem>>, vector<16xf32>,
        %mul3A_472 = arith.mulf %get3A_467, %get3A_471 : vector<16xf32>
        %add3A_473 = arith.addf %add3A_463, %mul3A_472 : vector<16xf32>
        %swap3A_474 = arith.constant 72 : index
        %swap3A_475 = tpu.vector_load %arg11[%swap3A_474] {strides = array<i32>} : memref<96xf32, #tpu.memory_space<vmem>>, vector<16xf32>,
        tpu.vector_store %arg11[%swap3A_474], %add3A_473 {strides = array<i32>} : memref<96xf32, #tpu.memory_space<vmem>>, vector<16xf32>,
        %get3A_476 = arith.constant 80 : index
        %get3A_477 = tpu.vector_load %arg11[%get3A_476] {strides = array<i32>} : memref<96xf32, #tpu.memory_space<vmem>>, vector<16xf32>,
        %add3A_478 = arith.addf %add3A_473, %get3A_477 : vector<16xf32>
        %slice3A_479 = vector.extract_strided_slice %add3A_478 {offsets = [0], sizes = [1], strides = [1]} : vector<16xf32> to vector<1xf32>
        %squeeze3A_480 = vector.extract %slice3A_479[0] : f32 from vector<1xf32>
        %slice3A_481 = vector.extract_strided_slice %add3A_478 {offsets = [1], sizes = [1], strides = [1]} : vector<16xf32> to vector<1xf32>
        %squeeze3A_482 = vector.extract %slice3A_481[0] : f32 from vector<1xf32>
        %add3A_483 = arith.addf %squeeze3A_480, %squeeze3A_482 : f32
        %slice3A_484 = vector.extract_strided_slice %add3A_478 {offsets = [2], sizes = [1], strides = [1]} : vector<16xf32> to vector<1xf32>
        %squeeze3A_485 = vector.extract %slice3A_484[0] : f32 from vector<1xf32>
        %slice3A_486 = vector.extract_strided_slice %add3A_478 {offsets = [3], sizes = [1], strides = [1]} : vector<16xf32> to vector<1xf32>
        %squeeze3A_487 = vector.extract %slice3A_486[0] : f32 from vector<1xf32>
        %add3A_488 = arith.addf %squeeze3A_485, %squeeze3A_487 : f32
        %add3A_489 = arith.addf %add3A_483, %add3A_488 : f32
        %slice3A_490 = vector.extract_strided_slice %add3A_478 {offsets = [4], sizes = [1], strides = [1]} : vector<16xf32> to vector<1xf32>
        %squeeze3A_491 = vector.extract %slice3A_490[0] : f32 from vector<1xf32>
        %slice3A_492 = vector.extract_strided_slice %add3A_478 {offsets = [5], sizes = [1], strides = [1]} : vector<16xf32> to vector<1xf32>
        %squeeze3A_493 = vector.extract %slice3A_492[0] : f32 from vector<1xf32>
        %add3A_494 = arith.addf %squeeze3A_491, %squeeze3A_493 : f32
        %slice3A_495 = vector.extract_strided_slice %add3A_478 {offsets = [6], sizes = [1], strides = [1]} : vector<16xf32> to vector<1xf32>
        %squeeze3A_496 = vector.extract %slice3A_495[0] : f32 from vector<1xf32>
        %slice3A_497 = vector.extract_strided_slice %add3A_478 {offsets = [7], sizes = [1], strides = [1]} : vector<16xf32> to vector<1xf32>
        %squeeze3A_498 = vector.extract %slice3A_497[0] : f32 from vector<1xf32>
        %add3A_499 = arith.addf %squeeze3A_496, %squeeze3A_498 : f32
        %add3A_500 = arith.addf %add3A_494, %add3A_499 : f32
        %add3A_501 = arith.addf %add3A_489, %add3A_500 : f32
        %eq3A_502 = vector.broadcast %add3A_432 : i32 to vector<16xi32>
        %eq3A_503 = arith.cmpi eq, %iota3A, %eq3A_502 : vector<16xi32>
        %broadcast_in_dim3A_504 = vector.broadcast %add3A_501 : f32 to vector<16xf32>
        %select_n3A_505 = arith.select %eq3A_503, %broadcast_in_dim3A_504, %select_n3A_428 : vector<16xi1>, vector<16xf32>
        scf.yield %select_n3A_505 : vector<16xf32>
      }
      %scan3A_138 = arith.constant 4 : i32
      %mul3A_139 = arith.constant 80 : i32
      %mul3A_140 = arith.muli %scan3A_93, %mul3A_139 : i32
      %add3A_141 = arith.constant 0 : i32
      %add3A_142 = arith.addi %mul3A_140, %add3A_141 : i32
      %swap3A_143 = arith.index_cast %add3A_142 : i32 to index
      %swap3A_144 = tpu.vector_load %arg10[%swap3A_143] {strides = array<i32>} : memref<10000xf32, #tpu.memory_space<vmem>>, vector<16xf32>,
      tpu.vector_store %arg10[%swap3A_143], %scan3A_137 {strides = array<i32>} : memref<10000xf32, #tpu.memory_space<vmem>>, vector<16xf32>,
      %broadcast_in_dim3A_145 = arith.constant 0.000000e+00 : f32
      %broadcast_in_dim3A_146 = vector.broadcast %broadcast_in_dim3A_145 : f32 to vector<16xf32>
      %scan3A_147 = arith.constant 0 : i32
      %scan3A_148 = arith.constant 4 : i32
      %scan3A_149 = arith.addi %scan3A_147, %scan3A_148 : i32
      %scan3A_150 = arith.constant 1 : i32
      %scan3A_151 = scf.for %scan3A_201 = %scan3A_147 to %scan3A_149 step %scan3A_150 iter_args(%scan3A_202 = %broadcast_in_dim3A_146) -> (vector<16xf32>)  : i32 {
        %mul3A_203 = arith.constant 4 : i32
        %mul3A_204 = arith.muli %scan3A_201, %mul3A_203 : i32
        %add3A_205 = arith.constant 0 : i32
        %add3A_206 = arith.addi %mul3A_204, %add3A_205 : i32
        %add3A_207 = arith.constant 16 : i32
        %add3A_208 = arith.addi %add3A_207, %add3A_206 : i32
        %get3A = arith.index_cast %add3A_101 : i32 to index
        %get3A_209 = arith.index_cast %add3A_208 : i32 to index
        %get3A_210 = arith.constant 0 : index
        %get3A_211 = tpu.vector_load %arg8[%get3A, %get3A_209, %get3A_210] {strides = array<i32>} : memref<4x80x64xf32, #tpu.memory_space<vmem>>, vector<16xf32>,
        %get3A_212 = arith.index_cast %add3A_101 : i32 to index
        %get3A_213 = arith.index_cast %add3A_208 : i32 to index
        %get3A_214 = arith.constant 0 : index
        %get3A_215 = tpu.vector_load %arg9[%get3A_212, %get3A_213, %get3A_214] {strides = array<i32>} : memref<4x80x64xf32, #tpu.memory_space<vmem>>, vector<16xf32>,
        %mul3A_216 = arith.mulf %get3A_211, %get3A_215 : vector<16xf32>
        %get3A_217 = arith.index_cast %add3A_101 : i32 to index
        %get3A_218 = arith.index_cast %add3A_208 : i32 to index
        %get3A_219 = arith.constant 16 : index
        %get3A_220 = tpu.vector_load %arg8[%get3A_217, %get3A_218, %get3A_219] {strides = array<i32>} : memref<4x80x64xf32, #tpu.memory_space<vmem>>, vector<16xf32>,
        %get3A_221 = arith.index_cast %add3A_101 : i32 to index
        %get3A_222 = arith.index_cast %add3A_208 : i32 to index
        %get3A_223 = arith.constant 16 : index
        %get3A_224 = tpu.vector_load %arg9[%get3A_221, %get3A_222, %get3A_223] {strides = array<i32>} : memref<4x80x64xf32, #tpu.memory_space<vmem>>, vector<16xf32>,
        %mul3A_225 = arith.mulf %get3A_220, %get3A_224 : vector<16xf32>
        %add3A_226 = arith.addf %mul3A_216, %mul3A_225 : vector<16xf32>
        %get3A_227 = arith.index_cast %add3A_101 : i32 to index
        %get3A_228 = arith.index_cast %add3A_208 : i32 to index
        %get3A_229 = arith.constant 32 : index
        %get3A_230 = tpu.vector_load %arg8[%get3A_227, %get3A_228, %get3A_229] {strides = array<i32>} : memref<4x80x64xf32, #tpu.memory_space<vmem>>, vector<16xf32>,
        %get3A_231 = arith.index_cast %add3A_101 : i32 to index
        %get3A_232 = arith.index_cast %add3A_208 : i32 to index
        %get3A_233 = arith.constant 32 : index
        %get3A_234 = tpu.vector_load %arg9[%get3A_231, %get3A_232, %get3A_233] {strides = array<i32>} : memref<4x80x64xf32, #tpu.memory_space<vmem>>, vector<16xf32>,
        %mul3A_235 = arith.mulf %get3A_230, %get3A_234 : vector<16xf32>
        %add3A_236 = arith.addf %add3A_226, %mul3A_235 : vector<16xf32>
        %get3A_237 = arith.index_cast %add3A_101 : i32 to index
        %get3A_238 = arith.index_cast %add3A_208 : i32 to index
        %get3A_239 = arith.constant 48 : index
        %get3A_240 = tpu.vector_load %arg8[%get3A_237, %get3A_238, %get3A_239] {strides = array<i32>} : memref<4x80x64xf32, #tpu.memory_space<vmem>>, vector<16xf32>,
        %get3A_241 = arith.index_cast %add3A_101 : i32 to index
        %get3A_242 = arith.index_cast %add3A_208 : i32 to index
        %get3A_243 = arith.constant 48 : index
        %get3A_244 = tpu.vector_load %arg9[%get3A_241, %get3A_242, %get3A_243] {strides = array<i32>} : memref<4x80x64xf32, #tpu.memory_space<vmem>>, vector<16xf32>,
        %mul3A_245 = arith.mulf %get3A_240, %get3A_244 : vector<16xf32>
        %add3A_246 = arith.addf %add3A_236, %mul3A_245 : vector<16xf32>
        %swap3A_247 = arith.constant 0 : index
        %swap3A_248 = tpu.vector_load %arg11[%swap3A_247] {strides = array<i32>} : memref<96xf32, #tpu.memory_space<vmem>>, vector<16xf32>,
        tpu.vector_store %arg11[%swap3A_247], %add3A_246 {strides = array<i32>} : memref<96xf32, #tpu.memory_space<vmem>>, vector<16xf32>,
        %get3A_249 = arith.constant 8 : index
        %get3A_250 = tpu.vector_load %arg11[%get3A_249] {strides = array<i32>} : memref<96xf32, #tpu.memory_space<vmem>>, vector<16xf32>,
        %add3A_251 = arith.addf %add3A_246, %get3A_250 : vector<16xf32>
        %slice3A = vector.extract_strided_slice %add3A_251 {offsets = [0], sizes = [1], strides = [1]} : vector<16xf32> to vector<1xf32>
        %squeeze3A = vector.extract %slice3A[0] : f32 from vector<1xf32>
        %slice3A_252 = vector.extract_strided_slice %add3A_251 {offsets = [1], sizes = [1], strides = [1]} : vector<16xf32> to vector<1xf32>
        %squeeze3A_253 = vector.extract %slice3A_252[0] : f32 from vector<1xf32>
        %add3A_254 = arith.addf %squeeze3A, %squeeze3A_253 : f32
        %slice3A_255 = vector.extract_strided_slice %add3A_251 {offsets = [2], sizes = [1], strides = [1]} : vector<16xf32> to vector<1xf32>
        %squeeze3A_256 = vector.extract %slice3A_255[0] : f32 from vector<1xf32>
        %slice3A_257 = vector.extract_strided_slice %add3A_251 {offsets = [3], sizes = [1], strides = [1]} : vector<16xf32> to vector<1xf32>
        %squeeze3A_258 = vector.extract %slice3A_257[0] : f32 from vector<1xf32>
        %add3A_259 = arith.addf %squeeze3A_256, %squeeze3A_258 : f32
        %add3A_260 = arith.addf %add3A_254, %add3A_259 : f32
        %slice3A_261 = vector.extract_strided_slice %add3A_251 {offsets = [4], sizes = [1], strides = [1]} : vector<16xf32> to vector<1xf32>
        %squeeze3A_262 = vector.extract %slice3A_261[0] : f32 from vector<1xf32>
        %slice3A_263 = vector.extract_strided_slice %add3A_251 {offsets = [5], sizes = [1], strides = [1]} : vector<16xf32> to vector<1xf32>
        %squeeze3A_264 = vector.extract %slice3A_263[0] : f32 from vector<1xf32>
        %add3A_265 = arith.addf %squeeze3A_262, %squeeze3A_264 : f32
        %slice3A_266 = vector.extract_strided_slice %add3A_251 {offsets = [6], sizes = [1], strides = [1]} : vector<16xf32> to vector<1xf32>
        %squeeze3A_267 = vector.extract %slice3A_266[0] : f32 from vector<1xf32>
        %slice3A_268 = vector.extract_strided_slice %add3A_251 {offsets = [7], sizes = [1], strides = [1]} : vector<16xf32> to vector<1xf32>
        %squeeze3A_269 = vector.extract %slice3A_268[0] : f32 from vector<1xf32>
        %add3A_270 = arith.addf %squeeze3A_267, %squeeze3A_269 : f32
        %add3A_271 = arith.addf %add3A_265, %add3A_270 : f32
        %add3A_272 = arith.addf %add3A_260, %add3A_271 : f32
        %eq3A = vector.broadcast %add3A_206 : i32 to vector<16xi32>
        %eq3A_273 = arith.cmpi eq, %iota3A, %eq3A : vector<16xi32>
        %broadcast_in_dim3A_274 = vector.broadcast %add3A_272 : f32 to vector<16xf32>
        %select_n3A = arith.select %eq3A_273, %broadcast_in_dim3A_274, %scan3A_202 : vector<16xi1>, vector<16xf32>
        %mul3A_275 = arith.constant 4 : i32
        %mul3A_276 = arith.muli %scan3A_201, %mul3A_275 : i32
        %add3A_277 = arith.constant 1 : i32
        %add3A_278 = arith.addi %mul3A_276, %add3A_277 : i32
        %add3A_279 = arith.constant 16 : i32
        %add3A_280 = arith.addi %add3A_279, %add3A_278 : i32
        %get3A_281 = arith.index_cast %add3A_101 : i32 to index
        %get3A_282 = arith.index_cast %add3A_280 : i32 to index
        %get3A_283 = arith.constant 0 : index
        %get3A_284 = tpu.vector_load %arg8[%get3A_281, %get3A_282, %get3A_283] {strides = array<i32>} : memref<4x80x64xf32, #tpu.memory_space<vmem>>, vector<16xf32>,
        %get3A_285 = arith.index_cast %add3A_101 : i32 to index
        %get3A_286 = arith.index_cast %add3A_280 : i32 to index
        %get3A_287 = arith.constant 0 : index
        %get3A_288 = tpu.vector_load %arg9[%get3A_285, %get3A_286, %get3A_287] {strides = array<i32>} : memref<4x80x64xf32, #tpu.memory_space<vmem>>, vector<16xf32>,
        %mul3A_289 = arith.mulf %get3A_284, %get3A_288 : vector<16xf32>
        %get3A_290 = arith.index_cast %add3A_101 : i32 to index
        %get3A_291 = arith.index_cast %add3A_280 : i32 to index
        %get3A_292 = arith.constant 16 : index
        %get3A_293 = tpu.vector_load %arg8[%get3A_290, %get3A_291, %get3A_292] {strides = array<i32>} : memref<4x80x64xf32, #tpu.memory_space<vmem>>, vector<16xf32>,
        %get3A_294 = arith.index_cast %add3A_101 : i32 to index
        %get3A_295 = arith.index_cast %add3A_280 : i32 to index
        %get3A_296 = arith.constant 16 : index
        %get3A_297 = tpu.vector_load %arg9[%get3A_294, %get3A_295, %get3A_296] {strides = array<i32>} : memref<4x80x64xf32, #tpu.memory_space<vmem>>, vector<16xf32>,
        %mul3A_298 = arith.mulf %get3A_293, %get3A_297 : vector<16xf32>
        %add3A_299 = arith.addf %mul3A_289, %mul3A_298 : vector<16xf32>
        %get3A_300 = arith.index_cast %add3A_101 : i32 to index
        %get3A_301 = arith.index_cast %add3A_280 : i32 to index
        %get3A_302 = arith.constant 32 : index
        %get3A_303 = tpu.vector_load %arg8[%get3A_300, %get3A_301, %get3A_302] {strides = array<i32>} : memref<4x80x64xf32, #tpu.memory_space<vmem>>, vector<16xf32>,
        %get3A_304 = arith.index_cast %add3A_101 : i32 to index
        %get3A_305 = arith.index_cast %add3A_280 : i32 to index
        %get3A_306 = arith.constant 32 : index
        %get3A_307 = tpu.vector_load %arg9[%get3A_304, %get3A_305, %get3A_306] {strides = array<i32>} : memref<4x80x64xf32, #tpu.memory_space<vmem>>, vector<16xf32>,
        %mul3A_308 = arith.mulf %get3A_303, %get3A_307 : vector<16xf32>
        %add3A_309 = arith.addf %add3A_299, %mul3A_308 : vector<16xf32>
        %get3A_310 = arith.index_cast %add3A_101 : i32 to index
        %get3A_311 = arith.index_cast %add3A_280 : i32 to index
        %get3A_312 = arith.constant 48 : index
        %get3A_313 = tpu.vector_load %arg8[%get3A_310, %get3A_311, %get3A_312] {strides = array<i32>} : memref<4x80x64xf32, #tpu.memory_space<vmem>>, vector<16xf32>,
        %get3A_314 = arith.index_cast %add3A_101 : i32 to index
        %get3A_315 = arith.index_cast %add3A_280 : i32 to index
        %get3A_316 = arith.constant 48 : index
        %get3A_317 = tpu.vector_load %arg9[%get3A_314, %get3A_315, %get3A_316] {strides = array<i32>} : memref<4x80x64xf32, #tpu.memory_space<vmem>>, vector<16xf32>,
        %mul3A_318 = arith.mulf %get3A_313, %get3A_317 : vector<16xf32>
        %add3A_319 = arith.addf %add3A_309, %mul3A_318 : vector<16xf32>
        %swap3A_320 = arith.constant 24 : index
        %swap3A_321 = tpu.vector_load %arg11[%swap3A_320] {strides = array<i32>} : memref<96xf32, #tpu.memory_space<vmem>>, vector<16xf32>,
        tpu.vector_store %arg11[%swap3A_320], %add3A_319 {strides = array<i32>} : memref<96xf32, #tpu.memory_space<vmem>>, vector<16xf32>,
        %get3A_322 = arith.constant 32 : index
        %get3A_323 = tpu.vector_load %arg11[%get3A_322] {strides = array<i32>} : memref<96xf32, #tpu.memory_space<vmem>>, vector<16xf32>,
        %add3A_324 = arith.addf %add3A_319, %get3A_323 : vector<16xf32>
        %slice3A_325 = vector.extract_strided_slice %add3A_324 {offsets = [0], sizes = [1], strides = [1]} : vector<16xf32> to vector<1xf32>
        %squeeze3A_326 = vector.extract %slice3A_325[0] : f32 from vector<1xf32>
        %slice3A_327 = vector.extract_strided_slice %add3A_324 {offsets = [1], sizes = [1], strides = [1]} : vector<16xf32> to vector<1xf32>
        %squeeze3A_328 = vector.extract %slice3A_327[0] : f32 from vector<1xf32>
        %add3A_329 = arith.addf %squeeze3A_326, %squeeze3A_328 : f32
        %slice3A_330 = vector.extract_strided_slice %add3A_324 {offsets = [2], sizes = [1], strides = [1]} : vector<16xf32> to vector<1xf32>
        %squeeze3A_331 = vector.extract %slice3A_330[0] : f32 from vector<1xf32>
        %slice3A_332 = vector.extract_strided_slice %add3A_324 {offsets = [3], sizes = [1], strides = [1]} : vector<16xf32> to vector<1xf32>
        %squeeze3A_333 = vector.extract %slice3A_332[0] : f32 from vector<1xf32>
        %add3A_334 = arith.addf %squeeze3A_331, %squeeze3A_333 : f32
        %add3A_335 = arith.addf %add3A_329, %add3A_334 : f32
        %slice3A_336 = vector.extract_strided_slice %add3A_324 {offsets = [4], sizes = [1], strides = [1]} : vector<16xf32> to vector<1xf32>
        %squeeze3A_337 = vector.extract %slice3A_336[0] : f32 from vector<1xf32>
        %slice3A_338 = vector.extract_strided_slice %add3A_324 {offsets = [5], sizes = [1], strides = [1]} : vector<16xf32> to vector<1xf32>
        %squeeze3A_339 = vector.extract %slice3A_338[0] : f32 from vector<1xf32>
        %add3A_340 = arith.addf %squeeze3A_337, %squeeze3A_339 : f32
        %slice3A_341 = vector.extract_strided_slice %add3A_324 {offsets = [6], sizes = [1], strides = [1]} : vector<16xf32> to vector<1xf32>
        %squeeze3A_342 = vector.extract %slice3A_341[0] : f32 from vector<1xf32>
        %slice3A_343 = vector.extract_strided_slice %add3A_324 {offsets = [7], sizes = [1], strides = [1]} : vector<16xf32> to vector<1xf32>
        %squeeze3A_344 = vector.extract %slice3A_343[0] : f32 from vector<1xf32>
        %add3A_345 = arith.addf %squeeze3A_342, %squeeze3A_344 : f32
        %add3A_346 = arith.addf %add3A_340, %add3A_345 : f32
        %add3A_347 = arith.addf %add3A_335, %add3A_346 : f32
        %eq3A_348 = vector.broadcast %add3A_278 : i32 to vector<16xi32>
        %eq3A_349 = arith.cmpi eq, %iota3A, %eq3A_348 : vector<16xi32>
        %broadcast_in_dim3A_350 = vector.broadcast %add3A_347 : f32 to vector<16xf32>
        %select_n3A_351 = arith.select %eq3A_349, %broadcast_in_dim3A_350, %select_n3A : vector<16xi1>, vector<16xf32>
        %mul3A_352 = arith.constant 4 : i32
        %mul3A_353 = arith.muli %scan3A_201, %mul3A_352 : i32
        %add3A_354 = arith.constant 2 : i32
        %add3A_355 = arith.addi %mul3A_353, %add3A_354 : i32
        %add3A_356 = arith.constant 16 : i32
        %add3A_357 = arith.addi %add3A_356, %add3A_355 : i32
        %get3A_358 = arith.index_cast %add3A_101 : i32 to index
        %get3A_359 = arith.index_cast %add3A_357 : i32 to index
        %get3A_360 = arith.constant 0 : index
        %get3A_361 = tpu.vector_load %arg8[%get3A_358, %get3A_359, %get3A_360] {strides = array<i32>} : memref<4x80x64xf32, #tpu.memory_space<vmem>>, vector<16xf32>,
        %get3A_362 = arith.index_cast %add3A_101 : i32 to index
        %get3A_363 = arith.index_cast %add3A_357 : i32 to index
        %get3A_364 = arith.constant 0 : index
        %get3A_365 = tpu.vector_load %arg9[%get3A_362, %get3A_363, %get3A_364] {strides = array<i32>} : memref<4x80x64xf32, #tpu.memory_space<vmem>>, vector<16xf32>,
        %mul3A_366 = arith.mulf %get3A_361, %get3A_365 : vector<16xf32>
        %get3A_367 = arith.index_cast %add3A_101 : i32 to index
        %get3A_368 = arith.index_cast %add3A_357 : i32 to index
        %get3A_369 = arith.constant 16 : index
        %get3A_370 = tpu.vector_load %arg8[%get3A_367, %get3A_368, %get3A_369] {strides = array<i32>} : memref<4x80x64xf32, #tpu.memory_space<vmem>>, vector<16xf32>,
        %get3A_371 = arith.index_cast %add3A_101 : i32 to index
        %get3A_372 = arith.index_cast %add3A_357 : i32 to index
        %get3A_373 = arith.constant 16 : index
        %get3A_374 = tpu.vector_load %arg9[%get3A_371, %get3A_372, %get3A_373] {strides = array<i32>} : memref<4x80x64xf32, #tpu.memory_space<vmem>>, vector<16xf32>,
        %mul3A_375 = arith.mulf %get3A_370, %get3A_374 : vector<16xf32>
        %add3A_376 = arith.addf %mul3A_366, %mul3A_375 : vector<16xf32>
        %get3A_377 = arith.index_cast %add3A_101 : i32 to index
        %get3A_378 = arith.index_cast %add3A_357 : i32 to index
        %get3A_379 = arith.constant 32 : index
        %get3A_380 = tpu.vector_load %arg8[%get3A_377, %get3A_378, %get3A_379] {strides = array<i32>} : memref<4x80x64xf32, #tpu.memory_space<vmem>>, vector<16xf32>,
        %get3A_381 = arith.index_cast %add3A_101 : i32 to index
        %get3A_382 = arith.index_cast %add3A_357 : i32 to index
        %get3A_383 = arith.constant 32 : index
        %get3A_384 = tpu.vector_load %arg9[%get3A_381, %get3A_382, %get3A_383] {strides = array<i32>} : memref<4x80x64xf32, #tpu.memory_space<vmem>>, vector<16xf32>,
        %mul3A_385 = arith.mulf %get3A_380, %get3A_384 : vector<16xf32>
        %add3A_386 = arith.addf %add3A_376, %mul3A_385 : vector<16xf32>
        %get3A_387 = arith.index_cast %add3A_101 : i32 to index
        %get3A_388 = arith.index_cast %add3A_357 : i32 to index
        %get3A_389 = arith.constant 48 : index
        %get3A_390 = tpu.vector_load %arg8[%get3A_387, %get3A_388, %get3A_389] {strides = array<i32>} : memref<4x80x64xf32, #tpu.memory_space<vmem>>, vector<16xf32>,
        %get3A_391 = arith.index_cast %add3A_101 : i32 to index
        %get3A_392 = arith.index_cast %add3A_357 : i32 to index
        %get3A_393 = arith.constant 48 : index
        %get3A_394 = tpu.vector_load %arg9[%get3A_391, %get3A_392, %get3A_393] {strides = array<i32>} : memref<4x80x64xf32, #tpu.memory_space<vmem>>, vector<16xf32>,
        %mul3A_395 = arith.mulf %get3A_390, %get3A_394 : vector<16xf32>
        %add3A_396 = arith.addf %add3A_386, %mul3A_395 : vector<16xf32>
        %swap3A_397 = arith.constant 48 : index
        %swap3A_398 = tpu.vector_load %arg11[%swap3A_397] {strides = array<i32>} : memref<96xf32, #tpu.memory_space<vmem>>, vector<16xf32>,
        tpu.vector_store %arg11[%swap3A_397], %add3A_396 {strides = array<i32>} : memref<96xf32, #tpu.memory_space<vmem>>, vector<16xf32>,
        %get3A_399 = arith.constant 56 : index
        %get3A_400 = tpu.vector_load %arg11[%get3A_399] {strides = array<i32>} : memref<96xf32, #tpu.memory_space<vmem>>, vector<16xf32>,
        %add3A_401 = arith.addf %add3A_396, %get3A_400 : vector<16xf32>
        %slice3A_402 = vector.extract_strided_slice %add3A_401 {offsets = [0], sizes = [1], strides = [1]} : vector<16xf32> to vector<1xf32>
        %squeeze3A_403 = vector.extract %slice3A_402[0] : f32 from vector<1xf32>
        %slice3A_404 = vector.extract_strided_slice %add3A_401 {offsets = [1], sizes = [1], strides = [1]} : vector<16xf32> to vector<1xf32>
        %squeeze3A_405 = vector.extract %slice3A_404[0] : f32 from vector<1xf32>
        %add3A_406 = arith.addf %squeeze3A_403, %squeeze3A_405 : f32
        %slice3A_407 = vector.extract_strided_slice %add3A_401 {offsets = [2], sizes = [1], strides = [1]} : vector<16xf32> to vector<1xf32>
        %squeeze3A_408 = vector.extract %slice3A_407[0] : f32 from vector<1xf32>
        %slice3A_409 = vector.extract_strided_slice %add3A_401 {offsets = [3], sizes = [1], strides = [1]} : vector<16xf32> to vector<1xf32>
        %squeeze3A_410 = vector.extract %slice3A_409[0] : f32 from vector<1xf32>
        %add3A_411 = arith.addf %squeeze3A_408, %squeeze3A_410 : f32
        %add3A_412 = arith.addf %add3A_406, %add3A_411 : f32
        %slice3A_413 = vector.extract_strided_slice %add3A_401 {offsets = [4], sizes = [1], strides = [1]} : vector<16xf32> to vector<1xf32>
        %squeeze3A_414 = vector.extract %slice3A_413[0] : f32 from vector<1xf32>
        %slice3A_415 = vector.extract_strided_slice %add3A_401 {offsets = [5], sizes = [1], strides = [1]} : vector<16xf32> to vector<1xf32>
        %squeeze3A_416 = vector.extract %slice3A_415[0] : f32 from vector<1xf32>
        %add3A_417 = arith.addf %squeeze3A_414, %squeeze3A_416 : f32
        %slice3A_418 = vector.extract_strided_slice %add3A_401 {offsets = [6], sizes = [1], strides = [1]} : vector<16xf32> to vector<1xf32>
        %squeeze3A_419 = vector.extract %slice3A_418[0] : f32 from vector<1xf32>
        %slice3A_420 = vector.extract_strided_slice %add3A_401 {offsets = [7], sizes = [1], strides = [1]} : vector<16xf32> to vector<1xf32>
        %squeeze3A_421 = vector.extract %slice3A_420[0] : f32 from vector<1xf32>
        %add3A_422 = arith.addf %squeeze3A_419, %squeeze3A_421 : f32
        %add3A_423 = arith.addf %add3A_417, %add3A_422 : f32
        %add3A_424 = arith.addf %add3A_412, %add3A_423 : f32
        %eq3A_425 = vector.broadcast %add3A_355 : i32 to vector<16xi32>
        %eq3A_426 = arith.cmpi eq, %iota3A, %eq3A_425 : vector<16xi32>
        %broadcast_in_dim3A_427 = vector.broadcast %add3A_424 : f32 to vector<16xf32>
        %select_n3A_428 = arith.select %eq3A_426, %broadcast_in_dim3A_427, %select_n3A_351 : vector<16xi1>, vector<16xf32>
        %mul3A_429 = arith.constant 4 : i32
        %mul3A_430 = arith.muli %scan3A_201, %mul3A_429 : i32
        %add3A_431 = arith.constant 3 : i32
        %add3A_432 = arith.addi %mul3A_430, %add3A_431 : i32
        %add3A_433 = arith.constant 16 : i32
        %add3A_434 = arith.addi %add3A_433, %add3A_432 : i32
        %get3A_435 = arith.index_cast %add3A_101 : i32 to index
        %get3A_436 = arith.index_cast %add3A_434 : i32 to index
        %get3A_437 = arith.constant 0 : index
        %get3A_438 = tpu.vector_load %arg8[%get3A_435, %get3A_436, %get3A_437] {strides = array<i32>} : memref<4x80x64xf32, #tpu.memory_space<vmem>>, vector<16xf32>,
        %get3A_439 = arith.index_cast %add3A_101 : i32 to index
        %get3A_440 = arith.index_cast %add3A_434 : i32 to index
        %get3A_441 = arith.constant 0 : index
        %get3A_442 = tpu.vector_load %arg9[%get3A_439, %get3A_440, %get3A_441] {strides = array<i32>} : memref<4x80x64xf32, #tpu.memory_space<vmem>>, vector<16xf32>,
        %mul3A_443 = arith.mulf %get3A_438, %get3A_442 : vector<16xf32>
        %get3A_444 = arith.index_cast %add3A_101 : i32 to index
        %get3A_445 = arith.index_cast %add3A_434 : i32 to index
        %get3A_446 = arith.constant 16 : index
        %get3A_447 = tpu.vector_load %arg8[%get3A_444, %get3A_445, %get3A_446] {strides = array<i32>} : memref<4x80x64xf32, #tpu.memory_space<vmem>>, vector<16xf32>,
        %get3A_448 = arith.index_cast %add3A_101 : i32 to index
        %get3A_449 = arith.index_cast %add3A_434 : i32 to index
        %get3A_450 = arith.constant 16 : index
        %get3A_451 = tpu.vector_load %arg9[%get3A_448, %get3A_449, %get3A_450] {strides = array<i32>} : memref<4x80x64xf32, #tpu.memory_space<vmem>>, vector<16xf32>,
        %mul3A_452 = arith.mulf %get3A_447, %get3A_451 : vector<16xf32>
        %add3A_453 = arith.addf %mul3A_443, %mul3A_452 : vector<16xf32>
        %get3A_454 = arith.index_cast %add3A_101 : i32 to index
        %get3A_455 = arith.index_cast %add3A_434 : i32 to index
        %get3A_456 = arith.constant 32 : index
        %get3A_457 = tpu.vector_load %arg8[%get3A_454, %get3A_455, %get3A_456] {strides = array<i32>} : memref<4x80x64xf32, #tpu.memory_space<vmem>>, vector<16xf32>,
        %get3A_458 = arith.index_cast %add3A_101 : i32 to index
        %get3A_459 = arith.index_cast %add3A_434 : i32 to index
        %get3A_460 = arith.constant 32 : index
        %get3A_461 = tpu.vector_load %arg9[%get3A_458, %get3A_459, %get3A_460] {strides = array<i32>} : memref<4x80x64xf32, #tpu.memory_space<vmem>>, vector<16xf32>,
        %mul3A_462 = arith.mulf %get3A_457, %get3A_461 : vector<16xf32>
        %add3A_463 = arith.addf %add3A_453, %mul3A_462 : vector<16xf32>
        %get3A_464 = arith.index_cast %add3A_101 : i32 to index
        %get3A_465 = arith.index_cast %add3A_434 : i32 to index
        %get3A_466 = arith.constant 48 : index
        %get3A_467 = tpu.vector_load %arg8[%get3A_464, %get3A_465, %get3A_466] {strides = array<i32>} : memref<4x80x64xf32, #tpu.memory_space<vmem>>, vector<16xf32>,
        %get3A_468 = arith.index_cast %add3A_101 : i32 to index
        %get3A_469 = arith.index_cast %add3A_434 : i32 to index
        %get3A_470 = arith.constant 48 : index
        %get3A_471 = tpu.vector_load %arg9[%get3A_468, %get3A_469, %get3A_470] {strides = array<i32>} : memref<4x80x64xf32, #tpu.memory_space<vmem>>, vector<16xf32>,
        %mul3A_472 = arith.mulf %get3A_467, %get3A_471 : vector<16xf32>
        %add3A_473 = arith.addf %add3A_463, %mul3A_472 : vector<16xf32>
        %swap3A_474 = arith.constant 72 : index
        %swap3A_475 = tpu.vector_load %arg11[%swap3A_474] {strides = array<i32>} : memref<96xf32, #tpu.memory_space<vmem>>, vector<16xf32>,
        tpu.vector_store %arg11[%swap3A_474], %add3A_473 {strides = array<i32>} : memref<96xf32, #tpu.memory_space<vmem>>, vector<16xf32>,
        %get3A_476 = arith.constant 80 : index
        %get3A_477 = tpu.vector_load %arg11[%get3A_476] {strides = array<i32>} : memref<96xf32, #tpu.memory_space<vmem>>, vector<16xf32>,
        %add3A_478 = arith.addf %add3A_473, %get3A_477 : vector<16xf32>
        %slice3A_479 = vector.extract_strided_slice %add3A_478 {offsets = [0], sizes = [1], strides = [1]} : vector<16xf32> to vector<1xf32>
        %squeeze3A_480 = vector.extract %slice3A_479[0] : f32 from vector<1xf32>
        %slice3A_481 = vector.extract_strided_slice %add3A_478 {offsets = [1], sizes = [1], strides = [1]} : vector<16xf32> to vector<1xf32>
        %squeeze3A_482 = vector.extract %slice3A_481[0] : f32 from vector<1xf32>
        %add3A_483 = arith.addf %squeeze3A_480, %squeeze3A_482 : f32
        %slice3A_484 = vector.extract_strided_slice %add3A_478 {offsets = [2], sizes = [1], strides = [1]} : vector<16xf32> to vector<1xf32>
        %squeeze3A_485 = vector.extract %slice3A_484[0] : f32 from vector<1xf32>
        %slice3A_486 = vector.extract_strided_slice %add3A_478 {offsets = [3], sizes = [1], strides = [1]} : vector<16xf32> to vector<1xf32>
        %squeeze3A_487 = vector.extract %slice3A_486[0] : f32 from vector<1xf32>
        %add3A_488 = arith.addf %squeeze3A_485, %squeeze3A_487 : f32
        %add3A_489 = arith.addf %add3A_483, %add3A_488 : f32
        %slice3A_490 = vector.extract_strided_slice %add3A_478 {offsets = [4], sizes = [1], strides = [1]} : vector<16xf32> to vector<1xf32>
        %squeeze3A_491 = vector.extract %slice3A_490[0] : f32 from vector<1xf32>
        %slice3A_492 = vector.extract_strided_slice %add3A_478 {offsets = [5], sizes = [1], strides = [1]} : vector<16xf32> to vector<1xf32>
        %squeeze3A_493 = vector.extract %slice3A_492[0] : f32 from vector<1xf32>
        %add3A_494 = arith.addf %squeeze3A_491, %squeeze3A_493 : f32
        %slice3A_495 = vector.extract_strided_slice %add3A_478 {offsets = [6], sizes = [1], strides = [1]} : vector<16xf32> to vector<1xf32>
        %squeeze3A_496 = vector.extract %slice3A_495[0] : f32 from vector<1xf32>
        %slice3A_497 = vector.extract_strided_slice %add3A_478 {offsets = [7], sizes = [1], strides = [1]} : vector<16xf32> to vector<1xf32>
        %squeeze3A_498 = vector.extract %slice3A_497[0] : f32 from vector<1xf32>
        %add3A_499 = arith.addf %squeeze3A_496, %squeeze3A_498 : f32
        %add3A_500 = arith.addf %add3A_494, %add3A_499 : f32
        %add3A_501 = arith.addf %add3A_489, %add3A_500 : f32
        %eq3A_502 = vector.broadcast %add3A_432 : i32 to vector<16xi32>
        %eq3A_503 = arith.cmpi eq, %iota3A, %eq3A_502 : vector<16xi32>
        %broadcast_in_dim3A_504 = vector.broadcast %add3A_501 : f32 to vector<16xf32>
        %select_n3A_505 = arith.select %eq3A_503, %broadcast_in_dim3A_504, %select_n3A_428 : vector<16xi1>, vector<16xf32>
        scf.yield %select_n3A_505 : vector<16xf32>
      }
      %scan3A_152 = arith.constant 4 : i32
      %mul3A_153 = arith.constant 80 : i32
      %mul3A_154 = arith.muli %scan3A_93, %mul3A_153 : i32
      %add3A_155 = arith.constant 16 : i32
      %add3A_156 = arith.addi %mul3A_154, %add3A_155 : i32
      %swap3A_157 = arith.index_cast %add3A_156 : i32 to index
      %swap3A_158 = tpu.vector_load %arg10[%swap3A_157] {strides = array<i32>} : memref<10000xf32, #tpu.memory_space<vmem>>, vector<16xf32>,
      tpu.vector_store %arg10[%swap3A_157], %scan3A_151 {strides = array<i32>} : memref<10000xf32, #tpu.memory_space<vmem>>, vector<16xf32>,
      %broadcast_in_dim3A_159 = arith.constant 0.000000e+00 : f32
      %broadcast_in_dim3A_160 = vector.broadcast %broadcast_in_dim3A_159 : f32 to vector<16xf32>
      %scan3A_161 = arith.constant 0 : i32
      %scan3A_162 = arith.constant 4 : i32
      %scan3A_163 = arith.addi %scan3A_161, %scan3A_162 : i32
      %scan3A_164 = arith.constant 1 : i32
      %scan3A_165 = scf.for %scan3A_201 = %scan3A_161 to %scan3A_163 step %scan3A_164 iter_args(%scan3A_202 = %broadcast_in_dim3A_160) -> (vector<16xf32>)  : i32 {
        %mul3A_203 = arith.constant 4 : i32
        %mul3A_204 = arith.muli %scan3A_201, %mul3A_203 : i32
        %add3A_205 = arith.constant 0 : i32
        %add3A_206 = arith.addi %mul3A_204, %add3A_205 : i32
        %add3A_207 = arith.constant 32 : i32
        %add3A_208 = arith.addi %add3A_207, %add3A_206 : i32
        %get3A = arith.index_cast %add3A_101 : i32 to index
        %get3A_209 = arith.index_cast %add3A_208 : i32 to index
        %get3A_210 = arith.constant 0 : index
        %get3A_211 = tpu.vector_load %arg8[%get3A, %get3A_209, %get3A_210] {strides = array<i32>} : memref<4x80x64xf32, #tpu.memory_space<vmem>>, vector<16xf32>,
        %get3A_212 = arith.index_cast %add3A_101 : i32 to index
        %get3A_213 = arith.index_cast %add3A_208 : i32 to index
        %get3A_214 = arith.constant 0 : index
        %get3A_215 = tpu.vector_load %arg9[%get3A_212, %get3A_213, %get3A_214] {strides = array<i32>} : memref<4x80x64xf32, #tpu.memory_space<vmem>>, vector<16xf32>,
        %mul3A_216 = arith.mulf %get3A_211, %get3A_215 : vector<16xf32>
        %get3A_217 = arith.index_cast %add3A_101 : i32 to index
        %get3A_218 = arith.index_cast %add3A_208 : i32 to index
        %get3A_219 = arith.constant 16 : index
        %get3A_220 = tpu.vector_load %arg8[%get3A_217, %get3A_218, %get3A_219] {strides = array<i32>} : memref<4x80x64xf32, #tpu.memory_space<vmem>>, vector<16xf32>,
        %get3A_221 = arith.index_cast %add3A_101 : i32 to index
        %get3A_222 = arith.index_cast %add3A_208 : i32 to index
        %get3A_223 = arith.constant 16 : index
        %get3A_224 = tpu.vector_load %arg9[%get3A_221, %get3A_222, %get3A_223] {strides = array<i32>} : memref<4x80x64xf32, #tpu.memory_space<vmem>>, vector<16xf32>,
        %mul3A_225 = arith.mulf %get3A_220, %get3A_224 : vector<16xf32>
        %add3A_226 = arith.addf %mul3A_216, %mul3A_225 : vector<16xf32>
        %get3A_227 = arith.index_cast %add3A_101 : i32 to index
        %get3A_228 = arith.index_cast %add3A_208 : i32 to index
        %get3A_229 = arith.constant 32 : index
        %get3A_230 = tpu.vector_load %arg8[%get3A_227, %get3A_228, %get3A_229] {strides = array<i32>} : memref<4x80x64xf32, #tpu.memory_space<vmem>>, vector<16xf32>,
        %get3A_231 = arith.index_cast %add3A_101 : i32 to index
        %get3A_232 = arith.index_cast %add3A_208 : i32 to index
        %get3A_233 = arith.constant 32 : index
        %get3A_234 = tpu.vector_load %arg9[%get3A_231, %get3A_232, %get3A_233] {strides = array<i32>} : memref<4x80x64xf32, #tpu.memory_space<vmem>>, vector<16xf32>,
        %mul3A_235 = arith.mulf %get3A_230, %get3A_234 : vector<16xf32>
        %add3A_236 = arith.addf %add3A_226, %mul3A_235 : vector<16xf32>
        %get3A_237 = arith.index_cast %add3A_101 : i32 to index
        %get3A_238 = arith.index_cast %add3A_208 : i32 to index
        %get3A_239 = arith.constant 48 : index
        %get3A_240 = tpu.vector_load %arg8[%get3A_237, %get3A_238, %get3A_239] {strides = array<i32>} : memref<4x80x64xf32, #tpu.memory_space<vmem>>, vector<16xf32>,
        %get3A_241 = arith.index_cast %add3A_101 : i32 to index
        %get3A_242 = arith.index_cast %add3A_208 : i32 to index
        %get3A_243 = arith.constant 48 : index
        %get3A_244 = tpu.vector_load %arg9[%get3A_241, %get3A_242, %get3A_243] {strides = array<i32>} : memref<4x80x64xf32, #tpu.memory_space<vmem>>, vector<16xf32>,
        %mul3A_245 = arith.mulf %get3A_240, %get3A_244 : vector<16xf32>
        %add3A_246 = arith.addf %add3A_236, %mul3A_245 : vector<16xf32>
        %swap3A_247 = arith.constant 0 : index
        %swap3A_248 = tpu.vector_load %arg11[%swap3A_247] {strides = array<i32>} : memref<96xf32, #tpu.memory_space<vmem>>, vector<16xf32>,
        tpu.vector_store %arg11[%swap3A_247], %add3A_246 {strides = array<i32>} : memref<96xf32, #tpu.memory_space<vmem>>, vector<16xf32>,
        %get3A_249 = arith.constant 8 : index
        %get3A_250 = tpu.vector_load %arg11[%get3A_249] {strides = array<i32>} : memref<96xf32, #tpu.memory_space<vmem>>, vector<16xf32>,
        %add3A_251 = arith.addf %add3A_246, %get3A_250 : vector<16xf32>
        %slice3A = vector.extract_strided_slice %add3A_251 {offsets = [0], sizes = [1], strides = [1]} : vector<16xf32> to vector<1xf32>
        %squeeze3A = vector.extract %slice3A[0] : f32 from vector<1xf32>
        %slice3A_252 = vector.extract_strided_slice %add3A_251 {offsets = [1], sizes = [1], strides = [1]} : vector<16xf32> to vector<1xf32>
        %squeeze3A_253 = vector.extract %slice3A_252[0] : f32 from vector<1xf32>
        %add3A_254 = arith.addf %squeeze3A, %squeeze3A_253 : f32
        %slice3A_255 = vector.extract_strided_slice %add3A_251 {offsets = [2], sizes = [1], strides = [1]} : vector<16xf32> to vector<1xf32>
        %squeeze3A_256 = vector.extract %slice3A_255[0] : f32 from vector<1xf32>
        %slice3A_257 = vector.extract_strided_slice %add3A_251 {offsets = [3], sizes = [1], strides = [1]} : vector<16xf32> to vector<1xf32>
        %squeeze3A_258 = vector.extract %slice3A_257[0] : f32 from vector<1xf32>
        %add3A_259 = arith.addf %squeeze3A_256, %squeeze3A_258 : f32
        %add3A_260 = arith.addf %add3A_254, %add3A_259 : f32
        %slice3A_261 = vector.extract_strided_slice %add3A_251 {offsets = [4], sizes = [1], strides = [1]} : vector<16xf32> to vector<1xf32>
        %squeeze3A_262 = vector.extract %slice3A_261[0] : f32 from vector<1xf32>
        %slice3A_263 = vector.extract_strided_slice %add3A_251 {offsets = [5], sizes = [1], strides = [1]} : vector<16xf32> to vector<1xf32>
        %squeeze3A_264 = vector.extract %slice3A_263[0] : f32 from vector<1xf32>
        %add3A_265 = arith.addf %squeeze3A_262, %squeeze3A_264 : f32
        %slice3A_266 = vector.extract_strided_slice %add3A_251 {offsets = [6], sizes = [1], strides = [1]} : vector<16xf32> to vector<1xf32>
        %squeeze3A_267 = vector.extract %slice3A_266[0] : f32 from vector<1xf32>
        %slice3A_268 = vector.extract_strided_slice %add3A_251 {offsets = [7], sizes = [1], strides = [1]} : vector<16xf32> to vector<1xf32>
        %squeeze3A_269 = vector.extract %slice3A_268[0] : f32 from vector<1xf32>
        %add3A_270 = arith.addf %squeeze3A_267, %squeeze3A_269 : f32
        %add3A_271 = arith.addf %add3A_265, %add3A_270 : f32
        %add3A_272 = arith.addf %add3A_260, %add3A_271 : f32
        %eq3A = vector.broadcast %add3A_206 : i32 to vector<16xi32>
        %eq3A_273 = arith.cmpi eq, %iota3A, %eq3A : vector<16xi32>
        %broadcast_in_dim3A_274 = vector.broadcast %add3A_272 : f32 to vector<16xf32>
        %select_n3A = arith.select %eq3A_273, %broadcast_in_dim3A_274, %scan3A_202 : vector<16xi1>, vector<16xf32>
        %mul3A_275 = arith.constant 4 : i32
        %mul3A_276 = arith.muli %scan3A_201, %mul3A_275 : i32
        %add3A_277 = arith.constant 1 : i32
        %add3A_278 = arith.addi %mul3A_276, %add3A_277 : i32
        %add3A_279 = arith.constant 32 : i32
        %add3A_280 = arith.addi %add3A_279, %add3A_278 : i32
        %get3A_281 = arith.index_cast %add3A_101 : i32 to index
        %get3A_282 = arith.index_cast %add3A_280 : i32 to index
        %get3A_283 = arith.constant 0 : index
        %get3A_284 = tpu.vector_load %arg8[%get3A_281, %get3A_282, %get3A_283] {strides = array<i32>} : memref<4x80x64xf32, #tpu.memory_space<vmem>>, vector<16xf32>,
        %get3A_285 = arith.index_cast %add3A_101 : i32 to index
        %get3A_286 = arith.index_cast %add3A_280 : i32 to index
        %get3A_287 = arith.constant 0 : index
        %get3A_288 = tpu.vector_load %arg9[%get3A_285, %get3A_286, %get3A_287] {strides = array<i32>} : memref<4x80x64xf32, #tpu.memory_space<vmem>>, vector<16xf32>,
        %mul3A_289 = arith.mulf %get3A_284, %get3A_288 : vector<16xf32>
        %get3A_290 = arith.index_cast %add3A_101 : i32 to index
        %get3A_291 = arith.index_cast %add3A_280 : i32 to index
        %get3A_292 = arith.constant 16 : index
        %get3A_293 = tpu.vector_load %arg8[%get3A_290, %get3A_291, %get3A_292] {strides = array<i32>} : memref<4x80x64xf32, #tpu.memory_space<vmem>>, vector<16xf32>,
        %get3A_294 = arith.index_cast %add3A_101 : i32 to index
        %get3A_295 = arith.index_cast %add3A_280 : i32 to index
        %get3A_296 = arith.constant 16 : index
        %get3A_297 = tpu.vector_load %arg9[%get3A_294, %get3A_295, %get3A_296] {strides = array<i32>} : memref<4x80x64xf32, #tpu.memory_space<vmem>>, vector<16xf32>,
        %mul3A_298 = arith.mulf %get3A_293, %get3A_297 : vector<16xf32>
        %add3A_299 = arith.addf %mul3A_289, %mul3A_298 : vector<16xf32>
        %get3A_300 = arith.index_cast %add3A_101 : i32 to index
        %get3A_301 = arith.index_cast %add3A_280 : i32 to index
        %get3A_302 = arith.constant 32 : index
        %get3A_303 = tpu.vector_load %arg8[%get3A_300, %get3A_301, %get3A_302] {strides = array<i32>} : memref<4x80x64xf32, #tpu.memory_space<vmem>>, vector<16xf32>,
        %get3A_304 = arith.index_cast %add3A_101 : i32 to index
        %get3A_305 = arith.index_cast %add3A_280 : i32 to index
        %get3A_306 = arith.constant 32 : index
        %get3A_307 = tpu.vector_load %arg9[%get3A_304, %get3A_305, %get3A_306] {strides = array<i32>} : memref<4x80x64xf32, #tpu.memory_space<vmem>>, vector<16xf32>,
        %mul3A_308 = arith.mulf %get3A_303, %get3A_307 : vector<16xf32>
        %add3A_309 = arith.addf %add3A_299, %mul3A_308 : vector<16xf32>
        %get3A_310 = arith.index_cast %add3A_101 : i32 to index
        %get3A_311 = arith.index_cast %add3A_280 : i32 to index
        %get3A_312 = arith.constant 48 : index
        %get3A_313 = tpu.vector_load %arg8[%get3A_310, %get3A_311, %get3A_312] {strides = array<i32>} : memref<4x80x64xf32, #tpu.memory_space<vmem>>, vector<16xf32>,
        %get3A_314 = arith.index_cast %add3A_101 : i32 to index
        %get3A_315 = arith.index_cast %add3A_280 : i32 to index
        %get3A_316 = arith.constant 48 : index
        %get3A_317 = tpu.vector_load %arg9[%get3A_314, %get3A_315, %get3A_316] {strides = array<i32>} : memref<4x80x64xf32, #tpu.memory_space<vmem>>, vector<16xf32>,
        %mul3A_318 = arith.mulf %get3A_313, %get3A_317 : vector<16xf32>
        %add3A_319 = arith.addf %add3A_309, %mul3A_318 : vector<16xf32>
        %swap3A_320 = arith.constant 24 : index
        %swap3A_321 = tpu.vector_load %arg11[%swap3A_320] {strides = array<i32>} : memref<96xf32, #tpu.memory_space<vmem>>, vector<16xf32>,
        tpu.vector_store %arg11[%swap3A_320], %add3A_319 {strides = array<i32>} : memref<96xf32, #tpu.memory_space<vmem>>, vector<16xf32>,
        %get3A_322 = arith.constant 32 : index
        %get3A_323 = tpu.vector_load %arg11[%get3A_322] {strides = array<i32>} : memref<96xf32, #tpu.memory_space<vmem>>, vector<16xf32>,
        %add3A_324 = arith.addf %add3A_319, %get3A_323 : vector<16xf32>
        %slice3A_325 = vector.extract_strided_slice %add3A_324 {offsets = [0], sizes = [1], strides = [1]} : vector<16xf32> to vector<1xf32>
        %squeeze3A_326 = vector.extract %slice3A_325[0] : f32 from vector<1xf32>
        %slice3A_327 = vector.extract_strided_slice %add3A_324 {offsets = [1], sizes = [1], strides = [1]} : vector<16xf32> to vector<1xf32>
        %squeeze3A_328 = vector.extract %slice3A_327[0] : f32 from vector<1xf32>
        %add3A_329 = arith.addf %squeeze3A_326, %squeeze3A_328 : f32
        %slice3A_330 = vector.extract_strided_slice %add3A_324 {offsets = [2], sizes = [1], strides = [1]} : vector<16xf32> to vector<1xf32>
        %squeeze3A_331 = vector.extract %slice3A_330[0] : f32 from vector<1xf32>
        %slice3A_332 = vector.extract_strided_slice %add3A_324 {offsets = [3], sizes = [1], strides = [1]} : vector<16xf32> to vector<1xf32>
        %squeeze3A_333 = vector.extract %slice3A_332[0] : f32 from vector<1xf32>
        %add3A_334 = arith.addf %squeeze3A_331, %squeeze3A_333 : f32
        %add3A_335 = arith.addf %add3A_329, %add3A_334 : f32
        %slice3A_336 = vector.extract_strided_slice %add3A_324 {offsets = [4], sizes = [1], strides = [1]} : vector<16xf32> to vector<1xf32>
        %squeeze3A_337 = vector.extract %slice3A_336[0] : f32 from vector<1xf32>
        %slice3A_338 = vector.extract_strided_slice %add3A_324 {offsets = [5], sizes = [1], strides = [1]} : vector<16xf32> to vector<1xf32>
        %squeeze3A_339 = vector.extract %slice3A_338[0] : f32 from vector<1xf32>
        %add3A_340 = arith.addf %squeeze3A_337, %squeeze3A_339 : f32
        %slice3A_341 = vector.extract_strided_slice %add3A_324 {offsets = [6], sizes = [1], strides = [1]} : vector<16xf32> to vector<1xf32>
        %squeeze3A_342 = vector.extract %slice3A_341[0] : f32 from vector<1xf32>
        %slice3A_343 = vector.extract_strided_slice %add3A_324 {offsets = [7], sizes = [1], strides = [1]} : vector<16xf32> to vector<1xf32>
        %squeeze3A_344 = vector.extract %slice3A_343[0] : f32 from vector<1xf32>
        %add3A_345 = arith.addf %squeeze3A_342, %squeeze3A_344 : f32
        %add3A_346 = arith.addf %add3A_340, %add3A_345 : f32
        %add3A_347 = arith.addf %add3A_335, %add3A_346 : f32
        %eq3A_348 = vector.broadcast %add3A_278 : i32 to vector<16xi32>
        %eq3A_349 = arith.cmpi eq, %iota3A, %eq3A_348 : vector<16xi32>
        %broadcast_in_dim3A_350 = vector.broadcast %add3A_347 : f32 to vector<16xf32>
        %select_n3A_351 = arith.select %eq3A_349, %broadcast_in_dim3A_350, %select_n3A : vector<16xi1>, vector<16xf32>
        %mul3A_352 = arith.constant 4 : i32
        %mul3A_353 = arith.muli %scan3A_201, %mul3A_352 : i32
        %add3A_354 = arith.constant 2 : i32
        %add3A_355 = arith.addi %mul3A_353, %add3A_354 : i32
        %add3A_356 = arith.constant 32 : i32
        %add3A_357 = arith.addi %add3A_356, %add3A_355 : i32
        %get3A_358 = arith.index_cast %add3A_101 : i32 to index
        %get3A_359 = arith.index_cast %add3A_357 : i32 to index
        %get3A_360 = arith.constant 0 : index
        %get3A_361 = tpu.vector_load %arg8[%get3A_358, %get3A_359, %get3A_360] {strides = array<i32>} : memref<4x80x64xf32, #tpu.memory_space<vmem>>, vector<16xf32>,
        %get3A_362 = arith.index_cast %add3A_101 : i32 to index
        %get3A_363 = arith.index_cast %add3A_357 : i32 to index
        %get3A_364 = arith.constant 0 : index
        %get3A_365 = tpu.vector_load %arg9[%get3A_362, %get3A_363, %get3A_364] {strides = array<i32>} : memref<4x80x64xf32, #tpu.memory_space<vmem>>, vector<16xf32>,
        %mul3A_366 = arith.mulf %get3A_361, %get3A_365 : vector<16xf32>
        %get3A_367 = arith.index_cast %add3A_101 : i32 to index
        %get3A_368 = arith.index_cast %add3A_357 : i32 to index
        %get3A_369 = arith.constant 16 : index
        %get3A_370 = tpu.vector_load %arg8[%get3A_367, %get3A_368, %get3A_369] {strides = array<i32>} : memref<4x80x64xf32, #tpu.memory_space<vmem>>, vector<16xf32>,
        %get3A_371 = arith.index_cast %add3A_101 : i32 to index
        %get3A_372 = arith.index_cast %add3A_357 : i32 to index
        %get3A_373 = arith.constant 16 : index
        %get3A_374 = tpu.vector_load %arg9[%get3A_371, %get3A_372, %get3A_373] {strides = array<i32>} : memref<4x80x64xf32, #tpu.memory_space<vmem>>, vector<16xf32>,
        %mul3A_375 = arith.mulf %get3A_370, %get3A_374 : vector<16xf32>
        %add3A_376 = arith.addf %mul3A_366, %mul3A_375 : vector<16xf32>
        %get3A_377 = arith.index_cast %add3A_101 : i32 to index
        %get3A_378 = arith.index_cast %add3A_357 : i32 to index
        %get3A_379 = arith.constant 32 : index
        %get3A_380 = tpu.vector_load %arg8[%get3A_377, %get3A_378, %get3A_379] {strides = array<i32>} : memref<4x80x64xf32, #tpu.memory_space<vmem>>, vector<16xf32>,
        %get3A_381 = arith.index_cast %add3A_101 : i32 to index
        %get3A_382 = arith.index_cast %add3A_357 : i32 to index
        %get3A_383 = arith.constant 32 : index
        %get3A_384 = tpu.vector_load %arg9[%get3A_381, %get3A_382, %get3A_383] {strides = array<i32>} : memref<4x80x64xf32, #tpu.memory_space<vmem>>, vector<16xf32>,
        %mul3A_385 = arith.mulf %get3A_380, %get3A_384 : vector<16xf32>
        %add3A_386 = arith.addf %add3A_376, %mul3A_385 : vector<16xf32>
        %get3A_387 = arith.index_cast %add3A_101 : i32 to index
        %get3A_388 = arith.index_cast %add3A_357 : i32 to index
        %get3A_389 = arith.constant 48 : index
        %get3A_390 = tpu.vector_load %arg8[%get3A_387, %get3A_388, %get3A_389] {strides = array<i32>} : memref<4x80x64xf32, #tpu.memory_space<vmem>>, vector<16xf32>,
        %get3A_391 = arith.index_cast %add3A_101 : i32 to index
        %get3A_392 = arith.index_cast %add3A_357 : i32 to index
        %get3A_393 = arith.constant 48 : index
        %get3A_394 = tpu.vector_load %arg9[%get3A_391, %get3A_392, %get3A_393] {strides = array<i32>} : memref<4x80x64xf32, #tpu.memory_space<vmem>>, vector<16xf32>,
        %mul3A_395 = arith.mulf %get3A_390, %get3A_394 : vector<16xf32>
        %add3A_396 = arith.addf %add3A_386, %mul3A_395 : vector<16xf32>
        %swap3A_397 = arith.constant 48 : index
        %swap3A_398 = tpu.vector_load %arg11[%swap3A_397] {strides = array<i32>} : memref<96xf32, #tpu.memory_space<vmem>>, vector<16xf32>,
        tpu.vector_store %arg11[%swap3A_397], %add3A_396 {strides = array<i32>} : memref<96xf32, #tpu.memory_space<vmem>>, vector<16xf32>,
        %get3A_399 = arith.constant 56 : index
        %get3A_400 = tpu.vector_load %arg11[%get3A_399] {strides = array<i32>} : memref<96xf32, #tpu.memory_space<vmem>>, vector<16xf32>,
        %add3A_401 = arith.addf %add3A_396, %get3A_400 : vector<16xf32>
        %slice3A_402 = vector.extract_strided_slice %add3A_401 {offsets = [0], sizes = [1], strides = [1]} : vector<16xf32> to vector<1xf32>
        %squeeze3A_403 = vector.extract %slice3A_402[0] : f32 from vector<1xf32>
        %slice3A_404 = vector.extract_strided_slice %add3A_401 {offsets = [1], sizes = [1], strides = [1]} : vector<16xf32> to vector<1xf32>
        %squeeze3A_405 = vector.extract %slice3A_404[0] : f32 from vector<1xf32>
        %add3A_406 = arith.addf %squeeze3A_403, %squeeze3A_405 : f32
        %slice3A_407 = vector.extract_strided_slice %add3A_401 {offsets = [2], sizes = [1], strides = [1]} : vector<16xf32> to vector<1xf32>
        %squeeze3A_408 = vector.extract %slice3A_407[0] : f32 from vector<1xf32>
        %slice3A_409 = vector.extract_strided_slice %add3A_401 {offsets = [3], sizes = [1], strides = [1]} : vector<16xf32> to vector<1xf32>
        %squeeze3A_410 = vector.extract %slice3A_409[0] : f32 from vector<1xf32>
        %add3A_411 = arith.addf %squeeze3A_408, %squeeze3A_410 : f32
        %add3A_412 = arith.addf %add3A_406, %add3A_411 : f32
        %slice3A_413 = vector.extract_strided_slice %add3A_401 {offsets = [4], sizes = [1], strides = [1]} : vector<16xf32> to vector<1xf32>
        %squeeze3A_414 = vector.extract %slice3A_413[0] : f32 from vector<1xf32>
        %slice3A_415 = vector.extract_strided_slice %add3A_401 {offsets = [5], sizes = [1], strides = [1]} : vector<16xf32> to vector<1xf32>
        %squeeze3A_416 = vector.extract %slice3A_415[0] : f32 from vector<1xf32>
        %add3A_417 = arith.addf %squeeze3A_414, %squeeze3A_416 : f32
        %slice3A_418 = vector.extract_strided_slice %add3A_401 {offsets = [6], sizes = [1], strides = [1]} : vector<16xf32> to vector<1xf32>
        %squeeze3A_419 = vector.extract %slice3A_418[0] : f32 from vector<1xf32>
        %slice3A_420 = vector.extract_strided_slice %add3A_401 {offsets = [7], sizes = [1], strides = [1]} : vector<16xf32> to vector<1xf32>
        %squeeze3A_421 = vector.extract %slice3A_420[0] : f32 from vector<1xf32>
        %add3A_422 = arith.addf %squeeze3A_419, %squeeze3A_421 : f32
        %add3A_423 = arith.addf %add3A_417, %add3A_422 : f32
        %add3A_424 = arith.addf %add3A_412, %add3A_423 : f32
        %eq3A_425 = vector.broadcast %add3A_355 : i32 to vector<16xi32>
        %eq3A_426 = arith.cmpi eq, %iota3A, %eq3A_425 : vector<16xi32>
        %broadcast_in_dim3A_427 = vector.broadcast %add3A_424 : f32 to vector<16xf32>
        %select_n3A_428 = arith.select %eq3A_426, %broadcast_in_dim3A_427, %select_n3A_351 : vector<16xi1>, vector<16xf32>
        %mul3A_429 = arith.constant 4 : i32
        %mul3A_430 = arith.muli %scan3A_201, %mul3A_429 : i32
        %add3A_431 = arith.constant 3 : i32
        %add3A_432 = arith.addi %mul3A_430, %add3A_431 : i32
        %add3A_433 = arith.constant 32 : i32
        %add3A_434 = arith.addi %add3A_433, %add3A_432 : i32
        %get3A_435 = arith.index_cast %add3A_101 : i32 to index
        %get3A_436 = arith.index_cast %add3A_434 : i32 to index
        %get3A_437 = arith.constant 0 : index
        %get3A_438 = tpu.vector_load %arg8[%get3A_435, %get3A_436, %get3A_437] {strides = array<i32>} : memref<4x80x64xf32, #tpu.memory_space<vmem>>, vector<16xf32>,
        %get3A_439 = arith.index_cast %add3A_101 : i32 to index
        %get3A_440 = arith.index_cast %add3A_434 : i32 to index
        %get3A_441 = arith.constant 0 : index
        %get3A_442 = tpu.vector_load %arg9[%get3A_439, %get3A_440, %get3A_441] {strides = array<i32>} : memref<4x80x64xf32, #tpu.memory_space<vmem>>, vector<16xf32>,
        %mul3A_443 = arith.mulf %get3A_438, %get3A_442 : vector<16xf32>
        %get3A_444 = arith.index_cast %add3A_101 : i32 to index
        %get3A_445 = arith.index_cast %add3A_434 : i32 to index
        %get3A_446 = arith.constant 16 : index
        %get3A_447 = tpu.vector_load %arg8[%get3A_444, %get3A_445, %get3A_446] {strides = array<i32>} : memref<4x80x64xf32, #tpu.memory_space<vmem>>, vector<16xf32>,
        %get3A_448 = arith.index_cast %add3A_101 : i32 to index
        %get3A_449 = arith.index_cast %add3A_434 : i32 to index
        %get3A_450 = arith.constant 16 : index
        %get3A_451 = tpu.vector_load %arg9[%get3A_448, %get3A_449, %get3A_450] {strides = array<i32>} : memref<4x80x64xf32, #tpu.memory_space<vmem>>, vector<16xf32>,
        %mul3A_452 = arith.mulf %get3A_447, %get3A_451 : vector<16xf32>
        %add3A_453 = arith.addf %mul3A_443, %mul3A_452 : vector<16xf32>
        %get3A_454 = arith.index_cast %add3A_101 : i32 to index
        %get3A_455 = arith.index_cast %add3A_434 : i32 to index
        %get3A_456 = arith.constant 32 : index
        %get3A_457 = tpu.vector_load %arg8[%get3A_454, %get3A_455, %get3A_456] {strides = array<i32>} : memref<4x80x64xf32, #tpu.memory_space<vmem>>, vector<16xf32>,
        %get3A_458 = arith.index_cast %add3A_101 : i32 to index
        %get3A_459 = arith.index_cast %add3A_434 : i32 to index
        %get3A_460 = arith.constant 32 : index
        %get3A_461 = tpu.vector_load %arg9[%get3A_458, %get3A_459, %get3A_460] {strides = array<i32>} : memref<4x80x64xf32, #tpu.memory_space<vmem>>, vector<16xf32>,
        %mul3A_462 = arith.mulf %get3A_457, %get3A_461 : vector<16xf32>
        %add3A_463 = arith.addf %add3A_453, %mul3A_462 : vector<16xf32>
        %get3A_464 = arith.index_cast %add3A_101 : i32 to index
        %get3A_465 = arith.index_cast %add3A_434 : i32 to index
        %get3A_466 = arith.constant 48 : index
        %get3A_467 = tpu.vector_load %arg8[%get3A_464, %get3A_465, %get3A_466] {strides = array<i32>} : memref<4x80x64xf32, #tpu.memory_space<vmem>>, vector<16xf32>,
        %get3A_468 = arith.index_cast %add3A_101 : i32 to index
        %get3A_469 = arith.index_cast %add3A_434 : i32 to index
        %get3A_470 = arith.constant 48 : index
        %get3A_471 = tpu.vector_load %arg9[%get3A_468, %get3A_469, %get3A_470] {strides = array<i32>} : memref<4x80x64xf32, #tpu.memory_space<vmem>>, vector<16xf32>,
        %mul3A_472 = arith.mulf %get3A_467, %get3A_471 : vector<16xf32>
        %add3A_473 = arith.addf %add3A_463, %mul3A_472 : vector<16xf32>
        %swap3A_474 = arith.constant 72 : index
        %swap3A_475 = tpu.vector_load %arg11[%swap3A_474] {strides = array<i32>} : memref<96xf32, #tpu.memory_space<vmem>>, vector<16xf32>,
        tpu.vector_store %arg11[%swap3A_474], %add3A_473 {strides = array<i32>} : memref<96xf32, #tpu.memory_space<vmem>>, vector<16xf32>,
        %get3A_476 = arith.constant 80 : index
        %get3A_477 = tpu.vector_load %arg11[%get3A_476] {strides = array<i32>} : memref<96xf32, #tpu.memory_space<vmem>>, vector<16xf32>,
        %add3A_478 = arith.addf %add3A_473, %get3A_477 : vector<16xf32>
        %slice3A_479 = vector.extract_strided_slice %add3A_478 {offsets = [0], sizes = [1], strides = [1]} : vector<16xf32> to vector<1xf32>
        %squeeze3A_480 = vector.extract %slice3A_479[0] : f32 from vector<1xf32>
        %slice3A_481 = vector.extract_strided_slice %add3A_478 {offsets = [1], sizes = [1], strides = [1]} : vector<16xf32> to vector<1xf32>
        %squeeze3A_482 = vector.extract %slice3A_481[0] : f32 from vector<1xf32>
        %add3A_483 = arith.addf %squeeze3A_480, %squeeze3A_482 : f32
        %slice3A_484 = vector.extract_strided_slice %add3A_478 {offsets = [2], sizes = [1], strides = [1]} : vector<16xf32> to vector<1xf32>
        %squeeze3A_485 = vector.extract %slice3A_484[0] : f32 from vector<1xf32>
        %slice3A_486 = vector.extract_strided_slice %add3A_478 {offsets = [3], sizes = [1], strides = [1]} : vector<16xf32> to vector<1xf32>
        %squeeze3A_487 = vector.extract %slice3A_486[0] : f32 from vector<1xf32>
        %add3A_488 = arith.addf %squeeze3A_485, %squeeze3A_487 : f32
        %add3A_489 = arith.addf %add3A_483, %add3A_488 : f32
        %slice3A_490 = vector.extract_strided_slice %add3A_478 {offsets = [4], sizes = [1], strides = [1]} : vector<16xf32> to vector<1xf32>
        %squeeze3A_491 = vector.extract %slice3A_490[0] : f32 from vector<1xf32>
        %slice3A_492 = vector.extract_strided_slice %add3A_478 {offsets = [5], sizes = [1], strides = [1]} : vector<16xf32> to vector<1xf32>
        %squeeze3A_493 = vector.extract %slice3A_492[0] : f32 from vector<1xf32>
        %add3A_494 = arith.addf %squeeze3A_491, %squeeze3A_493 : f32
        %slice3A_495 = vector.extract_strided_slice %add3A_478 {offsets = [6], sizes = [1], strides = [1]} : vector<16xf32> to vector<1xf32>
        %squeeze3A_496 = vector.extract %slice3A_495[0] : f32 from vector<1xf32>
        %slice3A_497 = vector.extract_strided_slice %add3A_478 {offsets = [7], sizes = [1], strides = [1]} : vector<16xf32> to vector<1xf32>
        %squeeze3A_498 = vector.extract %slice3A_497[0] : f32 from vector<1xf32>
        %add3A_499 = arith.addf %squeeze3A_496, %squeeze3A_498 : f32
        %add3A_500 = arith.addf %add3A_494, %add3A_499 : f32
        %add3A_501 = arith.addf %add3A_489, %add3A_500 : f32
        %eq3A_502 = vector.broadcast %add3A_432 : i32 to vector<16xi32>
        %eq3A_503 = arith.cmpi eq, %iota3A, %eq3A_502 : vector<16xi32>
        %broadcast_in_dim3A_504 = vector.broadcast %add3A_501 : f32 to vector<16xf32>
        %select_n3A_505 = arith.select %eq3A_503, %broadcast_in_dim3A_504, %select_n3A_428 : vector<16xi1>, vector<16xf32>
        scf.yield %select_n3A_505 : vector<16xf32>
      }
      %scan3A_166 = arith.constant 4 : i32
      %mul3A_167 = arith.constant 80 : i32
      %mul3A_168 = arith.muli %scan3A_93, %mul3A_167 : i32
      %add3A_169 = arith.constant 32 : i32
      %add3A_170 = arith.addi %mul3A_168, %add3A_169 : i32
      %swap3A_171 = arith.index_cast %add3A_170 : i32 to index
      %swap3A_172 = tpu.vector_load %arg10[%swap3A_171] {strides = array<i32>} : memref<10000xf32, #tpu.memory_space<vmem>>, vector<16xf32>,
      tpu.vector_store %arg10[%swap3A_171], %scan3A_165 {strides = array<i32>} : memref<10000xf32, #tpu.memory_space<vmem>>, vector<16xf32>,
      %broadcast_in_dim3A_173 = arith.constant 0.000000e+00 : f32
      %broadcast_in_dim3A_174 = vector.broadcast %broadcast_in_dim3A_173 : f32 to vector<16xf32>
      %scan3A_175 = arith.constant 0 : i32
      %scan3A_176 = arith.constant 4 : i32
      %scan3A_177 = arith.addi %scan3A_175, %scan3A_176 : i32
      %scan3A_178 = arith.constant 1 : i32
      %scan3A_179 = scf.for %scan3A_201 = %scan3A_175 to %scan3A_177 step %scan3A_178 iter_args(%scan3A_202 = %broadcast_in_dim3A_174) -> (vector<16xf32>)  : i32 {
        %mul3A_203 = arith.constant 4 : i32
        %mul3A_204 = arith.muli %scan3A_201, %mul3A_203 : i32
        %add3A_205 = arith.constant 0 : i32
        %add3A_206 = arith.addi %mul3A_204, %add3A_205 : i32
        %add3A_207 = arith.constant 48 : i32
        %add3A_208 = arith.addi %add3A_207, %add3A_206 : i32
        %get3A = arith.index_cast %add3A_101 : i32 to index
        %get3A_209 = arith.index_cast %add3A_208 : i32 to index
        %get3A_210 = arith.constant 0 : index
        %get3A_211 = tpu.vector_load %arg8[%get3A, %get3A_209, %get3A_210] {strides = array<i32>} : memref<4x80x64xf32, #tpu.memory_space<vmem>>, vector<16xf32>,
        %get3A_212 = arith.index_cast %add3A_101 : i32 to index
        %get3A_213 = arith.index_cast %add3A_208 : i32 to index
        %get3A_214 = arith.constant 0 : index
        %get3A_215 = tpu.vector_load %arg9[%get3A_212, %get3A_213, %get3A_214] {strides = array<i32>} : memref<4x80x64xf32, #tpu.memory_space<vmem>>, vector<16xf32>,
        %mul3A_216 = arith.mulf %get3A_211, %get3A_215 : vector<16xf32>
        %get3A_217 = arith.index_cast %add3A_101 : i32 to index
        %get3A_218 = arith.index_cast %add3A_208 : i32 to index
        %get3A_219 = arith.constant 16 : index
        %get3A_220 = tpu.vector_load %arg8[%get3A_217, %get3A_218, %get3A_219] {strides = array<i32>} : memref<4x80x64xf32, #tpu.memory_space<vmem>>, vector<16xf32>,
        %get3A_221 = arith.index_cast %add3A_101 : i32 to index
        %get3A_222 = arith.index_cast %add3A_208 : i32 to index
        %get3A_223 = arith.constant 16 : index
        %get3A_224 = tpu.vector_load %arg9[%get3A_221, %get3A_222, %get3A_223] {strides = array<i32>} : memref<4x80x64xf32, #tpu.memory_space<vmem>>, vector<16xf32>,
        %mul3A_225 = arith.mulf %get3A_220, %get3A_224 : vector<16xf32>
        %add3A_226 = arith.addf %mul3A_216, %mul3A_225 : vector<16xf32>
        %get3A_227 = arith.index_cast %add3A_101 : i32 to index
        %get3A_228 = arith.index_cast %add3A_208 : i32 to index
        %get3A_229 = arith.constant 32 : index
        %get3A_230 = tpu.vector_load %arg8[%get3A_227, %get3A_228, %get3A_229] {strides = array<i32>} : memref<4x80x64xf32, #tpu.memory_space<vmem>>, vector<16xf32>,
        %get3A_231 = arith.index_cast %add3A_101 : i32 to index
        %get3A_232 = arith.index_cast %add3A_208 : i32 to index
        %get3A_233 = arith.constant 32 : index
        %get3A_234 = tpu.vector_load %arg9[%get3A_231, %get3A_232, %get3A_233] {strides = array<i32>} : memref<4x80x64xf32, #tpu.memory_space<vmem>>, vector<16xf32>,
        %mul3A_235 = arith.mulf %get3A_230, %get3A_234 : vector<16xf32>
        %add3A_236 = arith.addf %add3A_226, %mul3A_235 : vector<16xf32>
        %get3A_237 = arith.index_cast %add3A_101 : i32 to index
        %get3A_238 = arith.index_cast %add3A_208 : i32 to index
        %get3A_239 = arith.constant 48 : index
        %get3A_240 = tpu.vector_load %arg8[%get3A_237, %get3A_238, %get3A_239] {strides = array<i32>} : memref<4x80x64xf32, #tpu.memory_space<vmem>>, vector<16xf32>,
        %get3A_241 = arith.index_cast %add3A_101 : i32 to index
        %get3A_242 = arith.index_cast %add3A_208 : i32 to index
        %get3A_243 = arith.constant 48 : index
        %get3A_244 = tpu.vector_load %arg9[%get3A_241, %get3A_242, %get3A_243] {strides = array<i32>} : memref<4x80x64xf32, #tpu.memory_space<vmem>>, vector<16xf32>,
        %mul3A_245 = arith.mulf %get3A_240, %get3A_244 : vector<16xf32>
        %add3A_246 = arith.addf %add3A_236, %mul3A_245 : vector<16xf32>
        %swap3A_247 = arith.constant 0 : index
        %swap3A_248 = tpu.vector_load %arg11[%swap3A_247] {strides = array<i32>} : memref<96xf32, #tpu.memory_space<vmem>>, vector<16xf32>,
        tpu.vector_store %arg11[%swap3A_247], %add3A_246 {strides = array<i32>} : memref<96xf32, #tpu.memory_space<vmem>>, vector<16xf32>,
        %get3A_249 = arith.constant 8 : index
        %get3A_250 = tpu.vector_load %arg11[%get3A_249] {strides = array<i32>} : memref<96xf32, #tpu.memory_space<vmem>>, vector<16xf32>,
        %add3A_251 = arith.addf %add3A_246, %get3A_250 : vector<16xf32>
        %slice3A = vector.extract_strided_slice %add3A_251 {offsets = [0], sizes = [1], strides = [1]} : vector<16xf32> to vector<1xf32>
        %squeeze3A = vector.extract %slice3A[0] : f32 from vector<1xf32>
        %slice3A_252 = vector.extract_strided_slice %add3A_251 {offsets = [1], sizes = [1], strides = [1]} : vector<16xf32> to vector<1xf32>
        %squeeze3A_253 = vector.extract %slice3A_252[0] : f32 from vector<1xf32>
        %add3A_254 = arith.addf %squeeze3A, %squeeze3A_253 : f32
        %slice3A_255 = vector.extract_strided_slice %add3A_251 {offsets = [2], sizes = [1], strides = [1]} : vector<16xf32> to vector<1xf32>
        %squeeze3A_256 = vector.extract %slice3A_255[0] : f32 from vector<1xf32>
        %slice3A_257 = vector.extract_strided_slice %add3A_251 {offsets = [3], sizes = [1], strides = [1]} : vector<16xf32> to vector<1xf32>
        %squeeze3A_258 = vector.extract %slice3A_257[0] : f32 from vector<1xf32>
        %add3A_259 = arith.addf %squeeze3A_256, %squeeze3A_258 : f32
        %add3A_260 = arith.addf %add3A_254, %add3A_259 : f32
        %slice3A_261 = vector.extract_strided_slice %add3A_251 {offsets = [4], sizes = [1], strides = [1]} : vector<16xf32> to vector<1xf32>
        %squeeze3A_262 = vector.extract %slice3A_261[0] : f32 from vector<1xf32>
        %slice3A_263 = vector.extract_strided_slice %add3A_251 {offsets = [5], sizes = [1], strides = [1]} : vector<16xf32> to vector<1xf32>
        %squeeze3A_264 = vector.extract %slice3A_263[0] : f32 from vector<1xf32>
        %add3A_265 = arith.addf %squeeze3A_262, %squeeze3A_264 : f32
        %slice3A_266 = vector.extract_strided_slice %add3A_251 {offsets = [6], sizes = [1], strides = [1]} : vector<16xf32> to vector<1xf32>
        %squeeze3A_267 = vector.extract %slice3A_266[0] : f32 from vector<1xf32>
        %slice3A_268 = vector.extract_strided_slice %add3A_251 {offsets = [7], sizes = [1], strides = [1]} : vector<16xf32> to vector<1xf32>
        %squeeze3A_269 = vector.extract %slice3A_268[0] : f32 from vector<1xf32>
        %add3A_270 = arith.addf %squeeze3A_267, %squeeze3A_269 : f32
        %add3A_271 = arith.addf %add3A_265, %add3A_270 : f32
        %add3A_272 = arith.addf %add3A_260, %add3A_271 : f32
        %eq3A = vector.broadcast %add3A_206 : i32 to vector<16xi32>
        %eq3A_273 = arith.cmpi eq, %iota3A, %eq3A : vector<16xi32>
        %broadcast_in_dim3A_274 = vector.broadcast %add3A_272 : f32 to vector<16xf32>
        %select_n3A = arith.select %eq3A_273, %broadcast_in_dim3A_274, %scan3A_202 : vector<16xi1>, vector<16xf32>
        %mul3A_275 = arith.constant 4 : i32
        %mul3A_276 = arith.muli %scan3A_201, %mul3A_275 : i32
        %add3A_277 = arith.constant 1 : i32
        %add3A_278 = arith.addi %mul3A_276, %add3A_277 : i32
        %add3A_279 = arith.constant 48 : i32
        %add3A_280 = arith.addi %add3A_279, %add3A_278 : i32
        %get3A_281 = arith.index_cast %add3A_101 : i32 to index
        %get3A_282 = arith.index_cast %add3A_280 : i32 to index
        %get3A_283 = arith.constant 0 : index
        %get3A_284 = tpu.vector_load %arg8[%get3A_281, %get3A_282, %get3A_283] {strides = array<i32>} : memref<4x80x64xf32, #tpu.memory_space<vmem>>, vector<16xf32>,
        %get3A_285 = arith.index_cast %add3A_101 : i32 to index
        %get3A_286 = arith.index_cast %add3A_280 : i32 to index
        %get3A_287 = arith.constant 0 : index
        %get3A_288 = tpu.vector_load %arg9[%get3A_285, %get3A_286, %get3A_287] {strides = array<i32>} : memref<4x80x64xf32, #tpu.memory_space<vmem>>, vector<16xf32>,
        %mul3A_289 = arith.mulf %get3A_284, %get3A_288 : vector<16xf32>
        %get3A_290 = arith.index_cast %add3A_101 : i32 to index
        %get3A_291 = arith.index_cast %add3A_280 : i32 to index
        %get3A_292 = arith.constant 16 : index
        %get3A_293 = tpu.vector_load %arg8[%get3A_290, %get3A_291, %get3A_292] {strides = array<i32>} : memref<4x80x64xf32, #tpu.memory_space<vmem>>, vector<16xf32>,
        %get3A_294 = arith.index_cast %add3A_101 : i32 to index
        %get3A_295 = arith.index_cast %add3A_280 : i32 to index
        %get3A_296 = arith.constant 16 : index
        %get3A_297 = tpu.vector_load %arg9[%get3A_294, %get3A_295, %get3A_296] {strides = array<i32>} : memref<4x80x64xf32, #tpu.memory_space<vmem>>, vector<16xf32>,
        %mul3A_298 = arith.mulf %get3A_293, %get3A_297 : vector<16xf32>
        %add3A_299 = arith.addf %mul3A_289, %mul3A_298 : vector<16xf32>
        %get3A_300 = arith.index_cast %add3A_101 : i32 to index
        %get3A_301 = arith.index_cast %add3A_280 : i32 to index
        %get3A_302 = arith.constant 32 : index
        %get3A_303 = tpu.vector_load %arg8[%get3A_300, %get3A_301, %get3A_302] {strides = array<i32>} : memref<4x80x64xf32, #tpu.memory_space<vmem>>, vector<16xf32>,
        %get3A_304 = arith.index_cast %add3A_101 : i32 to index
        %get3A_305 = arith.index_cast %add3A_280 : i32 to index
        %get3A_306 = arith.constant 32 : index
        %get3A_307 = tpu.vector_load %arg9[%get3A_304, %get3A_305, %get3A_306] {strides = array<i32>} : memref<4x80x64xf32, #tpu.memory_space<vmem>>, vector<16xf32>,
        %mul3A_308 = arith.mulf %get3A_303, %get3A_307 : vector<16xf32>
        %add3A_309 = arith.addf %add3A_299, %mul3A_308 : vector<16xf32>
        %get3A_310 = arith.index_cast %add3A_101 : i32 to index
        %get3A_311 = arith.index_cast %add3A_280 : i32 to index
        %get3A_312 = arith.constant 48 : index
        %get3A_313 = tpu.vector_load %arg8[%get3A_310, %get3A_311, %get3A_312] {strides = array<i32>} : memref<4x80x64xf32, #tpu.memory_space<vmem>>, vector<16xf32>,
        %get3A_314 = arith.index_cast %add3A_101 : i32 to index
        %get3A_315 = arith.index_cast %add3A_280 : i32 to index
        %get3A_316 = arith.constant 48 : index
        %get3A_317 = tpu.vector_load %arg9[%get3A_314, %get3A_315, %get3A_316] {strides = array<i32>} : memref<4x80x64xf32, #tpu.memory_space<vmem>>, vector<16xf32>,
        %mul3A_318 = arith.mulf %get3A_313, %get3A_317 : vector<16xf32>
        %add3A_319 = arith.addf %add3A_309, %mul3A_318 : vector<16xf32>
        %swap3A_320 = arith.constant 24 : index
        %swap3A_321 = tpu.vector_load %arg11[%swap3A_320] {strides = array<i32>} : memref<96xf32, #tpu.memory_space<vmem>>, vector<16xf32>,
        tpu.vector_store %arg11[%swap3A_320], %add3A_319 {strides = array<i32>} : memref<96xf32, #tpu.memory_space<vmem>>, vector<16xf32>,
        %get3A_322 = arith.constant 32 : index
        %get3A_323 = tpu.vector_load %arg11[%get3A_322] {strides = array<i32>} : memref<96xf32, #tpu.memory_space<vmem>>, vector<16xf32>,
        %add3A_324 = arith.addf %add3A_319, %get3A_323 : vector<16xf32>
        %slice3A_325 = vector.extract_strided_slice %add3A_324 {offsets = [0], sizes = [1], strides = [1]} : vector<16xf32> to vector<1xf32>
        %squeeze3A_326 = vector.extract %slice3A_325[0] : f32 from vector<1xf32>
        %slice3A_327 = vector.extract_strided_slice %add3A_324 {offsets = [1], sizes = [1], strides = [1]} : vector<16xf32> to vector<1xf32>
        %squeeze3A_328 = vector.extract %slice3A_327[0] : f32 from vector<1xf32>
        %add3A_329 = arith.addf %squeeze3A_326, %squeeze3A_328 : f32
        %slice3A_330 = vector.extract_strided_slice %add3A_324 {offsets = [2], sizes = [1], strides = [1]} : vector<16xf32> to vector<1xf32>
        %squeeze3A_331 = vector.extract %slice3A_330[0] : f32 from vector<1xf32>
        %slice3A_332 = vector.extract_strided_slice %add3A_324 {offsets = [3], sizes = [1], strides = [1]} : vector<16xf32> to vector<1xf32>
        %squeeze3A_333 = vector.extract %slice3A_332[0] : f32 from vector<1xf32>
        %add3A_334 = arith.addf %squeeze3A_331, %squeeze3A_333 : f32
        %add3A_335 = arith.addf %add3A_329, %add3A_334 : f32
        %slice3A_336 = vector.extract_strided_slice %add3A_324 {offsets = [4], sizes = [1], strides = [1]} : vector<16xf32> to vector<1xf32>
        %squeeze3A_337 = vector.extract %slice3A_336[0] : f32 from vector<1xf32>
        %slice3A_338 = vector.extract_strided_slice %add3A_324 {offsets = [5], sizes = [1], strides = [1]} : vector<16xf32> to vector<1xf32>
        %squeeze3A_339 = vector.extract %slice3A_338[0] : f32 from vector<1xf32>
        %add3A_340 = arith.addf %squeeze3A_337, %squeeze3A_339 : f32
        %slice3A_341 = vector.extract_strided_slice %add3A_324 {offsets = [6], sizes = [1], strides = [1]} : vector<16xf32> to vector<1xf32>
        %squeeze3A_342 = vector.extract %slice3A_341[0] : f32 from vector<1xf32>
        %slice3A_343 = vector.extract_strided_slice %add3A_324 {offsets = [7], sizes = [1], strides = [1]} : vector<16xf32> to vector<1xf32>
        %squeeze3A_344 = vector.extract %slice3A_343[0] : f32 from vector<1xf32>
        %add3A_345 = arith.addf %squeeze3A_342, %squeeze3A_344 : f32
        %add3A_346 = arith.addf %add3A_340, %add3A_345 : f32
        %add3A_347 = arith.addf %add3A_335, %add3A_346 : f32
        %eq3A_348 = vector.broadcast %add3A_278 : i32 to vector<16xi32>
        %eq3A_349 = arith.cmpi eq, %iota3A, %eq3A_348 : vector<16xi32>
        %broadcast_in_dim3A_350 = vector.broadcast %add3A_347 : f32 to vector<16xf32>
        %select_n3A_351 = arith.select %eq3A_349, %broadcast_in_dim3A_350, %select_n3A : vector<16xi1>, vector<16xf32>
        %mul3A_352 = arith.constant 4 : i32
        %mul3A_353 = arith.muli %scan3A_201, %mul3A_352 : i32
        %add3A_354 = arith.constant 2 : i32
        %add3A_355 = arith.addi %mul3A_353, %add3A_354 : i32
        %add3A_356 = arith.constant 48 : i32
        %add3A_357 = arith.addi %add3A_356, %add3A_355 : i32
        %get3A_358 = arith.index_cast %add3A_101 : i32 to index
        %get3A_359 = arith.index_cast %add3A_357 : i32 to index
        %get3A_360 = arith.constant 0 : index
        %get3A_361 = tpu.vector_load %arg8[%get3A_358, %get3A_359, %get3A_360] {strides = array<i32>} : memref<4x80x64xf32, #tpu.memory_space<vmem>>, vector<16xf32>,
        %get3A_362 = arith.index_cast %add3A_101 : i32 to index
        %get3A_363 = arith.index_cast %add3A_357 : i32 to index
        %get3A_364 = arith.constant 0 : index
        %get3A_365 = tpu.vector_load %arg9[%get3A_362, %get3A_363, %get3A_364] {strides = array<i32>} : memref<4x80x64xf32, #tpu.memory_space<vmem>>, vector<16xf32>,
        %mul3A_366 = arith.mulf %get3A_361, %get3A_365 : vector<16xf32>
        %get3A_367 = arith.index_cast %add3A_101 : i32 to index
        %get3A_368 = arith.index_cast %add3A_357 : i32 to index
        %get3A_369 = arith.constant 16 : index
        %get3A_370 = tpu.vector_load %arg8[%get3A_367, %get3A_368, %get3A_369] {strides = array<i32>} : memref<4x80x64xf32, #tpu.memory_space<vmem>>, vector<16xf32>,
        %get3A_371 = arith.index_cast %add3A_101 : i32 to index
        %get3A_372 = arith.index_cast %add3A_357 : i32 to index
        %get3A_373 = arith.constant 16 : index
        %get3A_374 = tpu.vector_load %arg9[%get3A_371, %get3A_372, %get3A_373] {strides = array<i32>} : memref<4x80x64xf32, #tpu.memory_space<vmem>>, vector<16xf32>,
        %mul3A_375 = arith.mulf %get3A_370, %get3A_374 : vector<16xf32>
        %add3A_376 = arith.addf %mul3A_366, %mul3A_375 : vector<16xf32>
        %get3A_377 = arith.index_cast %add3A_101 : i32 to index
        %get3A_378 = arith.index_cast %add3A_357 : i32 to index
        %get3A_379 = arith.constant 32 : index
        %get3A_380 = tpu.vector_load %arg8[%get3A_377, %get3A_378, %get3A_379] {strides = array<i32>} : memref<4x80x64xf32, #tpu.memory_space<vmem>>, vector<16xf32>,
        %get3A_381 = arith.index_cast %add3A_101 : i32 to index
        %get3A_382 = arith.index_cast %add3A_357 : i32 to index
        %get3A_383 = arith.constant 32 : index
        %get3A_384 = tpu.vector_load %arg9[%get3A_381, %get3A_382, %get3A_383] {strides = array<i32>} : memref<4x80x64xf32, #tpu.memory_space<vmem>>, vector<16xf32>,
        %mul3A_385 = arith.mulf %get3A_380, %get3A_384 : vector<16xf32>
        %add3A_386 = arith.addf %add3A_376, %mul3A_385 : vector<16xf32>
        %get3A_387 = arith.index_cast %add3A_101 : i32 to index
        %get3A_388 = arith.index_cast %add3A_357 : i32 to index
        %get3A_389 = arith.constant 48 : index
        %get3A_390 = tpu.vector_load %arg8[%get3A_387, %get3A_388, %get3A_389] {strides = array<i32>} : memref<4x80x64xf32, #tpu.memory_space<vmem>>, vector<16xf32>,
        %get3A_391 = arith.index_cast %add3A_101 : i32 to index
        %get3A_392 = arith.index_cast %add3A_357 : i32 to index
        %get3A_393 = arith.constant 48 : index
        %get3A_394 = tpu.vector_load %arg9[%get3A_391, %get3A_392, %get3A_393] {strides = array<i32>} : memref<4x80x64xf32, #tpu.memory_space<vmem>>, vector<16xf32>,
        %mul3A_395 = arith.mulf %get3A_390, %get3A_394 : vector<16xf32>
        %add3A_396 = arith.addf %add3A_386, %mul3A_395 : vector<16xf32>
        %swap3A_397 = arith.constant 48 : index
        %swap3A_398 = tpu.vector_load %arg11[%swap3A_397] {strides = array<i32>} : memref<96xf32, #tpu.memory_space<vmem>>, vector<16xf32>,
        tpu.vector_store %arg11[%swap3A_397], %add3A_396 {strides = array<i32>} : memref<96xf32, #tpu.memory_space<vmem>>, vector<16xf32>,
        %get3A_399 = arith.constant 56 : index
        %get3A_400 = tpu.vector_load %arg11[%get3A_399] {strides = array<i32>} : memref<96xf32, #tpu.memory_space<vmem>>, vector<16xf32>,
        %add3A_401 = arith.addf %add3A_396, %get3A_400 : vector<16xf32>
        %slice3A_402 = vector.extract_strided_slice %add3A_401 {offsets = [0], sizes = [1], strides = [1]} : vector<16xf32> to vector<1xf32>
        %squeeze3A_403 = vector.extract %slice3A_402[0] : f32 from vector<1xf32>
        %slice3A_404 = vector.extract_strided_slice %add3A_401 {offsets = [1], sizes = [1], strides = [1]} : vector<16xf32> to vector<1xf32>
        %squeeze3A_405 = vector.extract %slice3A_404[0] : f32 from vector<1xf32>
        %add3A_406 = arith.addf %squeeze3A_403, %squeeze3A_405 : f32
        %slice3A_407 = vector.extract_strided_slice %add3A_401 {offsets = [2], sizes = [1], strides = [1]} : vector<16xf32> to vector<1xf32>
        %squeeze3A_408 = vector.extract %slice3A_407[0] : f32 from vector<1xf32>
        %slice3A_409 = vector.extract_strided_slice %add3A_401 {offsets = [3], sizes = [1], strides = [1]} : vector<16xf32> to vector<1xf32>
        %squeeze3A_410 = vector.extract %slice3A_409[0] : f32 from vector<1xf32>
        %add3A_411 = arith.addf %squeeze3A_408, %squeeze3A_410 : f32
        %add3A_412 = arith.addf %add3A_406, %add3A_411 : f32
        %slice3A_413 = vector.extract_strided_slice %add3A_401 {offsets = [4], sizes = [1], strides = [1]} : vector<16xf32> to vector<1xf32>
        %squeeze3A_414 = vector.extract %slice3A_413[0] : f32 from vector<1xf32>
        %slice3A_415 = vector.extract_strided_slice %add3A_401 {offsets = [5], sizes = [1], strides = [1]} : vector<16xf32> to vector<1xf32>
        %squeeze3A_416 = vector.extract %slice3A_415[0] : f32 from vector<1xf32>
        %add3A_417 = arith.addf %squeeze3A_414, %squeeze3A_416 : f32
        %slice3A_418 = vector.extract_strided_slice %add3A_401 {offsets = [6], sizes = [1], strides = [1]} : vector<16xf32> to vector<1xf32>
        %squeeze3A_419 = vector.extract %slice3A_418[0] : f32 from vector<1xf32>
        %slice3A_420 = vector.extract_strided_slice %add3A_401 {offsets = [7], sizes = [1], strides = [1]} : vector<16xf32> to vector<1xf32>
        %squeeze3A_421 = vector.extract %slice3A_420[0] : f32 from vector<1xf32>
        %add3A_422 = arith.addf %squeeze3A_419, %squeeze3A_421 : f32
        %add3A_423 = arith.addf %add3A_417, %add3A_422 : f32
        %add3A_424 = arith.addf %add3A_412, %add3A_423 : f32
        %eq3A_425 = vector.broadcast %add3A_355 : i32 to vector<16xi32>
        %eq3A_426 = arith.cmpi eq, %iota3A, %eq3A_425 : vector<16xi32>
        %broadcast_in_dim3A_427 = vector.broadcast %add3A_424 : f32 to vector<16xf32>
        %select_n3A_428 = arith.select %eq3A_426, %broadcast_in_dim3A_427, %select_n3A_351 : vector<16xi1>, vector<16xf32>
        %mul3A_429 = arith.constant 4 : i32
        %mul3A_430 = arith.muli %scan3A_201, %mul3A_429 : i32
        %add3A_431 = arith.constant 3 : i32
        %add3A_432 = arith.addi %mul3A_430, %add3A_431 : i32
        %add3A_433 = arith.constant 48 : i32
        %add3A_434 = arith.addi %add3A_433, %add3A_432 : i32
        %get3A_435 = arith.index_cast %add3A_101 : i32 to index
        %get3A_436 = arith.index_cast %add3A_434 : i32 to index
        %get3A_437 = arith.constant 0 : index
        %get3A_438 = tpu.vector_load %arg8[%get3A_435, %get3A_436, %get3A_437] {strides = array<i32>} : memref<4x80x64xf32, #tpu.memory_space<vmem>>, vector<16xf32>,
        %get3A_439 = arith.index_cast %add3A_101 : i32 to index
        %get3A_440 = arith.index_cast %add3A_434 : i32 to index
        %get3A_441 = arith.constant 0 : index
        %get3A_442 = tpu.vector_load %arg9[%get3A_439, %get3A_440, %get3A_441] {strides = array<i32>} : memref<4x80x64xf32, #tpu.memory_space<vmem>>, vector<16xf32>,
        %mul3A_443 = arith.mulf %get3A_438, %get3A_442 : vector<16xf32>
        %get3A_444 = arith.index_cast %add3A_101 : i32 to index
        %get3A_445 = arith.index_cast %add3A_434 : i32 to index
        %get3A_446 = arith.constant 16 : index
        %get3A_447 = tpu.vector_load %arg8[%get3A_444, %get3A_445, %get3A_446] {strides = array<i32>} : memref<4x80x64xf32, #tpu.memory_space<vmem>>, vector<16xf32>,
        %get3A_448 = arith.index_cast %add3A_101 : i32 to index
        %get3A_449 = arith.index_cast %add3A_434 : i32 to index
        %get3A_450 = arith.constant 16 : index
        %get3A_451 = tpu.vector_load %arg9[%get3A_448, %get3A_449, %get3A_450] {strides = array<i32>} : memref<4x80x64xf32, #tpu.memory_space<vmem>>, vector<16xf32>,
        %mul3A_452 = arith.mulf %get3A_447, %get3A_451 : vector<16xf32>
        %add3A_453 = arith.addf %mul3A_443, %mul3A_452 : vector<16xf32>
        %get3A_454 = arith.index_cast %add3A_101 : i32 to index
        %get3A_455 = arith.index_cast %add3A_434 : i32 to index
        %get3A_456 = arith.constant 32 : index
        %get3A_457 = tpu.vector_load %arg8[%get3A_454, %get3A_455, %get3A_456] {strides = array<i32>} : memref<4x80x64xf32, #tpu.memory_space<vmem>>, vector<16xf32>,
        %get3A_458 = arith.index_cast %add3A_101 : i32 to index
        %get3A_459 = arith.index_cast %add3A_434 : i32 to index
        %get3A_460 = arith.constant 32 : index
        %get3A_461 = tpu.vector_load %arg9[%get3A_458, %get3A_459, %get3A_460] {strides = array<i32>} : memref<4x80x64xf32, #tpu.memory_space<vmem>>, vector<16xf32>,
        %mul3A_462 = arith.mulf %get3A_457, %get3A_461 : vector<16xf32>
        %add3A_463 = arith.addf %add3A_453, %mul3A_462 : vector<16xf32>
        %get3A_464 = arith.index_cast %add3A_101 : i32 to index
        %get3A_465 = arith.index_cast %add3A_434 : i32 to index
        %get3A_466 = arith.constant 48 : index
        %get3A_467 = tpu.vector_load %arg8[%get3A_464, %get3A_465, %get3A_466] {strides = array<i32>} : memref<4x80x64xf32, #tpu.memory_space<vmem>>, vector<16xf32>,
        %get3A_468 = arith.index_cast %add3A_101 : i32 to index
        %get3A_469 = arith.index_cast %add3A_434 : i32 to index
        %get3A_470 = arith.constant 48 : index
        %get3A_471 = tpu.vector_load %arg9[%get3A_468, %get3A_469, %get3A_470] {strides = array<i32>} : memref<4x80x64xf32, #tpu.memory_space<vmem>>, vector<16xf32>,
        %mul3A_472 = arith.mulf %get3A_467, %get3A_471 : vector<16xf32>
        %add3A_473 = arith.addf %add3A_463, %mul3A_472 : vector<16xf32>
        %swap3A_474 = arith.constant 72 : index
        %swap3A_475 = tpu.vector_load %arg11[%swap3A_474] {strides = array<i32>} : memref<96xf32, #tpu.memory_space<vmem>>, vector<16xf32>,
        tpu.vector_store %arg11[%swap3A_474], %add3A_473 {strides = array<i32>} : memref<96xf32, #tpu.memory_space<vmem>>, vector<16xf32>,
        %get3A_476 = arith.constant 80 : index
        %get3A_477 = tpu.vector_load %arg11[%get3A_476] {strides = array<i32>} : memref<96xf32, #tpu.memory_space<vmem>>, vector<16xf32>,
        %add3A_478 = arith.addf %add3A_473, %get3A_477 : vector<16xf32>
        %slice3A_479 = vector.extract_strided_slice %add3A_478 {offsets = [0], sizes = [1], strides = [1]} : vector<16xf32> to vector<1xf32>
        %squeeze3A_480 = vector.extract %slice3A_479[0] : f32 from vector<1xf32>
        %slice3A_481 = vector.extract_strided_slice %add3A_478 {offsets = [1], sizes = [1], strides = [1]} : vector<16xf32> to vector<1xf32>
        %squeeze3A_482 = vector.extract %slice3A_481[0] : f32 from vector<1xf32>
        %add3A_483 = arith.addf %squeeze3A_480, %squeeze3A_482 : f32
        %slice3A_484 = vector.extract_strided_slice %add3A_478 {offsets = [2], sizes = [1], strides = [1]} : vector<16xf32> to vector<1xf32>
        %squeeze3A_485 = vector.extract %slice3A_484[0] : f32 from vector<1xf32>
        %slice3A_486 = vector.extract_strided_slice %add3A_478 {offsets = [3], sizes = [1], strides = [1]} : vector<16xf32> to vector<1xf32>
        %squeeze3A_487 = vector.extract %slice3A_486[0] : f32 from vector<1xf32>
        %add3A_488 = arith.addf %squeeze3A_485, %squeeze3A_487 : f32
        %add3A_489 = arith.addf %add3A_483, %add3A_488 : f32
        %slice3A_490 = vector.extract_strided_slice %add3A_478 {offsets = [4], sizes = [1], strides = [1]} : vector<16xf32> to vector<1xf32>
        %squeeze3A_491 = vector.extract %slice3A_490[0] : f32 from vector<1xf32>
        %slice3A_492 = vector.extract_strided_slice %add3A_478 {offsets = [5], sizes = [1], strides = [1]} : vector<16xf32> to vector<1xf32>
        %squeeze3A_493 = vector.extract %slice3A_492[0] : f32 from vector<1xf32>
        %add3A_494 = arith.addf %squeeze3A_491, %squeeze3A_493 : f32
        %slice3A_495 = vector.extract_strided_slice %add3A_478 {offsets = [6], sizes = [1], strides = [1]} : vector<16xf32> to vector<1xf32>
        %squeeze3A_496 = vector.extract %slice3A_495[0] : f32 from vector<1xf32>
        %slice3A_497 = vector.extract_strided_slice %add3A_478 {offsets = [7], sizes = [1], strides = [1]} : vector<16xf32> to vector<1xf32>
        %squeeze3A_498 = vector.extract %slice3A_497[0] : f32 from vector<1xf32>
        %add3A_499 = arith.addf %squeeze3A_496, %squeeze3A_498 : f32
        %add3A_500 = arith.addf %add3A_494, %add3A_499 : f32
        %add3A_501 = arith.addf %add3A_489, %add3A_500 : f32
        %eq3A_502 = vector.broadcast %add3A_432 : i32 to vector<16xi32>
        %eq3A_503 = arith.cmpi eq, %iota3A, %eq3A_502 : vector<16xi32>
        %broadcast_in_dim3A_504 = vector.broadcast %add3A_501 : f32 to vector<16xf32>
        %select_n3A_505 = arith.select %eq3A_503, %broadcast_in_dim3A_504, %select_n3A_428 : vector<16xi1>, vector<16xf32>
        scf.yield %select_n3A_505 : vector<16xf32>
      }
      %scan3A_180 = arith.constant 4 : i32
      %mul3A_181 = arith.constant 80 : i32
      %mul3A_182 = arith.muli %scan3A_93, %mul3A_181 : i32
      %add3A_183 = arith.constant 48 : i32
      %add3A_184 = arith.addi %mul3A_182, %add3A_183 : i32
      %swap3A_185 = arith.index_cast %add3A_184 : i32 to index
      %swap3A_186 = tpu.vector_load %arg10[%swap3A_185] {strides = array<i32>} : memref<10000xf32, #tpu.memory_space<vmem>>, vector<16xf32>,
      tpu.vector_store %arg10[%swap3A_185], %scan3A_179 {strides = array<i32>} : memref<10000xf32, #tpu.memory_space<vmem>>, vector<16xf32>,
      %broadcast_in_dim3A_187 = arith.constant 0.000000e+00 : f32
      %broadcast_in_dim3A_188 = vector.broadcast %broadcast_in_dim3A_187 : f32 to vector<16xf32>
      %scan3A_189 = arith.constant 0 : i32
      %scan3A_190 = arith.constant 4 : i32
      %scan3A_191 = arith.addi %scan3A_189, %scan3A_190 : i32
      %scan3A_192 = arith.constant 1 : i32
      %scan3A_193 = scf.for %scan3A_201 = %scan3A_189 to %scan3A_191 step %scan3A_192 iter_args(%scan3A_202 = %broadcast_in_dim3A_188) -> (vector<16xf32>)  : i32 {
        %mul3A_203 = arith.constant 4 : i32
        %mul3A_204 = arith.muli %scan3A_201, %mul3A_203 : i32
        %add3A_205 = arith.constant 0 : i32
        %add3A_206 = arith.addi %mul3A_204, %add3A_205 : i32
        %add3A_207 = arith.constant 64 : i32
        %add3A_208 = arith.addi %add3A_207, %add3A_206 : i32
        %get3A = arith.index_cast %add3A_101 : i32 to index
        %get3A_209 = arith.index_cast %add3A_208 : i32 to index
        %get3A_210 = arith.constant 0 : index
        %get3A_211 = tpu.vector_load %arg8[%get3A, %get3A_209, %get3A_210] {strides = array<i32>} : memref<4x80x64xf32, #tpu.memory_space<vmem>>, vector<16xf32>,
        %get3A_212 = arith.index_cast %add3A_101 : i32 to index
        %get3A_213 = arith.index_cast %add3A_208 : i32 to index
        %get3A_214 = arith.constant 0 : index
        %get3A_215 = tpu.vector_load %arg9[%get3A_212, %get3A_213, %get3A_214] {strides = array<i32>} : memref<4x80x64xf32, #tpu.memory_space<vmem>>, vector<16xf32>,
        %mul3A_216 = arith.mulf %get3A_211, %get3A_215 : vector<16xf32>
        %get3A_217 = arith.index_cast %add3A_101 : i32 to index
        %get3A_218 = arith.index_cast %add3A_208 : i32 to index
        %get3A_219 = arith.constant 16 : index
        %get3A_220 = tpu.vector_load %arg8[%get3A_217, %get3A_218, %get3A_219] {strides = array<i32>} : memref<4x80x64xf32, #tpu.memory_space<vmem>>, vector<16xf32>,
        %get3A_221 = arith.index_cast %add3A_101 : i32 to index
        %get3A_222 = arith.index_cast %add3A_208 : i32 to index
        %get3A_223 = arith.constant 16 : index
        %get3A_224 = tpu.vector_load %arg9[%get3A_221, %get3A_222, %get3A_223] {strides = array<i32>} : memref<4x80x64xf32, #tpu.memory_space<vmem>>, vector<16xf32>,
        %mul3A_225 = arith.mulf %get3A_220, %get3A_224 : vector<16xf32>
        %add3A_226 = arith.addf %mul3A_216, %mul3A_225 : vector<16xf32>
        %get3A_227 = arith.index_cast %add3A_101 : i32 to index
        %get3A_228 = arith.index_cast %add3A_208 : i32 to index
        %get3A_229 = arith.constant 32 : index
        %get3A_230 = tpu.vector_load %arg8[%get3A_227, %get3A_228, %get3A_229] {strides = array<i32>} : memref<4x80x64xf32, #tpu.memory_space<vmem>>, vector<16xf32>,
        %get3A_231 = arith.index_cast %add3A_101 : i32 to index
        %get3A_232 = arith.index_cast %add3A_208 : i32 to index
        %get3A_233 = arith.constant 32 : index
        %get3A_234 = tpu.vector_load %arg9[%get3A_231, %get3A_232, %get3A_233] {strides = array<i32>} : memref<4x80x64xf32, #tpu.memory_space<vmem>>, vector<16xf32>,
        %mul3A_235 = arith.mulf %get3A_230, %get3A_234 : vector<16xf32>
        %add3A_236 = arith.addf %add3A_226, %mul3A_235 : vector<16xf32>
        %get3A_237 = arith.index_cast %add3A_101 : i32 to index
        %get3A_238 = arith.index_cast %add3A_208 : i32 to index
        %get3A_239 = arith.constant 48 : index
        %get3A_240 = tpu.vector_load %arg8[%get3A_237, %get3A_238, %get3A_239] {strides = array<i32>} : memref<4x80x64xf32, #tpu.memory_space<vmem>>, vector<16xf32>,
        %get3A_241 = arith.index_cast %add3A_101 : i32 to index
        %get3A_242 = arith.index_cast %add3A_208 : i32 to index
        %get3A_243 = arith.constant 48 : index
        %get3A_244 = tpu.vector_load %arg9[%get3A_241, %get3A_242, %get3A_243] {strides = array<i32>} : memref<4x80x64xf32, #tpu.memory_space<vmem>>, vector<16xf32>,
        %mul3A_245 = arith.mulf %get3A_240, %get3A_244 : vector<16xf32>
        %add3A_246 = arith.addf %add3A_236, %mul3A_245 : vector<16xf32>
        %swap3A_247 = arith.constant 0 : index
        %swap3A_248 = tpu.vector_load %arg11[%swap3A_247] {strides = array<i32>} : memref<96xf32, #tpu.memory_space<vmem>>, vector<16xf32>,
        tpu.vector_store %arg11[%swap3A_247], %add3A_246 {strides = array<i32>} : memref<96xf32, #tpu.memory_space<vmem>>, vector<16xf32>,
        %get3A_249 = arith.constant 8 : index
        %get3A_250 = tpu.vector_load %arg11[%get3A_249] {strides = array<i32>} : memref<96xf32, #tpu.memory_space<vmem>>, vector<16xf32>,
        %add3A_251 = arith.addf %add3A_246, %get3A_250 : vector<16xf32>
        %slice3A = vector.extract_strided_slice %add3A_251 {offsets = [0], sizes = [1], strides = [1]} : vector<16xf32> to vector<1xf32>
        %squeeze3A = vector.extract %slice3A[0] : f32 from vector<1xf32>
        %slice3A_252 = vector.extract_strided_slice %add3A_251 {offsets = [1], sizes = [1], strides = [1]} : vector<16xf32> to vector<1xf32>
        %squeeze3A_253 = vector.extract %slice3A_252[0] : f32 from vector<1xf32>
        %add3A_254 = arith.addf %squeeze3A, %squeeze3A_253 : f32
        %slice3A_255 = vector.extract_strided_slice %add3A_251 {offsets = [2], sizes = [1], strides = [1]} : vector<16xf32> to vector<1xf32>
        %squeeze3A_256 = vector.extract %slice3A_255[0] : f32 from vector<1xf32>
        %slice3A_257 = vector.extract_strided_slice %add3A_251 {offsets = [3], sizes = [1], strides = [1]} : vector<16xf32> to vector<1xf32>
        %squeeze3A_258 = vector.extract %slice3A_257[0] : f32 from vector<1xf32>
        %add3A_259 = arith.addf %squeeze3A_256, %squeeze3A_258 : f32
        %add3A_260 = arith.addf %add3A_254, %add3A_259 : f32
        %slice3A_261 = vector.extract_strided_slice %add3A_251 {offsets = [4], sizes = [1], strides = [1]} : vector<16xf32> to vector<1xf32>
        %squeeze3A_262 = vector.extract %slice3A_261[0] : f32 from vector<1xf32>
        %slice3A_263 = vector.extract_strided_slice %add3A_251 {offsets = [5], sizes = [1], strides = [1]} : vector<16xf32> to vector<1xf32>
        %squeeze3A_264 = vector.extract %slice3A_263[0] : f32 from vector<1xf32>
        %add3A_265 = arith.addf %squeeze3A_262, %squeeze3A_264 : f32
        %slice3A_266 = vector.extract_strided_slice %add3A_251 {offsets = [6], sizes = [1], strides = [1]} : vector<16xf32> to vector<1xf32>
        %squeeze3A_267 = vector.extract %slice3A_266[0] : f32 from vector<1xf32>
        %slice3A_268 = vector.extract_strided_slice %add3A_251 {offsets = [7], sizes = [1], strides = [1]} : vector<16xf32> to vector<1xf32>
        %squeeze3A_269 = vector.extract %slice3A_268[0] : f32 from vector<1xf32>
        %add3A_270 = arith.addf %squeeze3A_267, %squeeze3A_269 : f32
        %add3A_271 = arith.addf %add3A_265, %add3A_270 : f32
        %add3A_272 = arith.addf %add3A_260, %add3A_271 : f32
        %eq3A = vector.broadcast %add3A_206 : i32 to vector<16xi32>
        %eq3A_273 = arith.cmpi eq, %iota3A, %eq3A : vector<16xi32>
        %broadcast_in_dim3A_274 = vector.broadcast %add3A_272 : f32 to vector<16xf32>
        %select_n3A = arith.select %eq3A_273, %broadcast_in_dim3A_274, %scan3A_202 : vector<16xi1>, vector<16xf32>
        %mul3A_275 = arith.constant 4 : i32
        %mul3A_276 = arith.muli %scan3A_201, %mul3A_275 : i32
        %add3A_277 = arith.constant 1 : i32
        %add3A_278 = arith.addi %mul3A_276, %add3A_277 : i32
        %add3A_279 = arith.constant 64 : i32
        %add3A_280 = arith.addi %add3A_279, %add3A_278 : i32
        %get3A_281 = arith.index_cast %add3A_101 : i32 to index
        %get3A_282 = arith.index_cast %add3A_280 : i32 to index
        %get3A_283 = arith.constant 0 : index
        %get3A_284 = tpu.vector_load %arg8[%get3A_281, %get3A_282, %get3A_283] {strides = array<i32>} : memref<4x80x64xf32, #tpu.memory_space<vmem>>, vector<16xf32>,
        %get3A_285 = arith.index_cast %add3A_101 : i32 to index
        %get3A_286 = arith.index_cast %add3A_280 : i32 to index
        %get3A_287 = arith.constant 0 : index
        %get3A_288 = tpu.vector_load %arg9[%get3A_285, %get3A_286, %get3A_287] {strides = array<i32>} : memref<4x80x64xf32, #tpu.memory_space<vmem>>, vector<16xf32>,
        %mul3A_289 = arith.mulf %get3A_284, %get3A_288 : vector<16xf32>
        %get3A_290 = arith.index_cast %add3A_101 : i32 to index
        %get3A_291 = arith.index_cast %add3A_280 : i32 to index
        %get3A_292 = arith.constant 16 : index
        %get3A_293 = tpu.vector_load %arg8[%get3A_290, %get3A_291, %get3A_292] {strides = array<i32>} : memref<4x80x64xf32, #tpu.memory_space<vmem>>, vector<16xf32>,
        %get3A_294 = arith.index_cast %add3A_101 : i32 to index
        %get3A_295 = arith.index_cast %add3A_280 : i32 to index
        %get3A_296 = arith.constant 16 : index
        %get3A_297 = tpu.vector_load %arg9[%get3A_294, %get3A_295, %get3A_296] {strides = array<i32>} : memref<4x80x64xf32, #tpu.memory_space<vmem>>, vector<16xf32>,
        %mul3A_298 = arith.mulf %get3A_293, %get3A_297 : vector<16xf32>
        %add3A_299 = arith.addf %mul3A_289, %mul3A_298 : vector<16xf32>
        %get3A_300 = arith.index_cast %add3A_101 : i32 to index
        %get3A_301 = arith.index_cast %add3A_280 : i32 to index
        %get3A_302 = arith.constant 32 : index
        %get3A_303 = tpu.vector_load %arg8[%get3A_300, %get3A_301, %get3A_302] {strides = array<i32>} : memref<4x80x64xf32, #tpu.memory_space<vmem>>, vector<16xf32>,
        %get3A_304 = arith.index_cast %add3A_101 : i32 to index
        %get3A_305 = arith.index_cast %add3A_280 : i32 to index
        %get3A_306 = arith.constant 32 : index
        %get3A_307 = tpu.vector_load %arg9[%get3A_304, %get3A_305, %get3A_306] {strides = array<i32>} : memref<4x80x64xf32, #tpu.memory_space<vmem>>, vector<16xf32>,
        %mul3A_308 = arith.mulf %get3A_303, %get3A_307 : vector<16xf32>
        %add3A_309 = arith.addf %add3A_299, %mul3A_308 : vector<16xf32>
        %get3A_310 = arith.index_cast %add3A_101 : i32 to index
        %get3A_311 = arith.index_cast %add3A_280 : i32 to index
        %get3A_312 = arith.constant 48 : index
        %get3A_313 = tpu.vector_load %arg8[%get3A_310, %get3A_311, %get3A_312] {strides = array<i32>} : memref<4x80x64xf32, #tpu.memory_space<vmem>>, vector<16xf32>,
        %get3A_314 = arith.index_cast %add3A_101 : i32 to index
        %get3A_315 = arith.index_cast %add3A_280 : i32 to index
        %get3A_316 = arith.constant 48 : index
        %get3A_317 = tpu.vector_load %arg9[%get3A_314, %get3A_315, %get3A_316] {strides = array<i32>} : memref<4x80x64xf32, #tpu.memory_space<vmem>>, vector<16xf32>,
        %mul3A_318 = arith.mulf %get3A_313, %get3A_317 : vector<16xf32>
        %add3A_319 = arith.addf %add3A_309, %mul3A_318 : vector<16xf32>
        %swap3A_320 = arith.constant 24 : index
        %swap3A_321 = tpu.vector_load %arg11[%swap3A_320] {strides = array<i32>} : memref<96xf32, #tpu.memory_space<vmem>>, vector<16xf32>,
        tpu.vector_store %arg11[%swap3A_320], %add3A_319 {strides = array<i32>} : memref<96xf32, #tpu.memory_space<vmem>>, vector<16xf32>,
        %get3A_322 = arith.constant 32 : index
        %get3A_323 = tpu.vector_load %arg11[%get3A_322] {strides = array<i32>} : memref<96xf32, #tpu.memory_space<vmem>>, vector<16xf32>,
        %add3A_324 = arith.addf %add3A_319, %get3A_323 : vector<16xf32>
        %slice3A_325 = vector.extract_strided_slice %add3A_324 {offsets = [0], sizes = [1], strides = [1]} : vector<16xf32> to vector<1xf32>
        %squeeze3A_326 = vector.extract %slice3A_325[0] : f32 from vector<1xf32>
        %slice3A_327 = vector.extract_strided_slice %add3A_324 {offsets = [1], sizes = [1], strides = [1]} : vector<16xf32> to vector<1xf32>
        %squeeze3A_328 = vector.extract %slice3A_327[0] : f32 from vector<1xf32>
        %add3A_329 = arith.addf %squeeze3A_326, %squeeze3A_328 : f32
        %slice3A_330 = vector.extract_strided_slice %add3A_324 {offsets = [2], sizes = [1], strides = [1]} : vector<16xf32> to vector<1xf32>
        %squeeze3A_331 = vector.extract %slice3A_330[0] : f32 from vector<1xf32>
        %slice3A_332 = vector.extract_strided_slice %add3A_324 {offsets = [3], sizes = [1], strides = [1]} : vector<16xf32> to vector<1xf32>
        %squeeze3A_333 = vector.extract %slice3A_332[0] : f32 from vector<1xf32>
        %add3A_334 = arith.addf %squeeze3A_331, %squeeze3A_333 : f32
        %add3A_335 = arith.addf %add3A_329, %add3A_334 : f32
        %slice3A_336 = vector.extract_strided_slice %add3A_324 {offsets = [4], sizes = [1], strides = [1]} : vector<16xf32> to vector<1xf32>
        %squeeze3A_337 = vector.extract %slice3A_336[0] : f32 from vector<1xf32>
        %slice3A_338 = vector.extract_strided_slice %add3A_324 {offsets = [5], sizes = [1], strides = [1]} : vector<16xf32> to vector<1xf32>
        %squeeze3A_339 = vector.extract %slice3A_338[0] : f32 from vector<1xf32>
        %add3A_340 = arith.addf %squeeze3A_337, %squeeze3A_339 : f32
        %slice3A_341 = vector.extract_strided_slice %add3A_324 {offsets = [6], sizes = [1], strides = [1]} : vector<16xf32> to vector<1xf32>
        %squeeze3A_342 = vector.extract %slice3A_341[0] : f32 from vector<1xf32>
        %slice3A_343 = vector.extract_strided_slice %add3A_324 {offsets = [7], sizes = [1], strides = [1]} : vector<16xf32> to vector<1xf32>
        %squeeze3A_344 = vector.extract %slice3A_343[0] : f32 from vector<1xf32>
        %add3A_345 = arith.addf %squeeze3A_342, %squeeze3A_344 : f32
        %add3A_346 = arith.addf %add3A_340, %add3A_345 : f32
        %add3A_347 = arith.addf %add3A_335, %add3A_346 : f32
        %eq3A_348 = vector.broadcast %add3A_278 : i32 to vector<16xi32>
        %eq3A_349 = arith.cmpi eq, %iota3A, %eq3A_348 : vector<16xi32>
        %broadcast_in_dim3A_350 = vector.broadcast %add3A_347 : f32 to vector<16xf32>
        %select_n3A_351 = arith.select %eq3A_349, %broadcast_in_dim3A_350, %select_n3A : vector<16xi1>, vector<16xf32>
        %mul3A_352 = arith.constant 4 : i32
        %mul3A_353 = arith.muli %scan3A_201, %mul3A_352 : i32
        %add3A_354 = arith.constant 2 : i32
        %add3A_355 = arith.addi %mul3A_353, %add3A_354 : i32
        %add3A_356 = arith.constant 64 : i32
        %add3A_357 = arith.addi %add3A_356, %add3A_355 : i32
        %get3A_358 = arith.index_cast %add3A_101 : i32 to index
        %get3A_359 = arith.index_cast %add3A_357 : i32 to index
        %get3A_360 = arith.constant 0 : index
        %get3A_361 = tpu.vector_load %arg8[%get3A_358, %get3A_359, %get3A_360] {strides = array<i32>} : memref<4x80x64xf32, #tpu.memory_space<vmem>>, vector<16xf32>,
        %get3A_362 = arith.index_cast %add3A_101 : i32 to index
        %get3A_363 = arith.index_cast %add3A_357 : i32 to index
        %get3A_364 = arith.constant 0 : index
        %get3A_365 = tpu.vector_load %arg9[%get3A_362, %get3A_363, %get3A_364] {strides = array<i32>} : memref<4x80x64xf32, #tpu.memory_space<vmem>>, vector<16xf32>,
        %mul3A_366 = arith.mulf %get3A_361, %get3A_365 : vector<16xf32>
        %get3A_367 = arith.index_cast %add3A_101 : i32 to index
        %get3A_368 = arith.index_cast %add3A_357 : i32 to index
        %get3A_369 = arith.constant 16 : index
        %get3A_370 = tpu.vector_load %arg8[%get3A_367, %get3A_368, %get3A_369] {strides = array<i32>} : memref<4x80x64xf32, #tpu.memory_space<vmem>>, vector<16xf32>,
        %get3A_371 = arith.index_cast %add3A_101 : i32 to index
        %get3A_372 = arith.index_cast %add3A_357 : i32 to index
        %get3A_373 = arith.constant 16 : index
        %get3A_374 = tpu.vector_load %arg9[%get3A_371, %get3A_372, %get3A_373] {strides = array<i32>} : memref<4x80x64xf32, #tpu.memory_space<vmem>>, vector<16xf32>,
        %mul3A_375 = arith.mulf %get3A_370, %get3A_374 : vector<16xf32>
        %add3A_376 = arith.addf %mul3A_366, %mul3A_375 : vector<16xf32>
        %get3A_377 = arith.index_cast %add3A_101 : i32 to index
        %get3A_378 = arith.index_cast %add3A_357 : i32 to index
        %get3A_379 = arith.constant 32 : index
        %get3A_380 = tpu.vector_load %arg8[%get3A_377, %get3A_378, %get3A_379] {strides = array<i32>} : memref<4x80x64xf32, #tpu.memory_space<vmem>>, vector<16xf32>,
        %get3A_381 = arith.index_cast %add3A_101 : i32 to index
        %get3A_382 = arith.index_cast %add3A_357 : i32 to index
        %get3A_383 = arith.constant 32 : index
        %get3A_384 = tpu.vector_load %arg9[%get3A_381, %get3A_382, %get3A_383] {strides = array<i32>} : memref<4x80x64xf32, #tpu.memory_space<vmem>>, vector<16xf32>,
        %mul3A_385 = arith.mulf %get3A_380, %get3A_384 : vector<16xf32>
        %add3A_386 = arith.addf %add3A_376, %mul3A_385 : vector<16xf32>
        %get3A_387 = arith.index_cast %add3A_101 : i32 to index
        %get3A_388 = arith.index_cast %add3A_357 : i32 to index
        %get3A_389 = arith.constant 48 : index
        %get3A_390 = tpu.vector_load %arg8[%get3A_387, %get3A_388, %get3A_389] {strides = array<i32>} : memref<4x80x64xf32, #tpu.memory_space<vmem>>, vector<16xf32>,
        %get3A_391 = arith.index_cast %add3A_101 : i32 to index
        %get3A_392 = arith.index_cast %add3A_357 : i32 to index
        %get3A_393 = arith.constant 48 : index
        %get3A_394 = tpu.vector_load %arg9[%get3A_391, %get3A_392, %get3A_393] {strides = array<i32>} : memref<4x80x64xf32, #tpu.memory_space<vmem>>, vector<16xf32>,
        %mul3A_395 = arith.mulf %get3A_390, %get3A_394 : vector<16xf32>
        %add3A_396 = arith.addf %add3A_386, %mul3A_395 : vector<16xf32>
        %swap3A_397 = arith.constant 48 : index
        %swap3A_398 = tpu.vector_load %arg11[%swap3A_397] {strides = array<i32>} : memref<96xf32, #tpu.memory_space<vmem>>, vector<16xf32>,
        tpu.vector_store %arg11[%swap3A_397], %add3A_396 {strides = array<i32>} : memref<96xf32, #tpu.memory_space<vmem>>, vector<16xf32>,
        %get3A_399 = arith.constant 56 : index
        %get3A_400 = tpu.vector_load %arg11[%get3A_399] {strides = array<i32>} : memref<96xf32, #tpu.memory_space<vmem>>, vector<16xf32>,
        %add3A_401 = arith.addf %add3A_396, %get3A_400 : vector<16xf32>
        %slice3A_402 = vector.extract_strided_slice %add3A_401 {offsets = [0], sizes = [1], strides = [1]} : vector<16xf32> to vector<1xf32>
        %squeeze3A_403 = vector.extract %slice3A_402[0] : f32 from vector<1xf32>
        %slice3A_404 = vector.extract_strided_slice %add3A_401 {offsets = [1], sizes = [1], strides = [1]} : vector<16xf32> to vector<1xf32>
        %squeeze3A_405 = vector.extract %slice3A_404[0] : f32 from vector<1xf32>
        %add3A_406 = arith.addf %squeeze3A_403, %squeeze3A_405 : f32
        %slice3A_407 = vector.extract_strided_slice %add3A_401 {offsets = [2], sizes = [1], strides = [1]} : vector<16xf32> to vector<1xf32>
        %squeeze3A_408 = vector.extract %slice3A_407[0] : f32 from vector<1xf32>
        %slice3A_409 = vector.extract_strided_slice %add3A_401 {offsets = [3], sizes = [1], strides = [1]} : vector<16xf32> to vector<1xf32>
        %squeeze3A_410 = vector.extract %slice3A_409[0] : f32 from vector<1xf32>
        %add3A_411 = arith.addf %squeeze3A_408, %squeeze3A_410 : f32
        %add3A_412 = arith.addf %add3A_406, %add3A_411 : f32
        %slice3A_413 = vector.extract_strided_slice %add3A_401 {offsets = [4], sizes = [1], strides = [1]} : vector<16xf32> to vector<1xf32>
        %squeeze3A_414 = vector.extract %slice3A_413[0] : f32 from vector<1xf32>
        %slice3A_415 = vector.extract_strided_slice %add3A_401 {offsets = [5], sizes = [1], strides = [1]} : vector<16xf32> to vector<1xf32>
        %squeeze3A_416 = vector.extract %slice3A_415[0] : f32 from vector<1xf32>
        %add3A_417 = arith.addf %squeeze3A_414, %squeeze3A_416 : f32
        %slice3A_418 = vector.extract_strided_slice %add3A_401 {offsets = [6], sizes = [1], strides = [1]} : vector<16xf32> to vector<1xf32>
        %squeeze3A_419 = vector.extract %slice3A_418[0] : f32 from vector<1xf32>
        %slice3A_420 = vector.extract_strided_slice %add3A_401 {offsets = [7], sizes = [1], strides = [1]} : vector<16xf32> to vector<1xf32>
        %squeeze3A_421 = vector.extract %slice3A_420[0] : f32 from vector<1xf32>
        %add3A_422 = arith.addf %squeeze3A_419, %squeeze3A_421 : f32
        %add3A_423 = arith.addf %add3A_417, %add3A_422 : f32
        %add3A_424 = arith.addf %add3A_412, %add3A_423 : f32
        %eq3A_425 = vector.broadcast %add3A_355 : i32 to vector<16xi32>
        %eq3A_426 = arith.cmpi eq, %iota3A, %eq3A_425 : vector<16xi32>
        %broadcast_in_dim3A_427 = vector.broadcast %add3A_424 : f32 to vector<16xf32>
        %select_n3A_428 = arith.select %eq3A_426, %broadcast_in_dim3A_427, %select_n3A_351 : vector<16xi1>, vector<16xf32>
        %mul3A_429 = arith.constant 4 : i32
        %mul3A_430 = arith.muli %scan3A_201, %mul3A_429 : i32
        %add3A_431 = arith.constant 3 : i32
        %add3A_432 = arith.addi %mul3A_430, %add3A_431 : i32
        %add3A_433 = arith.constant 64 : i32
        %add3A_434 = arith.addi %add3A_433, %add3A_432 : i32
        %get3A_435 = arith.index_cast %add3A_101 : i32 to index
        %get3A_436 = arith.index_cast %add3A_434 : i32 to index
        %get3A_437 = arith.constant 0 : index
        %get3A_438 = tpu.vector_load %arg8[%get3A_435, %get3A_436, %get3A_437] {strides = array<i32>} : memref<4x80x64xf32, #tpu.memory_space<vmem>>, vector<16xf32>,
        %get3A_439 = arith.index_cast %add3A_101 : i32 to index
        %get3A_440 = arith.index_cast %add3A_434 : i32 to index
        %get3A_441 = arith.constant 0 : index
        %get3A_442 = tpu.vector_load %arg9[%get3A_439, %get3A_440, %get3A_441] {strides = array<i32>} : memref<4x80x64xf32, #tpu.memory_space<vmem>>, vector<16xf32>,
        %mul3A_443 = arith.mulf %get3A_438, %get3A_442 : vector<16xf32>
        %get3A_444 = arith.index_cast %add3A_101 : i32 to index
        %get3A_445 = arith.index_cast %add3A_434 : i32 to index
        %get3A_446 = arith.constant 16 : index
        %get3A_447 = tpu.vector_load %arg8[%get3A_444, %get3A_445, %get3A_446] {strides = array<i32>} : memref<4x80x64xf32, #tpu.memory_space<vmem>>, vector<16xf32>,
        %get3A_448 = arith.index_cast %add3A_101 : i32 to index
        %get3A_449 = arith.index_cast %add3A_434 : i32 to index
        %get3A_450 = arith.constant 16 : index
        %get3A_451 = tpu.vector_load %arg9[%get3A_448, %get3A_449, %get3A_450] {strides = array<i32>} : memref<4x80x64xf32, #tpu.memory_space<vmem>>, vector<16xf32>,
        %mul3A_452 = arith.mulf %get3A_447, %get3A_451 : vector<16xf32>
        %add3A_453 = arith.addf %mul3A_443, %mul3A_452 : vector<16xf32>
        %get3A_454 = arith.index_cast %add3A_101 : i32 to index
        %get3A_455 = arith.index_cast %add3A_434 : i32 to index
        %get3A_456 = arith.constant 32 : index
        %get3A_457 = tpu.vector_load %arg8[%get3A_454, %get3A_455, %get3A_456] {strides = array<i32>} : memref<4x80x64xf32, #tpu.memory_space<vmem>>, vector<16xf32>,
        %get3A_458 = arith.index_cast %add3A_101 : i32 to index
        %get3A_459 = arith.index_cast %add3A_434 : i32 to index
        %get3A_460 = arith.constant 32 : index
        %get3A_461 = tpu.vector_load %arg9[%get3A_458, %get3A_459, %get3A_460] {strides = array<i32>} : memref<4x80x64xf32, #tpu.memory_space<vmem>>, vector<16xf32>,
        %mul3A_462 = arith.mulf %get3A_457, %get3A_461 : vector<16xf32>
        %add3A_463 = arith.addf %add3A_453, %mul3A_462 : vector<16xf32>
        %get3A_464 = arith.index_cast %add3A_101 : i32 to index
        %get3A_465 = arith.index_cast %add3A_434 : i32 to index
        %get3A_466 = arith.constant 48 : index
        %get3A_467 = tpu.vector_load %arg8[%get3A_464, %get3A_465, %get3A_466] {strides = array<i32>} : memref<4x80x64xf32, #tpu.memory_space<vmem>>, vector<16xf32>,
        %get3A_468 = arith.index_cast %add3A_101 : i32 to index
        %get3A_469 = arith.index_cast %add3A_434 : i32 to index
        %get3A_470 = arith.constant 48 : index
        %get3A_471 = tpu.vector_load %arg9[%get3A_468, %get3A_469, %get3A_470] {strides = array<i32>} : memref<4x80x64xf32, #tpu.memory_space<vmem>>, vector<16xf32>,
        %mul3A_472 = arith.mulf %get3A_467, %get3A_471 : vector<16xf32>
        %add3A_473 = arith.addf %add3A_463, %mul3A_472 : vector<16xf32>
        %swap3A_474 = arith.constant 72 : index
        %swap3A_475 = tpu.vector_load %arg11[%swap3A_474] {strides = array<i32>} : memref<96xf32, #tpu.memory_space<vmem>>, vector<16xf32>,
        tpu.vector_store %arg11[%swap3A_474], %add3A_473 {strides = array<i32>} : memref<96xf32, #tpu.memory_space<vmem>>, vector<16xf32>,
        %get3A_476 = arith.constant 80 : index
        %get3A_477 = tpu.vector_load %arg11[%get3A_476] {strides = array<i32>} : memref<96xf32, #tpu.memory_space<vmem>>, vector<16xf32>,
        %add3A_478 = arith.addf %add3A_473, %get3A_477 : vector<16xf32>
        %slice3A_479 = vector.extract_strided_slice %add3A_478 {offsets = [0], sizes = [1], strides = [1]} : vector<16xf32> to vector<1xf32>
        %squeeze3A_480 = vector.extract %slice3A_479[0] : f32 from vector<1xf32>
        %slice3A_481 = vector.extract_strided_slice %add3A_478 {offsets = [1], sizes = [1], strides = [1]} : vector<16xf32> to vector<1xf32>
        %squeeze3A_482 = vector.extract %slice3A_481[0] : f32 from vector<1xf32>
        %add3A_483 = arith.addf %squeeze3A_480, %squeeze3A_482 : f32
        %slice3A_484 = vector.extract_strided_slice %add3A_478 {offsets = [2], sizes = [1], strides = [1]} : vector<16xf32> to vector<1xf32>
        %squeeze3A_485 = vector.extract %slice3A_484[0] : f32 from vector<1xf32>
        %slice3A_486 = vector.extract_strided_slice %add3A_478 {offsets = [3], sizes = [1], strides = [1]} : vector<16xf32> to vector<1xf32>
        %squeeze3A_487 = vector.extract %slice3A_486[0] : f32 from vector<1xf32>
        %add3A_488 = arith.addf %squeeze3A_485, %squeeze3A_487 : f32
        %add3A_489 = arith.addf %add3A_483, %add3A_488 : f32
        %slice3A_490 = vector.extract_strided_slice %add3A_478 {offsets = [4], sizes = [1], strides = [1]} : vector<16xf32> to vector<1xf32>
        %squeeze3A_491 = vector.extract %slice3A_490[0] : f32 from vector<1xf32>
        %slice3A_492 = vector.extract_strided_slice %add3A_478 {offsets = [5], sizes = [1], strides = [1]} : vector<16xf32> to vector<1xf32>
        %squeeze3A_493 = vector.extract %slice3A_492[0] : f32 from vector<1xf32>
        %add3A_494 = arith.addf %squeeze3A_491, %squeeze3A_493 : f32
        %slice3A_495 = vector.extract_strided_slice %add3A_478 {offsets = [6], sizes = [1], strides = [1]} : vector<16xf32> to vector<1xf32>
        %squeeze3A_496 = vector.extract %slice3A_495[0] : f32 from vector<1xf32>
        %slice3A_497 = vector.extract_strided_slice %add3A_478 {offsets = [7], sizes = [1], strides = [1]} : vector<16xf32> to vector<1xf32>
        %squeeze3A_498 = vector.extract %slice3A_497[0] : f32 from vector<1xf32>
        %add3A_499 = arith.addf %squeeze3A_496, %squeeze3A_498 : f32
        %add3A_500 = arith.addf %add3A_494, %add3A_499 : f32
        %add3A_501 = arith.addf %add3A_489, %add3A_500 : f32
        %eq3A_502 = vector.broadcast %add3A_432 : i32 to vector<16xi32>
        %eq3A_503 = arith.cmpi eq, %iota3A, %eq3A_502 : vector<16xi32>
        %broadcast_in_dim3A_504 = vector.broadcast %add3A_501 : f32 to vector<16xf32>
        %select_n3A_505 = arith.select %eq3A_503, %broadcast_in_dim3A_504, %select_n3A_428 : vector<16xi1>, vector<16xf32>
        scf.yield %select_n3A_505 : vector<16xf32>
      }
      %scan3A_194 = arith.constant 4 : i32
      %mul3A_195 = arith.constant 80 : i32
      %mul3A_196 = arith.muli %scan3A_93, %mul3A_195 : i32
      %add3A_197 = arith.constant 64 : i32
      %add3A_198 = arith.addi %mul3A_196, %add3A_197 : i32
      %swap3A_199 = arith.index_cast %add3A_198 : i32 to index
      %swap3A_200 = tpu.vector_load %arg10[%swap3A_199] {strides = array<i32>} : memref<10000xf32, #tpu.memory_space<vmem>>, vector<16xf32>,
      tpu.vector_store %arg10[%swap3A_199], %scan3A_193 {strides = array<i32>} : memref<10000xf32, #tpu.memory_space<vmem>>, vector<16xf32>,
    }
    %scan3A_90 = arith.constant 125 : i32
    %mul3A_91 = arith.constant 10000 : i32
    %mul3A_92 = arith.muli %add3A, %mul3A_91 : i32
    "tpu.region"() ({
      %run_scoped3A = tpu.sem_alloc : memref<!tpu.dma_semaphore, #tpu.memory_space<semaphore_mem>>
      %dma_start3A_93 = tpu.memref_slice %arg5[%mul3A_92] : memref<320000xf32, #tpu.memory_space<hbm>> -> memref<10000xf32, #tpu.memory_space<hbm>>
      %dma_start3A_94 = tpu.memref_slice %arg5[%mul3A_92] : memref<320000xf32, #tpu.memory_space<hbm>> -> memref<10000xf32, #tpu.memory_space<hbm>>
      tpu.enqueue_dma source(%arg10 : memref<10000xf32, #tpu.memory_space<vmem>>) target(%dma_start3A_94 : memref<10000xf32, #tpu.memory_space<hbm>>) target_semaphore(%run_scoped3A : memref<!tpu.dma_semaphore, #tpu.memory_space<semaphore_mem>>)
      %dma_wait3A = tpu.memref_slice %arg5[%mul3A_92] : memref<320000xf32, #tpu.memory_space<hbm>> -> memref<10000xf32, #tpu.memory_space<hbm>>
      %dma_wait3A_95 = tpu.memref_slice %arg5[%mul3A_92] : memref<320000xf32, #tpu.memory_space<hbm>> -> memref<10000xf32, #tpu.memory_space<hbm>>
      tpu.wait_dma2 semaphore(%run_scoped3A : memref<!tpu.dma_semaphore, #tpu.memory_space<semaphore_mem>>) src(%arg10 : memref<10000xf32, #tpu.memory_space<vmem>>) dst(%dma_wait3A_95 : memref<10000xf32, #tpu.memory_space<hbm>>)
      tpu.yield
    }) : () -> ()
    return
  }
}

#map = affine_map<(d0, d1) -> (0, 0)>
#map1 = affine_map<(d0, d1) -> (0, 0, 0, 0)>
module attributes {stable_mosaic.version = 14 : i64} {
  func.func @body(%arg0: i32, %arg1: i32, %arg2: memref<10000x128xf32, #tpu.memory_space<hbm>>, %arg3: memref<32x5x25x80xi32, #tpu.memory_space<hbm>>, %arg4: memref<32x5x25x80xi32, #tpu.memory_space<hbm>>, %arg5: memref<624x128xf32, #tpu.memory_space<hbm>>, %arg6: memref<20000x128xf32, #tpu.memory_space<hbm>>, %arg7: memref<25x80xi32, #tpu.memory_space<vmem>>, %arg8: memref<25x80xi32, #tpu.memory_space<vmem>>, %arg9: memref<25x80xi32, #tpu.memory_space<vmem>>, %arg10: memref<3x80x128xf32, #tpu.memory_space<vmem>>, %arg11: memref<10000x128xf32, #tpu.memory_space<vmem_shared>>, %arg12: memref<!tpu.dma_semaphore, #tpu.memory_space<semaphore_mem>>, %arg13: memref<!tpu.dma_semaphore, #tpu.memory_space<semaphore_mem>>) attributes {dimension_semantics = [#tpu.dimension_semantics<core_parallel>, #tpu.dimension_semantics<subcore_parallel>], iteration_bounds = array<i64: 2, 16>, scalar_prefetch = 0 : i64, scratch_operands = 7 : i64, tpu.core_type = #tpu.core_type<sc_vector_subcore>, window_params = [{transform_indices = #map}, {transform_indices = #map1}, {transform_indices = #map1}, {transform_indices = #map}, {transform_indices = #map}]} {
    %mul3A = arith.constant 16 : i32
    %mul3A_0 = arith.muli %arg0, %mul3A : i32
    %add3A = arith.addi %mul3A_0, %arg1 : i32
    %mul3A_1 = arith.constant 624 : i32
    %mul3A_2 = arith.muli %arg1, %mul3A_1 : i32
    "tpu.region"() ({
      %run_scoped3A_61 = tpu.sem_alloc : memref<!tpu.dma_semaphore, #tpu.memory_space<semaphore_mem>>
      %dma_start3A_62 = arith.constant 0 : i32
      %dma_start3A_63 = tpu.memref_slice %arg11[%mul3A_2, %dma_start3A_62] : memref<10000x128xf32, #tpu.memory_space<vmem_shared>> -> memref<624x128xf32, #tpu.memory_space<vmem_shared>>
      tpu.enqueue_dma source(%arg5 : memref<624x128xf32, #tpu.memory_space<hbm>>) target(%dma_start3A_63 : memref<624x128xf32, #tpu.memory_space<vmem_shared>>) target_semaphore(%run_scoped3A_61 : memref<!tpu.dma_semaphore, #tpu.memory_space<semaphore_mem>>)
      %dma_wait3A_64 = arith.constant 0 : i32
      %dma_wait3A_65 = tpu.memref_slice %arg11[%mul3A_2, %dma_wait3A_64] : memref<10000x128xf32, #tpu.memory_space<vmem_shared>> -> memref<624x128xf32, #tpu.memory_space<vmem_shared>>
      tpu.wait_dma2 semaphore(%run_scoped3A_61 : memref<!tpu.dma_semaphore, #tpu.memory_space<semaphore_mem>>) src(%arg5 : memref<624x128xf32, #tpu.memory_space<hbm>>) dst(%dma_wait3A_65 : memref<624x128xf32, #tpu.memory_space<vmem_shared>>)
      tpu.yield
    }) : () -> ()
    %eq3A = arith.constant 15 : i32
    %eq3A_3 = arith.cmpi eq, %arg1, %eq3A : i32
    %convert_element_type3A = arith.extui %eq3A_3 : i1 to i32
    %cond3A = arith.constant 0 : i32
    %cond3A_4 = arith.cmpi ne, %convert_element_type3A, %cond3A : i32
    scf.if %cond3A_4 {
      "tpu.region"() ({
        %run_scoped3A_61 = tpu.sem_alloc : memref<!tpu.dma_semaphore, #tpu.memory_space<semaphore_mem>>
        %dma_start3A_62 = arith.constant 9984 : i32
        %dma_start3A_63 = arith.constant 0 : i32
        %dma_start3A_64 = tpu.memref_slice %arg11[%dma_start3A_62, %dma_start3A_63] : memref<10000x128xf32, #tpu.memory_space<vmem_shared>> -> memref<16x128xf32, #tpu.memory_space<vmem_shared>>
        %dma_start3A_65 = arith.constant 0 : i32
        %dma_start3A_66 = arith.constant 0 : i32
        %dma_start3A_67 = tpu.memref_slice %arg5[%dma_start3A_65, %dma_start3A_66] : memref<624x128xf32, #tpu.memory_space<hbm>> -> memref<16x128xf32, #tpu.memory_space<hbm>>
        tpu.enqueue_dma source(%dma_start3A_67 : memref<16x128xf32, #tpu.memory_space<hbm>>) target(%dma_start3A_64 : memref<16x128xf32, #tpu.memory_space<vmem_shared>>) target_semaphore(%run_scoped3A_61 : memref<!tpu.dma_semaphore, #tpu.memory_space<semaphore_mem>>)
        %dma_wait3A_68 = arith.constant 9984 : i32
        %dma_wait3A_69 = arith.constant 0 : i32
        %dma_wait3A_70 = tpu.memref_slice %arg11[%dma_wait3A_68, %dma_wait3A_69] : memref<10000x128xf32, #tpu.memory_space<vmem_shared>> -> memref<16x128xf32, #tpu.memory_space<vmem_shared>>
        %dma_wait3A_71 = arith.constant 0 : i32
        %dma_wait3A_72 = arith.constant 0 : i32
        %dma_wait3A_73 = tpu.memref_slice %arg5[%dma_wait3A_71, %dma_wait3A_72] : memref<624x128xf32, #tpu.memory_space<hbm>> -> memref<16x128xf32, #tpu.memory_space<hbm>>
        tpu.wait_dma2 semaphore(%run_scoped3A_61 : memref<!tpu.dma_semaphore, #tpu.memory_space<semaphore_mem>>) src(%dma_wait3A_73 : memref<16x128xf32, #tpu.memory_space<hbm>>) dst(%dma_wait3A_70 : memref<16x128xf32, #tpu.memory_space<vmem_shared>>)
        tpu.yield
      }) : () -> ()
    } else {
    }
    %barrier3A = arith.constant 0 : index
    tpu.barrier barrier_id(%barrier3A)
    %run_scoped3A = arith.constant 0 : i32
    "tpu.region"() ({
      %run_scoped3A_61 = tpu.sem_alloc : memref<!tpu.dma_semaphore, #tpu.memory_space<semaphore_mem>>
      %dma_start3A_62 = arith.constant 0 : i32
      %dma_start3A_63 = arith.constant 0 : i32
      %dma_start3A_64 = tpu.memref_slice %arg3[%add3A, %run_scoped3A, %dma_start3A_62, %dma_start3A_63] : memref<32x5x25x80xi32, #tpu.memory_space<hbm>> -> memref<1x1x25x80xi32, #tpu.memory_space<hbm>>
      %dma_start3A_65 = tpu.memref_squeeze %dma_start3A_64 : memref<1x1x25x80xi32, #tpu.memory_space<hbm>> -> memref<25x80xi32, #tpu.memory_space<hbm>>
      %dma_start3A_66 = arith.constant 0 : i32
      %dma_start3A_67 = arith.constant 0 : i32
      %dma_start3A_68 = tpu.memref_slice %arg3[%add3A, %run_scoped3A, %dma_start3A_66, %dma_start3A_67] : memref<32x5x25x80xi32, #tpu.memory_space<hbm>> -> memref<1x1x25x80xi32, #tpu.memory_space<hbm>>
      %dma_start3A_69 = tpu.memref_squeeze %dma_start3A_68 : memref<1x1x25x80xi32, #tpu.memory_space<hbm>> -> memref<25x80xi32, #tpu.memory_space<hbm>>
      tpu.enqueue_dma source(%dma_start3A_69 : memref<25x80xi32, #tpu.memory_space<hbm>>) target(%arg7 : memref<25x80xi32, #tpu.memory_space<vmem>>) target_semaphore(%run_scoped3A_61 : memref<!tpu.dma_semaphore, #tpu.memory_space<semaphore_mem>>)
      %dma_wait3A_70 = arith.constant 0 : i32
      %dma_wait3A_71 = arith.constant 0 : i32
      %dma_wait3A_72 = tpu.memref_slice %arg3[%add3A, %run_scoped3A, %dma_wait3A_70, %dma_wait3A_71] : memref<32x5x25x80xi32, #tpu.memory_space<hbm>> -> memref<1x1x25x80xi32, #tpu.memory_space<hbm>>
      %dma_wait3A_73 = tpu.memref_squeeze %dma_wait3A_72 : memref<1x1x25x80xi32, #tpu.memory_space<hbm>> -> memref<25x80xi32, #tpu.memory_space<hbm>>
      %dma_wait3A_74 = arith.constant 0 : i32
      %dma_wait3A_75 = arith.constant 0 : i32
      %dma_wait3A_76 = tpu.memref_slice %arg3[%add3A, %run_scoped3A, %dma_wait3A_74, %dma_wait3A_75] : memref<32x5x25x80xi32, #tpu.memory_space<hbm>> -> memref<1x1x25x80xi32, #tpu.memory_space<hbm>>
      %dma_wait3A_77 = tpu.memref_squeeze %dma_wait3A_76 : memref<1x1x25x80xi32, #tpu.memory_space<hbm>> -> memref<25x80xi32, #tpu.memory_space<hbm>>
      tpu.wait_dma2 semaphore(%run_scoped3A_61 : memref<!tpu.dma_semaphore, #tpu.memory_space<semaphore_mem>>) src(%dma_wait3A_77 : memref<25x80xi32, #tpu.memory_space<hbm>>) dst(%arg7 : memref<25x80xi32, #tpu.memory_space<vmem>>)
      tpu.yield
    }) : () -> ()
    %run_scoped3A_5 = arith.constant 0 : i32
    "tpu.region"() ({
      %run_scoped3A_61 = tpu.sem_alloc : memref<!tpu.dma_semaphore, #tpu.memory_space<semaphore_mem>>
      %dma_start3A_62 = arith.constant 0 : i32
      %dma_start3A_63 = arith.constant 0 : i32
      %dma_start3A_64 = tpu.memref_slice %arg4[%add3A, %run_scoped3A_5, %dma_start3A_62, %dma_start3A_63] : memref<32x5x25x80xi32, #tpu.memory_space<hbm>> -> memref<1x1x25x80xi32, #tpu.memory_space<hbm>>
      %dma_start3A_65 = tpu.memref_squeeze %dma_start3A_64 : memref<1x1x25x80xi32, #tpu.memory_space<hbm>> -> memref<25x80xi32, #tpu.memory_space<hbm>>
      %dma_start3A_66 = arith.constant 0 : i32
      %dma_start3A_67 = arith.constant 0 : i32
      %dma_start3A_68 = tpu.memref_slice %arg4[%add3A, %run_scoped3A_5, %dma_start3A_66, %dma_start3A_67] : memref<32x5x25x80xi32, #tpu.memory_space<hbm>> -> memref<1x1x25x80xi32, #tpu.memory_space<hbm>>
      %dma_start3A_69 = tpu.memref_squeeze %dma_start3A_68 : memref<1x1x25x80xi32, #tpu.memory_space<hbm>> -> memref<25x80xi32, #tpu.memory_space<hbm>>
      tpu.enqueue_dma source(%dma_start3A_69 : memref<25x80xi32, #tpu.memory_space<hbm>>) target(%arg8 : memref<25x80xi32, #tpu.memory_space<vmem>>) target_semaphore(%run_scoped3A_61 : memref<!tpu.dma_semaphore, #tpu.memory_space<semaphore_mem>>)
      %dma_wait3A_70 = arith.constant 0 : i32
      %dma_wait3A_71 = arith.constant 0 : i32
      %dma_wait3A_72 = tpu.memref_slice %arg4[%add3A, %run_scoped3A_5, %dma_wait3A_70, %dma_wait3A_71] : memref<32x5x25x80xi32, #tpu.memory_space<hbm>> -> memref<1x1x25x80xi32, #tpu.memory_space<hbm>>
      %dma_wait3A_73 = tpu.memref_squeeze %dma_wait3A_72 : memref<1x1x25x80xi32, #tpu.memory_space<hbm>> -> memref<25x80xi32, #tpu.memory_space<hbm>>
      %dma_wait3A_74 = arith.constant 0 : i32
      %dma_wait3A_75 = arith.constant 0 : i32
      %dma_wait3A_76 = tpu.memref_slice %arg4[%add3A, %run_scoped3A_5, %dma_wait3A_74, %dma_wait3A_75] : memref<32x5x25x80xi32, #tpu.memory_space<hbm>> -> memref<1x1x25x80xi32, #tpu.memory_space<hbm>>
      %dma_wait3A_77 = tpu.memref_squeeze %dma_wait3A_76 : memref<1x1x25x80xi32, #tpu.memory_space<hbm>> -> memref<25x80xi32, #tpu.memory_space<hbm>>
      tpu.wait_dma2 semaphore(%run_scoped3A_61 : memref<!tpu.dma_semaphore, #tpu.memory_space<semaphore_mem>>) src(%dma_wait3A_77 : memref<25x80xi32, #tpu.memory_space<hbm>>) dst(%arg8 : memref<25x80xi32, #tpu.memory_space<vmem>>)
      tpu.yield
    }) : () -> ()
    %dma_start3A = arith.constant 0 : i32
    %dma_start3A_6 = arith.constant 0 : i32
    %dma_start3A_7 = arith.constant 0 : i32
    %dma_start3A_8 = arith.constant 0 : i32
    %dma_start3A_9 = tpu.memref_slice %arg10[%dma_start3A_6, %dma_start3A_7, %dma_start3A_8] : memref<3x80x128xf32, #tpu.memory_space<vmem>> -> memref<1x80x128xf32, #tpu.memory_space<vmem>>
    %dma_start3A_10 = tpu.memref_squeeze %dma_start3A_9 : memref<1x80x128xf32, #tpu.memory_space<vmem>> -> memref<80x128xf32, #tpu.memory_space<vmem>>
    %dma_start3A_11 = arith.constant 0 : i32
    %dma_start3A_12 = tpu.memref_slice %arg7[%dma_start3A, %dma_start3A_11] : memref<25x80xi32, #tpu.memory_space<vmem>> -> memref<1x80xi32, #tpu.memory_space<vmem>>
    %dma_start3A_13 = tpu.memref_squeeze %dma_start3A_12 : memref<1x80xi32, #tpu.memory_space<vmem>> -> memref<80xi32, #tpu.memory_space<vmem>>
    %dma_start3A_14 = arith.constant 0 : i32
    %dma_start3A_15 = arith.constant 0 : i32
    %dma_start3A_16 = tpu.memref_slice %arg2[%dma_start3A_14, %dma_start3A_15] : memref<10000x128xf32, #tpu.memory_space<hbm>> -> memref<10000x128xf32, #tpu.memory_space<hbm>>
    tpu.enqueue_indirect_dma source(%dma_start3A_16 : memref<10000x128xf32, #tpu.memory_space<hbm>>) target(%dma_start3A_10 : memref<80x128xf32, #tpu.memory_space<vmem>>) offsets(%dma_start3A_13 : memref<80xi32, #tpu.memory_space<vmem>>) semaphore(%arg12 : memref<!tpu.dma_semaphore, #tpu.memory_space<semaphore_mem>>)
    %dma_start3A_17 = arith.constant 1 : i32
    %dma_start3A_18 = arith.constant 1 : i32
    %dma_start3A_19 = arith.constant 0 : i32
    %dma_start3A_20 = arith.constant 0 : i32
    %dma_start3A_21 = tpu.memref_slice %arg10[%dma_start3A_18, %dma_start3A_19, %dma_start3A_20] : memref<3x80x128xf32, #tpu.memory_space<vmem>> -> memref<1x80x128xf32, #tpu.memory_space<vmem>>
    %dma_start3A_22 = tpu.memref_squeeze %dma_start3A_21 : memref<1x80x128xf32, #tpu.memory_space<vmem>> -> memref<80x128xf32, #tpu.memory_space<vmem>>
    %dma_start3A_23 = arith.constant 0 : i32
    %dma_start3A_24 = tpu.memref_slice %arg7[%dma_start3A_17, %dma_start3A_23] : memref<25x80xi32, #tpu.memory_space<vmem>> -> memref<1x80xi32, #tpu.memory_space<vmem>>
    %dma_start3A_25 = tpu.memref_squeeze %dma_start3A_24 : memref<1x80xi32, #tpu.memory_space<vmem>> -> memref<80xi32, #tpu.memory_space<vmem>>
    %dma_start3A_26 = arith.constant 0 : i32
    %dma_start3A_27 = arith.constant 0 : i32
    %dma_start3A_28 = tpu.memref_slice %arg2[%dma_start3A_26, %dma_start3A_27] : memref<10000x128xf32, #tpu.memory_space<hbm>> -> memref<10000x128xf32, #tpu.memory_space<hbm>>
    tpu.enqueue_indirect_dma source(%dma_start3A_28 : memref<10000x128xf32, #tpu.memory_space<hbm>>) target(%dma_start3A_22 : memref<80x128xf32, #tpu.memory_space<vmem>>) offsets(%dma_start3A_25 : memref<80xi32, #tpu.memory_space<vmem>>) semaphore(%arg12 : memref<!tpu.dma_semaphore, #tpu.memory_space<semaphore_mem>>)
    %scan3A = arith.constant 0 : i32
    %scan3A_29 = arith.constant 0 : i32
    %scan3A_30 = arith.constant 5 : i32
    %scan3A_31 = arith.addi %scan3A_29, %scan3A_30 : i32
    %scan3A_32 = arith.constant 1 : i32
    scf.for %scan3A_61 = %scan3A_29 to %scan3A_31 step %scan3A_32  : i32 {
      %ge3A = arith.constant 1 : i32
      %ge3A_62 = arith.cmpi sge, %scan3A_61, %ge3A : i32
      %convert_element_type3A_63 = arith.extui %ge3A_62 : i1 to i32
      %cond3A_64 = arith.constant 0 : i32
      %cond3A_65 = arith.cmpi ne, %convert_element_type3A_63, %cond3A_64 : i32
      scf.if %cond3A_65 {
        %dma_wait3A_93 = arith.constant 0 : i32
        %dma_wait3A_94 = arith.constant 0 : i32
        %dma_wait3A_95 = arith.constant 0 : i32
        %dma_wait3A_96 = tpu.memref_slice %arg10[%dma_wait3A_93, %dma_wait3A_94, %dma_wait3A_95] : memref<3x80x128xf32, #tpu.memory_space<vmem>> -> memref<1x80x128xf32, #tpu.memory_space<vmem>>
        %dma_wait3A_97 = tpu.memref_squeeze %dma_wait3A_96 : memref<1x80x128xf32, #tpu.memory_space<vmem>> -> memref<80x128xf32, #tpu.memory_space<vmem>>
        %dma_wait3A_98 = arith.constant 0 : i32
        %dma_wait3A_99 = arith.constant 0 : i32
        %dma_wait3A_100 = tpu.memref_slice %arg2[%dma_wait3A_98, %dma_wait3A_99] : memref<10000x128xf32, #tpu.memory_space<hbm>> -> memref<80x128xf32, #tpu.memory_space<hbm>>
        %dma_wait3A_101 = arith.constant 0 : i32
        %dma_wait3A_102 = arith.constant 0 : i32
        %dma_wait3A_103 = tpu.memref_slice %arg10[%dma_wait3A_93, %dma_wait3A_101, %dma_wait3A_102] : memref<3x80x128xf32, #tpu.memory_space<vmem>> -> memref<1x80x128xf32, #tpu.memory_space<vmem>>
        %dma_wait3A_104 = tpu.memref_squeeze %dma_wait3A_103 : memref<1x80x128xf32, #tpu.memory_space<vmem>> -> memref<80x128xf32, #tpu.memory_space<vmem>>
        %dma_wait3A_105 = arith.constant 0 : i32
        %dma_wait3A_106 = arith.constant 0 : i32
        %dma_wait3A_107 = tpu.memref_slice %arg2[%dma_wait3A_105, %dma_wait3A_106] : memref<10000x128xf32, #tpu.memory_space<hbm>> -> memref<80x128xf32, #tpu.memory_space<hbm>>
        tpu.wait_dma2 semaphore(%arg13 : memref<!tpu.dma_semaphore, #tpu.memory_space<semaphore_mem>>) src(%dma_wait3A_107 : memref<80x128xf32, #tpu.memory_space<hbm>>) dst(%dma_wait3A_104 : memref<80x128xf32, #tpu.memory_space<vmem>>)
        "tpu.region"() ({
          %run_scoped3A_108 = tpu.sem_alloc : memref<!tpu.dma_semaphore, #tpu.memory_space<semaphore_mem>>
          %dma_start3A_109 = arith.constant 0 : i32
          %dma_start3A_110 = arith.constant 0 : i32
          %dma_start3A_111 = tpu.memref_slice %arg4[%add3A, %scan3A_61, %dma_start3A_109, %dma_start3A_110] : memref<32x5x25x80xi32, #tpu.memory_space<hbm>> -> memref<1x1x25x80xi32, #tpu.memory_space<hbm>>
          %dma_start3A_112 = tpu.memref_squeeze %dma_start3A_111 : memref<1x1x25x80xi32, #tpu.memory_space<hbm>> -> memref<25x80xi32, #tpu.memory_space<hbm>>
          %dma_start3A_113 = arith.constant 0 : i32
          %dma_start3A_114 = arith.constant 0 : i32
          %dma_start3A_115 = tpu.memref_slice %arg4[%add3A, %scan3A_61, %dma_start3A_113, %dma_start3A_114] : memref<32x5x25x80xi32, #tpu.memory_space<hbm>> -> memref<1x1x25x80xi32, #tpu.memory_space<hbm>>
          %dma_start3A_116 = tpu.memref_squeeze %dma_start3A_115 : memref<1x1x25x80xi32, #tpu.memory_space<hbm>> -> memref<25x80xi32, #tpu.memory_space<hbm>>
          tpu.enqueue_dma source(%dma_start3A_116 : memref<25x80xi32, #tpu.memory_space<hbm>>) target(%arg8 : memref<25x80xi32, #tpu.memory_space<vmem>>) target_semaphore(%run_scoped3A_108 : memref<!tpu.dma_semaphore, #tpu.memory_space<semaphore_mem>>)
          %dma_wait3A_117 = arith.constant 0 : i32
          %dma_wait3A_118 = arith.constant 0 : i32
          %dma_wait3A_119 = tpu.memref_slice %arg4[%add3A, %scan3A_61, %dma_wait3A_117, %dma_wait3A_118] : memref<32x5x25x80xi32, #tpu.memory_space<hbm>> -> memref<1x1x25x80xi32, #tpu.memory_space<hbm>>
          %dma_wait3A_120 = tpu.memref_squeeze %dma_wait3A_119 : memref<1x1x25x80xi32, #tpu.memory_space<hbm>> -> memref<25x80xi32, #tpu.memory_space<hbm>>
          %dma_wait3A_121 = arith.constant 0 : i32
          %dma_wait3A_122 = arith.constant 0 : i32
          %dma_wait3A_123 = tpu.memref_slice %arg4[%add3A, %scan3A_61, %dma_wait3A_121, %dma_wait3A_122] : memref<32x5x25x80xi32, #tpu.memory_space<hbm>> -> memref<1x1x25x80xi32, #tpu.memory_space<hbm>>
          %dma_wait3A_124 = tpu.memref_squeeze %dma_wait3A_123 : memref<1x1x25x80xi32, #tpu.memory_space<hbm>> -> memref<25x80xi32, #tpu.memory_space<hbm>>
          tpu.wait_dma2 semaphore(%run_scoped3A_108 : memref<!tpu.dma_semaphore, #tpu.memory_space<semaphore_mem>>) src(%dma_wait3A_124 : memref<25x80xi32, #tpu.memory_space<hbm>>) dst(%arg8 : memref<25x80xi32, #tpu.memory_space<vmem>>)
          tpu.yield
        }) : () -> ()
      } else {
      }
      %add3A_66 = arith.constant 1 : i32
      %add3A_67 = arith.addi %scan3A_61, %add3A_66 : i32
      %lt3A = arith.constant 5 : i32
      %lt3A_68 = arith.cmpi slt, %add3A_67, %lt3A : i32
      %rem3A = arith.constant 2 : i32
      %rem3A_69 = arith.remsi %scan3A_61, %rem3A : i32
      %eq3A_70 = arith.constant 1 : i32
      %eq3A_71 = arith.cmpi eq, %rem3A_69, %eq3A_70 : i32
      %and3A = arith.andi %lt3A_68, %eq3A_71 : i1
      %convert_element_type3A_72 = arith.extui %and3A : i1 to i32
      %cond3A_73 = arith.constant 0 : i32
      %cond3A_74 = arith.cmpi ne, %convert_element_type3A_72, %cond3A_73 : i32
      scf.if %cond3A_74 {
        %add3A_93 = arith.constant 1 : i32
        %add3A_94 = arith.addi %scan3A_61, %add3A_93 : i32
        "tpu.region"() ({
          %run_scoped3A_95 = tpu.sem_alloc : memref<!tpu.dma_semaphore, #tpu.memory_space<semaphore_mem>>
          %dma_start3A_96 = arith.constant 0 : i32
          %dma_start3A_97 = arith.constant 0 : i32
          %dma_start3A_98 = tpu.memref_slice %arg3[%add3A, %add3A_94, %dma_start3A_96, %dma_start3A_97] : memref<32x5x25x80xi32, #tpu.memory_space<hbm>> -> memref<1x1x25x80xi32, #tpu.memory_space<hbm>>
          %dma_start3A_99 = tpu.memref_squeeze %dma_start3A_98 : memref<1x1x25x80xi32, #tpu.memory_space<hbm>> -> memref<25x80xi32, #tpu.memory_space<hbm>>
          %dma_start3A_100 = arith.constant 0 : i32
          %dma_start3A_101 = arith.constant 0 : i32
          %dma_start3A_102 = tpu.memref_slice %arg3[%add3A, %add3A_94, %dma_start3A_100, %dma_start3A_101] : memref<32x5x25x80xi32, #tpu.memory_space<hbm>> -> memref<1x1x25x80xi32, #tpu.memory_space<hbm>>
          %dma_start3A_103 = tpu.memref_squeeze %dma_start3A_102 : memref<1x1x25x80xi32, #tpu.memory_space<hbm>> -> memref<25x80xi32, #tpu.memory_space<hbm>>
          tpu.enqueue_dma source(%dma_start3A_103 : memref<25x80xi32, #tpu.memory_space<hbm>>) target(%arg7 : memref<25x80xi32, #tpu.memory_space<vmem>>) target_semaphore(%run_scoped3A_95 : memref<!tpu.dma_semaphore, #tpu.memory_space<semaphore_mem>>)
          %dma_wait3A_104 = arith.constant 0 : i32
          %dma_wait3A_105 = arith.constant 0 : i32
          %dma_wait3A_106 = tpu.memref_slice %arg3[%add3A, %add3A_94, %dma_wait3A_104, %dma_wait3A_105] : memref<32x5x25x80xi32, #tpu.memory_space<hbm>> -> memref<1x1x25x80xi32, #tpu.memory_space<hbm>>
          %dma_wait3A_107 = tpu.memref_squeeze %dma_wait3A_106 : memref<1x1x25x80xi32, #tpu.memory_space<hbm>> -> memref<25x80xi32, #tpu.memory_space<hbm>>
          %dma_wait3A_108 = arith.constant 0 : i32
          %dma_wait3A_109 = arith.constant 0 : i32
          %dma_wait3A_110 = tpu.memref_slice %arg3[%add3A, %add3A_94, %dma_wait3A_108, %dma_wait3A_109] : memref<32x5x25x80xi32, #tpu.memory_space<hbm>> -> memref<1x1x25x80xi32, #tpu.memory_space<hbm>>
          %dma_wait3A_111 = tpu.memref_squeeze %dma_wait3A_110 : memref<1x1x25x80xi32, #tpu.memory_space<hbm>> -> memref<25x80xi32, #tpu.memory_space<hbm>>
          tpu.wait_dma2 semaphore(%run_scoped3A_95 : memref<!tpu.dma_semaphore, #tpu.memory_space<semaphore_mem>>) src(%dma_wait3A_111 : memref<25x80xi32, #tpu.memory_space<hbm>>) dst(%arg7 : memref<25x80xi32, #tpu.memory_space<vmem>>)
          tpu.yield
        }) : () -> ()
      } else {
      }
      %add3A_75 = arith.constant 1 : i32
      %add3A_76 = arith.addi %scan3A_61, %add3A_75 : i32
      %lt3A_77 = arith.constant 5 : i32
      %lt3A_78 = arith.cmpi slt, %add3A_76, %lt3A_77 : i32
      %rem3A_79 = arith.constant 2 : i32
      %rem3A_80 = arith.remsi %scan3A_61, %rem3A_79 : i32
      %eq3A_81 = arith.constant 0 : i32
      %eq3A_82 = arith.cmpi eq, %rem3A_80, %eq3A_81 : i32
      %and3A_83 = arith.andi %lt3A_78, %eq3A_82 : i1
      %convert_element_type3A_84 = arith.extui %and3A_83 : i1 to i32
      %cond3A_85 = arith.constant 0 : i32
      %cond3A_86 = arith.cmpi ne, %convert_element_type3A_84, %cond3A_85 : i32
      scf.if %cond3A_86 {
        %add3A_93 = arith.constant 1 : i32
        %add3A_94 = arith.addi %scan3A_61, %add3A_93 : i32
        "tpu.region"() ({
          %run_scoped3A_95 = tpu.sem_alloc : memref<!tpu.dma_semaphore, #tpu.memory_space<semaphore_mem>>
          %dma_start3A_96 = arith.constant 0 : i32
          %dma_start3A_97 = arith.constant 0 : i32
          %dma_start3A_98 = tpu.memref_slice %arg3[%add3A, %add3A_94, %dma_start3A_96, %dma_start3A_97] : memref<32x5x25x80xi32, #tpu.memory_space<hbm>> -> memref<1x1x25x80xi32, #tpu.memory_space<hbm>>
          %dma_start3A_99 = tpu.memref_squeeze %dma_start3A_98 : memref<1x1x25x80xi32, #tpu.memory_space<hbm>> -> memref<25x80xi32, #tpu.memory_space<hbm>>
          %dma_start3A_100 = arith.constant 0 : i32
          %dma_start3A_101 = arith.constant 0 : i32
          %dma_start3A_102 = tpu.memref_slice %arg3[%add3A, %add3A_94, %dma_start3A_100, %dma_start3A_101] : memref<32x5x25x80xi32, #tpu.memory_space<hbm>> -> memref<1x1x25x80xi32, #tpu.memory_space<hbm>>
          %dma_start3A_103 = tpu.memref_squeeze %dma_start3A_102 : memref<1x1x25x80xi32, #tpu.memory_space<hbm>> -> memref<25x80xi32, #tpu.memory_space<hbm>>
          tpu.enqueue_dma source(%dma_start3A_103 : memref<25x80xi32, #tpu.memory_space<hbm>>) target(%arg9 : memref<25x80xi32, #tpu.memory_space<vmem>>) target_semaphore(%run_scoped3A_95 : memref<!tpu.dma_semaphore, #tpu.memory_space<semaphore_mem>>)
          %dma_wait3A_104 = arith.constant 0 : i32
          %dma_wait3A_105 = arith.constant 0 : i32
          %dma_wait3A_106 = tpu.memref_slice %arg3[%add3A, %add3A_94, %dma_wait3A_104, %dma_wait3A_105] : memref<32x5x25x80xi32, #tpu.memory_space<hbm>> -> memref<1x1x25x80xi32, #tpu.memory_space<hbm>>
          %dma_wait3A_107 = tpu.memref_squeeze %dma_wait3A_106 : memref<1x1x25x80xi32, #tpu.memory_space<hbm>> -> memref<25x80xi32, #tpu.memory_space<hbm>>
          %dma_wait3A_108 = arith.constant 0 : i32
          %dma_wait3A_109 = arith.constant 0 : i32
          %dma_wait3A_110 = tpu.memref_slice %arg3[%add3A, %add3A_94, %dma_wait3A_108, %dma_wait3A_109] : memref<32x5x25x80xi32, #tpu.memory_space<hbm>> -> memref<1x1x25x80xi32, #tpu.memory_space<hbm>>
          %dma_wait3A_111 = tpu.memref_squeeze %dma_wait3A_110 : memref<1x1x25x80xi32, #tpu.memory_space<hbm>> -> memref<25x80xi32, #tpu.memory_space<hbm>>
          tpu.wait_dma2 semaphore(%run_scoped3A_95 : memref<!tpu.dma_semaphore, #tpu.memory_space<semaphore_mem>>) src(%dma_wait3A_111 : memref<25x80xi32, #tpu.memory_space<hbm>>) dst(%arg9 : memref<25x80xi32, #tpu.memory_space<vmem>>)
          tpu.yield
        }) : () -> ()
      } else {
      }
      %scan3A_87 = arith.constant 0 : i32
      %scan3A_88 = arith.constant 0 : i32
      %scan3A_89 = arith.constant 25 : i32
      %scan3A_90 = arith.addi %scan3A_88, %scan3A_89 : i32
      %scan3A_91 = arith.constant 1 : i32
      scf.for %scan3A_93 = %scan3A_88 to %scan3A_90 step %scan3A_91  : i32 {
        %mul3A_94 = arith.constant 25 : i32
        %mul3A_95 = arith.muli %scan3A_61, %mul3A_94 : i32
        %add3A_96 = arith.addi %mul3A_95, %scan3A_93 : i32
        %ge3A_97 = arith.constant 1 : i32
        %ge3A_98 = arith.cmpi sge, %scan3A_93, %ge3A_97 : i32
        %convert_element_type3A_99 = arith.extui %ge3A_98 : i1 to i32
        %cond3A_100 = arith.constant 0 : i32
        %cond3A_101 = arith.cmpi ne, %convert_element_type3A_99, %cond3A_100 : i32
        scf.if %cond3A_101 {
          %dma_wait3A_154 = arith.constant 0 : i32
          %dma_wait3A_155 = arith.constant 0 : i32
          %dma_wait3A_156 = arith.constant 0 : i32
          %dma_wait3A_157 = tpu.memref_slice %arg10[%dma_wait3A_154, %dma_wait3A_155, %dma_wait3A_156] : memref<3x80x128xf32, #tpu.memory_space<vmem>> -> memref<1x80x128xf32, #tpu.memory_space<vmem>>
          %dma_wait3A_158 = tpu.memref_squeeze %dma_wait3A_157 : memref<1x80x128xf32, #tpu.memory_space<vmem>> -> memref<80x128xf32, #tpu.memory_space<vmem>>
          %dma_wait3A_159 = arith.constant 0 : i32
          %dma_wait3A_160 = arith.constant 0 : i32
          %dma_wait3A_161 = tpu.memref_slice %arg2[%dma_wait3A_159, %dma_wait3A_160] : memref<10000x128xf32, #tpu.memory_space<hbm>> -> memref<80x128xf32, #tpu.memory_space<hbm>>
          %dma_wait3A_162 = arith.constant 0 : i32
          %dma_wait3A_163 = arith.constant 0 : i32
          %dma_wait3A_164 = tpu.memref_slice %arg10[%dma_wait3A_154, %dma_wait3A_162, %dma_wait3A_163] : memref<3x80x128xf32, #tpu.memory_space<vmem>> -> memref<1x80x128xf32, #tpu.memory_space<vmem>>
          %dma_wait3A_165 = tpu.memref_squeeze %dma_wait3A_164 : memref<1x80x128xf32, #tpu.memory_space<vmem>> -> memref<80x128xf32, #tpu.memory_space<vmem>>
          %dma_wait3A_166 = arith.constant 0 : i32
          %dma_wait3A_167 = arith.constant 0 : i32
          %dma_wait3A_168 = tpu.memref_slice %arg2[%dma_wait3A_166, %dma_wait3A_167] : memref<10000x128xf32, #tpu.memory_space<hbm>> -> memref<80x128xf32, #tpu.memory_space<hbm>>
          tpu.wait_dma2 semaphore(%arg13 : memref<!tpu.dma_semaphore, #tpu.memory_space<semaphore_mem>>) src(%dma_wait3A_168 : memref<80x128xf32, #tpu.memory_space<hbm>>) dst(%dma_wait3A_165 : memref<80x128xf32, #tpu.memory_space<vmem>>)
        } else {
        }
        %add3A_102 = arith.constant 2 : i32
        %add3A_103 = arith.addi %add3A_96, %add3A_102 : i32
        %div3A = arith.constant 25 : i32
        %div3A_104 = arith.divsi %add3A_103, %div3A : i32
        %rem3A_105 = arith.constant 25 : i32
        %rem3A_106 = arith.remsi %add3A_103, %rem3A_105 : i32
        %lt3A_107 = arith.constant 125 : i32
        %lt3A_108 = arith.cmpi slt, %add3A_103, %lt3A_107 : i32
        %rem3A_109 = arith.constant 2 : i32
        %rem3A_110 = arith.remsi %div3A_104, %rem3A_109 : i32
        %eq3A_111 = arith.constant 0 : i32
        %eq3A_112 = arith.cmpi eq, %rem3A_110, %eq3A_111 : i32
        %and3A_113 = arith.andi %lt3A_108, %eq3A_112 : i1
        %convert_element_type3A_114 = arith.extui %and3A_113 : i1 to i32
        %cond3A_115 = arith.constant 0 : i32
        %cond3A_116 = arith.cmpi ne, %convert_element_type3A_114, %cond3A_115 : i32
        scf.if %cond3A_116 {
          %rem3A_154 = arith.constant 3 : i32
          %rem3A_155 = arith.remsi %add3A_103, %rem3A_154 : i32
          %dma_start3A_156 = arith.constant 0 : i32
          %dma_start3A_157 = arith.constant 0 : i32
          %dma_start3A_158 = tpu.memref_slice %arg10[%rem3A_155, %dma_start3A_156, %dma_start3A_157] : memref<3x80x128xf32, #tpu.memory_space<vmem>> -> memref<1x80x128xf32, #tpu.memory_space<vmem>>
          %dma_start3A_159 = tpu.memref_squeeze %dma_start3A_158 : memref<1x80x128xf32, #tpu.memory_space<vmem>> -> memref<80x128xf32, #tpu.memory_space<vmem>>
          %dma_start3A_160 = arith.constant 0 : i32
          %dma_start3A_161 = tpu.memref_slice %arg7[%rem3A_106, %dma_start3A_160] : memref<25x80xi32, #tpu.memory_space<vmem>> -> memref<1x80xi32, #tpu.memory_space<vmem>>
          %dma_start3A_162 = tpu.memref_squeeze %dma_start3A_161 : memref<1x80xi32, #tpu.memory_space<vmem>> -> memref<80xi32, #tpu.memory_space<vmem>>
          %dma_start3A_163 = arith.constant 0 : i32
          %dma_start3A_164 = arith.constant 0 : i32
          %dma_start3A_165 = tpu.memref_slice %arg2[%dma_start3A_163, %dma_start3A_164] : memref<10000x128xf32, #tpu.memory_space<hbm>> -> memref<10000x128xf32, #tpu.memory_space<hbm>>
          tpu.enqueue_indirect_dma source(%dma_start3A_165 : memref<10000x128xf32, #tpu.memory_space<hbm>>) target(%dma_start3A_159 : memref<80x128xf32, #tpu.memory_space<vmem>>) offsets(%dma_start3A_162 : memref<80xi32, #tpu.memory_space<vmem>>) semaphore(%arg12 : memref<!tpu.dma_semaphore, #tpu.memory_space<semaphore_mem>>)
        } else {
        }
        %lt3A_117 = arith.constant 125 : i32
        %lt3A_118 = arith.cmpi slt, %add3A_103, %lt3A_117 : i32
        %rem3A_119 = arith.constant 2 : i32
        %rem3A_120 = arith.remsi %div3A_104, %rem3A_119 : i32
        %eq3A_121 = arith.constant 1 : i32
        %eq3A_122 = arith.cmpi eq, %rem3A_120, %eq3A_121 : i32
        %and3A_123 = arith.andi %lt3A_118, %eq3A_122 : i1
        %convert_element_type3A_124 = arith.extui %and3A_123 : i1 to i32
        %cond3A_125 = arith.constant 0 : i32
        %cond3A_126 = arith.cmpi ne, %convert_element_type3A_124, %cond3A_125 : i32
        scf.if %cond3A_126 {
          %rem3A_154 = arith.constant 3 : i32
          %rem3A_155 = arith.remsi %add3A_103, %rem3A_154 : i32
          %dma_start3A_156 = arith.constant 0 : i32
          %dma_start3A_157 = arith.constant 0 : i32
          %dma_start3A_158 = tpu.memref_slice %arg10[%rem3A_155, %dma_start3A_156, %dma_start3A_157] : memref<3x80x128xf32, #tpu.memory_space<vmem>> -> memref<1x80x128xf32, #tpu.memory_space<vmem>>
          %dma_start3A_159 = tpu.memref_squeeze %dma_start3A_158 : memref<1x80x128xf32, #tpu.memory_space<vmem>> -> memref<80x128xf32, #tpu.memory_space<vmem>>
          %dma_start3A_160 = arith.constant 0 : i32
          %dma_start3A_161 = tpu.memref_slice %arg9[%rem3A_106, %dma_start3A_160] : memref<25x80xi32, #tpu.memory_space<vmem>> -> memref<1x80xi32, #tpu.memory_space<vmem>>
          %dma_start3A_162 = tpu.memref_squeeze %dma_start3A_161 : memref<1x80xi32, #tpu.memory_space<vmem>> -> memref<80xi32, #tpu.memory_space<vmem>>
          %dma_start3A_163 = arith.constant 0 : i32
          %dma_start3A_164 = arith.constant 0 : i32
          %dma_start3A_165 = tpu.memref_slice %arg2[%dma_start3A_163, %dma_start3A_164] : memref<10000x128xf32, #tpu.memory_space<hbm>> -> memref<10000x128xf32, #tpu.memory_space<hbm>>
          tpu.enqueue_indirect_dma source(%dma_start3A_165 : memref<10000x128xf32, #tpu.memory_space<hbm>>) target(%dma_start3A_159 : memref<80x128xf32, #tpu.memory_space<vmem>>) offsets(%dma_start3A_162 : memref<80xi32, #tpu.memory_space<vmem>>) semaphore(%arg12 : memref<!tpu.dma_semaphore, #tpu.memory_space<semaphore_mem>>)
        } else {
        }
        %dma_wait3A_127 = arith.constant 0 : i32
        %dma_wait3A_128 = arith.constant 0 : i32
        %dma_wait3A_129 = arith.constant 0 : i32
        %dma_wait3A_130 = tpu.memref_slice %arg10[%dma_wait3A_127, %dma_wait3A_128, %dma_wait3A_129] : memref<3x80x128xf32, #tpu.memory_space<vmem>> -> memref<1x80x128xf32, #tpu.memory_space<vmem>>
        %dma_wait3A_131 = tpu.memref_squeeze %dma_wait3A_130 : memref<1x80x128xf32, #tpu.memory_space<vmem>> -> memref<80x128xf32, #tpu.memory_space<vmem>>
        %dma_wait3A_132 = arith.constant 0 : i32
        %dma_wait3A_133 = arith.constant 0 : i32
        %dma_wait3A_134 = tpu.memref_slice %arg2[%dma_wait3A_132, %dma_wait3A_133] : memref<10000x128xf32, #tpu.memory_space<hbm>> -> memref<80x128xf32, #tpu.memory_space<hbm>>
        %dma_wait3A_135 = arith.constant 0 : i32
        %dma_wait3A_136 = arith.constant 0 : i32
        %dma_wait3A_137 = tpu.memref_slice %arg10[%dma_wait3A_127, %dma_wait3A_135, %dma_wait3A_136] : memref<3x80x128xf32, #tpu.memory_space<vmem>> -> memref<1x80x128xf32, #tpu.memory_space<vmem>>
        %dma_wait3A_138 = tpu.memref_squeeze %dma_wait3A_137 : memref<1x80x128xf32, #tpu.memory_space<vmem>> -> memref<80x128xf32, #tpu.memory_space<vmem>>
        %dma_wait3A_139 = arith.constant 0 : i32
        %dma_wait3A_140 = arith.constant 0 : i32
        %dma_wait3A_141 = tpu.memref_slice %arg2[%dma_wait3A_139, %dma_wait3A_140] : memref<10000x128xf32, #tpu.memory_space<hbm>> -> memref<80x128xf32, #tpu.memory_space<hbm>>
        tpu.wait_dma2 semaphore(%arg12 : memref<!tpu.dma_semaphore, #tpu.memory_space<semaphore_mem>>) src(%dma_wait3A_141 : memref<80x128xf32, #tpu.memory_space<hbm>>) dst(%dma_wait3A_138 : memref<80x128xf32, #tpu.memory_space<vmem>>)
        %rem3A_142 = arith.constant 3 : i32
        %rem3A_143 = arith.remsi %add3A_96, %rem3A_142 : i32
        %dma_start3A_144 = arith.constant 0 : i32
        %dma_start3A_145 = arith.constant 0 : i32
        %dma_start3A_146 = tpu.memref_slice %arg10[%rem3A_143, %dma_start3A_144, %dma_start3A_145] : memref<3x80x128xf32, #tpu.memory_space<vmem>> -> memref<1x80x128xf32, #tpu.memory_space<vmem>>
        %dma_start3A_147 = tpu.memref_squeeze %dma_start3A_146 : memref<1x80x128xf32, #tpu.memory_space<vmem>> -> memref<80x128xf32, #tpu.memory_space<vmem>>
        %dma_start3A_148 = arith.constant 0 : i32
        %dma_start3A_149 = tpu.memref_slice %arg8[%scan3A_93, %dma_start3A_148] : memref<25x80xi32, #tpu.memory_space<vmem>> -> memref<1x80xi32, #tpu.memory_space<vmem>>
        %dma_start3A_150 = tpu.memref_squeeze %dma_start3A_149 : memref<1x80xi32, #tpu.memory_space<vmem>> -> memref<80xi32, #tpu.memory_space<vmem>>
        %dma_start3A_151 = arith.constant 0 : i32
        %dma_start3A_152 = arith.constant 0 : i32
        %dma_start3A_153 = tpu.memref_slice %arg11[%dma_start3A_151, %dma_start3A_152] : memref<10000x128xf32, #tpu.memory_space<vmem_shared>> -> memref<10000x128xf32, #tpu.memory_space<vmem_shared>>
        tpu.enqueue_indirect_dma source(%dma_start3A_147 : memref<80x128xf32, #tpu.memory_space<vmem>>) target(%dma_start3A_153 : memref<10000x128xf32, #tpu.memory_space<vmem_shared>>) offsets(%dma_start3A_150 : memref<80xi32, #tpu.memory_space<vmem>>) semaphore(%arg13 : memref<!tpu.dma_semaphore, #tpu.memory_space<semaphore_mem>>) {add = true}
      }
      %scan3A_92 = arith.constant 25 : i32
    }
    %scan3A_33 = arith.constant 5 : i32
    %dma_wait3A = arith.constant 0 : i32
    %dma_wait3A_34 = arith.constant 0 : i32
    %dma_wait3A_35 = arith.constant 0 : i32
    %dma_wait3A_36 = tpu.memref_slice %arg10[%dma_wait3A, %dma_wait3A_34, %dma_wait3A_35] : memref<3x80x128xf32, #tpu.memory_space<vmem>> -> memref<1x80x128xf32, #tpu.memory_space<vmem>>
    %dma_wait3A_37 = tpu.memref_squeeze %dma_wait3A_36 : memref<1x80x128xf32, #tpu.memory_space<vmem>> -> memref<80x128xf32, #tpu.memory_space<vmem>>
    %dma_wait3A_38 = arith.constant 0 : i32
    %dma_wait3A_39 = arith.constant 0 : i32
    %dma_wait3A_40 = tpu.memref_slice %arg2[%dma_wait3A_38, %dma_wait3A_39] : memref<10000x128xf32, #tpu.memory_space<hbm>> -> memref<80x128xf32, #tpu.memory_space<hbm>>
    %dma_wait3A_41 = arith.constant 0 : i32
    %dma_wait3A_42 = arith.constant 0 : i32
    %dma_wait3A_43 = tpu.memref_slice %arg10[%dma_wait3A, %dma_wait3A_41, %dma_wait3A_42] : memref<3x80x128xf32, #tpu.memory_space<vmem>> -> memref<1x80x128xf32, #tpu.memory_space<vmem>>
    %dma_wait3A_44 = tpu.memref_squeeze %dma_wait3A_43 : memref<1x80x128xf32, #tpu.memory_space<vmem>> -> memref<80x128xf32, #tpu.memory_space<vmem>>
    %dma_wait3A_45 = arith.constant 0 : i32
    %dma_wait3A_46 = arith.constant 0 : i32
    %dma_wait3A_47 = tpu.memref_slice %arg2[%dma_wait3A_45, %dma_wait3A_46] : memref<10000x128xf32, #tpu.memory_space<hbm>> -> memref<80x128xf32, #tpu.memory_space<hbm>>
    tpu.wait_dma2 semaphore(%arg13 : memref<!tpu.dma_semaphore, #tpu.memory_space<semaphore_mem>>) src(%dma_wait3A_47 : memref<80x128xf32, #tpu.memory_space<hbm>>) dst(%dma_wait3A_44 : memref<80x128xf32, #tpu.memory_space<vmem>>)
    %barrier3A_48 = arith.constant 0 : index
    tpu.barrier barrier_id(%barrier3A_48)
    %mul3A_49 = arith.constant 624 : i32
    %mul3A_50 = arith.muli %arg1, %mul3A_49 : i32
    %mul3A_51 = arith.constant 10000 : i32
    %mul3A_52 = arith.muli %arg0, %mul3A_51 : i32
    %mul3A_53 = arith.constant 624 : i32
    %mul3A_54 = arith.muli %arg1, %mul3A_53 : i32
    %add3A_55 = arith.addi %mul3A_52, %mul3A_54 : i32
    "tpu.region"() ({
      %run_scoped3A_61 = tpu.sem_alloc : memref<!tpu.dma_semaphore, #tpu.memory_space<semaphore_mem>>
      %dma_start3A_62 = arith.constant 0 : i32
      %dma_start3A_63 = tpu.memref_slice %arg6[%add3A_55, %dma_start3A_62] : memref<20000x128xf32, #tpu.memory_space<hbm>> -> memref<624x128xf32, #tpu.memory_space<hbm>>
      %dma_start3A_64 = arith.constant 0 : i32
      %dma_start3A_65 = tpu.memref_slice %arg11[%mul3A_50, %dma_start3A_64] : memref<10000x128xf32, #tpu.memory_space<vmem_shared>> -> memref<624x128xf32, #tpu.memory_space<vmem_shared>>
      tpu.enqueue_dma source(%dma_start3A_65 : memref<624x128xf32, #tpu.memory_space<vmem_shared>>) target(%dma_start3A_63 : memref<624x128xf32, #tpu.memory_space<hbm>>) target_semaphore(%run_scoped3A_61 : memref<!tpu.dma_semaphore, #tpu.memory_space<semaphore_mem>>)
      %dma_wait3A_66 = arith.constant 0 : i32
      %dma_wait3A_67 = tpu.memref_slice %arg6[%add3A_55, %dma_wait3A_66] : memref<20000x128xf32, #tpu.memory_space<hbm>> -> memref<624x128xf32, #tpu.memory_space<hbm>>
      %dma_wait3A_68 = arith.constant 0 : i32
      %dma_wait3A_69 = tpu.memref_slice %arg11[%mul3A_50, %dma_wait3A_68] : memref<10000x128xf32, #tpu.memory_space<vmem_shared>> -> memref<624x128xf32, #tpu.memory_space<vmem_shared>>
      tpu.wait_dma2 semaphore(%run_scoped3A_61 : memref<!tpu.dma_semaphore, #tpu.memory_space<semaphore_mem>>) src(%dma_wait3A_69 : memref<624x128xf32, #tpu.memory_space<vmem_shared>>) dst(%dma_wait3A_67 : memref<624x128xf32, #tpu.memory_space<hbm>>)
      tpu.yield
    }) : () -> ()
    %eq3A_56 = arith.constant 15 : i32
    %eq3A_57 = arith.cmpi eq, %arg1, %eq3A_56 : i32
    %convert_element_type3A_58 = arith.extui %eq3A_57 : i1 to i32
    %cond3A_59 = arith.constant 0 : i32
    %cond3A_60 = arith.cmpi ne, %convert_element_type3A_58, %cond3A_59 : i32
    scf.if %cond3A_60 {
      %mul3A_61 = arith.constant 10000 : i32
      %mul3A_62 = arith.muli %arg0, %mul3A_61 : i32
      %add3A_63 = arith.constant 9984 : i32
      %add3A_64 = arith.addi %mul3A_62, %add3A_63 : i32
      "tpu.region"() ({
        %run_scoped3A_65 = tpu.sem_alloc : memref<!tpu.dma_semaphore, #tpu.memory_space<semaphore_mem>>
        %dma_start3A_66 = arith.constant 0 : i32
        %dma_start3A_67 = tpu.memref_slice %arg6[%add3A_64, %dma_start3A_66] : memref<20000x128xf32, #tpu.memory_space<hbm>> -> memref<16x128xf32, #tpu.memory_space<hbm>>
        %dma_start3A_68 = arith.constant 9984 : i32
        %dma_start3A_69 = arith.constant 0 : i32
        %dma_start3A_70 = tpu.memref_slice %arg11[%dma_start3A_68, %dma_start3A_69] : memref<10000x128xf32, #tpu.memory_space<vmem_shared>> -> memref<16x128xf32, #tpu.memory_space<vmem_shared>>
        tpu.enqueue_dma source(%dma_start3A_70 : memref<16x128xf32, #tpu.memory_space<vmem_shared>>) target(%dma_start3A_67 : memref<16x128xf32, #tpu.memory_space<hbm>>) target_semaphore(%run_scoped3A_65 : memref<!tpu.dma_semaphore, #tpu.memory_space<semaphore_mem>>)
        %dma_wait3A_71 = arith.constant 0 : i32
        %dma_wait3A_72 = tpu.memref_slice %arg6[%add3A_64, %dma_wait3A_71] : memref<20000x128xf32, #tpu.memory_space<hbm>> -> memref<16x128xf32, #tpu.memory_space<hbm>>
        %dma_wait3A_73 = arith.constant 9984 : i32
        %dma_wait3A_74 = arith.constant 0 : i32
        %dma_wait3A_75 = tpu.memref_slice %arg11[%dma_wait3A_73, %dma_wait3A_74] : memref<10000x128xf32, #tpu.memory_space<vmem_shared>> -> memref<16x128xf32, #tpu.memory_space<vmem_shared>>
        tpu.wait_dma2 semaphore(%run_scoped3A_65 : memref<!tpu.dma_semaphore, #tpu.memory_space<semaphore_mem>>) src(%dma_wait3A_75 : memref<16x128xf32, #tpu.memory_space<vmem_shared>>) dst(%dma_wait3A_72 : memref<16x128xf32, #tpu.memory_space<hbm>>)
        tpu.yield
      }) : () -> ()
    } else {
    }
    return
  }
}

module attributes {stable_mosaic.version = 14 : i64} {
  func.func @_mm_body(%arg0: memref<10000x128xf32, #tpu.memory_space<vmem>>, %arg1: memref<128x128xf32, #tpu.memory_space<vmem>>, %arg2: memref<10000x128xf32, #tpu.memory_space<vmem>>) attributes {dimension_semantics = [], scalar_prefetch = 0 : i64, scratch_operands = 0 : i64, tpu.core_type = #tpu.core_type<tc>} {
    %get3A = arith.constant 0 : index
    %get3A_0 = arith.constant 0 : index
    %get3A_1 = vector.load %arg0[%get3A, %get3A_0] : memref<10000x128xf32, #tpu.memory_space<vmem>>, vector<10000x128xf32>
    %get3A_2 = arith.constant 0 : index
    %get3A_3 = arith.constant 0 : index
    %get3A_4 = vector.load %arg1[%get3A_2, %get3A_3] : memref<128x128xf32, #tpu.memory_space<vmem>>, vector<128x128xf32>
    %dot_general3A = arith.constant dense<0.000000e+00> : vector<10000x128xf32>
    %dot_general3A_5 = tpu.matmul %get3A_1, %get3A_4, %dot_general3A {dimension_numbers = #tpu.dot_dimension_numbers<[1], [0], [0], [1], [0, 0, 1, 1], [], []>, transpose_lhs_hint = false} : vector<10000x128xf32>, vector<128x128xf32>, vector<10000x128xf32> -> vector<10000x128xf32>
    %swap3A = arith.constant 0 : index
    %swap3A_6 = arith.constant 0 : index
    %swap3A_7 = vector.load %arg2[%swap3A, %swap3A_6] : memref<10000x128xf32, #tpu.memory_space<vmem>>, vector<10000x128xf32>
    tpu.vector_store %arg2[%swap3A, %swap3A_6], %dot_general3A_5 {strides = array<i32>} : memref<10000x128xf32, #tpu.memory_space<vmem>>, vector<10000x128xf32>,
    return
  }
}

module attributes {stable_mosaic.version = 14 : i64} {
  func.func @_mid_body(%arg0: memref<10000x128xf32, #tpu.memory_space<vmem>>, %arg1: memref<20000x128xf32, #tpu.memory_space<vmem>>, %arg2: memref<1x1xf32, #tpu.memory_space<vmem>>, %arg3: memref<1x128xf32, #tpu.memory_space<vmem>>, %arg4: memref<128x128xf32, #tpu.memory_space<vmem>>, %arg5: memref<1x128xf32, #tpu.memory_space<vmem>>, %arg6: memref<128x128xf32, #tpu.memory_space<vmem>>, %arg7: memref<10000x128xf32, #tpu.memory_space<vmem>>) attributes {dimension_semantics = [], scalar_prefetch = 0 : i64, scratch_operands = 0 : i64, tpu.core_type = #tpu.core_type<tc>} {
    %get3A = arith.constant 0 : index
    %get3A_0 = arith.constant 0 : index
    %get3A_1 = vector.load %arg1[%get3A, %get3A_0] : memref<20000x128xf32, #tpu.memory_space<vmem>>, vector<10000x128xf32>
    %get3A_2 = arith.constant 10000 : index
    %get3A_3 = arith.constant 0 : index
    %get3A_4 = vector.load %arg1[%get3A_2, %get3A_3] : memref<20000x128xf32, #tpu.memory_space<vmem>>, vector<10000x128xf32>
    %add3A = arith.addf %get3A_1, %get3A_4 : vector<10000x128xf32>
    %get3A_5 = arith.constant 0 : index
    %get3A_6 = arith.constant 0 : index
    %get3A_7 = vector.load %arg2[%get3A_5, %get3A_6] : memref<1x1xf32, #tpu.memory_space<vmem>>, vector<1x1xf32>
    %get3A_8 = vector.extract %get3A_7[0, 0] : f32 from vector<1x1xf32>
    %add3A_9 = arith.constant 1.000000e+00 : f32
    %add3A_10 = arith.addf %add3A_9, %get3A_8 : f32
    %get3A_11 = arith.constant 0 : index
    %get3A_12 = arith.constant 0 : index
    %get3A_13 = vector.load %arg0[%get3A_11, %get3A_12] : memref<10000x128xf32, #tpu.memory_space<vmem>>, vector<10000x128xf32>
    %mul3A = vector.broadcast %add3A_10 : f32 to vector<10000x128xf32>
    %mul3A_14 = arith.mulf %mul3A, %get3A_13 : vector<10000x128xf32>
    %add3A_15 = arith.addf %mul3A_14, %add3A : vector<10000x128xf32>
    %get3A_16 = arith.constant 0 : index
    %get3A_17 = arith.constant 0 : index
    %get3A_18 = vector.load %arg3[%get3A_16, %get3A_17] : memref<1x128xf32, #tpu.memory_space<vmem>>, vector<1x128xf32>
    %add3A_19 = vector.broadcast %get3A_18 : vector<1x128xf32> to vector<10000x128xf32>
    %add3A_20 = arith.addf %add3A_15, %add3A_19 : vector<10000x128xf32>
    %max3A = arith.constant 0.000000e+00 : f32
    %max3A_21 = vector.broadcast %max3A : f32 to vector<10000x128xf32>
    %max3A_22 = arith.maximumf %add3A_20, %max3A_21 : vector<10000x128xf32>
    %get3A_23 = arith.constant 0 : index
    %get3A_24 = arith.constant 0 : index
    %get3A_25 = vector.load %arg4[%get3A_23, %get3A_24] : memref<128x128xf32, #tpu.memory_space<vmem>>, vector<128x128xf32>
    %dot_general3A = arith.constant dense<0.000000e+00> : vector<10000x128xf32>
    %dot_general3A_26 = tpu.matmul %max3A_22, %get3A_25, %dot_general3A {dimension_numbers = #tpu.dot_dimension_numbers<[1], [0], [0], [1], [0, 0, 1, 1], [], []>, transpose_lhs_hint = false} : vector<10000x128xf32>, vector<128x128xf32>, vector<10000x128xf32> -> vector<10000x128xf32>
    %get3A_27 = arith.constant 0 : index
    %get3A_28 = arith.constant 0 : index
    %get3A_29 = vector.load %arg5[%get3A_27, %get3A_28] : memref<1x128xf32, #tpu.memory_space<vmem>>, vector<1x128xf32>
    %add3A_30 = vector.broadcast %get3A_29 : vector<1x128xf32> to vector<10000x128xf32>
    %add3A_31 = arith.addf %dot_general3A_26, %add3A_30 : vector<10000x128xf32>
    %max3A_32 = arith.constant 0.000000e+00 : f32
    %max3A_33 = vector.broadcast %max3A_32 : f32 to vector<10000x128xf32>
    %max3A_34 = arith.maximumf %add3A_31, %max3A_33 : vector<10000x128xf32>
    %get3A_35 = arith.constant 0 : index
    %get3A_36 = arith.constant 0 : index
    %get3A_37 = vector.load %arg6[%get3A_35, %get3A_36] : memref<128x128xf32, #tpu.memory_space<vmem>>, vector<128x128xf32>
    %dot_general3A_38 = arith.constant dense<0.000000e+00> : vector<10000x128xf32>
    %dot_general3A_39 = tpu.matmul %max3A_34, %get3A_37, %dot_general3A_38 {dimension_numbers = #tpu.dot_dimension_numbers<[1], [0], [0], [1], [0, 0, 1, 1], [], []>, transpose_lhs_hint = false} : vector<10000x128xf32>, vector<128x128xf32>, vector<10000x128xf32> -> vector<10000x128xf32>
    %swap3A = arith.constant 0 : index
    %swap3A_40 = arith.constant 0 : index
    %swap3A_41 = vector.load %arg7[%swap3A, %swap3A_40] : memref<10000x128xf32, #tpu.memory_space<vmem>>, vector<10000x128xf32>
    tpu.vector_store %arg7[%swap3A, %swap3A_40], %dot_general3A_39 {strides = array<i32>} : memref<10000x128xf32, #tpu.memory_space<vmem>>, vector<10000x128xf32>,
    return
  }
}

module attributes {stable_mosaic.version = 14 : i64} {
  func.func @_out_body(%arg0: memref<10000x128xf32, #tpu.memory_space<vmem>>, %arg1: memref<20000x128xf32, #tpu.memory_space<vmem>>, %arg2: memref<1x1xf32, #tpu.memory_space<vmem>>, %arg3: memref<1x128xf32, #tpu.memory_space<vmem>>, %arg4: memref<128x64xf32, #tpu.memory_space<vmem>>, %arg5: memref<1x64xf32, #tpu.memory_space<vmem>>, %arg6: memref<10000x64xf32, #tpu.memory_space<vmem>>) attributes {dimension_semantics = [], scalar_prefetch = 0 : i64, scratch_operands = 0 : i64, tpu.core_type = #tpu.core_type<tc>} {
    %get3A = arith.constant 0 : index
    %get3A_0 = arith.constant 0 : index
    %get3A_1 = vector.load %arg1[%get3A, %get3A_0] : memref<20000x128xf32, #tpu.memory_space<vmem>>, vector<10000x128xf32>
    %get3A_2 = arith.constant 10000 : index
    %get3A_3 = arith.constant 0 : index
    %get3A_4 = vector.load %arg1[%get3A_2, %get3A_3] : memref<20000x128xf32, #tpu.memory_space<vmem>>, vector<10000x128xf32>
    %add3A = arith.addf %get3A_1, %get3A_4 : vector<10000x128xf32>
    %get3A_5 = arith.constant 0 : index
    %get3A_6 = arith.constant 0 : index
    %get3A_7 = vector.load %arg2[%get3A_5, %get3A_6] : memref<1x1xf32, #tpu.memory_space<vmem>>, vector<1x1xf32>
    %get3A_8 = vector.extract %get3A_7[0, 0] : f32 from vector<1x1xf32>
    %add3A_9 = arith.constant 1.000000e+00 : f32
    %add3A_10 = arith.addf %add3A_9, %get3A_8 : f32
    %get3A_11 = arith.constant 0 : index
    %get3A_12 = arith.constant 0 : index
    %get3A_13 = vector.load %arg0[%get3A_11, %get3A_12] : memref<10000x128xf32, #tpu.memory_space<vmem>>, vector<10000x128xf32>
    %mul3A = vector.broadcast %add3A_10 : f32 to vector<10000x128xf32>
    %mul3A_14 = arith.mulf %mul3A, %get3A_13 : vector<10000x128xf32>
    %add3A_15 = arith.addf %mul3A_14, %add3A : vector<10000x128xf32>
    %get3A_16 = arith.constant 0 : index
    %get3A_17 = arith.constant 0 : index
    %get3A_18 = vector.load %arg3[%get3A_16, %get3A_17] : memref<1x128xf32, #tpu.memory_space<vmem>>, vector<1x128xf32>
    %add3A_19 = vector.broadcast %get3A_18 : vector<1x128xf32> to vector<10000x128xf32>
    %add3A_20 = arith.addf %add3A_15, %add3A_19 : vector<10000x128xf32>
    %max3A = arith.constant 0.000000e+00 : f32
    %max3A_21 = vector.broadcast %max3A : f32 to vector<10000x128xf32>
    %max3A_22 = arith.maximumf %add3A_20, %max3A_21 : vector<10000x128xf32>
    %get3A_23 = arith.constant 0 : index
    %get3A_24 = arith.constant 0 : index
    %get3A_25 = vector.load %arg4[%get3A_23, %get3A_24] : memref<128x64xf32, #tpu.memory_space<vmem>>, vector<128x64xf32>
    %dot_general3A = arith.constant dense<0.000000e+00> : vector<10000x64xf32>
    %dot_general3A_26 = tpu.matmul %max3A_22, %get3A_25, %dot_general3A {dimension_numbers = #tpu.dot_dimension_numbers<[1], [0], [0], [1], [0, 0, 1, 1], [], []>, transpose_lhs_hint = false} : vector<10000x128xf32>, vector<128x64xf32>, vector<10000x64xf32> -> vector<10000x64xf32>
    %get3A_27 = arith.constant 0 : index
    %get3A_28 = arith.constant 0 : index
    %get3A_29 = vector.load %arg5[%get3A_27, %get3A_28] : memref<1x64xf32, #tpu.memory_space<vmem>>, vector<1x64xf32>
    %add3A_30 = vector.broadcast %get3A_29 : vector<1x64xf32> to vector<10000x64xf32>
    %add3A_31 = arith.addf %dot_general3A_26, %add3A_30 : vector<10000x64xf32>
    %swap3A = arith.constant 0 : index
    %swap3A_32 = arith.constant 0 : index
    %swap3A_33 = vector.load %arg6[%swap3A, %swap3A_32] : memref<10000x64xf32, #tpu.memory_space<vmem>>, vector<10000x64xf32>
    tpu.vector_store %arg6[%swap3A, %swap3A_32], %add3A_31 {strides = array<i32>} : memref<10000x64xf32, #tpu.memory_space<vmem>>, vector<10000x64xf32>,
    return
  }
}

</mosaic_0001>

<sc_bundles>
// kernel: kernel.11.cloned.1.call-start
scs
__scs_entry_jumppad:
0x0: {  	(pc) =	sbr.rel $0x88, $3  }
0x1: {  	(tag) =	ssettag $0x0;
	lr =	simm.s32 $0x1  }
0x2: {  	[smem:$0x3F94] =	sst lr;
	_ =	strace $0xD0000000  }
0x3: {  	_ = 	snop  }
0x4: {  	_ = 	snop  }
0x5: {  	_ = 	snop  }
0x6: {  	_ = 	snop  }
0x7: {  	_ = 	snop  }
__scs_overlays_trampoline_lowered:
0x8: {  	[smem:$0x3FA3] =	sst s0  }
0x9: {  	[smem:$0x3FA4] =	sst s1  }
0xa: {  	[smem:$0x3FA5] =	sst s2  }
0xb: {  	[smem:$0x3FA6] =	sst s3  }
0xc: {  	[smem:$0x3FA7] =	sst s4  }
0xd: {  	[smem:$0x3FA8] =	sst s5  }
0xe: {  	[smem:$0x3FA9] =	sst s6  }
0xf: {  	[smem:$0x3FAA] =	sst s7  }
0x10: {  	[smem:$0x3FAB] =	sst s8  }
0x11: {  	[smem:$0x3FAC] =	sst s9;
	s0 =	simm.s32 @!p0 $0x0  }
0x12: {  	s1 =	sld [smem:$0x3F92];
	s0 =	simm.s32 @p0 $0x1  }
0x13: {  	[smem:$0x3FAD] =	sst s0;
	s0 =	simm.s32 @!p1 $0x0  }
0x14: {  	s2 =	sld [smem:$0x3F91];
	s0 =	simm.s32 @p1 $0x1  }
0x15: {  	[smem:$0x3FAE] =	sst s0;
	s0 =	simm.s32 @!p2 $0x0  }
0x16: {  	s3 =	sld [smem:$0x3FDB];
	s0 =	simm.s32 @p2 $0x1  }
0x17: {  	s4 =	simm.s32 $0x1BF5;
	[smem:$0x3FB0] =	sst s0  }
0x18: {  	s0 =	sld [smem:$0x3F93];
	_ =	swait.ge [sflag:s4], $0x0  }
0x19: {  	s7 =	sld [smem:$0x3F94]  }
0x1a: {  	s8 =	sadd.s32 $0xFFFFE003, lr  }
0x1b: {  	s9 =	sadd.s32 $0xFFFFFEF7, lr;
	s5 =	simm.s32 $0xFFFFFFFF;
	p2 =	slt.u32 s8, $0xFFFFF086  }
0x1c: {  	p1 =	slt.u32 s9, $0xF7A;
	s5 =	simm.s32 @!p2 $0x0  }
0x1d: {  	s5 =	simm.s32 @p1 $0x1;
	p0 =	seq.s32 s7, s2  }
0x1e: {  	s7 =	smul.u32 @!p0 $0xF7A, s2;
	p2 =	seq.s32 @!p0 s5, $0x0  }
0x1f: {  	s9 =	smul.u32 $0xF7A, s1;
	s8 =	simm.s32 @!p0 $0x1BF5;
	p2 =	por !p2, p0  }
0x20: {  	[sflag:s8] =	ssyncset.s32 @!p0 $0xFFFFF086;
	s6 =	sadd.s32 @!p0 s3, s7;
	s7 =	simm.s32 @!p0 $0x108  }
0x21: {  	s3 =	sadd.s32 s3, s9;
	s6 =	sadd.s32 @!p0 $0x88, s6;
	s7 =	simm.s32 @p2 $0x1082  }
0x22: {  	[simem:s7], [sflag:s8] =	dma.local @!p0 [hbm:s6], $0xF7A  }
0x23: {  	s9 =	sor.u32 $0xD0000000, s2;
	s6 =	simm.s32 $0x108;
	_ =	swait.ge @!p0 [sflag:s8], $0x0  }
0x24: {  	s3 =	sadd.s32 $0x88, s3;
	s6 =	simm.s32 @!p1 $0x1082;
	[sflag:s4] =	ssyncset.s32 $0xFFFFF086  }
0x25: {  	[simem:s6], [sflag:s4] =	dma.local [hbm:s3], $0xF7A  }
0x26: {  	[smem:$0x3F94] =	sst s1;
	(tag) =	ssettag s2;
	_ =	strace s9  }
0x27: {  	s1 =	sld [smem:$0x3FA4]  }
0x28: {  	s2 =	sld [smem:$0x3FA5]  }
0x29: {  	s4 =	sld [smem:$0x3FA7]  }
0x2a: {  	p0 =	seq.s32 s5, $0x0;
	s5 =	sld [smem:$0x3FA8]  }
0x2b: {  	s6 =	sld [smem:$0x3FA9]  }
0x2c: {  	s7 =	sld [smem:$0x3FAA]  }
0x2d: {  	s3 =	simm.s32 $0x108;
	s8 =	sld [smem:$0x3FAB]  }
0x2e: {  	s3 =	simm.s32 @!p0 $0x1082;
	s9 =	sld [smem:$0x3FAC]  }
0x2f: {  	lr =	sadd.s32 s0, s3;
	s0 =	sld [smem:$0x3FA3]  }
0x30: {  	s3 =	sld [smem:$0x3FA6]  }
0x31: {  	[smem:$0x3FAF] =	sst s10  }
0x32: {  	s10 =	sld [smem:$0x3FAD];
	_ =	sdelay $0x3  }
0x33: {  	p0 =	seq.s32 s10, $0x1;
	s10 =	sld [smem:$0x3FAF];
	_ =	sdelay $0x3  }
0x34: {  	[smem:$0x3FAF] =	sst s10  }
0x35: {  	s10 =	sld [smem:$0x3FAE];
	_ =	sdelay $0x3  }
0x36: {  	p1 =	seq.s32 s10, $0x1;
	s10 =	sld [smem:$0x3FAF];
	_ =	sdelay $0x3  }
0x37: {  	[smem:$0x3FAF] =	sst s10  }
0x38: {  	s10 =	sld [smem:$0x3FB0]  }
0x39: {  	_ = 	snop;
	(pc) =	sbr.ind lr, $3  }
0x3a: {  	_ = 	snop  }
0x3b: {  	_ = 	snop  }
0x3c: {  	p2 =	seq.s32 s10, $0x1;
	s10 =	sld [smem:$0x3FAF]  }
0x3d: {  	_ =	shalt  }
0x3e: {  	_ =	shalt  }
0x3f: {  	_ =	shalt  }
0x40: {  	_ =	shalt  }
0x41: {  	_ =	shalt  }
0x42: {  	_ =	shalt  }
0x43: {  	_ =	shalt  }
0x44: {  	_ =	shalt  }
0x45: {  	_ =	shalt  }
0x46: {  	_ =	shalt  }
0x47: {  	_ =	shalt  }
0x48: {  	_ =	shalt  }
0x49: {  	_ =	shalt  }
0x4a: {  	_ =	shalt  }
0x4b: {  	_ =	shalt  }
0x4c: {  	_ =	shalt  }
0x4d: {  	_ =	shalt  }
0x4e: {  	_ =	shalt  }
0x4f: {  	_ =	shalt  }
0x50: {  	_ =	shalt  }
0x51: {  	_ =	shalt  }
0x52: {  	_ =	shalt  }
0x53: {  	_ =	shalt  }
0x54: {  	_ =	shalt  }
0x55: {  	_ =	shalt  }
0x56: {  	_ =	shalt  }
0x57: {  	_ =	shalt  }
0x58: {  	_ =	shalt  }
0x59: {  	_ =	shalt  }
0x5a: {  	_ =	shalt  }
0x5b: {  	_ =	shalt  }
0x5c: {  	_ =	shalt  }
0x5d: {  	_ =	shalt  }
0x5e: {  	_ =	shalt  }
0x5f: {  	_ =	shalt  }
0x60: {  	_ =	shalt  }
0x61: {  	_ =	shalt  }
0x62: {  	_ =	shalt  }
0x63: {  	_ =	shalt  }
0x64: {  	_ =	shalt  }
0x65: {  	_ =	shalt  }
0x66: {  	_ =	shalt  }
0x67: {  	_ =	shalt  }
0x68: {  	_ =	shalt  }
0x69: {  	_ =	shalt  }
0x6a: {  	_ =	shalt  }
0x6b: {  	_ =	shalt  }
0x6c: {  	_ =	shalt  }
0x6d: {  	_ =	shalt  }
0x6e: {  	_ =	shalt  }
0x6f: {  	_ =	shalt  }
0x70: {  	_ =	shalt  }
0x71: {  	_ =	shalt  }
0x72: {  	_ =	shalt  }
0x73: {  	_ =	shalt  }
0x74: {  	_ =	shalt  }
0x75: {  	_ =	shalt  }
0x76: {  	_ =	shalt  }
0x77: {  	_ =	shalt  }
0x78: {  	_ =	shalt  }
0x79: {  	_ =	shalt  }
0x7a: {  	_ =	shalt  }
0x7b: {  	_ =	shalt  }
0x7c: {  	_ =	shalt  }
0x7d: {  	_ =	shalt  }
0x7e: {  	_ =	shalt  }
0x7f: {  	_ =	shalt  }
0x80: {  	_ =	shalt  }
0x81: {  	_ =	shalt  }
0x82: {  	_ =	shalt  }
0x83: {  	_ =	shalt  }
0x84: {  	_ =	shalt  }
0x85: {  	_ =	shalt  }
0x86: {  	_ =	shalt  }
0x87: {  	_ =	shalt  }
.Lfunc_end0:
.L_simem_size_0:
called_computation.1_lowered:
.L_overlay_start_0:
0x88: {  	s2 =	sld [smem:$0x3FD9]  }
0x89: {  	s3 =	sld [smem:$0x3FFE];
	_ =	sdelay $0x1  }
0x8a: {  	s1 =	srdreg.scid  }
0x8b: {  	s0 =	sand.u32 $0x1, s1  }
0x8c: {  	s17 =	sshll.u32 s0, $0xA;
	s2 =	sadd.s32 s3, s2  }
0x8d: {  	s2 =	sadd.s32 s2, s17  }
0x8e: {  	[smem:$0x3FBB] =	sst s2  }
0x8f: {  	_ = 	snop  }
0x90: {  	s2 =	sld [smem:$0x3FD0];
	(tm) =	ssettm $0x1  }
0x91: {  	s18 =	sld [smem:$0x3FFB];
	_ =	sdelay $0x3  }
0x92: {  	_ =	strace s18  }
0x93: {  	s3 =	sld [smem:$0x3FFC];
	_ =	sdelay $0x3  }
0x94: {  	_ =	strace s3  }
0x95: {  	s3 =	sld [smem:$0x3FFD];
	_ =	sdelay $0x3  }
0x96: {  	_ =	strace s3  }
0x97: {  	_ =	strace $0x8FFFFFFF  }
0x98: {  	s19 =	sld [smem:$0x3FDB];
	_ =	sdelay $0x1  }
0x99: {  	s4 =	simm.s32 $_scs_section_size  }
0x9a: {  	s5 =	simm.s32 $_size__tile_overlayer_lowered;
	s6 =	simm.s32 $_tile_overlayer_lowered  }
0x9b: {  	s22 =	simm.s32 $0x1BFF;
	s21 =	sshll.u32 s6, $0x1;
	s3 =	sadd.s32 s4, s19  }
0x9c: {  	s7 =	simm.s32 $0x0;
	s20 =	sshll.u32 s5, $0x1;
	s5 =	sadd.s32 s21, s3  }
0x9d: {  	[timem:s7], [sflag:s22] =	dma.local [hbm:s5], s20  }
0x9e: {  	_ =	swait.ge [sflag:s22], s20  }
0x9f: {  	s4 =	ssub.s32 $0x0, s20;
	[sflag:s22] =	ssyncset.done $0x0  }
0xa0: {  	[sflag:s22] =	ssyncadd.s32 s4;
	_ =	sdelay $0x1  }
0xa1: {  	s23 =	simm.s32 $0x1B8B  }
0xa2: {  	_ =	swait.ge [sflag:s23], $0x1  }
0xa3: {  	[sflag:s23] =	ssyncset.done $0x0  }
0xa4: {  	s25 =	simm.s32 $0x1B8E;
	s24 =	sld [smem:$0x3FFE];
	[sflag:s23] =	ssyncadd.s32 $0xFFFFFFFF  }
0xa5: {  	s26 =	simm.s32 $execute0_lowered;
	[smem:$0x3FD2] =	sst s25  }
0xa6: {  	s5 =	sshll.u32 s26, $0x1;
	_ =	strace $0x80000049;
	[dreg:$0x1] =	wrdreg $0xFFFFFFFF  }
0xa7: {  	s28 =	simm.s32 $_size_execute0_lowered;
	s3 =	sadd.s32 s3, s5;
	[dreg:$0x0] =	wrdreg $0x0  }
0xa8: {  	s5 =	sshll.u32 s28, $0x1;
	[dreg:$0x2] =	wrdreg s3  }
0xa9: {  	[dreg:$0x3] =	wrdreg s5  }
0xaa: {  	[dreg:$0x4] =	wrdreg $0xC0  }
0xab: {  	_ =	task [dreg:s7], $0x5FFFF  }
0xac: {  	[dreg:$0x1] =	wrdreg $0xFFFFFFFF  }
0xad: {  	[dreg:$0x0] =	wrdreg $0x60  }
0xae: {  	[dreg:$0x2] =	wrdreg s24  }
0xaf: {  	[dreg:$0x3] =	wrdreg s2  }
0xb0: {  	[dreg:$0x4] =	wrdreg $0xA8000  }
0xb1: {  	[dreg:$0x5] =	wrdreg $0x9  }
0xb2: {  	_ =	task.clear_ibuf [dreg:s7], $0x6FFFF;
	_ =	strace $0x90000049  }
0xb3: {  	s29 =	simm.s32 $0x9;
	_ =	strace $0x8000004B  }
0xb4: {  	_ =	swait.ge [sflag:s29], $0x1  }
0xb5: {  	[sflag:s29] =	ssyncadd.s32 $0xFFFFFFFF  }
0xb6: {  	_ =	strace $0x9000004B  }
0xb7: {  	_ =	sfence  }
0xb8: {  	s30 =	sld [smem:$0x0];
	_ =	sdelay $0x2  }
0xb9: {  	s31 =	sshll.u32 s1, $0xD;
	s1 =	sshrl.u32 s1, $0x2  }
0xba: {  	s3 =	sand.u32 $0x4000, s31;
	s1 =	sadd.s32 s1, s30  }
0xbb: {  	s0 =	sor.u32 s3, s0;
	s1 =	sshll.u32 s1, $0x11  }
0xbc: {  	s0 =	sor.u32 s1, s0  }
0xbd: {  	s0 =	sadd.s32 $0x8F2B, s0  }
0xbe: {  	[sflag:s0] =	ssyncadd.remote.s32 $0x1  }
0xbf: {  	_ =	sfence.sel $0xFFFF  }
0xc0: {  	[dreg:$0x0] =	wrdreg $0xFFFFFFFF;
	(pc) =	sbr.abs _section_cstart, $3  }
0xc1: {  	[dreg:$0x1] =	wrdreg $0xFFFFFFFF  }
0xc2: {  	_ =	task.clear_ibuf [dreg:s7], $0x2FFFF;
	_ =	strace $0x9FFFFFFF  }
0xc3: {  	(tm) =	ssettm $0x7FFFFFFF  }
tec
execute0_lowered:
.L_overlay_start_1:
0x0: {  	(tag) =	ssettag $0x1  }
0x1: {  	s0 =	rddreg [dreg:$0x0]  }
0x2: {  	s2 =	rddreg [dreg:$0x2];
	s3 =	simm.s32 $0x0  }
0x3: {  	s5 =	srdreg.scid;
	s1 =	stileid.u32;
	s19 =	simm.s32 $0x50  }
0x4: {  	s23 =	simm.s32 $0x1;
	s24 =	simm.s32 $0x2;
	s25 =	simm.s32 $0x0  }
0x5: {  	[smem:$0x7FF] =	sst s3;
	s4 =	sadd.s32 $0x2A600, s0;
	s6 =	sadd.s32 $0x2600, s0  }
0x6: {  	s7 =	sadd.s32 $0x16600, s0;
	s0 =	sadd.s32 $0x51800, s0;
	s10 =	smul.u32 $0x4E000, s1  }
0x7: {  	s5 =	sand.u32 $0x1, s5;
	s12 =	smul.u32 $0x2700, s1;
	s26 =	sshll.u32 s1, $0x6  }
0x8: {  	s17 =	sadd.s32 $0x138000, s2;
	p0 =	sne.s32 s1, $0xF;
	_ =	strace $0x8000004A  }
0x9: {  	s8 =	ssub.s32 $0x2, s5;
	s9 =	sshll.u32 s5, $0x4;
	s28 =	smul.u32 $0x138800, s5  }
0xa: {  	s5 =	smul.u32 $0x27100, s5;
	s17 =	sshrl.u32 @!p0 s17, $0x3;
	s11 =	sshrl.u32 s8, $0x1  }
0xb: {  	s9 =	sor.u32 s1, s9;
	s10 =	sshrl.u32 s10, $0x2;
	s14 =	ssub.s32 s8, s11  }
0xc: {  	s8 =	smul.u32 $0x5000, s9;
	s15 =	sadd.s32 s10, s2;
	s9 =	sor.u32 $0x1C03, s26  }
.Ltmp0:
0xd: {  	s16 =	sshrl.u32 s28, $0x3;
	s5 =	sadd.s32 s12, s5;
	(pc) =	sbr.rel .LBB2_1-.Ltmp0, $4  }
0xe: {  	s31 =	sadd.s32 s0, s16;
	s0 =	sadd.s32 s0, s5;
	s13 =	sshrl.u32 s8, $0x3  }
0xf: {  	s14 =	smax.u32 s14, $0x1;
	[dreg:$0x8] =	wrdreg s0;
	s29 =	sadd.s32 s6, s13  }
0x10: {  	s15 =	sshrl.u32 s15, $0x3;
	s30 =	sadd.s32 s7, s13;
	[dreg:$0x6] =	wrdreg s29  }
0x11: {  	s16 =	simm.s32 $0x3;
	s13 =	sadd.s32 $0x27000, s31;
	[dreg:$0x7] =	wrdreg s30  }
.LBB2_10:
0x12: {  	_ =	swait.ge [sflag:s24], $0x2800  }
0x13: {  	[sflag:s24] =	ssyncset.done $0x0  }
0x14: {  	[sflag:s24] =	ssyncadd.s32 $0xFFFFD800  }
0x15: {  	[bflag:$0x0] =	sbarrier.arrive $0xFFFF  }
0x16: {  	s0 =	rddreg [dreg:$0x8]  }
0x17: {  	[hbm:s0], [sflag:s9] =	dma.local [spmem:s15], $0x2700  }
0x18: {  	s25 =	sadd.s32 $0x1, s25;
	_ =	swait.ge [sflag:s16], $0x2700  }
0x19: {  	p1 =	sne.s32 s25, s14;
	[sflag:s16] =	ssyncset.done $0x0  }
.Ltmp1:
0x1a: {  	s0 =	simm.s32 @!p0 $0x3;
	[sflag:s16] =	ssyncadd.s32 $0xFFFFD900;
	(pc) =	sbr.rel @!p1 .LBB2_11-.Ltmp1, $4  }
0x1b: {  	[hbm:s13], [sflag:s9] =	dma.local @!p0 [spmem:s17], $0x100  }
0x1c: {  	_ =	swait.ge @!p0 [sflag:s0], $0x100  }
0x1d: {  	[sflag:s0] =	ssyncset.done @!p0 $0x0  }
0x1e: {  	[sflag:s0] =	ssyncadd.s32 @!p0 $0xFFFFFF00  }
.LBB2_1:
0x1f: {  	s0 =	rddreg [dreg:$0x1]  }
0x20: {  	[spmem:s15], [sflag:s9] =	dma.local [hbm:s0], $0x2700  }
0x21: {  	_ =	swait.ge [sflag:s16], $0x2700  }
0x22: {  	[sflag:s16] =	ssyncset.done $0x0  }
0x23: {  	[sflag:s16] =	ssyncadd.s32 $0xFFFFD900  }
0x24: {  	[spmem:s17], [sflag:s9] =	dma.local @!p0 [hbm:s0], $0x100  }
0x25: {  	s0 =	simm.s32 @!p0 $0x3  }
0x26: {  	_ =	swait.ge @!p0 [sflag:s0], $0x100  }
0x27: {  	[sflag:s0] =	ssyncset.done @!p0 $0x0  }
0x28: {  	[sflag:s0] =	ssyncadd.s32 @!p0 $0xFFFFFF00  }
0x29: {  	[bflag:$0x0] =	sbarrier.arrive $0xFFFF  }
0x2a: {  	s26 =	rddreg [dreg:$0x6]  }
0x2b: {  	[tilespmem:s3], [sflag:$0x3] =	stream.linear.gather [hbm4b:s26+s3], $0xC80, $0x38;
	[tilespmem:$0x1E080] =	vst v63  }
0x2c: {  	_ =	swait.ge [sflag:s16], $0xC80  }
0x2d: {  	[sflag:s16] =	ssyncset.done $0x0  }
0x2e: {  	s1 =	simm.s32 $0x1000;
	s28 =	rddreg [dreg:$0x7];
	[sflag:s16] =	ssyncadd.s32 $0xFFFFF380  }
0x2f: {  	[tilespmem:s1], [sflag:$0x3] =	stream.linear.gather [hbm4b:s28+s3], $0xC80, $0x38;
	[tilespmem:$0x1E080] =	vst v63  }
0x30: {  	_ =	swait.ge [sflag:s16], $0xC80  }
0x31: {  	[sflag:s16] =	ssyncset.done $0x0  }
0x32: {  	s29 =	simm.s32 $0x3000;
	[sflag:s16] =	ssyncadd.s32 $0xFFFFF380  }
0x33: {  	[tilespmem:s29], [sflag:$0x1] =	stream.indirect.gather [hbm4b:s4+s19], $0x80, s3, s19, $0xb8;
	[tilespmem:$0x1E080] =	vst v63  }
0x34: {  	s30 =	simm.s32 $0x80;
	s31 =	simm.s32 $0x5800;
	s5 =	simm.s32 $0x0  }
0x35: {  	[tilespmem:s31], [sflag:$0x1] =	stream.indirect.gather [hbm4b:s4+s19], $0x80, s30, s19, $0xb8;
	[tilespmem:$0x1E080] =	vst v63  }
.LBB2_3:
0x36: {  	p1 =	seq.s32 s5, $0x0  }
0x37: {  	s0 =	simm.s32 @!p1 $0x2  }
0x38: {  	s18 =	sshll.u32 @!p1 s5, $0xC;
	_ =	swait.ge @!p1 [sflag:s0], $0x2800  }
0x39: {  	s18 =	sadd.s32 @!p1 s8, s18;
	[sflag:s0] =	ssyncset.done @!p1 $0x0  }
0x3a: {  	[sflag:s0] =	ssyncadd.s32 @!p1 $0xFFFFD800;
	s0 =	sshrl.u32 @!p1 s18, $0x3  }
0x3b: {  	s20 =	simm.s32 @!p1 $0x1000;
	s18 =	sadd.s32 @!p1 s7, s0;
	s0 =	simm.s32 @!p1 $0x0  }
0x3c: {  	[tilespmem:s20], [sflag:$0x3] =	stream.linear.gather @!p1 [hbm4b:s18+s0], $0xC80, $0x38;
	[tilespmem:$0x1E080] =	vst v63  }
0x3d: {  	s18 =	sand.u32 @!p1 $0x1, s5  }
0x3e: {  	p2 =	seq.s32 @!p1 s18, $0x1  }
0x3f: {  	p2 =	por p1, !p2  }
.Ltmp2:
0x40: {  	_ = 	snop;
	(pc) =	sbr.rel @!p2 .LBB2_6-.Ltmp2, $4  }
0x41: {  	s20 =	simm.s32 @!p1 $0x3  }
0x42: {  	_ =	swait.ge @!p1 [sflag:s20], $0xC80  }
0x43: {  	[sflag:s20] =	ssyncset.done @!p1 $0x0  }
0x44: {  	s26 =	sadd.s32 @!p1 $0x1, s5;
	[sflag:s20] =	ssyncadd.s32 @!p1 $0xFFFFF380  }
0x45: {  	p3 =	sne.s32 @!p1 s5, $0x4;
	p2 =	por $0x1, $0x1  }
0x46: {  	s18 =	simm.s32 @p1 $0x0;
	p2 =	por @!p1 p3, p3  }
0x47: {  	p3 =	sne.s32 @p2 s18, $0x0  }
0x48: {  	p3 =	por !p2, p3  }
.Ltmp3:
0x49: {  	_ = 	snop;
	(pc) =	sbr.rel @p3 .LBB2_12-.Ltmp3, $2  }
0x4a: {  	_ =	sdelay $0x2  }
0x4b: {  	s26 =	simm.s32 @p1 $0x1  }
0x4c: {  	s0 =	simm.s32 $0x2000  }
.LBB2_6:
0x4d: {  	s18 =	sshll.u32 s26, $0xC  }
0x4e: {  	s18 =	sadd.s32 s8, s18  }
0x4f: {  	s18 =	sshrl.u32 s18, $0x3  }
0x50: {  	s18 =	sadd.s32 s6, s18  }
0x51: {  	[tilespmem:s0], [sflag:$0x3] =	stream.linear.gather [hbm4b:s18+s3], $0xC80, $0x38;
	[tilespmem:$0x1E080] =	vst v63  }
0x52: {  	_ =	swait.ge [sflag:s16], $0xC80  }
0x53: {  	[sflag:s16] =	ssyncset.done $0x0  }
0x54: {  	[sflag:s16] =	ssyncadd.s32 $0xFFFFF380  }
.LBB2_7:
0x55: {  	s0 =	smul.u32 $0x19, s5  }
0x56: {  	s18 =	smul.u32 $0xFA000, s5  }
0x57: {  	s10 =	smul.u32 $0x3200, s5;
	s20 =	sadd.s32 $0x2, s0  }
0x58: {  	s28 =	simm.s32 $0x200;
	s21 =	smulhi.u32 $0x51EB851F, s20  }
0x59: {  	s31 =	simm.s32 $0x400;
	s18 =	sshra.s32 s18, $0x2;
	s5 =	sshra.s32 s10, $0x2  }
0x5a: {  	p1 =	sgt.u32 s0, $0x7A;
	s30 =	sadd.s32 $0x3000, s18;
	s11 =	sshrl.u32 s21, $0x3  }
0x5b: {  	s12 =	sadd.s32 $0x100, s5;
	s5 =	sadd.s32 $0x2100, s5;
	s22 =	sand.u32 $0x1, s11  }
0x5c: {  	[dreg:$0x4] =	wrdreg s12;
	s12 =	smulhi.u32 $0xAAAAAAAB, s0;
	p2 =	sne.s32 @!p1 s22, $0x0  }
0x5d: {  	s1 =	smul.u32 $0xFFFFCE00, s11;
	p3 =	seq.s32 s22, $0x1;
	p2 =	por p2, p1  }
0x5e: {  	[dreg:$0x5] =	wrdreg s5;
	p1 =	por !p3, p1;
	s21 =	smul.u32 @!p2 $0xAB, s20  }
0x5f: {  	s10 =	rddreg [dreg:$0x4];
	s5 =	sshra.s32 s1, $0x2;
	s29 =	smul.u32 @!p1 $0xAB, s20  }
0x60: {  	s11 =	rddreg [dreg:$0x5];
	s18 =	sadd.s32 s5, s10;
	s21 =	sshrl.u32 @!p2 s21, $0x9  }
0x61: {  	s5 =	sadd.s32 s5, s11;
	s22 =	sshrl.u32 @!p1 s29, $0x9;
	s21 =	sand.u32 @!p2 $0x7F, s21  }
0x62: {  	s1 =	sadd.s32 @!p1 $0x0, s5;
	s5 =	sand.u32 @!p1 $0x7F, s22;
	s21 =	smul.u32 @!p2 $0x3, s21  }
0x63: {  	s0 =	sadd.s32 $0x1, s0;
	p3 =	por $0x1, $0x1;
	s22 =	smul.u32 @!p1 $0x3, s5  }
0x64: {  	s10 =	simm.s32 @!p3 $0x2;
	s18 =	sadd.s32 @!p2 $0x0, s18;
	s21 =	ssub.s32 @!p2 s20, s21  }
0x65: {  	s5 =	sadd.s32 $0x1, s20;
	s20 =	ssub.s32 @!p1 s20, s22;
	s21 =	sand.u32 @!p2 $0xFF, s21  }
0x66: {  	_ =	swait.ge @!p3 [sflag:s10], $0x2800;
	s20 =	sand.u32 @!p1 $0xFF, s20;
	s21 =	smul.u32 @!p2 $0xA000, s21  }
0x67: {  	s29 =	sadd.s32 $0x2800, s30;
	[sflag:s10] =	ssyncset.done @!p3 $0x0;
	s11 =	smul.u32 @!p1 $0xA000, s20  }
0x68: {  	[sflag:s10] =	ssyncadd.s32 @!p3 $0xFFFFD800;
	s22 =	sshrl.u32 s12, $0x1;
	s21 =	sshrl.u32 @!p2 s21, $0x2  }
0x69: {  	s20 =	simm.s32 @!p2 $0x50;
	s11 =	sshrl.u32 @!p1 s11, $0x2;
	s10 =	sadd.s32 @!p2 $0x3000, s21  }
0x6a: {  	[tilespmem:s10], [sflag:$0x1] =	stream.indirect.gather @!p2 [hbm4b:s4+s20], $0x80, s18, s20, $0xb8;
	[tilespmem:$0x1E080] =	vst v63  }
0x6b: {  	s11 =	sadd.s32 @!p1 $0x3000, s11;
	s10 =	smul.u32 $0xFFFE2000, s22;
	s18 =	simm.s32 @!p1 $0x50  }
0x6c: {  	[tilespmem:s11], [sflag:$0x1] =	stream.indirect.gather @!p1 [hbm4b:s4+s18], $0x80, s1, s18, $0xb8;
	[tilespmem:$0x1E080] =	vst v63  }
0x6d: {  	s21 =	smulhi.u32 $0x51EB851F, s5;
	s20 =	simm.s32 $0x1000;
	_ =	swait.ge [sflag:s23], $0x2800  }
0x6e: {  	s22 =	sshra.s32 s10, $0x2;
	s18 =	sadd.s32 $0x2, s0;
	[sflag:s23] =	ssyncset.done $0x0  }
.LBB2_8:
0x6f: {  	s1 =	smulhi.u32 $0x51EB851F, s18;
	s10 =	sadd.s32 s22, s30  }
0x70: {  	[sflag:s23] =	ssyncadd.s32 $0xFFFFD800;
	s11 =	smov.u32 s28;
	s28 =	smov.u32 s31  }
0x71: {  	[spmem:s2] =	stream.indirect.scatter.add.f32 [tilespmem:s10], [sflag:$0x2], $0x80, s20, s19, $0xb8;
	[tilespmem:$0x1E080] =	vst v63  }
0x72: {  	s30 =	smov.u32 s29;
	p2 =	sgt.u32 s0, $0x7A;
	s1 =	sshrl.u32 s1, $0x3  }
0x73: {  	s12 =	rddreg [dreg:$0x4];
	s22 =	sshrl.u32 s21, $0x3;
	s1 =	sand.u32 $0x1, s1  }
0x74: {  	s31 =	sadd.s32 $0x200, s31;
	s10 =	smul.u32 $0xFFFFCE00, s22;
	p1 =	sne.s32 @!p2 s1, $0x0  }
0x75: {  	s29 =	sadd.s32 $0x2800, s29;
	p4 =	seq.s32 s1, $0x1;
	p3 =	por p1, p2  }
0x76: {  	s1 =	sshra.s32 s10, $0x2;
	s10 =	rddreg [dreg:$0x5];
	s21 =	smul.u32 @!p3 $0xAB, s18  }
0x77: {  	s20 =	sadd.s32 s1, s12;
	p2 =	por !p4, p2;
	s22 =	sshra.s32 @!p3 s11, $0x2  }
0x78: {  	s22 =	sadd.s32 @!p3 s22, s20;
	s20 =	sshrl.u32 @!p3 s21, $0x9;
	s21 =	smul.u32 @!p2 $0xAB, s18  }
0x79: {  	s1 =	sadd.s32 s1, s10;
	p4 =	seq.s32 s11, $0x0;
	s10 =	sand.u32 @!p3 $0x7F, s20  }
0x7a: {  	s12 =	sshra.s32 @!p2 s11, $0x2;
	s10 =	smul.u32 @!p3 $0x3, s10;
	s20 =	sshrl.u32 @!p2 s21, $0x9  }
0x7b: {  	s1 =	sadd.s32 @!p2 s12, s1;
	s21 =	sshra.s32 s11, $0x2;
	s12 =	sand.u32 @!p2 $0x7F, s20  }
0x7c: {  	s20 =	sadd.s32 $0x1000, s21;
	s21 =	smulhi.u32 $0xAAAAAAAB, s0;
	s10 =	ssub.s32 @!p3 s18, s10  }
0x7d: {  	s11 =	simm.s32 @!p4 $0x2;
	s12 =	smul.u32 @!p2 $0x3, s12;
	s10 =	sand.u32 @!p3 $0xFF, s10  }
0x7e: {  	p1 =	seq.s32 s31, $0x3200;
	_ =	swait.ge @!p4 [sflag:s11], $0x2800;
	s10 =	smul.u32 @!p3 $0xA000, s10  }
0x7f: {  	s0 =	sadd.s32 $0x1, s0;
	[sflag:s11] =	ssyncset.done @!p4 $0x0;
	s12 =	ssub.s32 @!p2 s18, s12  }
0x80: {  	[sflag:s11] =	ssyncadd.s32 @!p4 $0xFFFFD800;
	s12 =	sand.u32 @!p2 $0xFF, s12;
	s10 =	sshrl.u32 @!p3 s10, $0x2  }
0x81: {  	s11 =	simm.s32 @!p3 $0x50;
	s12 =	smul.u32 @!p2 $0xA000, s12;
	s10 =	sadd.s32 @!p3 $0x3000, s10  }
0x82: {  	[tilespmem:s10], [sflag:$0x1] =	stream.indirect.gather @!p3 [hbm4b:s4+s11], $0x80, s22, s11, $0xb8;
	[tilespmem:$0x1E080] =	vst v63  }
.Ltmp4:
0x83: {  	s22 =	sshrl.u32 s21, $0x1;
	s11 =	sshrl.u32 @!p2 s12, $0x2;
	(pc) =	sbr.rel @!p1 .LBB2_8-.Ltmp4, $4  }
0x84: {  	s12 =	simm.s32 @!p2 $0x50;
	s10 =	smul.u32 $0xFFFE2000, s22;
	s11 =	sadd.s32 @!p2 $0x3000, s11  }
0x85: {  	[tilespmem:s11], [sflag:$0x1] =	stream.indirect.gather @!p2 [hbm4b:s4+s12], $0x80, s1, s12, $0xb8;
	[tilespmem:$0x1E080] =	vst v63  }
0x86: {  	s5 =	sadd.s32 $0x1, s5;
	s18 =	sadd.s32 $0x2, s0;
	_ =	swait.ge [sflag:s23], $0x2800  }
0x87: {  	s21 =	smulhi.u32 $0x51EB851F, s5;
	s22 =	sshra.s32 s10, $0x2;
	[sflag:s23] =	ssyncset.done $0x0  }
0x88: {  	s1 =	smulhi.u32 $0x51EB851F, s18;
	s5 =	sadd.s32 s22, s30;
	[sflag:s23] =	ssyncadd.s32 $0xFFFFD800  }
0x89: {  	[spmem:s2] =	stream.indirect.scatter.add.f32 [tilespmem:s5], [sflag:$0x2], $0x80, s20, s19, $0xb8;
	[tilespmem:$0x1E080] =	vst v63  }
0x8a: {  	s1 =	sshrl.u32 s1, $0x3  }
0x8b: {  	p1 =	sgt.u32 s0, $0x7A;
	s1 =	sand.u32 $0x1, s1  }
0x8c: {  	p2 =	sne.s32 @!p1 s1, $0x0  }
0x8d: {  	p2 =	por p2, p1  }
0x8e: {  	s22 =	sshrl.u32 s21, $0x3;
	p3 =	seq.s32 s1, $0x1;
	s1 =	smul.u32 @!p2 $0xAB, s18  }
0x8f: {  	s10 =	rddreg [dreg:$0x4];
	s5 =	smul.u32 $0xFFFFCE00, s22  }
0x90: {  	s30 =	smulhi.u32 $0xAAAAAAAB, s0;
	p1 =	por !p3, p1;
	s1 =	sshrl.u32 @!p2 s1, $0x9  }
0x91: {  	s5 =	sshra.s32 s5, $0x2;
	s11 =	smul.u32 @!p1 $0xAB, s18;
	s1 =	sand.u32 @!p2 $0x7F, s1  }
0x92: {  	s12 =	rddreg [dreg:$0x5];
	s10 =	sadd.s32 s5, s10;
	s1 =	smul.u32 @!p2 $0x3, s1  }
0x93: {  	s5 =	sadd.s32 s5, s12;
	p3 =	seq.s32 s28, $0x0;
	s11 =	sshrl.u32 @!p1 s11, $0x9  }
0x94: {  	s20 =	sshra.s32 @!p2 s28, $0x2;
	s11 =	sand.u32 @!p1 $0x7F, s11;
	s1 =	ssub.s32 @!p2 s18, s1  }
0x95: {  	s12 =	simm.s32 @!p3 $0x2;
	s11 =	smul.u32 @!p1 $0x3, s11;
	s1 =	sand.u32 @!p2 $0xFF, s1  }
0x96: {  	s10 =	sadd.s32 @!p2 s20, s10;
	_ =	swait.ge @!p3 [sflag:s12], $0x2800;
	s1 =	smul.u32 @!p2 $0xA000, s1  }
0x97: {  	s20 =	sshra.s32 @!p1 s28, $0x2;
	[sflag:s12] =	ssyncset.done @!p3 $0x0;
	s11 =	ssub.s32 @!p1 s18, s11  }
0x98: {  	[sflag:s12] =	ssyncadd.s32 @!p3 $0xFFFFD800;
	s11 =	sand.u32 @!p1 $0xFF, s11;
	s1 =	sshrl.u32 @!p2 s1, $0x2  }
0x99: {  	s12 =	simm.s32 @!p2 $0x50;
	s11 =	smul.u32 @!p1 $0xA000, s11;
	s1 =	sadd.s32 @!p2 $0x3000, s1  }
0x9a: {  	[tilespmem:s1], [sflag:$0x1] =	stream.indirect.gather @!p2 [hbm4b:s4+s12], $0x80, s10, s12, $0xb8;
	[tilespmem:$0x1E080] =	vst v63  }
0x9b: {  	s0 =	sshrl.u32 s30, $0x1;
	s1 =	sadd.s32 @!p1 s20, s5;
	s5 =	sshrl.u32 @!p1 s11, $0x2  }
0x9c: {  	s0 =	smul.u32 $0xFFFE2000, s0;
	s10 =	simm.s32 @!p1 $0x50;
	s5 =	sadd.s32 @!p1 $0x3000, s5  }
0x9d: {  	[tilespmem:s5], [sflag:$0x1] =	stream.indirect.gather @!p1 [hbm4b:s4+s10], $0x80, s1, s10, $0xb8;
	[tilespmem:$0x1E080] =	vst v63  }
0x9e: {  	_ =	swait.ge [sflag:s23], $0x2800  }
0x9f: {  	s31 =	sshra.s32 s28, $0x2;
	s0 =	sshra.s32 s0, $0x2;
	[sflag:s23] =	ssyncset.done $0x0  }
0xa0: {  	s0 =	sadd.s32 s0, s29;
	s1 =	sadd.s32 $0x1000, s31;
	[sflag:s23] =	ssyncadd.s32 $0xFFFFD800  }
0xa1: {  	[spmem:s2] =	stream.indirect.scatter.add.f32 [tilespmem:s0], [sflag:$0x2], $0x80, s1, s19, $0xb8;
	[tilespmem:$0x1E080] =	vst v63  }
0xa2: {  	p1 =	sgt.u32 s26, $0x4  }
.Ltmp5:
0xa3: {  	_ = 	snop;
	(pc) =	sbr.rel @!p1 .LBB2_3-.Ltmp5, $4  }
.Ltmp6:
0xa4: {  	_ = 	snop;
	(pc) =	sbr.rel @p1 .LBB2_10-.Ltmp6, $4  }
0xa5: {  	_ = 	snop  }
0xa6: {  	_ = 	snop  }
0xa7: {  	s5 =	smov.u32 s26  }
0xa8: {  	_ = 	snop  }
.LBB2_12:
.Ltmp7:
0xa9: {  	(pc) =	sbr.rel .LBB2_7-.Ltmp7, $2  }
0xaa: {  	_ =	sdelay $0x2  }
0xab: {  	s26 =	smov.u32 @p2 s26  }
.LBB2_11:
0xac: {  	_ =	sfence.sel $0x180000  }
0xad: {  	[bflag:$0x0] =	sbarrier.arrive $0xFFFF  }
0xae: {  	_ =	strace $0x9000004A  }
0xaf: {  	s0 =	stileid.u32;
	[bflag:$0x2] =	sbarrier.arrive $0xFFFF  }
0xb0: {  	p0 =	sne.s32 s0, $0x0;
	s0 =	rddreg [dreg:$0x3]  }
0xb1: {  	s0 =	sadd.s32 @!p0 $0x100000, s0  }
0xb2: {  	[sflag:s0] =	ssyncadd.tile.s32 @!p0 $0x1;
	_ =	shalt  }
.Lfunc_end2:
_tile_overlayer_lowered:
.L_overlay_start_2:
0xb3: {  	(tag) =	ssettag $0x2  }
0xb4: {  	s0 =	rddreg [dreg:$0x0];
	s2 =	stileid.u32  }
0xb5: {  	s1 =	rddreg [dreg:$0x1];
	p0 =	sne.s32 s2, $0x0  }
0xb6: {  	s3 =	rddreg [dreg:$0x2];
	[bflag:$0x3] =	sbarrier.arrive $0xFFFF;
	s2 =	simm.s32 @!p0 $0x1C03  }
0xb7: {  	[timem:s3], [sflag:s2] =	dma.local @!p0 [hbm:s0], s1  }
0xb8: {  	s0 =	simm.s32 @!p0 $0x3  }
0xb9: {  	_ =	swait.ge @!p0 [sflag:s0], s1  }
0xba: {  	s1 =	ssub.s32 @!p0 $0x0, s1;
	[sflag:s0] =	ssyncset.done @!p0 $0x0  }
0xbb: {  	[sflag:s0] =	ssyncadd.s32 @!p0 s1  }
0xbc: {  	[bflag:$0x3] =	sbarrier.arrive $0xFFFF  }
0xbd: {  	_ =	shalt  }

// kernel: kernel.14.cloned.1.call-start
scs
__scs_entry_jumppad:
0x0: {  	(pc) =	sbr.rel $0x88, $3  }
0x1: {  	(tag) =	ssettag $0x0;
	lr =	simm.s32 $0x1  }
0x2: {  	[smem:$0x3F94] =	sst lr;
	_ =	strace $0xD0000000  }
0x3: {  	_ = 	snop  }
0x4: {  	_ = 	snop  }
0x5: {  	_ = 	snop  }
0x6: {  	_ = 	snop  }
0x7: {  	_ = 	snop  }
__scs_overlays_trampoline_lowered:
0x8: {  	[smem:$0x3FA3] =	sst s0  }
0x9: {  	[smem:$0x3FA4] =	sst s1  }
0xa: {  	[smem:$0x3FA5] =	sst s2  }
0xb: {  	[smem:$0x3FA6] =	sst s3  }
0xc: {  	[smem:$0x3FA7] =	sst s4  }
0xd: {  	[smem:$0x3FA8] =	sst s5  }
0xe: {  	[smem:$0x3FA9] =	sst s6  }
0xf: {  	[smem:$0x3FAA] =	sst s7  }
0x10: {  	[smem:$0x3FAB] =	sst s8  }
0x11: {  	[smem:$0x3FAC] =	sst s9;
	s0 =	simm.s32 @!p0 $0x0  }
0x12: {  	s1 =	sld [smem:$0x3F92];
	s0 =	simm.s32 @p0 $0x1  }
0x13: {  	[smem:$0x3FAD] =	sst s0;
	s0 =	simm.s32 @!p1 $0x0  }
0x14: {  	s2 =	sld [smem:$0x3F91];
	s0 =	simm.s32 @p1 $0x1  }
0x15: {  	[smem:$0x3FAE] =	sst s0;
	s0 =	simm.s32 @!p2 $0x0  }
0x16: {  	s3 =	sld [smem:$0x3FDB];
	s0 =	simm.s32 @p2 $0x1  }
0x17: {  	s4 =	simm.s32 $0x1BF5;
	[smem:$0x3FB0] =	sst s0  }
0x18: {  	s0 =	sld [smem:$0x3F93];
	_ =	swait.ge [sflag:s4], $0x0  }
0x19: {  	s7 =	sld [smem:$0x3F94]  }
0x1a: {  	s8 =	sadd.s32 $0xFFFFE003, lr  }
0x1b: {  	s9 =	sadd.s32 $0xFFFFFEF7, lr;
	s5 =	simm.s32 $0xFFFFFFFF;
	p2 =	slt.u32 s8, $0xFFFFF086  }
0x1c: {  	p1 =	slt.u32 s9, $0xF7A;
	s5 =	simm.s32 @!p2 $0x0  }
0x1d: {  	s5 =	simm.s32 @p1 $0x1;
	p0 =	seq.s32 s7, s2  }
0x1e: {  	s7 =	smul.u32 @!p0 $0xF7A, s2;
	p2 =	seq.s32 @!p0 s5, $0x0  }
0x1f: {  	s9 =	smul.u32 $0xF7A, s1;
	s8 =	simm.s32 @!p0 $0x1BF5;
	p2 =	por !p2, p0  }
0x20: {  	[sflag:s8] =	ssyncset.s32 @!p0 $0xFFFFF086;
	s6 =	sadd.s32 @!p0 s3, s7;
	s7 =	simm.s32 @!p0 $0x108  }
0x21: {  	s3 =	sadd.s32 s3, s9;
	s6 =	sadd.s32 @!p0 $0x88, s6;
	s7 =	simm.s32 @p2 $0x1082  }
0x22: {  	[simem:s7], [sflag:s8] =	dma.local @!p0 [hbm:s6], $0xF7A  }
0x23: {  	s9 =	sor.u32 $0xD0000000, s2;
	s6 =	simm.s32 $0x108;
	_ =	swait.ge @!p0 [sflag:s8], $0x0  }
0x24: {  	s3 =	sadd.s32 $0x88, s3;
	s6 =	simm.s32 @!p1 $0x1082;
	[sflag:s4] =	ssyncset.s32 $0xFFFFF086  }
0x25: {  	[simem:s6], [sflag:s4] =	dma.local [hbm:s3], $0xF7A  }
0x26: {  	[smem:$0x3F94] =	sst s1;
	(tag) =	ssettag s2;
	_ =	strace s9  }
0x27: {  	s1 =	sld [smem:$0x3FA4]  }
0x28: {  	s2 =	sld [smem:$0x3FA5]  }
0x29: {  	s4 =	sld [smem:$0x3FA7]  }
0x2a: {  	p0 =	seq.s32 s5, $0x0;
	s5 =	sld [smem:$0x3FA8]  }
0x2b: {  	s6 =	sld [smem:$0x3FA9]  }
0x2c: {  	s7 =	sld [smem:$0x3FAA]  }
0x2d: {  	s3 =	simm.s32 $0x108;
	s8 =	sld [smem:$0x3FAB]  }
0x2e: {  	s3 =	simm.s32 @!p0 $0x1082;
	s9 =	sld [smem:$0x3FAC]  }
0x2f: {  	lr =	sadd.s32 s0, s3;
	s0 =	sld [smem:$0x3FA3]  }
0x30: {  	s3 =	sld [smem:$0x3FA6]  }
0x31: {  	[smem:$0x3FAF] =	sst s10  }
0x32: {  	s10 =	sld [smem:$0x3FAD];
	_ =	sdelay $0x3  }
0x33: {  	p0 =	seq.s32 s10, $0x1;
	s10 =	sld [smem:$0x3FAF];
	_ =	sdelay $0x3  }
0x34: {  	[smem:$0x3FAF] =	sst s10  }
0x35: {  	s10 =	sld [smem:$0x3FAE];
	_ =	sdelay $0x3  }
0x36: {  	p1 =	seq.s32 s10, $0x1;
	s10 =	sld [smem:$0x3FAF];
	_ =	sdelay $0x3  }
0x37: {  	[smem:$0x3FAF] =	sst s10  }
0x38: {  	s10 =	sld [smem:$0x3FB0]  }
0x39: {  	_ = 	snop;
	(pc) =	sbr.ind lr, $3  }
0x3a: {  	_ = 	snop  }
0x3b: {  	_ = 	snop  }
0x3c: {  	p2 =	seq.s32 s10, $0x1;
	s10 =	sld [smem:$0x3FAF]  }
0x3d: {  	_ =	shalt  }
0x3e: {  	_ =	shalt  }
0x3f: {  	_ =	shalt  }
0x40: {  	_ =	shalt  }
0x41: {  	_ =	shalt  }
0x42: {  	_ =	shalt  }
0x43: {  	_ =	shalt  }
0x44: {  	_ =	shalt  }
0x45: {  	_ =	shalt  }
0x46: {  	_ =	shalt  }
0x47: {  	_ =	shalt  }
0x48: {  	_ =	shalt  }
0x49: {  	_ =	shalt  }
0x4a: {  	_ =	shalt  }
0x4b: {  	_ =	shalt  }
0x4c: {  	_ =	shalt  }
0x4d: {  	_ =	shalt  }
0x4e: {  	_ =	shalt  }
0x4f: {  	_ =	shalt  }
0x50: {  	_ =	shalt  }
0x51: {  	_ =	shalt  }
0x52: {  	_ =	shalt  }
0x53: {  	_ =	shalt  }
0x54: {  	_ =	shalt  }
0x55: {  	_ =	shalt  }
0x56: {  	_ =	shalt  }
0x57: {  	_ =	shalt  }
0x58: {  	_ =	shalt  }
0x59: {  	_ =	shalt  }
0x5a: {  	_ =	shalt  }
0x5b: {  	_ =	shalt  }
0x5c: {  	_ =	shalt  }
0x5d: {  	_ =	shalt  }
0x5e: {  	_ =	shalt  }
0x5f: {  	_ =	shalt  }
0x60: {  	_ =	shalt  }
0x61: {  	_ =	shalt  }
0x62: {  	_ =	shalt  }
0x63: {  	_ =	shalt  }
0x64: {  	_ =	shalt  }
0x65: {  	_ =	shalt  }
0x66: {  	_ =	shalt  }
0x67: {  	_ =	shalt  }
0x68: {  	_ =	shalt  }
0x69: {  	_ =	shalt  }
0x6a: {  	_ =	shalt  }
0x6b: {  	_ =	shalt  }
0x6c: {  	_ =	shalt  }
0x6d: {  	_ =	shalt  }
0x6e: {  	_ =	shalt  }
0x6f: {  	_ =	shalt  }
0x70: {  	_ =	shalt  }
0x71: {  	_ =	shalt  }
0x72: {  	_ =	shalt  }
0x73: {  	_ =	shalt  }
0x74: {  	_ =	shalt  }
0x75: {  	_ =	shalt  }
0x76: {  	_ =	shalt  }
0x77: {  	_ =	shalt  }
0x78: {  	_ =	shalt  }
0x79: {  	_ =	shalt  }
0x7a: {  	_ =	shalt  }
0x7b: {  	_ =	shalt  }
0x7c: {  	_ =	shalt  }
0x7d: {  	_ =	shalt  }
0x7e: {  	_ =	shalt  }
0x7f: {  	_ =	shalt  }
0x80: {  	_ =	shalt  }
0x81: {  	_ =	shalt  }
0x82: {  	_ =	shalt  }
0x83: {  	_ =	shalt  }
0x84: {  	_ =	shalt  }
0x85: {  	_ =	shalt  }
0x86: {  	_ =	shalt  }
0x87: {  	_ =	shalt  }
.Lfunc_end0:
.L_simem_size_0:
called_computation.2_lowered:
.L_overlay_start_0:
0x88: {  	s2 =	sld [smem:$0x3FD9]  }
0x89: {  	s3 =	sld [smem:$0x3FFE];
	_ =	sdelay $0x1  }
0x8a: {  	s1 =	srdreg.scid  }
0x8b: {  	s0 =	sand.u32 $0x1, s1  }
0x8c: {  	s17 =	sshll.u32 s0, $0xA;
	s2 =	sadd.s32 s3, s2  }
0x8d: {  	s2 =	sadd.s32 s2, s17  }
0x8e: {  	[smem:$0x3FBB] =	sst s2  }
0x8f: {  	_ = 	snop  }
0x90: {  	s2 =	sld [smem:$0x3FD0];
	(tm) =	ssettm $0x1  }
0x91: {  	s18 =	sld [smem:$0x3FFB];
	_ =	sdelay $0x3  }
0x92: {  	_ =	strace s18  }
0x93: {  	s3 =	sld [smem:$0x3FFC];
	_ =	sdelay $0x3  }
0x94: {  	_ =	strace s3  }
0x95: {  	s3 =	sld [smem:$0x3FFD];
	_ =	sdelay $0x3  }
0x96: {  	_ =	strace s3  }
0x97: {  	_ =	strace $0x8FFFFFFF  }
0x98: {  	s19 =	sld [smem:$0x3FDB];
	_ =	sdelay $0x1  }
0x99: {  	s4 =	simm.s32 $_scs_section_size  }
0x9a: {  	s5 =	simm.s32 $_size__tile_overlayer_lowered;
	s6 =	simm.s32 $_tile_overlayer_lowered  }
0x9b: {  	s22 =	simm.s32 $0x1BFF;
	s21 =	sshll.u32 s6, $0x1;
	s3 =	sadd.s32 s4, s19  }
0x9c: {  	s7 =	simm.s32 $0x0;
	s20 =	sshll.u32 s5, $0x1;
	s5 =	sadd.s32 s21, s3  }
0x9d: {  	[timem:s7], [sflag:s22] =	dma.local [hbm:s5], s20  }
0x9e: {  	_ =	swait.ge [sflag:s22], s20  }
0x9f: {  	s4 =	ssub.s32 $0x0, s20;
	[sflag:s22] =	ssyncset.done $0x0  }
0xa0: {  	[sflag:s22] =	ssyncadd.s32 s4;
	_ =	sdelay $0x1  }
0xa1: {  	s23 =	simm.s32 $0x1B8B  }
0xa2: {  	_ =	swait.ge [sflag:s23], $0x1  }
0xa3: {  	[sflag:s23] =	ssyncset.done $0x0  }
0xa4: {  	s25 =	simm.s32 $0x1B8E;
	s24 =	sld [smem:$0x3FFE];
	[sflag:s23] =	ssyncadd.s32 $0xFFFFFFFF  }
0xa5: {  	s26 =	simm.s32 $execute0_lowered;
	[smem:$0x3FD2] =	sst s25  }
0xa6: {  	s5 =	sshll.u32 s26, $0x1;
	_ =	strace $0x8000004C;
	[dreg:$0x1] =	wrdreg $0xFFFFFFFF  }
0xa7: {  	s28 =	simm.s32 $_size_execute0_lowered;
	s3 =	sadd.s32 s3, s5;
	[dreg:$0x0] =	wrdreg $0x0  }
0xa8: {  	s5 =	sshll.u32 s28, $0x1;
	[dreg:$0x2] =	wrdreg s3  }
0xa9: {  	[dreg:$0x3] =	wrdreg s5  }
0xaa: {  	[dreg:$0x4] =	wrdreg $0xC0  }
0xab: {  	_ =	task [dreg:s7], $0x5FFFF  }
0xac: {  	[dreg:$0x1] =	wrdreg $0xFFFFFFFF  }
0xad: {  	[dreg:$0x0] =	wrdreg $0x60  }
0xae: {  	[dreg:$0x2] =	wrdreg s24  }
0xaf: {  	[dreg:$0x3] =	wrdreg s2  }
0xb0: {  	[dreg:$0x4] =	wrdreg $0x9  }
0xb1: {  	_ =	task.clear_ibuf [dreg:s7], $0x5FFFF;
	_ =	strace $0x9000004C  }
0xb2: {  	s29 =	simm.s32 $0x9;
	_ =	strace $0x8000004E  }
0xb3: {  	_ =	swait.ge [sflag:s29], $0x1  }
0xb4: {  	[sflag:s29] =	ssyncadd.s32 $0xFFFFFFFF  }
0xb5: {  	_ =	strace $0x9000004E  }
0xb6: {  	_ =	sfence  }
0xb7: {  	s30 =	sld [smem:$0x0];
	_ =	sdelay $0x2  }
0xb8: {  	s31 =	sshll.u32 s1, $0xD;
	s1 =	sshrl.u32 s1, $0x2  }
0xb9: {  	s3 =	sand.u32 $0x4000, s31;
	s1 =	sadd.s32 s1, s30  }
0xba: {  	s0 =	sor.u32 s3, s0;
	s1 =	sshll.u32 s1, $0x11  }
0xbb: {  	s0 =	sor.u32 s1, s0  }
0xbc: {  	s0 =	sadd.s32 $0x8F2B, s0  }
0xbd: {  	[sflag:s0] =	ssyncadd.remote.s32 $0x1  }
0xbe: {  	_ =	sfence.sel $0xFFFF  }
0xbf: {  	[dreg:$0x0] =	wrdreg $0xFFFFFFFF;
	(pc) =	sbr.abs _section_cstart, $3  }
0xc0: {  	[dreg:$0x1] =	wrdreg $0xFFFFFFFF  }
0xc1: {  	_ =	task.clear_ibuf [dreg:s7], $0x2FFFF;
	_ =	strace $0x9FFFFFFF  }
0xc2: {  	(tm) =	ssettm $0x7FFFFFFF  }
0xc3: {  	_ =	shalt  }
tec
execute0_lowered:
.L_overlay_start_1:
0x0: {  	(tag) =	ssettag $0x1  }
0x1: {  	s0 =	srdreg.scid;
	s1 =	rddreg [dreg:$0x0]  }
0x2: {  	s4 =	rddreg [dreg:$0x1];
	s0 =	sand.u32 $0x1, s0  }
0x3: {  	s2 =	stileid.u32;
	s3 =	sshll.u32 s0, $0x4;
	s0 =	ssub.s32 $0x2, s0  }
0x4: {  	s7 =	simm.s32 $0x0;
	s3 =	sor.u32 s2, s3;
	s5 =	sshrl.u32 s0, $0x1  }
0x5: {  	[smem:$0x7FF] =	sst s7;
	s6 =	smul.u32 $0x4E2, s3;
	s0 =	ssub.s32 s0, s5  }
0x6: {  	_ =	strace $0x8000004D;
	s3 =	sadd.s32 $0x2600, s1;
	s0 =	smax.u32 s0, $0x1  }
0x7: {  	s1 =	sadd.s32 s6, s1;
	s31 =	sadd.s32 s4, s6;
	[dreg:$0x6] =	wrdreg s0  }
0x8: {  	s8 =	simm.s32 $0x3;
	s30 =	sadd.s32 $0xA9A00, s1;
	[dreg:$0x5] =	wrdreg s31  }
0x9: {  	s20 =	simm.s32 $0x1;
	s1 =	sadd.s32 $0x9FC00, s1;
	[dreg:$0x3] =	wrdreg s30  }
0xa: {  	v0 =	vimm.f32 $0.0e+00;
	s21 =	simm.s32 $0x2;
	v1 =	vlaneseq.u32;
	s23 =	simm.s32 $0x0;
	[dreg:$0x4] =	wrdreg s1  }
.LBB2_1:
0xb: {  	[tilespmem:$0x11540] =	vst v0  }
0xc: {  	[tilespmem:$0x11558] =	vst v0  }
0xd: {  	[tilespmem:$0x11570] =	vst v0  }
0xe: {  	[tilespmem:$0x11580] =	vst v0;
	s0 =	rddreg [dreg:$0x3]  }
0xf: {  	[tilespmem:s7], [sflag:$0x3] =	stream.linear.gather [hbm4b:s0+s7], $0x2710, $0x38;
	[tilespmem:$0x11590] =	vst v63  }
0x10: {  	_ =	swait.ge [sflag:s8], $0x2710  }
0x11: {  	[sflag:s8] =	ssyncset.done $0x0  }
0x12: {  	s1 =	simm.s32 $0x2710;
	s18 =	rddreg [dreg:$0x4];
	[sflag:s8] =	ssyncadd.s32 $0xFFFFD8F0  }
0x13: {  	[tilespmem:s1], [sflag:$0x3] =	stream.linear.gather [hbm4b:s18+s7], $0x2710, $0x38;
	[tilespmem:$0x11590] =	vst v63  }
0x14: {  	_ =	swait.ge [sflag:s8], $0x2710  }
0x15: {  	[sflag:s8] =	ssyncset.done $0x0  }
0x16: {  	s19 =	simm.s32 $0x50;
	s2 =	simm.s32 $0x4E20;
	[sflag:s8] =	ssyncadd.s32 $0xFFFFD8F0  }
0x17: {  	[tilespmem:s2], [sflag:$0x1] =	stream.indirect.gather [hbm4b:s3+s19], $0x40, s7, s19, $0xb8;
	[tilespmem:$0x11590] =	vst v63  }
0x18: {  	s22 =	simm.s32 $0x9E20  }
0x19: {  	[tilespmem:s22], [sflag:$0x2] =	stream.indirect.gather [hbm4b:s3+s19], $0x40, s1, s19, $0xb8;
	[tilespmem:$0x11590] =	vst v63  }
0x1a: {  	s24 =	simm.s32 $0x6220  }
0x1b: {  	[tilespmem:s24], [sflag:$0x1] =	stream.indirect.gather [hbm4b:s3+s19], $0x40, s19, s19, $0xb8;
	[tilespmem:$0x11590] =	vst v63  }
0x1c: {  	s25 =	simm.s32 $0x2760;
	s26 =	simm.s32 $0xB220  }
0x1d: {  	[tilespmem:s26], [sflag:$0x2] =	stream.indirect.gather [hbm4b:s3+s19], $0x40, s25, s19, $0xb8;
	[tilespmem:$0x11590] =	vst v63  }
0x1e: {  	s28 =	simm.s32 $0xA0;
	s29 =	simm.s32 $0x7620;
	s30 =	simm.s32 $0x27B0  }
0x1f: {  	[tilespmem:s29], [sflag:$0x1] =	stream.indirect.gather [hbm4b:s3+s19], $0x40, s28, s19, $0xb8;
	[tilespmem:$0x11590] =	vst v63  }
0x20: {  	s31 =	simm.s32 $0xC620;
	s24 =	simm.s32 $0x0;
	s25 =	simm.s32 $0x0  }
0x21: {  	[tilespmem:s31], [sflag:$0x2] =	stream.indirect.gather [hbm4b:s3+s19], $0x40, s30, s19, $0xb8;
	[tilespmem:$0x11590] =	vst v63  }
.LBB2_2:
0x22: {  	p0 =	sgt.u32 s25, $0x79  }
0x23: {  	s0 =	sadd.s32 @!p0 $0x3, s25  }
0x24: {  	s1 =	sand.u32 @!p0 $0x3, s0  }
0x25: {  	s1 =	smul.u32 @!p0 $0x1400, s1  }
0x26: {  	s0 =	smul.u32 @!p0 $0x50, s0  }
0x27: {  	s9 =	simm.s32 @!p0 $0x50;
	s4 =	sadd.s32 @!p0 $0x4E20, s1  }
0x28: {  	[tilespmem:s4], [sflag:$0x1] =	stream.indirect.gather @!p0 [hbm4b:s3+s9], $0x40, s0, s9, $0xb8;
	[tilespmem:$0x11590] =	vst v63  }
0x29: {  	s1 =	sadd.s32 @!p0 $0x9E20, s1;
	s0 =	sadd.s32 @!p0 $0x2710, s0  }
0x2a: {  	[tilespmem:s1], [sflag:$0x2] =	stream.indirect.gather @!p0 [hbm4b:s3+s9], $0x40, s0, s9, $0xb8;
	[tilespmem:$0x11590] =	vst v63  }
0x2b: {  	_ =	swait.ge [sflag:s20], $0x1400  }
0x2c: {  	s4 =	sand.u32 $0x3, s24;
	[sflag:s20] =	ssyncset.done $0x0  }
0x2d: {  	s0 =	smul.u32 $0x5000, s4;
	[sflag:s20] =	ssyncadd.s32 $0xFFFFEC00  }
0x2e: {  	_ =	swait.ge [sflag:s21], $0x1400  }
0x2f: {  	s12 =	sshrl.u32 s0, $0x2;
	[sflag:s21] =	ssyncset.done $0x0  }
0x30: {  	s5 =	sadd.s32 $0x4EA0, s12;
	[sflag:s21] =	ssyncadd.s32 $0xFFFFEC00  }
0x31: {  	s0 =	sadd.s32 $0x9EA0, s12;
	v2 =	vld [tilespmem:s5+$0xFFFFFF80]  }
0x32: {  	v3 =	vld [tilespmem:s0+$0xFFFFFF90]  }
0x33: {  	v4 =	vld [tilespmem:s5+$0xFFFFFF90]  }
0x34: {  	v5 =	vld [tilespmem:s0+$0xFFFFFF80]  }
0x35: {  	v6 =	vld [tilespmem:s0+$0xFFFFFFA0]  }
0x36: {  	v7 =	vld [tilespmem:s5+$0xFFFFFFA0]  }
0x37: {  	v8 =	vld [tilespmem:s0+$0xFFFFFFB0]  }
0x38: {  	v9 =	vld [tilespmem:s5+$0xFFFFFFB0]  }
0x39: {  	v3 =	vmul.f32 v3, v4;
	v2 =	vmul.f32 v5, v2;
	_ =	sdelay $0x1  }
0x3a: {  	v2 =	vadd.f32 v3, v2;
	v3 =	vmul.f32 v6, v7;
	_ =	sdelay $0x1  }
0x3b: {  	v2 =	vadd.f32 v3, v2;
	v3 =	vmul.f32 v8, v9;
	_ =	sdelay $0x1  }
0x3c: {  	v2 =	vadd.f32 v3, v2;
	_ =	sdelay $0x1  }
0x3d: {  	[tilespmem:$0x11530] =	vst v2  }
0x3e: {  	v3 =	vld [tilespmem:s0+$0xFFFFFFD0]  }
0x3f: {  	v4 =	vld [tilespmem:s5+$0xFFFFFFC0]  }
0x40: {  	v5 =	vld [tilespmem:s5+$0xFFFFFFD0]  }
0x41: {  	v6 =	vld [tilespmem:s0+$0xFFFFFFC0]  }
0x42: {  	v7 =	vld [tilespmem:s0+$0xFFFFFFE0]  }
0x43: {  	v50 =	vld [tilespmem:s5+$0xFFFFFFE0]  }
0x44: {  	v51 =	vld [tilespmem:s0+$0xFFFFFFF0]  }
0x45: {  	v10 =	vld [tilespmem:s5+$0xFFFFFFF0]  }
0x46: {  	v3 =	vmul.f32 v3, v5;
	v4 =	vmul.f32 v6, v4;
	_ =	sdelay $0x1  }
0x47: {  	v3 =	vadd.f32 v3, v4;
	v4 =	vmul.f32 v7, v50;
	_ =	sdelay $0x1  }
0x48: {  	v3 =	vadd.f32 v4, v3;
	v4 =	vmul.f32 v51, v10;
	_ =	sdelay $0x1  }
0x49: {  	v3 =	vadd.f32 v4, v3;
	_ =	sdelay $0x1  }
0x4a: {  	[tilespmem:$0x11548] =	vst v3  }
0x4b: {  	v4 =	vld [tilespmem:s5+$0x0]  }
0x4c: {  	v5 =	vld [tilespmem:s0+$0x0]  }
0x4d: {  	v6 =	vld [tilespmem:s0+$0x10]  }
0x4e: {  	v7 =	vld [tilespmem:s5+$0x10]  }
0x4f: {  	v52 =	vld [tilespmem:s0+$0x20]  }
0x50: {  	v53 =	vld [tilespmem:s5+$0x20]  }
0x51: {  	v54 =	vld [tilespmem:s0+$0x30]  }
0x52: {  	v11 =	vld [tilespmem:s5+$0x30]  }
0x53: {  	v4 =	vmul.f32 v5, v4;
	v5 =	vmul.f32 v6, v7  }
0x54: {  	v6 =	vld [tilespmem:$0x11538]  }
0x55: {  	v4 =	vadd.f32 v5, v4;
	v5 =	vmul.f32 v52, v53;
	_ =	sdelay $0x1  }
0x56: {  	v4 =	vadd.f32 v5, v4;
	v5 =	vmul.f32 v54, v11;
	_ =	sdelay $0x1  }
0x57: {  	v2 =	vadd.f32 v6, v2;
	v4 =	vadd.f32 v5, v4;
	_ =	sdelay $0x1  }
0x58: {  	v5 =	vld [tilespmem:$0x11550];
	(v2sf) =	vpush v2, $0x4;
	[tilespmem:$0x11560] =	vst v4  }
0x59: {  	(v2sf) =	vpush v2, $0x7;
	v6 =	vld [tilespmem:s5+$0x40]  }
0x5a: {  	(v2sf) =	vpush v2, $0x3;
	v7 =	vld [tilespmem:s5+$0x50]  }
0x5b: {  	v55 =	vld [tilespmem:s0+$0x40];
	(v2sf) =	vpush v2, $0x6  }
0x5c: {  	v56 =	vld [tilespmem:s0+$0x50];
	(v2sf) =	vpush v2, $0x5  }
0x5d: {  	v57 =	vld [tilespmem:s5+$0x60];
	(v2sf) =	vpush v2, $0x2  }
0x5e: {  	v58 =	vld [tilespmem:s0+$0x70];
	v3 =	vadd.f32 v5, v3;
	(v2sf) =	vpush v2, $0x0  }
0x5f: {  	v5 =	vld [tilespmem:s0+$0x60];
	(v2sf) =	vpush v2, $0x1  }
0x60: {  	v59 =	vld [tilespmem:$0x11568];
	(v2sf) =	vpush v3, $0x7  }
0x61: {  	v2 =	vld [tilespmem:s5+$0x70];
	(v2sf) =	vpush v3, $0x6  }
0x62: {  	v6 =	vmul.f32 v55, v6;
	v7 =	vmul.f32 v56, v7;
	(v2sf) =	vpush v3, $0x5  }
0x63: {  	(v2sf) =	vpush v3, $0x2  }
0x64: {  	v6 =	vadd.f32 v7, v6;
	v5 =	vmul.f32 v5, v57;
	(v2sf) =	vpush v3, $0x4  }
0x65: {  	v4 =	vadd.f32 v59, v4;
	(v2sf) =	vpush v3, $0x1  }
0x66: {  	v5 =	vadd.f32 v5, v6;
	v2 =	vmul.f32 v58, v2;
	(v2sf) =	vpush v3, $0x0  }
0x67: {  	s6 =	spop (v2sf);
	(v2sf) =	vpush v3, $0x3  }
0x68: {  	v2 =	vadd.f32 v2, v5;
	s7 =	spop (v2sf);
	(v2sf) =	vpush v4, $0x0  }
0x69: {  	s11 =	spop (v2sf);
	(v2sf) =	vpush v4, $0x1  }
0x6a: {  	[tilespmem:$0x11578] =	vst v2;
	s13 =	spop (v2sf);
	(v2sf) =	vpush v4, $0x2  }
0x6b: {  	s15 =	sadd.s32 $0x100, s0;
	v3 =	vld [tilespmem:$0x11580];
	s10 =	spop (v2sf)  }
0x6c: {  	s14 =	sadd.s32 $0x100, s5;
	v6 =	vld [tilespmem:s15+$0xFFFFFF90];
	s13 =	sadd.f32 s7, s13;
	s16 =	spop (v2sf)  }
0x6d: {  	v7 =	vld [tilespmem:s14+$0xFFFFFF90];
	s1 =	sadd.f32 s10, s6;
	s17 =	spop (v2sf)  }
0x6e: {  	(v2sf) =	vpush v4, $0x3;
	s9 =	sadd.f32 s11, s16;
	s18 =	spop (v2sf)  }
0x6f: {  	(v2sf) =	vpush v4, $0x4;
	s19 =	spop (v2sf);
	s4 =	sadd.f32 s18, s17  }
0x70: {  	v5 =	vld [tilespmem:s14+$0xFFFFFF80];
	(v2sf) =	vpush v4, $0x5;
	s0 =	sadd.f32 s13, s1;
	s22 =	spop (v2sf)  }
0x71: {  	v60 =	vld [tilespmem:s15+$0xFFFFFF80];
	(v2sf) =	vpush v4, $0x6;
	s4 =	sadd.f32 s9, s4;
	s26 =	spop (v2sf)  }
0x72: {  	v61 =	vld [tilespmem:s15+$0xFFFFFFA0];
	v6 =	vmul.f32 v6, v7;
	v7 =	vadd.f32 v3, v2;
	(v2sf) =	vpush v4, $0x7;
	s2 =	spop (v2sf)  }
0x73: {  	v62 =	vld [tilespmem:s14+$0xFFFFFFA0];
	s16 =	sadd.f32 s0, s4;
	s4 =	spop (v2sf)  }
0x74: {  	v63 =	vld [tilespmem:s15+$0xFFFFFFB0];
	(v2sf) =	vpush v7, $0x7;
	s6 =	spop (v2sf)  }
0x75: {  	v12 =	vld [tilespmem:s14+$0xFFFFFFB0];
	(v2sf) =	vpush v7, $0x0;
	s7 =	spop (v2sf)  }
0x76: {  	v5 =	vmul.f32 v60, v5;
	s5 =	sadd.f32 s19, s22;
	(v2sf) =	vpush v7, $0x3;
	s19 =	spop (v2sf)  }
0x77: {  	(v2sf) =	vpush v7, $0x6;
	s18 =	spop (v2sf)  }
0x78: {  	v3 =	vmul.f32 v61, v62;
	v2 =	vadd.f32 v6, v5;
	s9 =	sadd.f32 s26, s4;
	s22 =	spop (v2sf);
	(v2sf) =	vpush v7, $0x1  }
0x79: {  	s28 =	sadd.s32 $0x5F10, s12;
	s17 =	sadd.f32 s19, s2;
	s19 =	spop (v2sf);
	(v2sf) =	vpush v7, $0x5  }
0x7a: {  	s29 =	sadd.s32 $0xAF10, s12;
	s30 =	sadd.s32 $0x5B10, s12;
	v2 =	vadd.f32 v3, v2;
	v3 =	vmul.f32 v63, v12;
	s10 =	sadd.f32 s6, s7;
	(v2sf) =	vpush v7, $0x4  }
0x7b: {  	s31 =	sadd.s32 $0xAB10, s12;
	s11 =	sadd.s32 $0x5310, s12;
	s4 =	sadd.f32 s5, s9;
	(v2sf) =	vpush v7, $0x2  }
0x7c: {  	s1 =	sadd.s32 $0xA710, s12;
	s13 =	simm.s32 $0x0;
	v3 =	vadd.f32 v3, v2;
	s17 =	sadd.f32 s17, s10  }
0x7d: {  	s0 =	sadd.s32 $0x5710, s12;
	s5 =	sadd.f32 s22, s18;
	s26 =	spop (v2sf)  }
0x7e: {  	s12 =	sadd.s32 $0xA310, s12;
	[tilespmem:$0x11530] =	vst v3;
	s19 =	sadd.f32 s26, s19;
	s22 =	spop (v2sf)  }
0x7f: {  	v4 =	vld [tilespmem:s15+$0xFFFFFFD0];
	s18 =	simm.s32 $0x8;
	s17 =	sadd.f32 s4, s17;
	s9 =	spop (v2sf)  }
0x80: {  	v2 =	vimm.f32 $0.0e+00;
	v5 =	vld [tilespmem:s14+$0xFFFFFFC0];
	s26 =	simm.s32 $0x4;
	s19 =	sadd.f32 s19, s5;
	s4 =	spop (v2sf)  }
.LBB2_3:
0x81: {  	p0 =	sne.s32 s18, $0xC;
	v6 =	vld [tilespmem:s14+$0xFFFFFFD0];
	s5 =	sadd.f32 s9, s22;
	s9 =	spop (v2sf)  }
0x82: {  	v7 =	vld [tilespmem:s15+$0xFFFFFFC0];
	s4 =	sadd.f32 s9, s4;
	s9 =	smov.u32 s18;
	s18 =	sadd.s32 $0x4, s18  }
0x83: {  	v8 =	vld [tilespmem:s15+$0xFFFFFFE0];
	s22 =	spop (v2sf)  }
0x84: {  	v9 =	vld [tilespmem:s14+$0xFFFFFFE0];
	s6 =	spop (v2sf)  }
0x85: {  	v10 =	vld [tilespmem:s15+$0xFFFFFFF0];
	s7 =	spop (v2sf)  }
0x86: {  	s4 =	sadd.f32 s4, s5;
	v4 =	vmul.f32 v4, v6;
	v6 =	vld [tilespmem:s14+$0xFFFFFFF0];
	s5 =	spop (v2sf)  }
0x87: {  	v11 =	vld [tilespmem:$0x11538];
	v5 =	vmul.f32 v7, v5;
	s5 =	sadd.f32 s22, s5;
	s22 =	spop (v2sf)  }
0x88: {  	s6 =	sadd.f32 s22, s6;
	s22 =	spop (v2sf)  }
0x89: {  	s4 =	sadd.f32 s4, s19;
	v4 =	vadd.f32 v4, v5;
	v5 =	vmul.f32 v8, v9;
	s19 =	spop (v2sf)  }
0x8a: {  	s19 =	sadd.f32 s22, s19;
	s22 =	spop (v2sf)  }
0x8b: {  	v4 =	vadd.f32 v5, v4;
	v5 =	vmul.f32 v10, v6;
	s7 =	sadd.f32 s7, s22  }
0x8c: {  	v6 =	vmov s13;
	s22 =	sadd.s32 $0x1, s13;
	v3 =	vadd.f32 v11, v3;
	s5 =	sadd.f32 s5, s19  }
0x8d: {  	vm0 =	veq.s32 v6, v1;
	s19 =	sadd.s32 $0x2, s13;
	v4 =	vadd.f32 v5, v4;
	v5 =	vmov s22;
	s6 =	sadd.f32 s7, s6  }
0x8e: {  	v2 =	vsel vm0, s16, v2;
	s7 =	sadd.s32 $0x3, s13;
	s13 =	smov.u32 s26;
	s26 =	smov.u32 s9;
	(v2sf) =	vpush v3, $0x4;
	vm0 =	veq.s32 v5, v1  }
0x8f: {  	v5 =	vmov s7;
	[tilespmem:$0x11548] =	vst v4;
	(v2sf) =	vpush v3, $0x7;
	v2 =	vsel vm0, s17, v2;
	s5 =	sadd.f32 s5, s6  }
0x90: {  	v7 =	vmov s19;
	v6 =	vld [tilespmem:s14+$0x0];
	(v2sf) =	vpush v3, $0x3  }
0x91: {  	vm0 =	veq.s32 v7, v1;
	vm1 =	veq.s32 v5, v1;
	v8 =	vld [tilespmem:s15+$0x0];
	(v2sf) =	vpush v3, $0x6  }
0x92: {  	v2 =	vsel vm0, s4, v2;
	v5 =	vld [tilespmem:s15+$0x10];
	(v2sf) =	vpush v3, $0x5  }
0x93: {  	v2 =	vsel vm1, s5, v2;
	v7 =	vld [tilespmem:s14+$0x10];
	(v2sf) =	vpush v3, $0x2  }
0x94: {  	v9 =	vld [tilespmem:s15+$0x20];
	(v2sf) =	vpush v3, $0x0  }
0x95: {  	v10 =	vld [tilespmem:s14+$0x20];
	(v2sf) =	vpush v3, $0x1  }
0x96: {  	v3 =	vld [tilespmem:s15+$0x30]  }
0x97: {  	v6 =	vmul.f32 v8, v6;
	v8 =	vld [tilespmem:s14+$0x30]  }
0x98: {  	v11 =	vld [tilespmem:$0x11550];
	v5 =	vmul.f32 v5, v7;
	_ =	sdelay $0x1  }
0x99: {  	v5 =	vadd.f32 v5, v6;
	v6 =	vmul.f32 v9, v10;
	_ =	sdelay $0x1  }
0x9a: {  	v5 =	vadd.f32 v6, v5;
	v3 =	vmul.f32 v3, v8  }
0x9b: {  	v4 =	vadd.f32 v11, v4;
	s4 =	spop (v2sf)  }
0x9c: {  	v3 =	vadd.f32 v3, v5;
	s5 =	spop (v2sf)  }
0x9d: {  	s6 =	spop (v2sf);
	(v2sf) =	vpush v4, $0x7  }
0x9e: {  	[tilespmem:$0x11560] =	vst v3;
	s7 =	spop (v2sf);
	(v2sf) =	vpush v4, $0x6  }
0x9f: {  	s5 =	sadd.f32 s5, s7;
	v5 =	vld [tilespmem:s14+$0x40];
	s7 =	spop (v2sf);
	(v2sf) =	vpush v4, $0x5  }
0xa0: {  	s4 =	sadd.f32 s7, s4;
	v6 =	vld [tilespmem:s14+$0x50];
	s7 =	spop (v2sf);
	(v2sf) =	vpush v4, $0x2  }
0xa1: {  	s6 =	sadd.f32 s6, s7;
	v7 =	vld [tilespmem:s15+$0x40];
	s7 =	spop (v2sf);
	(v2sf) =	vpush v4, $0x4  }
0xa2: {  	s4 =	sadd.f32 s5, s4;
	v8 =	vld [tilespmem:s15+$0x50];
	s5 =	spop (v2sf);
	(v2sf) =	vpush v4, $0x1  }
0xa3: {  	s5 =	sadd.f32 s5, s7;
	v9 =	vld [tilespmem:s14+$0x60];
	(v2sf) =	vpush v4, $0x0  }
0xa4: {  	v10 =	vld [tilespmem:s15+$0x60];
	(v2sf) =	vpush v4, $0x3  }
0xa5: {  	s5 =	sadd.f32 s6, s5;
	v4 =	vld [tilespmem:s14+$0x70]  }
0xa6: {  	v5 =	vmul.f32 v7, v5;
	v7 =	vld [tilespmem:s15+$0x70]  }
0xa7: {  	s16 =	sadd.f32 s4, s5;
	v11 =	vld [tilespmem:$0x11568];
	v6 =	vmul.f32 v8, v6;
	_ =	sdelay $0x1  }
0xa8: {  	v5 =	vadd.f32 v6, v5;
	v6 =	vmul.f32 v10, v9;
	_ =	sdelay $0x1  }
0xa9: {  	v5 =	vadd.f32 v6, v5;
	v4 =	vmul.f32 v7, v4  }
0xaa: {  	v3 =	vadd.f32 v11, v3;
	s4 =	spop (v2sf)  }
0xab: {  	v4 =	vadd.f32 v4, v5;
	s5 =	spop (v2sf)  }
0xac: {  	s4 =	sadd.f32 s4, s5;
	s5 =	spop (v2sf);
	(v2sf) =	vpush v3, $0x0  }
0xad: {  	[tilespmem:$0x11578] =	vst v4;
	s6 =	spop (v2sf);
	(v2sf) =	vpush v3, $0x1  }
0xae: {  	s14 =	sadd.s32 $0x100, s14;
	v5 =	vld [tilespmem:$0x11580];
	s7 =	spop (v2sf);
	(v2sf) =	vpush v3, $0x2  }
0xaf: {  	s15 =	sadd.s32 $0x100, s15;
	v6 =	vld [tilespmem:s14+$0xFFFFFF80];
	s5 =	sadd.f32 s5, s7;
	s7 =	spop (v2sf);
	(v2sf) =	vpush v3, $0x3  }
0xb0: {  	v7 =	vld [tilespmem:s15+$0xFFFFFF90];
	s9 =	spop (v2sf);
	(v2sf) =	vpush v3, $0x4  }
0xb1: {  	v8 =	vld [tilespmem:s14+$0xFFFFFF90];
	s7 =	sadd.f32 s7, s9;
	s9 =	spop (v2sf);
	(v2sf) =	vpush v3, $0x5  }
0xb2: {  	v9 =	vld [tilespmem:s15+$0xFFFFFF80];
	s6 =	sadd.f32 s9, s6;
	(v2sf) =	vpush v3, $0x6  }
0xb3: {  	s4 =	sadd.f32 s4, s5;
	v10 =	vld [tilespmem:s15+$0xFFFFFFA0];
	v4 =	vadd.f32 v5, v4;
	(v2sf) =	vpush v3, $0x7  }
0xb4: {  	v3 =	vld [tilespmem:s14+$0xFFFFFFA0];
	s5 =	sadd.f32 s6, s7  }
0xb5: {  	v5 =	vld [tilespmem:s15+$0xFFFFFFB0];
	(v2sf) =	vpush v4, $0x7  }
0xb6: {  	v7 =	vmul.f32 v7, v8;
	v8 =	vld [tilespmem:s14+$0xFFFFFFB0];
	s17 =	sadd.f32 s4, s5;
	(v2sf) =	vpush v4, $0x0  }
0xb7: {  	v6 =	vmul.f32 v9, v6;
	(v2sf) =	vpush v4, $0x3  }
0xb8: {  	(v2sf) =	vpush v4, $0x6  }
0xb9: {  	v6 =	vadd.f32 v7, v6;
	v3 =	vmul.f32 v10, v3;
	(v2sf) =	vpush v4, $0x1  }
0xba: {  	(v2sf) =	vpush v4, $0x5  }
0xbb: {  	v3 =	vadd.f32 v3, v6;
	v5 =	vmul.f32 v5, v8;
	s4 =	spop (v2sf);
	(v2sf) =	vpush v4, $0x4  }
0xbc: {  	s5 =	spop (v2sf);
	(v2sf) =	vpush v4, $0x2  }
.Ltmp0:
0xbd: {  	v3 =	vadd.f32 v5, v3;
	s6 =	spop (v2sf);
	(pc) =	sbr.rel @p0 .LBB2_3-.Ltmp0, $4  }
0xbe: {  	s4 =	sadd.f32 s5, s4;
	s5 =	spop (v2sf)  }
0xbf: {  	[tilespmem:$0x11530] =	vst v3;
	s5 =	sadd.f32 s5, s6;
	s22 =	spop (v2sf)  }
0xc0: {  	v4 =	vld [tilespmem:s15+$0xFFFFFFD0];
	s9 =	spop (v2sf)  }
0xc1: {  	v5 =	vld [tilespmem:s14+$0xFFFFFFC0];
	s19 =	sadd.f32 s5, s4;
	s4 =	spop (v2sf)  }
0xc2: {  	v6 =	vld [tilespmem:s14+$0xFFFFFFD0]  }
0xc3: {  	v7 =	vld [tilespmem:s15+$0xFFFFFFC0]  }
0xc4: {  	v8 =	vld [tilespmem:s15+$0xFFFFFFE0]  }
0xc5: {  	v9 =	vld [tilespmem:s14+$0xFFFFFFE0]  }
0xc6: {  	v10 =	vld [tilespmem:s15+$0xFFFFFFF0]  }
0xc7: {  	v11 =	vld [tilespmem:s14+$0xFFFFFFF0]  }
0xc8: {  	v4 =	vmul.f32 v4, v6;
	v5 =	vmul.f32 v7, v5;
	_ =	sdelay $0x1  }
0xc9: {  	v4 =	vadd.f32 v4, v5;
	v5 =	vmul.f32 v8, v9;
	_ =	sdelay $0x1  }
0xca: {  	v4 =	vadd.f32 v5, v4;
	v5 =	vmul.f32 v10, v11;
	_ =	sdelay $0x1  }
0xcb: {  	v4 =	vadd.f32 v5, v4;
	_ =	sdelay $0x1  }
0xcc: {  	[tilespmem:$0x11548] =	vst v4  }
0xcd: {  	v5 =	vld [tilespmem:s14+$0x0]  }
0xce: {  	v6 =	vld [tilespmem:s15+$0x0]  }
0xcf: {  	v7 =	vld [tilespmem:s15+$0x10]  }
0xd0: {  	v35 =	vld [tilespmem:s14+$0x10]  }
0xd1: {  	v36 =	vld [tilespmem:s15+$0x20]  }
0xd2: {  	v37 =	vld [tilespmem:s14+$0x20]  }
0xd3: {  	v38 =	vld [tilespmem:s15+$0x30]  }
0xd4: {  	v12 =	vld [tilespmem:s14+$0x30]  }
0xd5: {  	v5 =	vmul.f32 v6, v5;
	v6 =	vmul.f32 v7, v35;
	_ =	sdelay $0x1  }
0xd6: {  	v7 =	vld [tilespmem:$0x11538];
	v5 =	vadd.f32 v6, v5;
	v6 =	vmul.f32 v36, v37;
	_ =	sdelay $0x1  }
0xd7: {  	v5 =	vadd.f32 v6, v5;
	v6 =	vmul.f32 v38, v12;
	_ =	sdelay $0x1  }
0xd8: {  	v5 =	vadd.f32 v6, v5  }
0xd9: {  	v3 =	vadd.f32 v7, v3  }
0xda: {  	v6 =	vld [tilespmem:$0x11550];
	[tilespmem:$0x11560] =	vst v5  }
0xdb: {  	(v2sf) =	vpush v3, $0x4;
	v7 =	vld [tilespmem:s14+$0x40]  }
0xdc: {  	(v2sf) =	vpush v3, $0x7;
	v39 =	vld [tilespmem:s14+$0x50]  }
0xdd: {  	(v2sf) =	vpush v3, $0x3;
	v40 =	vld [tilespmem:s15+$0x40]  }
0xde: {  	v41 =	vld [tilespmem:s15+$0x50];
	(v2sf) =	vpush v3, $0x6  }
0xdf: {  	v42 =	vld [tilespmem:s14+$0x60];
	(v2sf) =	vpush v3, $0x5  }
0xe0: {  	v4 =	vadd.f32 v6, v4;
	v6 =	vld [tilespmem:s15+$0x60];
	(v2sf) =	vpush v3, $0x2  }
0xe1: {  	s5 =	spop (v2sf);
	v43 =	vld [tilespmem:s15+$0x70];
	(v2sf) =	vpush v3, $0x0  }
0xe2: {  	s6 =	spop (v2sf);
	(v2sf) =	vpush v3, $0x1;
	v3 =	vld [tilespmem:s14+$0x70]  }
0xe3: {  	s7 =	spop (v2sf);
	v44 =	vld [tilespmem:$0x11568];
	v7 =	vmul.f32 v40, v7;
	v8 =	vmul.f32 v41, v39;
	(v2sf) =	vpush v4, $0x7  }
0xe4: {  	s14 =	spop (v2sf);
	(v2sf) =	vpush v4, $0x6  }
0xe5: {  	s15 =	spop (v2sf);
	v7 =	vadd.f32 v8, v7;
	v6 =	vmul.f32 v6, v42;
	(v2sf) =	vpush v4, $0x5  }
0xe6: {  	s18 =	spop (v2sf);
	(v2sf) =	vpush v4, $0x2  }
0xe7: {  	s9 =	sadd.f32 s9, s22;
	s22 =	spop (v2sf);
	v6 =	vadd.f32 v6, v7;
	(v2sf) =	vpush v4, $0x4;
	v3 =	vmul.f32 v43, v3  }
0xe8: {  	s4 =	sadd.f32 s5, s4;
	v5 =	vadd.f32 v44, v5;
	s5 =	spop (v2sf);
	(v2sf) =	vpush v4, $0x1  }
0xe9: {  	s2 =	spop (v2sf);
	(v2sf) =	vpush v4, $0x0;
	v3 =	vadd.f32 v3, v6  }
0xea: {  	s4 =	sadd.f32 s4, s9;
	s10 =	spop (v2sf);
	(v2sf) =	vpush v4, $0x3  }
0xeb: {  	s6 =	sadd.f32 s6, s15;
	s15 =	spop (v2sf);
	(v2sf) =	vpush v5, $0x0;
	[tilespmem:$0x11578] =	vst v3  }
0xec: {  	s7 =	sadd.f32 s18, s7;
	s18 =	spop (v2sf);
	(v2sf) =	vpush v5, $0x1;
	v4 =	vld [tilespmem:$0x11580]  }
0xed: {  	s5 =	sadd.f32 s22, s5;
	s22 =	spop (v2sf);
	(v2sf) =	vpush v5, $0x2  }
0xee: {  	s2 =	sadd.f32 s14, s2;
	s14 =	spop (v2sf);
	(v2sf) =	vpush v5, $0x3  }
0xef: {  	s5 =	sadd.f32 s6, s5;
	s6 =	spop (v2sf);
	(v2sf) =	vpush v5, $0x4  }
0xf0: {  	s2 =	sadd.f32 s2, s7;
	s7 =	spop (v2sf);
	(v2sf) =	vpush v5, $0x5  }
0xf1: {  	s4 =	sadd.f32 s4, s19;
	s19 =	spop (v2sf);
	(v2sf) =	vpush v5, $0x6;
	v3 =	vadd.f32 v4, v3  }
0xf2: {  	s9 =	sadd.f32 s5, s2;
	s2 =	spop (v2sf);
	(v2sf) =	vpush v5, $0x7  }
0xf3: {  	s22 =	sadd.f32 s15, s22;
	s15 =	spop (v2sf);
	(v2sf) =	vpush v3, $0x7  }
0xf4: {  	s10 =	sadd.f32 s14, s10;
	s14 =	spop (v2sf);
	(v2sf) =	vpush v3, $0x0  }
0xf5: {  	s6 =	sadd.f32 s18, s6;
	s18 =	spop (v2sf);
	(v2sf) =	vpush v3, $0x3  }
0xf6: {  	s7 =	sadd.f32 s19, s7;
	s19 =	spop (v2sf);
	(v2sf) =	vpush v3, $0x6  }
0xf7: {  	s5 =	sadd.f32 s22, s10;
	s10 =	spop (v2sf);
	(v2sf) =	vpush v3, $0x1  }
0xf8: {  	s6 =	sadd.f32 s6, s7;
	s22 =	spop (v2sf);
	(v2sf) =	vpush v3, $0x5  }
0xf9: {  	s2 =	sadd.f32 s2, s15;
	s15 =	spop (v2sf);
	(v2sf) =	vpush v3, $0x4  }
0xfa: {  	s14 =	sadd.f32 s14, s19;
	s19 =	spop (v2sf);
	(v2sf) =	vpush v3, $0x2  }
0xfb: {  	s7 =	sadd.f32 s10, s22;
	s22 =	spop (v2sf)  }
0xfc: {  	s15 =	sadd.f32 s15, s18;
	s18 =	spop (v2sf)  }
0xfd: {  	s2 =	sadd.f32 s2, s14;
	s14 =	spop (v2sf)  }
0xfe: {  	s7 =	sadd.f32 s15, s7;
	s15 =	spop (v2sf)  }
0xff: {  	s5 =	sadd.f32 s5, s6;
	s6 =	spop (v2sf)  }
0x100: {  	s2 =	sadd.f32 s2, s7;
	s7 =	spop (v2sf)  }
0x101: {  	s10 =	sadd.f32 s22, s19;
	s22 =	spop (v2sf)  }
0x102: {  	s14 =	sadd.f32 s14, s18;
	s18 =	spop (v2sf)  }
0x103: {  	s6 =	sadd.f32 s6, s15;
	s15 =	spop (v2sf)  }
0x104: {  	s7 =	sadd.f32 s22, s7;
	s19 =	spop (v2sf)  }
0x105: {  	s10 =	sadd.f32 s14, s10;
	s14 =	spop (v2sf)  }
0x106: {  	s6 =	sadd.f32 s7, s6;
	s7 =	spop (v2sf)  }
0x107: {  	v3 =	vmov s13;
	s22 =	sadd.s32 $0x1, s13;
	s14 =	sadd.f32 s18, s14;
	s18 =	spop (v2sf)  }
0x108: {  	vm0 =	veq.s32 v3, v1;
	v3 =	vmov s22;
	s22 =	sadd.s32 $0x2, s13;
	s7 =	sadd.f32 s7, s15;
	s15 =	spop (v2sf)  }
0x109: {  	v2 =	vsel vm0, s16, v2;
	s16 =	sadd.s32 $0x3, s13;
	v4 =	vmov s22;
	vm10 =	veq.s32 v3, v1;
	s15 =	sadd.f32 s18, s15;
	s22 =	spop (v2sf)  }
0x10a: {  	v3 =	vmov s16;
	v2 =	vsel vm10, s17, v2;
	vm11 =	veq.s32 v4, v1;
	s16 =	sadd.f32 s19, s22  }
0x10b: {  	vm1 =	veq.s32 v3, v1;
	v3 =	vmov s26;
	s17 =	sadd.s32 $0x1, s26;
	v2 =	vsel vm11, s4, v2;
	s14 =	sadd.f32 s14, s15  }
0x10c: {  	vm12 =	veq.s32 v3, v1;
	v3 =	vmov s17;
	v2 =	vsel vm1, s9, v2;
	s18 =	sadd.s32 $0x2, s26;
	s7 =	sadd.f32 s16, s7  }
0x10d: {  	s6 =	sadd.f32 s6, s10;
	vm13 =	veq.s32 v3, v1;
	v2 =	vsel vm12, s5, v2;
	s19 =	sadd.s32 $0x3, s26;
	v3 =	vmov s18  }
0x10e: {  	v2 =	vsel vm13, s2, v2;
	s26 =	smul.u32 $0x140, s25;
	v4 =	vmov s19;
	vm14 =	veq.s32 v3, v1;
	s22 =	sadd.f32 s14, s7  }
0x10f: {  	vm15 =	veq.s32 v4, v1;
	v2 =	vsel vm14, s6, v2  }
0x110: {  	s26 =	sshra.s32 s26, $0x2;
	v2 =	vsel vm15, s22, v2  }
0x111: {  	[tilespmem:s26+$0xEE20] =	vst v2  }
0x112: {  	v2 =	vld [tilespmem:s11+$0xFFFFFF10]  }
0x113: {  	v3 =	vld [tilespmem:s12+$0xFFFFFF20]  }
0x114: {  	v4 =	vld [tilespmem:s11+$0xFFFFFF20]  }
0x115: {  	v5 =	vld [tilespmem:s12+$0xFFFFFF10]  }
0x116: {  	v6 =	vld [tilespmem:s12+$0xFFFFFF30]  }
0x117: {  	v7 =	vld [tilespmem:s11+$0xFFFFFF30]  }
0x118: {  	v45 =	vld [tilespmem:s12+$0xFFFFFF40]  }
0x119: {  	v46 =	vld [tilespmem:s11+$0xFFFFFF40]  }
0x11a: {  	v3 =	vmul.f32 v3, v4;
	v2 =	vmul.f32 v5, v2;
	_ =	sdelay $0x1  }
0x11b: {  	v2 =	vadd.f32 v3, v2;
	v3 =	vmul.f32 v6, v7;
	_ =	sdelay $0x1  }
0x11c: {  	v2 =	vadd.f32 v3, v2;
	v3 =	vmul.f32 v45, v46;
	_ =	sdelay $0x1  }
0x11d: {  	v2 =	vadd.f32 v3, v2;
	_ =	sdelay $0x1  }
0x11e: {  	[tilespmem:$0x11530] =	vst v2  }
0x11f: {  	v3 =	vld [tilespmem:s12+$0xFFFFFF60]  }
0x120: {  	v4 =	vld [tilespmem:s11+$0xFFFFFF50]  }
0x121: {  	v5 =	vld [tilespmem:s11+$0xFFFFFF60]  }
0x122: {  	v6 =	vld [tilespmem:s12+$0xFFFFFF50]  }
0x123: {  	v7 =	vld [tilespmem:s12+$0xFFFFFF70]  }
0x124: {  	v47 =	vld [tilespmem:s11+$0xFFFFFF70]  }
0x125: {  	v48 =	vld [tilespmem:s12+$0xFFFFFF80]  }
0x126: {  	v49 =	vld [tilespmem:s11+$0xFFFFFF80]  }
0x127: {  	v3 =	vmul.f32 v3, v5;
	v4 =	vmul.f32 v6, v4;
	_ =	sdelay $0x1  }
0x128: {  	v3 =	vadd.f32 v3, v4;
	v4 =	vmul.f32 v7, v47;
	_ =	sdelay $0x1  }
0x129: {  	v3 =	vadd.f32 v4, v3;
	v4 =	vmul.f32 v48, v49;
	_ =	sdelay $0x1  }
0x12a: {  	v3 =	vadd.f32 v4, v3;
	_ =	sdelay $0x1  }
0x12b: {  	[tilespmem:$0x11548] =	vst v3  }
0x12c: {  	v4 =	vld [tilespmem:s11+$0xFFFFFF90]  }
0x12d: {  	v5 =	vld [tilespmem:s12+$0xFFFFFF90]  }
0x12e: {  	v6 =	vld [tilespmem:s12+$0xFFFFFFA0]  }
0x12f: {  	v7 =	vld [tilespmem:s11+$0xFFFFFFA0]  }
0x130: {  	v50 =	vld [tilespmem:s12+$0xFFFFFFB0]  }
0x131: {  	v51 =	vld [tilespmem:s11+$0xFFFFFFB0]  }
0x132: {  	v52 =	vld [tilespmem:s12+$0xFFFFFFC0]  }
0x133: {  	v53 =	vld [tilespmem:s11+$0xFFFFFFC0]  }
0x134: {  	v4 =	vmul.f32 v5, v4;
	v5 =	vmul.f32 v6, v7;
	_ =	sdelay $0x1  }
0x135: {  	v6 =	vld [tilespmem:$0x11538];
	v4 =	vadd.f32 v5, v4;
	v5 =	vmul.f32 v50, v51;
	_ =	sdelay $0x1  }
0x136: {  	v4 =	vadd.f32 v5, v4;
	v5 =	vmul.f32 v52, v53;
	_ =	sdelay $0x1  }
0x137: {  	v4 =	vadd.f32 v5, v4  }
0x138: {  	v2 =	vadd.f32 v6, v2  }
0x139: {  	v5 =	vld [tilespmem:$0x11550];
	[tilespmem:$0x11560] =	vst v4  }
0x13a: {  	(v2sf) =	vpush v2, $0x4;
	v6 =	vld [tilespmem:s11+$0xFFFFFFD0]  }
0x13b: {  	(v2sf) =	vpush v2, $0x7;
	v7 =	vld [tilespmem:s11+$0xFFFFFFE0]  }
0x13c: {  	(v2sf) =	vpush v2, $0x3;
	v54 =	vld [tilespmem:s12+$0xFFFFFFD0]  }
0x13d: {  	v55 =	vld [tilespmem:s12+$0xFFFFFFE0];
	(v2sf) =	vpush v2, $0x6  }
0x13e: {  	v56 =	vld [tilespmem:s11+$0xFFFFFFF0];
	(v2sf) =	vpush v2, $0x5  }
0x13f: {  	v3 =	vadd.f32 v5, v3;
	v5 =	vld [tilespmem:s12+$0xFFFFFFF0];
	(v2sf) =	vpush v2, $0x2  }
0x140: {  	v57 =	vld [tilespmem:s12+$0x0];
	(v2sf) =	vpush v2, $0x0  }
0x141: {  	(v2sf) =	vpush v2, $0x1;
	v2 =	vld [tilespmem:s11+$0x0]  }
0x142: {  	v58 =	vld [tilespmem:$0x11568];
	v6 =	vmul.f32 v54, v6;
	v7 =	vmul.f32 v55, v7;
	(v2sf) =	vpush v3, $0x7  }
0x143: {  	(v2sf) =	vpush v3, $0x6  }
0x144: {  	v6 =	vadd.f32 v7, v6;
	v5 =	vmul.f32 v5, v56;
	(v2sf) =	vpush v3, $0x5  }
0x145: {  	(v2sf) =	vpush v3, $0x2  }
0x146: {  	v5 =	vadd.f32 v5, v6;
	(v2sf) =	vpush v3, $0x4;
	v2 =	vmul.f32 v57, v2  }
0x147: {  	v4 =	vadd.f32 v58, v4;
	(v2sf) =	vpush v3, $0x1  }
0x148: {  	(v2sf) =	vpush v3, $0x0;
	v2 =	vadd.f32 v2, v5  }
0x149: {  	s5 =	spop (v2sf);
	(v2sf) =	vpush v3, $0x3  }
0x14a: {  	s7 =	spop (v2sf);
	(v2sf) =	vpush v4, $0x0;
	[tilespmem:$0x11578] =	vst v2  }
0x14b: {  	s14 =	sadd.s32 $0x100, s12;
	s9 =	spop (v2sf);
	(v2sf) =	vpush v4, $0x1;
	v3 =	vld [tilespmem:$0x11580]  }
0x14c: {  	s13 =	sadd.s32 $0x100, s11;
	v6 =	vld [tilespmem:s14+$0xFFFFFF20];
	s10 =	spop (v2sf)  }
0x14d: {  	v7 =	vld [tilespmem:s13+$0xFFFFFF20];
	(v2sf) =	vpush v4, $0x2;
	s11 =	spop (v2sf)  }
0x14e: {  	(v2sf) =	vpush v4, $0x3;
	s12 =	spop (v2sf)  }
0x14f: {  	(v2sf) =	vpush v4, $0x4;
	s15 =	spop (v2sf)  }
0x150: {  	v5 =	vld [tilespmem:s13+$0xFFFFFF10];
	s4 =	sadd.f32 s7, s10;
	(v2sf) =	vpush v4, $0x5;
	s16 =	spop (v2sf)  }
0x151: {  	v59 =	vld [tilespmem:s14+$0xFFFFFF10];
	s2 =	sadd.f32 s11, s5;
	(v2sf) =	vpush v4, $0x6;
	s17 =	spop (v2sf)  }
0x152: {  	v60 =	vld [tilespmem:s14+$0xFFFFFF30];
	s5 =	sadd.f32 s9, s12;
	v6 =	vmul.f32 v6, v7;
	v7 =	vadd.f32 v3, v2;
	(v2sf) =	vpush v4, $0x7;
	s18 =	spop (v2sf)  }
0x153: {  	v61 =	vld [tilespmem:s13+$0xFFFFFF30];
	s6 =	sadd.f32 s16, s15;
	s19 =	spop (v2sf)  }
0x154: {  	v62 =	vld [tilespmem:s14+$0xFFFFFF40];
	s2 =	sadd.f32 s4, s2;
	(v2sf) =	vpush v7, $0x7;
	s22 =	spop (v2sf)  }
0x155: {  	v63 =	vld [tilespmem:s13+$0xFFFFFF40];
	s5 =	sadd.f32 s5, s6;
	(v2sf) =	vpush v7, $0x0;
	s10 =	spop (v2sf)  }
0x156: {  	v5 =	vmul.f32 v59, v5;
	s4 =	sadd.f32 s17, s18;
	(v2sf) =	vpush v7, $0x3;
	s11 =	spop (v2sf)  }
0x157: {  	s15 =	sadd.f32 s2, s5;
	(v2sf) =	vpush v7, $0x6;
	s12 =	spop (v2sf)  }
0x158: {  	v3 =	vmul.f32 v60, v61;
	v2 =	vadd.f32 v6, v5;
	s2 =	sadd.f32 s19, s10;
	s16 =	spop (v2sf);
	(v2sf) =	vpush v7, $0x1  }
0x159: {  	s5 =	sadd.f32 s11, s12;
	s17 =	spop (v2sf);
	(v2sf) =	vpush v7, $0x5  }
0x15a: {  	v2 =	vadd.f32 v3, v2;
	v3 =	vmul.f32 v62, v63;
	s6 =	sadd.f32 s16, s22;
	s18 =	spop (v2sf);
	(v2sf) =	vpush v7, $0x4  }
0x15b: {  	s2 =	sadd.f32 s4, s2;
	(v2sf) =	vpush v7, $0x2  }
0x15c: {  	v3 =	vadd.f32 v3, v2;
	s5 =	sadd.f32 s6, s5;
	s19 =	spop (v2sf)  }
0x15d: {  	s4 =	sadd.f32 s18, s17;
	s22 =	spop (v2sf)  }
0x15e: {  	s12 =	simm.s32 $0x0;
	[tilespmem:$0x11530] =	vst v3;
	s6 =	sadd.f32 s22, s19;
	s19 =	spop (v2sf)  }
0x15f: {  	s11 =	simm.s32 $0x4;
	v4 =	vld [tilespmem:s14+$0xFFFFFF60];
	s16 =	sadd.f32 s2, s5;
	s9 =	spop (v2sf)  }
0x160: {  	v2 =	vimm.f32 $0.0e+00;
	v5 =	vld [tilespmem:s13+$0xFFFFFF50];
	s17 =	simm.s32 $0x8;
	s18 =	sadd.f32 s6, s4;
	s4 =	spop (v2sf)  }
.LBB2_5:
0x161: {  	p0 =	sne.s32 s17, $0xC;
	v6 =	vld [tilespmem:s13+$0xFFFFFF60];
	s2 =	sadd.f32 s9, s19;
	s5 =	spop (v2sf)  }
0x162: {  	v7 =	vld [tilespmem:s14+$0xFFFFFF50];
	s4 =	sadd.f32 s5, s4;
	s5 =	smov.u32 s17;
	s17 =	sadd.s32 $0x4, s17  }
0x163: {  	v8 =	vld [tilespmem:s14+$0xFFFFFF70];
	s6 =	spop (v2sf)  }
0x164: {  	v9 =	vld [tilespmem:s13+$0xFFFFFF70];
	s7 =	spop (v2sf)  }
0x165: {  	v10 =	vld [tilespmem:s14+$0xFFFFFF80];
	s9 =	spop (v2sf)  }
0x166: {  	s2 =	sadd.f32 s4, s2;
	v4 =	vmul.f32 v4, v6;
	v6 =	vld [tilespmem:s13+$0xFFFFFF80];
	s4 =	spop (v2sf)  }
0x167: {  	v11 =	vld [tilespmem:$0x11538];
	v5 =	vmul.f32 v7, v5;
	s4 =	sadd.f32 s6, s4;
	s6 =	spop (v2sf)  }
0x168: {  	s6 =	sadd.f32 s6, s7;
	s7 =	spop (v2sf)  }
0x169: {  	s2 =	sadd.f32 s2, s18;
	v4 =	vadd.f32 v4, v5;
	v5 =	vmul.f32 v8, v9;
	s10 =	spop (v2sf)  }
0x16a: {  	s7 =	sadd.f32 s7, s10;
	s10 =	spop (v2sf)  }
0x16b: {  	v4 =	vadd.f32 v5, v4;
	v5 =	vmul.f32 v10, v6;
	s9 =	sadd.f32 s9, s10  }
0x16c: {  	v6 =	vmov s12;
	s10 =	sadd.s32 $0x1, s12;
	v3 =	vadd.f32 v11, v3;
	s4 =	sadd.f32 s4, s7  }
0x16d: {  	vm0 =	veq.s32 v6, v1;
	s7 =	sadd.s32 $0x2, s12;
	v4 =	vadd.f32 v5, v4;
	v5 =	vmov s10;
	s6 =	sadd.f32 s9, s6  }
0x16e: {  	v2 =	vsel vm0, s15, v2;
	s9 =	sadd.s32 $0x3, s12;
	s12 =	smov.u32 s11;
	s11 =	smov.u32 s5;
	(v2sf) =	vpush v3, $0x4;
	vm0 =	veq.s32 v5, v1  }
0x16f: {  	v5 =	vmov s9;
	[tilespmem:$0x11548] =	vst v4;
	(v2sf) =	vpush v3, $0x7;
	v2 =	vsel vm0, s16, v2;
	s4 =	sadd.f32 s4, s6  }
0x170: {  	v7 =	vmov s7;
	v6 =	vld [tilespmem:s13+$0xFFFFFF90];
	(v2sf) =	vpush v3, $0x3  }
0x171: {  	vm0 =	veq.s32 v7, v1;
	vm1 =	veq.s32 v5, v1;
	v8 =	vld [tilespmem:s14+$0xFFFFFF90];
	(v2sf) =	vpush v3, $0x6  }
0x172: {  	v2 =	vsel vm0, s2, v2;
	v5 =	vld [tilespmem:s14+$0xFFFFFFA0];
	(v2sf) =	vpush v3, $0x5  }
0x173: {  	v2 =	vsel vm1, s4, v2;
	v7 =	vld [tilespmem:s13+$0xFFFFFFA0];
	(v2sf) =	vpush v3, $0x2  }
0x174: {  	v9 =	vld [tilespmem:s14+$0xFFFFFFB0];
	(v2sf) =	vpush v3, $0x0  }
0x175: {  	v10 =	vld [tilespmem:s13+$0xFFFFFFB0];
	(v2sf) =	vpush v3, $0x1  }
0x176: {  	v3 =	vld [tilespmem:s14+$0xFFFFFFC0]  }
0x177: {  	v6 =	vmul.f32 v8, v6;
	v8 =	vld [tilespmem:s13+$0xFFFFFFC0]  }
0x178: {  	v11 =	vld [tilespmem:$0x11550];
	v5 =	vmul.f32 v5, v7;
	_ =	sdelay $0x1  }
0x179: {  	v5 =	vadd.f32 v5, v6;
	v6 =	vmul.f32 v9, v10;
	_ =	sdelay $0x1  }
0x17a: {  	v5 =	vadd.f32 v6, v5;
	v3 =	vmul.f32 v3, v8  }
0x17b: {  	v4 =	vadd.f32 v11, v4;
	s2 =	spop (v2sf)  }
0x17c: {  	v3 =	vadd.f32 v3, v5;
	s4 =	spop (v2sf)  }
0x17d: {  	s5 =	spop (v2sf);
	(v2sf) =	vpush v4, $0x7  }
0x17e: {  	[tilespmem:$0x11560] =	vst v3;
	s6 =	spop (v2sf);
	(v2sf) =	vpush v4, $0x6  }
0x17f: {  	s4 =	sadd.f32 s4, s6;
	v5 =	vld [tilespmem:s13+$0xFFFFFFD0];
	s6 =	spop (v2sf);
	(v2sf) =	vpush v4, $0x5  }
0x180: {  	s2 =	sadd.f32 s6, s2;
	v6 =	vld [tilespmem:s13+$0xFFFFFFE0];
	s6 =	spop (v2sf);
	(v2sf) =	vpush v4, $0x2  }
0x181: {  	s5 =	sadd.f32 s5, s6;
	v7 =	vld [tilespmem:s14+$0xFFFFFFD0];
	s6 =	spop (v2sf);
	(v2sf) =	vpush v4, $0x4  }
0x182: {  	s2 =	sadd.f32 s4, s2;
	v8 =	vld [tilespmem:s14+$0xFFFFFFE0];
	s4 =	spop (v2sf);
	(v2sf) =	vpush v4, $0x1  }
0x183: {  	s4 =	sadd.f32 s4, s6;
	v9 =	vld [tilespmem:s13+$0xFFFFFFF0];
	(v2sf) =	vpush v4, $0x0  }
0x184: {  	v10 =	vld [tilespmem:s14+$0xFFFFFFF0];
	(v2sf) =	vpush v4, $0x3  }
0x185: {  	s4 =	sadd.f32 s5, s4;
	v4 =	vld [tilespmem:s13+$0x0]  }
0x186: {  	v5 =	vmul.f32 v7, v5;
	v7 =	vld [tilespmem:s14+$0x0]  }
0x187: {  	s15 =	sadd.f32 s2, s4;
	v11 =	vld [tilespmem:$0x11568];
	v6 =	vmul.f32 v8, v6;
	_ =	sdelay $0x1  }
0x188: {  	v5 =	vadd.f32 v6, v5;
	v6 =	vmul.f32 v10, v9;
	_ =	sdelay $0x1  }
0x189: {  	v5 =	vadd.f32 v6, v5;
	v4 =	vmul.f32 v7, v4  }
0x18a: {  	v3 =	vadd.f32 v11, v3;
	s2 =	spop (v2sf)  }
0x18b: {  	v4 =	vadd.f32 v4, v5;
	s4 =	spop (v2sf)  }
0x18c: {  	s2 =	sadd.f32 s2, s4;
	s4 =	spop (v2sf);
	(v2sf) =	vpush v3, $0x0  }
0x18d: {  	[tilespmem:$0x11578] =	vst v4;
	s5 =	spop (v2sf);
	(v2sf) =	vpush v3, $0x1  }
0x18e: {  	s13 =	sadd.s32 $0x100, s13;
	v5 =	vld [tilespmem:$0x11580];
	s6 =	spop (v2sf);
	(v2sf) =	vpush v3, $0x2  }
0x18f: {  	s14 =	sadd.s32 $0x100, s14;
	v6 =	vld [tilespmem:s13+$0xFFFFFF10];
	s4 =	sadd.f32 s4, s6;
	s6 =	spop (v2sf);
	(v2sf) =	vpush v3, $0x3  }
0x190: {  	v7 =	vld [tilespmem:s14+$0xFFFFFF20];
	s7 =	spop (v2sf);
	(v2sf) =	vpush v3, $0x4  }
0x191: {  	v8 =	vld [tilespmem:s13+$0xFFFFFF20];
	s6 =	sadd.f32 s6, s7;
	s7 =	spop (v2sf);
	(v2sf) =	vpush v3, $0x5  }
0x192: {  	v9 =	vld [tilespmem:s14+$0xFFFFFF10];
	s5 =	sadd.f32 s7, s5;
	(v2sf) =	vpush v3, $0x6  }
0x193: {  	s2 =	sadd.f32 s2, s4;
	v10 =	vld [tilespmem:s14+$0xFFFFFF30];
	v4 =	vadd.f32 v5, v4;
	(v2sf) =	vpush v3, $0x7  }
0x194: {  	v3 =	vld [tilespmem:s13+$0xFFFFFF30];
	s4 =	sadd.f32 s5, s6  }
0x195: {  	v5 =	vld [tilespmem:s14+$0xFFFFFF40];
	(v2sf) =	vpush v4, $0x7  }
0x196: {  	v7 =	vmul.f32 v7, v8;
	v8 =	vld [tilespmem:s13+$0xFFFFFF40];
	s16 =	sadd.f32 s2, s4;
	(v2sf) =	vpush v4, $0x0  }
0x197: {  	v6 =	vmul.f32 v9, v6;
	(v2sf) =	vpush v4, $0x3  }
0x198: {  	(v2sf) =	vpush v4, $0x6  }
0x199: {  	v6 =	vadd.f32 v7, v6;
	v3 =	vmul.f32 v10, v3;
	(v2sf) =	vpush v4, $0x1  }
0x19a: {  	(v2sf) =	vpush v4, $0x5  }
0x19b: {  	v3 =	vadd.f32 v3, v6;
	v5 =	vmul.f32 v5, v8;
	s2 =	spop (v2sf);
	(v2sf) =	vpush v4, $0x4  }
0x19c: {  	s4 =	spop (v2sf);
	(v2sf) =	vpush v4, $0x2  }
.Ltmp1:
0x19d: {  	v3 =	vadd.f32 v5, v3;
	s5 =	spop (v2sf);
	(pc) =	sbr.rel @p0 .LBB2_5-.Ltmp1, $4  }
0x19e: {  	s2 =	sadd.f32 s4, s2;
	s4 =	spop (v2sf)  }
0x19f: {  	[tilespmem:$0x11530] =	vst v3;
	s4 =	sadd.f32 s4, s5;
	s19 =	spop (v2sf)  }
0x1a0: {  	v4 =	vld [tilespmem:s14+$0xFFFFFF60];
	s9 =	spop (v2sf)  }
0x1a1: {  	v5 =	vld [tilespmem:s13+$0xFFFFFF50];
	s18 =	sadd.f32 s4, s2;
	s4 =	spop (v2sf)  }
0x1a2: {  	v6 =	vld [tilespmem:s13+$0xFFFFFF60]  }
0x1a3: {  	v7 =	vld [tilespmem:s14+$0xFFFFFF50]  }
0x1a4: {  	v8 =	vld [tilespmem:s14+$0xFFFFFF70]  }
0x1a5: {  	v9 =	vld [tilespmem:s13+$0xFFFFFF70]  }
0x1a6: {  	v10 =	vld [tilespmem:s14+$0xFFFFFF80]  }
0x1a7: {  	v11 =	vld [tilespmem:s13+$0xFFFFFF80]  }
0x1a8: {  	v4 =	vmul.f32 v4, v6;
	v5 =	vmul.f32 v7, v5;
	_ =	sdelay $0x1  }
0x1a9: {  	v4 =	vadd.f32 v4, v5;
	v5 =	vmul.f32 v8, v9;
	_ =	sdelay $0x1  }
0x1aa: {  	v4 =	vadd.f32 v5, v4;
	v5 =	vmul.f32 v10, v11;
	_ =	sdelay $0x1  }
0x1ab: {  	v4 =	vadd.f32 v5, v4;
	_ =	sdelay $0x1  }
0x1ac: {  	[tilespmem:$0x11548] =	vst v4  }
0x1ad: {  	v5 =	vld [tilespmem:s13+$0xFFFFFF90]  }
0x1ae: {  	v6 =	vld [tilespmem:s14+$0xFFFFFF90]  }
0x1af: {  	v7 =	vld [tilespmem:s14+$0xFFFFFFA0]  }
0x1b0: {  	v35 =	vld [tilespmem:s13+$0xFFFFFFA0]  }
0x1b1: {  	v36 =	vld [tilespmem:s14+$0xFFFFFFB0]  }
0x1b2: {  	v37 =	vld [tilespmem:s13+$0xFFFFFFB0]  }
0x1b3: {  	v38 =	vld [tilespmem:s14+$0xFFFFFFC0]  }
0x1b4: {  	v12 =	vld [tilespmem:s13+$0xFFFFFFC0]  }
0x1b5: {  	v5 =	vmul.f32 v6, v5;
	v6 =	vmul.f32 v7, v35;
	_ =	sdelay $0x1  }
0x1b6: {  	v7 =	vld [tilespmem:$0x11538];
	v5 =	vadd.f32 v6, v5;
	v6 =	vmul.f32 v36, v37;
	_ =	sdelay $0x1  }
0x1b7: {  	v5 =	vadd.f32 v6, v5;
	v6 =	vmul.f32 v38, v12;
	_ =	sdelay $0x1  }
0x1b8: {  	v5 =	vadd.f32 v6, v5  }
0x1b9: {  	v3 =	vadd.f32 v7, v3  }
0x1ba: {  	v6 =	vld [tilespmem:$0x11550];
	[tilespmem:$0x11560] =	vst v5  }
0x1bb: {  	(v2sf) =	vpush v3, $0x4;
	v7 =	vld [tilespmem:s13+$0xFFFFFFD0]  }
0x1bc: {  	(v2sf) =	vpush v3, $0x7;
	v39 =	vld [tilespmem:s13+$0xFFFFFFE0]  }
0x1bd: {  	(v2sf) =	vpush v3, $0x3;
	v40 =	vld [tilespmem:s14+$0xFFFFFFD0]  }
0x1be: {  	v41 =	vld [tilespmem:s14+$0xFFFFFFE0];
	(v2sf) =	vpush v3, $0x6  }
0x1bf: {  	v42 =	vld [tilespmem:s13+$0xFFFFFFF0];
	(v2sf) =	vpush v3, $0x5  }
0x1c0: {  	v4 =	vadd.f32 v6, v4;
	v6 =	vld [tilespmem:s14+$0xFFFFFFF0];
	(v2sf) =	vpush v3, $0x2  }
0x1c1: {  	s2 =	spop (v2sf);
	v43 =	vld [tilespmem:s14+$0x0];
	(v2sf) =	vpush v3, $0x0  }
0x1c2: {  	s5 =	spop (v2sf);
	(v2sf) =	vpush v3, $0x1;
	v3 =	vld [tilespmem:s13+$0x0]  }
0x1c3: {  	s6 =	spop (v2sf);
	v44 =	vld [tilespmem:$0x11568];
	v7 =	vmul.f32 v40, v7;
	v8 =	vmul.f32 v41, v39;
	(v2sf) =	vpush v4, $0x7  }
0x1c4: {  	s7 =	spop (v2sf);
	(v2sf) =	vpush v4, $0x6  }
0x1c5: {  	s10 =	spop (v2sf);
	v7 =	vadd.f32 v8, v7;
	v6 =	vmul.f32 v6, v42;
	(v2sf) =	vpush v4, $0x5  }
0x1c6: {  	s13 =	spop (v2sf);
	(v2sf) =	vpush v4, $0x2  }
0x1c7: {  	s9 =	sadd.f32 s9, s19;
	s14 =	spop (v2sf);
	v6 =	vadd.f32 v6, v7;
	(v2sf) =	vpush v4, $0x4;
	v3 =	vmul.f32 v43, v3  }
0x1c8: {  	s2 =	sadd.f32 s2, s4;
	v5 =	vadd.f32 v44, v5;
	s22 =	spop (v2sf);
	(v2sf) =	vpush v4, $0x1  }
0x1c9: {  	s17 =	spop (v2sf);
	(v2sf) =	vpush v4, $0x0;
	v3 =	vadd.f32 v3, v6  }
0x1ca: {  	s2 =	sadd.f32 s2, s9;
	s19 =	spop (v2sf);
	(v2sf) =	vpush v4, $0x3  }
0x1cb: {  	s5 =	sadd.f32 s5, s10;
	s10 =	spop (v2sf);
	(v2sf) =	vpush v5, $0x0;
	[tilespmem:$0x11578] =	vst v3  }
0x1cc: {  	s6 =	sadd.f32 s13, s6;
	s13 =	spop (v2sf);
	(v2sf) =	vpush v5, $0x1;
	v4 =	vld [tilespmem:$0x11580]  }
0x1cd: {  	s4 =	sadd.f32 s14, s22;
	s14 =	spop (v2sf);
	(v2sf) =	vpush v5, $0x2  }
0x1ce: {  	s7 =	sadd.f32 s7, s17;
	s17 =	spop (v2sf);
	(v2sf) =	vpush v5, $0x3  }
0x1cf: {  	s5 =	sadd.f32 s5, s4;
	s22 =	spop (v2sf);
	(v2sf) =	vpush v5, $0x4  }
0x1d0: {  	s6 =	sadd.f32 s7, s6;
	s7 =	spop (v2sf);
	(v2sf) =	vpush v5, $0x5  }
0x1d1: {  	s4 =	sadd.f32 s2, s18;
	s2 =	spop (v2sf);
	(v2sf) =	vpush v5, $0x6;
	v3 =	vadd.f32 v4, v3  }
0x1d2: {  	s9 =	sadd.f32 s5, s6;
	s5 =	spop (v2sf);
	(v2sf) =	vpush v5, $0x7  }
0x1d3: {  	s14 =	sadd.f32 s10, s14;
	s10 =	spop (v2sf);
	(v2sf) =	vpush v3, $0x7  }
0x1d4: {  	s19 =	sadd.f32 s17, s19;
	s17 =	spop (v2sf);
	(v2sf) =	vpush v3, $0x0  }
0x1d5: {  	s13 =	sadd.f32 s13, s22;
	s18 =	spop (v2sf);
	(v2sf) =	vpush v3, $0x3  }
0x1d6: {  	s2 =	sadd.f32 s2, s7;
	s7 =	spop (v2sf);
	(v2sf) =	vpush v3, $0x6  }
0x1d7: {  	s6 =	sadd.f32 s14, s19;
	s14 =	spop (v2sf);
	(v2sf) =	vpush v3, $0x1  }
0x1d8: {  	s2 =	sadd.f32 s13, s2;
	s22 =	spop (v2sf);
	(v2sf) =	vpush v3, $0x5  }
0x1d9: {  	s5 =	sadd.f32 s5, s10;
	s19 =	spop (v2sf);
	(v2sf) =	vpush v3, $0x4  }
0x1da: {  	s7 =	sadd.f32 s17, s7;
	s17 =	spop (v2sf);
	(v2sf) =	vpush v3, $0x2  }
0x1db: {  	s13 =	sadd.f32 s14, s22;
	s22 =	spop (v2sf)  }
0x1dc: {  	s10 =	sadd.f32 s19, s18;
	s18 =	spop (v2sf)  }
0x1dd: {  	s5 =	sadd.f32 s5, s7;
	s7 =	spop (v2sf)  }
0x1de: {  	s10 =	sadd.f32 s10, s13;
	s13 =	spop (v2sf)  }
0x1df: {  	s2 =	sadd.f32 s6, s2;
	s6 =	spop (v2sf)  }
0x1e0: {  	s14 =	sadd.f32 s22, s17;
	s19 =	spop (v2sf)  }
0x1e1: {  	s5 =	sadd.f32 s5, s10;
	s22 =	spop (v2sf)  }
0x1e2: {  	s7 =	sadd.f32 s7, s18;
	s18 =	spop (v2sf)  }
0x1e3: {  	s6 =	sadd.f32 s6, s13;
	s13 =	spop (v2sf)  }
0x1e4: {  	s10 =	sadd.f32 s22, s19;
	s17 =	spop (v2sf)  }
0x1e5: {  	s7 =	sadd.f32 s7, s14;
	s19 =	spop (v2sf)  }
0x1e6: {  	s6 =	sadd.f32 s10, s6;
	s10 =	spop (v2sf)  }
0x1e7: {  	v3 =	vmov s12;
	s22 =	sadd.s32 $0x1, s12;
	s14 =	sadd.f32 s18, s19;
	s18 =	spop (v2sf)  }
0x1e8: {  	vm0 =	veq.s32 v3, v1;
	v3 =	vmov s22;
	s19 =	sadd.s32 $0x2, s12;
	s10 =	sadd.f32 s10, s13;
	s22 =	spop (v2sf)  }
0x1e9: {  	v2 =	vsel vm0, s15, v2;
	vm10 =	veq.s32 v3, v1;
	v4 =	vmov s19;
	s19 =	sadd.s32 $0x3, s12;
	s13 =	sadd.f32 s18, s22;
	s22 =	spop (v2sf)  }
0x1ea: {  	v2 =	vsel vm10, s16, v2;
	v3 =	vmov s19;
	vm11 =	veq.s32 v4, v1;
	s16 =	sadd.f32 s17, s22  }
0x1eb: {  	vm1 =	veq.s32 v3, v1;
	v2 =	vsel vm11, s4, v2;
	v3 =	vmov s11;
	s17 =	sadd.s32 $0x1, s11;
	s13 =	sadd.f32 s14, s13  }
0x1ec: {  	s18 =	sadd.s32 $0x2, s11;
	v2 =	vsel vm1, s9, v2;
	vm12 =	veq.s32 v3, v1;
	v3 =	vmov s17;
	s19 =	sadd.f32 s16, s10  }
0x1ed: {  	s6 =	sadd.f32 s6, s7;
	s22 =	sadd.s32 $0x3, s11;
	v2 =	vsel vm12, s2, v2;
	vm13 =	veq.s32 v3, v1;
	v3 =	vmov s18  }
0x1ee: {  	v4 =	vmov s22;
	v2 =	vsel vm13, s5, v2;
	vm14 =	veq.s32 v3, v1;
	s7 =	sadd.f32 s13, s19  }
0x1ef: {  	vm15 =	veq.s32 v4, v1;
	v2 =	vsel vm14, s6, v2  }
0x1f0: {  	v2 =	vsel vm15, s7, v2  }
0x1f1: {  	[tilespmem:s26+$0xEE30] =	vst v2  }
0x1f2: {  	v2 =	vld [tilespmem:s0+$0xFFFFFF10]  }
0x1f3: {  	v3 =	vld [tilespmem:s1+$0xFFFFFF20]  }
0x1f4: {  	v4 =	vld [tilespmem:s0+$0xFFFFFF20]  }
0x1f5: {  	v5 =	vld [tilespmem:s1+$0xFFFFFF10]  }
0x1f6: {  	v6 =	vld [tilespmem:s1+$0xFFFFFF30]  }
0x1f7: {  	v7 =	vld [tilespmem:s0+$0xFFFFFF30]  }
0x1f8: {  	v45 =	vld [tilespmem:s1+$0xFFFFFF40]  }
0x1f9: {  	v46 =	vld [tilespmem:s0+$0xFFFFFF40]  }
0x1fa: {  	v3 =	vmul.f32 v3, v4;
	v2 =	vmul.f32 v5, v2;
	_ =	sdelay $0x1  }
0x1fb: {  	v2 =	vadd.f32 v3, v2;
	v3 =	vmul.f32 v6, v7;
	_ =	sdelay $0x1  }
0x1fc: {  	v2 =	vadd.f32 v3, v2;
	v3 =	vmul.f32 v45, v46;
	_ =	sdelay $0x1  }
0x1fd: {  	v2 =	vadd.f32 v3, v2;
	_ =	sdelay $0x1  }
0x1fe: {  	[tilespmem:$0x11530] =	vst v2  }
0x1ff: {  	v3 =	vld [tilespmem:s1+$0xFFFFFF60]  }
0x200: {  	v4 =	vld [tilespmem:s0+$0xFFFFFF50]  }
0x201: {  	v5 =	vld [tilespmem:s0+$0xFFFFFF60]  }
0x202: {  	v6 =	vld [tilespmem:s1+$0xFFFFFF50]  }
0x203: {  	v7 =	vld [tilespmem:s1+$0xFFFFFF70]  }
0x204: {  	v47 =	vld [tilespmem:s0+$0xFFFFFF70]  }
0x205: {  	v48 =	vld [tilespmem:s1+$0xFFFFFF80]  }
0x206: {  	v49 =	vld [tilespmem:s0+$0xFFFFFF80]  }
0x207: {  	v3 =	vmul.f32 v3, v5;
	v4 =	vmul.f32 v6, v4;
	_ =	sdelay $0x1  }
0x208: {  	v3 =	vadd.f32 v3, v4;
	v4 =	vmul.f32 v7, v47;
	_ =	sdelay $0x1  }
0x209: {  	v3 =	vadd.f32 v4, v3;
	v4 =	vmul.f32 v48, v49;
	_ =	sdelay $0x1  }
0x20a: {  	v3 =	vadd.f32 v4, v3;
	_ =	sdelay $0x1  }
0x20b: {  	[tilespmem:$0x11548] =	vst v3  }
0x20c: {  	v4 =	vld [tilespmem:s0+$0xFFFFFF90]  }
0x20d: {  	v5 =	vld [tilespmem:s1+$0xFFFFFF90]  }
0x20e: {  	v6 =	vld [tilespmem:s1+$0xFFFFFFA0]  }
0x20f: {  	v7 =	vld [tilespmem:s0+$0xFFFFFFA0]  }
0x210: {  	v50 =	vld [tilespmem:s1+$0xFFFFFFB0]  }
0x211: {  	v51 =	vld [tilespmem:s0+$0xFFFFFFB0]  }
0x212: {  	v52 =	vld [tilespmem:s1+$0xFFFFFFC0]  }
0x213: {  	v53 =	vld [tilespmem:s0+$0xFFFFFFC0]  }
0x214: {  	v4 =	vmul.f32 v5, v4;
	v5 =	vmul.f32 v6, v7;
	_ =	sdelay $0x1  }
0x215: {  	v6 =	vld [tilespmem:$0x11538];
	v4 =	vadd.f32 v5, v4;
	v5 =	vmul.f32 v50, v51;
	_ =	sdelay $0x1  }
0x216: {  	v4 =	vadd.f32 v5, v4;
	v5 =	vmul.f32 v52, v53;
	_ =	sdelay $0x1  }
0x217: {  	v4 =	vadd.f32 v5, v4  }
0x218: {  	v2 =	vadd.f32 v6, v2  }
0x219: {  	v5 =	vld [tilespmem:$0x11550];
	[tilespmem:$0x11560] =	vst v4  }
0x21a: {  	(v2sf) =	vpush v2, $0x4;
	v6 =	vld [tilespmem:s0+$0xFFFFFFD0]  }
0x21b: {  	(v2sf) =	vpush v2, $0x7;
	v7 =	vld [tilespmem:s0+$0xFFFFFFE0]  }
0x21c: {  	(v2sf) =	vpush v2, $0x3;
	v54 =	vld [tilespmem:s1+$0xFFFFFFD0]  }
0x21d: {  	v55 =	vld [tilespmem:s1+$0xFFFFFFE0];
	(v2sf) =	vpush v2, $0x6  }
0x21e: {  	v56 =	vld [tilespmem:s0+$0xFFFFFFF0];
	(v2sf) =	vpush v2, $0x5  }
0x21f: {  	v3 =	vadd.f32 v5, v3;
	v5 =	vld [tilespmem:s1+$0xFFFFFFF0];
	(v2sf) =	vpush v2, $0x2  }
0x220: {  	v57 =	vld [tilespmem:s1+$0x0];
	(v2sf) =	vpush v2, $0x0  }
0x221: {  	(v2sf) =	vpush v2, $0x1;
	v2 =	vld [tilespmem:s0+$0x0]  }
0x222: {  	v58 =	vld [tilespmem:$0x11568];
	v6 =	vmul.f32 v54, v6;
	v7 =	vmul.f32 v55, v7;
	(v2sf) =	vpush v3, $0x7  }
0x223: {  	(v2sf) =	vpush v3, $0x6  }
0x224: {  	v6 =	vadd.f32 v7, v6;
	v5 =	vmul.f32 v5, v56;
	(v2sf) =	vpush v3, $0x5  }
0x225: {  	(v2sf) =	vpush v3, $0x2  }
0x226: {  	v5 =	vadd.f32 v5, v6;
	(v2sf) =	vpush v3, $0x4;
	v2 =	vmul.f32 v57, v2  }
0x227: {  	v4 =	vadd.f32 v58, v4;
	(v2sf) =	vpush v3, $0x1  }
0x228: {  	(v2sf) =	vpush v3, $0x0;
	v2 =	vadd.f32 v2, v5  }
0x229: {  	s9 =	spop (v2sf);
	(v2sf) =	vpush v3, $0x3  }
0x22a: {  	s10 =	spop (v2sf);
	(v2sf) =	vpush v4, $0x0;
	[tilespmem:$0x11578] =	vst v2  }
0x22b: {  	s12 =	sadd.s32 $0x100, s1;
	s13 =	spop (v2sf);
	(v2sf) =	vpush v4, $0x1;
	v3 =	vld [tilespmem:$0x11580]  }
0x22c: {  	s11 =	sadd.s32 $0x100, s0;
	v6 =	vld [tilespmem:s12+$0xFFFFFF20];
	s14 =	spop (v2sf)  }
0x22d: {  	v7 =	vld [tilespmem:s11+$0xFFFFFF20];
	(v2sf) =	vpush v4, $0x2;
	s15 =	spop (v2sf)  }
0x22e: {  	(v2sf) =	vpush v4, $0x3;
	s17 =	spop (v2sf)  }
0x22f: {  	(v2sf) =	vpush v4, $0x4;
	s18 =	spop (v2sf)  }
0x230: {  	v5 =	vld [tilespmem:s11+$0xFFFFFF10];
	s16 =	sadd.f32 s10, s14;
	(v2sf) =	vpush v4, $0x5;
	s19 =	spop (v2sf)  }
0x231: {  	v59 =	vld [tilespmem:s12+$0xFFFFFF10];
	s0 =	sadd.f32 s15, s9;
	(v2sf) =	vpush v4, $0x6;
	s22 =	spop (v2sf)  }
0x232: {  	v60 =	vld [tilespmem:s12+$0xFFFFFF30];
	s4 =	sadd.f32 s13, s17;
	v6 =	vmul.f32 v6, v7;
	v7 =	vadd.f32 v3, v2;
	(v2sf) =	vpush v4, $0x7;
	s5 =	spop (v2sf)  }
0x233: {  	v61 =	vld [tilespmem:s11+$0xFFFFFF30];
	s2 =	sadd.f32 s19, s18;
	s7 =	spop (v2sf)  }
0x234: {  	v62 =	vld [tilespmem:s12+$0xFFFFFF40];
	s0 =	sadd.f32 s16, s0;
	(v2sf) =	vpush v7, $0x7;
	s9 =	spop (v2sf)  }
0x235: {  	v63 =	vld [tilespmem:s11+$0xFFFFFF40];
	s2 =	sadd.f32 s4, s2;
	(v2sf) =	vpush v7, $0x0;
	s10 =	spop (v2sf)  }
0x236: {  	v5 =	vmul.f32 v59, v5;
	s1 =	sadd.f32 s22, s5;
	(v2sf) =	vpush v7, $0x3;
	s14 =	spop (v2sf)  }
0x237: {  	s13 =	sadd.f32 s0, s2;
	(v2sf) =	vpush v7, $0x6;
	s15 =	spop (v2sf)  }
0x238: {  	v3 =	vmul.f32 v60, v61;
	v2 =	vadd.f32 v6, v5;
	s0 =	sadd.f32 s7, s10;
	s16 =	spop (v2sf);
	(v2sf) =	vpush v7, $0x1  }
0x239: {  	s2 =	sadd.f32 s14, s15;
	s17 =	spop (v2sf);
	(v2sf) =	vpush v7, $0x5  }
0x23a: {  	v2 =	vadd.f32 v3, v2;
	v3 =	vmul.f32 v62, v63;
	s4 =	sadd.f32 s16, s9;
	s18 =	spop (v2sf);
	(v2sf) =	vpush v7, $0x4  }
0x23b: {  	s6 =	sadd.f32 s1, s0;
	(v2sf) =	vpush v7, $0x2  }
0x23c: {  	v3 =	vadd.f32 v3, v2;
	s2 =	sadd.f32 s4, s2;
	s19 =	spop (v2sf)  }
0x23d: {  	s5 =	sadd.f32 s18, s17;
	s22 =	spop (v2sf)  }
0x23e: {  	s1 =	simm.s32 $0x0;
	[tilespmem:$0x11530] =	vst v3;
	s4 =	sadd.f32 s22, s19;
	s17 =	spop (v2sf)  }
0x23f: {  	s0 =	simm.s32 $0x4;
	v4 =	vld [tilespmem:s12+$0xFFFFFF60];
	s14 =	sadd.f32 s6, s2;
	s9 =	spop (v2sf)  }
0x240: {  	v2 =	vimm.f32 $0.0e+00;
	s15 =	simm.s32 $0x8;
	v5 =	vld [tilespmem:s11+$0xFFFFFF50];
	s16 =	sadd.f32 s4, s5;
	s4 =	spop (v2sf)  }
.LBB2_7:
0x241: {  	p0 =	sne.s32 s15, $0xC;
	v6 =	vld [tilespmem:s11+$0xFFFFFF60];
	s2 =	sadd.f32 s9, s17;
	s5 =	spop (v2sf)  }
0x242: {  	v7 =	vld [tilespmem:s12+$0xFFFFFF50];
	s4 =	sadd.f32 s5, s4;
	s5 =	smov.u32 s15;
	s15 =	sadd.s32 $0x4, s15  }
0x243: {  	v8 =	vld [tilespmem:s12+$0xFFFFFF70];
	s6 =	spop (v2sf)  }
0x244: {  	v9 =	vld [tilespmem:s11+$0xFFFFFF70];
	s7 =	spop (v2sf)  }
0x245: {  	v10 =	vld [tilespmem:s12+$0xFFFFFF80];
	s9 =	spop (v2sf)  }
0x246: {  	s2 =	sadd.f32 s4, s2;
	v4 =	vmul.f32 v4, v6;
	v6 =	vld [tilespmem:s11+$0xFFFFFF80];
	s4 =	spop (v2sf)  }
0x247: {  	v11 =	vld [tilespmem:$0x11538];
	v5 =	vmul.f32 v7, v5;
	s4 =	sadd.f32 s6, s4;
	s6 =	spop (v2sf)  }
0x248: {  	s6 =	sadd.f32 s6, s7;
	s7 =	spop (v2sf)  }
0x249: {  	s2 =	sadd.f32 s2, s16;
	v4 =	vadd.f32 v4, v5;
	v5 =	vmul.f32 v8, v9;
	s10 =	spop (v2sf)  }
0x24a: {  	s7 =	sadd.f32 s7, s10;
	s10 =	spop (v2sf)  }
0x24b: {  	v4 =	vadd.f32 v5, v4;
	v5 =	vmul.f32 v10, v6;
	s9 =	sadd.f32 s9, s10  }
0x24c: {  	v6 =	vmov s1;
	s10 =	sadd.s32 $0x1, s1;
	v3 =	vadd.f32 v11, v3;
	s4 =	sadd.f32 s4, s7  }
0x24d: {  	vm0 =	veq.s32 v6, v1;
	s7 =	sadd.s32 $0x2, s1;
	v4 =	vadd.f32 v5, v4;
	v5 =	vmov s10;
	s6 =	sadd.f32 s9, s6  }
0x24e: {  	v2 =	vsel vm0, s13, v2;
	s9 =	sadd.s32 $0x3, s1;
	s1 =	smov.u32 s0;
	s0 =	smov.u32 s5;
	(v2sf) =	vpush v3, $0x4;
	vm0 =	veq.s32 v5, v1  }
0x24f: {  	v5 =	vmov s9;
	[tilespmem:$0x11548] =	vst v4;
	(v2sf) =	vpush v3, $0x7;
	v2 =	vsel vm0, s14, v2;
	s4 =	sadd.f32 s4, s6  }
0x250: {  	v7 =	vmov s7;
	v6 =	vld [tilespmem:s11+$0xFFFFFF90];
	(v2sf) =	vpush v3, $0x3  }
0x251: {  	vm0 =	veq.s32 v7, v1;
	vm1 =	veq.s32 v5, v1;
	v8 =	vld [tilespmem:s12+$0xFFFFFF90];
	(v2sf) =	vpush v3, $0x6  }
0x252: {  	v2 =	vsel vm0, s2, v2;
	v5 =	vld [tilespmem:s12+$0xFFFFFFA0];
	(v2sf) =	vpush v3, $0x5  }
0x253: {  	v2 =	vsel vm1, s4, v2;
	v7 =	vld [tilespmem:s11+$0xFFFFFFA0];
	(v2sf) =	vpush v3, $0x2  }
0x254: {  	v9 =	vld [tilespmem:s12+$0xFFFFFFB0];
	(v2sf) =	vpush v3, $0x0  }
0x255: {  	v10 =	vld [tilespmem:s11+$0xFFFFFFB0];
	(v2sf) =	vpush v3, $0x1  }
0x256: {  	v3 =	vld [tilespmem:s12+$0xFFFFFFC0]  }
0x257: {  	v6 =	vmul.f32 v8, v6;
	v8 =	vld [tilespmem:s11+$0xFFFFFFC0]  }
0x258: {  	v11 =	vld [tilespmem:$0x11550];
	v5 =	vmul.f32 v5, v7;
	_ =	sdelay $0x1  }
0x259: {  	v5 =	vadd.f32 v5, v6;
	v6 =	vmul.f32 v9, v10;
	_ =	sdelay $0x1  }
0x25a: {  	v5 =	vadd.f32 v6, v5;
	v3 =	vmul.f32 v3, v8  }
0x25b: {  	v4 =	vadd.f32 v11, v4;
	s2 =	spop (v2sf)  }
0x25c: {  	v3 =	vadd.f32 v3, v5;
	s4 =	spop (v2sf)  }
0x25d: {  	s5 =	spop (v2sf);
	(v2sf) =	vpush v4, $0x7  }
0x25e: {  	[tilespmem:$0x11560] =	vst v3;
	s6 =	spop (v2sf);
	(v2sf) =	vpush v4, $0x6  }
0x25f: {  	s4 =	sadd.f32 s4, s6;
	v5 =	vld [tilespmem:s11+$0xFFFFFFD0];
	s6 =	spop (v2sf);
	(v2sf) =	vpush v4, $0x5  }
0x260: {  	s2 =	sadd.f32 s6, s2;
	v6 =	vld [tilespmem:s11+$0xFFFFFFE0];
	s6 =	spop (v2sf);
	(v2sf) =	vpush v4, $0x2  }
0x261: {  	s5 =	sadd.f32 s5, s6;
	v7 =	vld [tilespmem:s12+$0xFFFFFFD0];
	s6 =	spop (v2sf);
	(v2sf) =	vpush v4, $0x4  }
0x262: {  	s2 =	sadd.f32 s4, s2;
	v8 =	vld [tilespmem:s12+$0xFFFFFFE0];
	s4 =	spop (v2sf);
	(v2sf) =	vpush v4, $0x1  }
0x263: {  	s4 =	sadd.f32 s4, s6;
	v9 =	vld [tilespmem:s11+$0xFFFFFFF0];
	(v2sf) =	vpush v4, $0x0  }
0x264: {  	v10 =	vld [tilespmem:s12+$0xFFFFFFF0];
	(v2sf) =	vpush v4, $0x3  }
0x265: {  	s4 =	sadd.f32 s5, s4;
	v4 =	vld [tilespmem:s11+$0x0]  }
0x266: {  	v5 =	vmul.f32 v7, v5;
	v7 =	vld [tilespmem:s12+$0x0]  }
0x267: {  	s13 =	sadd.f32 s2, s4;
	v11 =	vld [tilespmem:$0x11568];
	v6 =	vmul.f32 v8, v6;
	_ =	sdelay $0x1  }
0x268: {  	v5 =	vadd.f32 v6, v5;
	v6 =	vmul.f32 v10, v9;
	_ =	sdelay $0x1  }
0x269: {  	v5 =	vadd.f32 v6, v5;
	v4 =	vmul.f32 v7, v4  }
0x26a: {  	v3 =	vadd.f32 v11, v3;
	s2 =	spop (v2sf)  }
0x26b: {  	v4 =	vadd.f32 v4, v5;
	s4 =	spop (v2sf)  }
0x26c: {  	s2 =	sadd.f32 s2, s4;
	s4 =	spop (v2sf);
	(v2sf) =	vpush v3, $0x0  }
0x26d: {  	[tilespmem:$0x11578] =	vst v4;
	s5 =	spop (v2sf);
	(v2sf) =	vpush v3, $0x1  }
0x26e: {  	s11 =	sadd.s32 $0x100, s11;
	v5 =	vld [tilespmem:$0x11580];
	s6 =	spop (v2sf);
	(v2sf) =	vpush v3, $0x2  }
0x26f: {  	s12 =	sadd.s32 $0x100, s12;
	v6 =	vld [tilespmem:s11+$0xFFFFFF10];
	s4 =	sadd.f32 s4, s6;
	s6 =	spop (v2sf);
	(v2sf) =	vpush v3, $0x3  }
0x270: {  	v7 =	vld [tilespmem:s12+$0xFFFFFF20];
	s7 =	spop (v2sf);
	(v2sf) =	vpush v3, $0x4  }
0x271: {  	v8 =	vld [tilespmem:s11+$0xFFFFFF20];
	s6 =	sadd.f32 s6, s7;
	s7 =	spop (v2sf);
	(v2sf) =	vpush v3, $0x5  }
0x272: {  	v9 =	vld [tilespmem:s12+$0xFFFFFF10];
	s5 =	sadd.f32 s7, s5;
	(v2sf) =	vpush v3, $0x6  }
0x273: {  	s2 =	sadd.f32 s2, s4;
	v10 =	vld [tilespmem:s12+$0xFFFFFF30];
	v4 =	vadd.f32 v5, v4;
	(v2sf) =	vpush v3, $0x7  }
0x274: {  	v3 =	vld [tilespmem:s11+$0xFFFFFF30];
	s4 =	sadd.f32 s5, s6  }
0x275: {  	v5 =	vld [tilespmem:s12+$0xFFFFFF40];
	(v2sf) =	vpush v4, $0x7  }
0x276: {  	v7 =	vmul.f32 v7, v8;
	v8 =	vld [tilespmem:s11+$0xFFFFFF40];
	s14 =	sadd.f32 s2, s4;
	(v2sf) =	vpush v4, $0x0  }
0x277: {  	v6 =	vmul.f32 v9, v6;
	(v2sf) =	vpush v4, $0x3  }
0x278: {  	(v2sf) =	vpush v4, $0x6  }
0x279: {  	v6 =	vadd.f32 v7, v6;
	v3 =	vmul.f32 v10, v3;
	(v2sf) =	vpush v4, $0x1  }
0x27a: {  	(v2sf) =	vpush v4, $0x5  }
0x27b: {  	v3 =	vadd.f32 v3, v6;
	v5 =	vmul.f32 v5, v8;
	s2 =	spop (v2sf);
	(v2sf) =	vpush v4, $0x4  }
0x27c: {  	s4 =	spop (v2sf);
	(v2sf) =	vpush v4, $0x2  }
.Ltmp2:
0x27d: {  	v3 =	vadd.f32 v5, v3;
	s5 =	spop (v2sf);
	(pc) =	sbr.rel @p0 .LBB2_7-.Ltmp2, $4  }
0x27e: {  	s2 =	sadd.f32 s4, s2;
	s4 =	spop (v2sf)  }
0x27f: {  	[tilespmem:$0x11530] =	vst v3;
	s4 =	sadd.f32 s4, s5;
	s17 =	spop (v2sf)  }
0x280: {  	v4 =	vld [tilespmem:s12+$0xFFFFFF60];
	s9 =	spop (v2sf)  }
0x281: {  	v5 =	vld [tilespmem:s11+$0xFFFFFF50];
	s16 =	sadd.f32 s4, s2;
	s4 =	spop (v2sf)  }
0x282: {  	v6 =	vld [tilespmem:s11+$0xFFFFFF60]  }
0x283: {  	v7 =	vld [tilespmem:s12+$0xFFFFFF50]  }
0x284: {  	v8 =	vld [tilespmem:s12+$0xFFFFFF70]  }
0x285: {  	v9 =	vld [tilespmem:s11+$0xFFFFFF70]  }
0x286: {  	v10 =	vld [tilespmem:s12+$0xFFFFFF80]  }
0x287: {  	v11 =	vld [tilespmem:s11+$0xFFFFFF80]  }
0x288: {  	v4 =	vmul.f32 v4, v6;
	v5 =	vmul.f32 v7, v5;
	_ =	sdelay $0x1  }
0x289: {  	v4 =	vadd.f32 v4, v5;
	v5 =	vmul.f32 v8, v9;
	_ =	sdelay $0x1  }
0x28a: {  	v4 =	vadd.f32 v5, v4;
	v5 =	vmul.f32 v10, v11;
	_ =	sdelay $0x1  }
0x28b: {  	v4 =	vadd.f32 v5, v4;
	_ =	sdelay $0x1  }
0x28c: {  	[tilespmem:$0x11548] =	vst v4  }
0x28d: {  	v5 =	vld [tilespmem:s11+$0xFFFFFF90]  }
0x28e: {  	v6 =	vld [tilespmem:s12+$0xFFFFFF90]  }
0x28f: {  	v7 =	vld [tilespmem:s12+$0xFFFFFFA0]  }
0x290: {  	v35 =	vld [tilespmem:s11+$0xFFFFFFA0]  }
0x291: {  	v36 =	vld [tilespmem:s12+$0xFFFFFFB0]  }
0x292: {  	v37 =	vld [tilespmem:s11+$0xFFFFFFB0]  }
0x293: {  	v38 =	vld [tilespmem:s12+$0xFFFFFFC0]  }
0x294: {  	v12 =	vld [tilespmem:s11+$0xFFFFFFC0]  }
0x295: {  	v5 =	vmul.f32 v6, v5;
	v6 =	vmul.f32 v7, v35;
	_ =	sdelay $0x1  }
0x296: {  	v7 =	vld [tilespmem:$0x11538];
	v5 =	vadd.f32 v6, v5;
	v6 =	vmul.f32 v36, v37;
	_ =	sdelay $0x1  }
0x297: {  	v5 =	vadd.f32 v6, v5;
	v6 =	vmul.f32 v38, v12;
	_ =	sdelay $0x1  }
0x298: {  	v5 =	vadd.f32 v6, v5  }
0x299: {  	v3 =	vadd.f32 v7, v3  }
0x29a: {  	v6 =	vld [tilespmem:$0x11550];
	[tilespmem:$0x11560] =	vst v5  }
0x29b: {  	(v2sf) =	vpush v3, $0x4;
	v7 =	vld [tilespmem:s11+$0xFFFFFFD0]  }
0x29c: {  	(v2sf) =	vpush v3, $0x7;
	v39 =	vld [tilespmem:s11+$0xFFFFFFE0]  }
0x29d: {  	(v2sf) =	vpush v3, $0x3;
	v40 =	vld [tilespmem:s12+$0xFFFFFFD0]  }
0x29e: {  	v41 =	vld [tilespmem:s12+$0xFFFFFFE0];
	(v2sf) =	vpush v3, $0x6  }
0x29f: {  	v42 =	vld [tilespmem:s11+$0xFFFFFFF0];
	(v2sf) =	vpush v3, $0x5  }
0x2a0: {  	v4 =	vadd.f32 v6, v4;
	v6 =	vld [tilespmem:s12+$0xFFFFFFF0];
	(v2sf) =	vpush v3, $0x2  }
0x2a1: {  	s2 =	spop (v2sf);
	v43 =	vld [tilespmem:s12+$0x0];
	(v2sf) =	vpush v3, $0x0  }
0x2a2: {  	s5 =	spop (v2sf);
	(v2sf) =	vpush v3, $0x1;
	v3 =	vld [tilespmem:s11+$0x0]  }
0x2a3: {  	s6 =	spop (v2sf);
	v44 =	vld [tilespmem:$0x11568];
	v7 =	vmul.f32 v40, v7;
	v8 =	vmul.f32 v41, v39;
	(v2sf) =	vpush v4, $0x7  }
0x2a4: {  	s7 =	spop (v2sf);
	(v2sf) =	vpush v4, $0x6  }
0x2a5: {  	s10 =	spop (v2sf);
	v7 =	vadd.f32 v8, v7;
	v6 =	vmul.f32 v6, v42;
	(v2sf) =	vpush v4, $0x5  }
0x2a6: {  	s19 =	spop (v2sf);
	(v2sf) =	vpush v4, $0x2  }
0x2a7: {  	s9 =	sadd.f32 s9, s17;
	s22 =	spop (v2sf);
	v6 =	vadd.f32 v6, v7;
	(v2sf) =	vpush v4, $0x4;
	v3 =	vmul.f32 v43, v3  }
0x2a8: {  	s2 =	sadd.f32 s2, s4;
	s18 =	spop (v2sf);
	v5 =	vadd.f32 v44, v5;
	(v2sf) =	vpush v4, $0x1  }
0x2a9: {  	s15 =	spop (v2sf);
	(v2sf) =	vpush v4, $0x0;
	v3 =	vadd.f32 v3, v6  }
0x2aa: {  	s2 =	sadd.f32 s2, s9;
	s17 =	spop (v2sf);
	(v2sf) =	vpush v4, $0x3  }
0x2ab: {  	s5 =	sadd.f32 s5, s10;
	s10 =	spop (v2sf);
	(v2sf) =	vpush v5, $0x0;
	[tilespmem:$0x11578] =	vst v3  }
0x2ac: {  	s6 =	sadd.f32 s19, s6;
	s11 =	spop (v2sf);
	(v2sf) =	vpush v5, $0x1;
	v4 =	vld [tilespmem:$0x11580]  }
0x2ad: {  	s4 =	sadd.f32 s22, s18;
	s12 =	spop (v2sf);
	(v2sf) =	vpush v5, $0x2  }
0x2ae: {  	s7 =	sadd.f32 s7, s15;
	s19 =	spop (v2sf);
	(v2sf) =	vpush v5, $0x3  }
0x2af: {  	s5 =	sadd.f32 s5, s4;
	s18 =	spop (v2sf);
	(v2sf) =	vpush v5, $0x4  }
0x2b0: {  	s6 =	sadd.f32 s7, s6;
	s7 =	spop (v2sf);
	(v2sf) =	vpush v5, $0x5  }
0x2b1: {  	s4 =	sadd.f32 s2, s16;
	s22 =	spop (v2sf);
	(v2sf) =	vpush v5, $0x6;
	v3 =	vadd.f32 v4, v3  }
0x2b2: {  	s9 =	sadd.f32 s5, s6;
	s5 =	spop (v2sf);
	(v2sf) =	vpush v5, $0x7  }
0x2b3: {  	s12 =	sadd.f32 s10, s12;
	s10 =	spop (v2sf);
	(v2sf) =	vpush v3, $0x7  }
0x2b4: {  	s19 =	sadd.f32 s19, s17;
	s15 =	spop (v2sf);
	(v2sf) =	vpush v3, $0x0  }
0x2b5: {  	s11 =	sadd.f32 s11, s18;
	s16 =	spop (v2sf);
	(v2sf) =	vpush v3, $0x3  }
0x2b6: {  	s2 =	sadd.f32 s22, s7;
	s22 =	spop (v2sf);
	(v2sf) =	vpush v3, $0x6  }
0x2b7: {  	s6 =	sadd.f32 s12, s19;
	s17 =	spop (v2sf);
	(v2sf) =	vpush v3, $0x1  }
0x2b8: {  	s2 =	sadd.f32 s11, s2;
	s18 =	spop (v2sf);
	(v2sf) =	vpush v3, $0x5  }
0x2b9: {  	s5 =	sadd.f32 s5, s10;
	s19 =	spop (v2sf);
	(v2sf) =	vpush v3, $0x4  }
0x2ba: {  	s7 =	sadd.f32 s15, s22;
	s15 =	spop (v2sf);
	(v2sf) =	vpush v3, $0x2  }
0x2bb: {  	s11 =	sadd.f32 s17, s18;
	s22 =	spop (v2sf)  }
0x2bc: {  	s10 =	sadd.f32 s19, s16;
	s16 =	spop (v2sf)  }
0x2bd: {  	s2 =	sadd.f32 s6, s2;
	s17 =	spop (v2sf)  }
0x2be: {  	s10 =	sadd.f32 s10, s11;
	s11 =	spop (v2sf)  }
0x2bf: {  	s5 =	sadd.f32 s5, s7;
	s18 =	spop (v2sf)  }
0x2c0: {  	s12 =	sadd.f32 s22, s15;
	s19 =	spop (v2sf)  }
0x2c1: {  	s5 =	sadd.f32 s5, s10;
	s22 =	spop (v2sf)  }
0x2c2: {  	s7 =	sadd.f32 s17, s16;
	s17 =	spop (v2sf)  }
0x2c3: {  	s6 =	sadd.f32 s18, s11;
	s11 =	spop (v2sf)  }
0x2c4: {  	s10 =	sadd.f32 s22, s19;
	s15 =	spop (v2sf)  }
0x2c5: {  	s7 =	sadd.f32 s7, s12;
	s19 =	spop (v2sf)  }
0x2c6: {  	s6 =	sadd.f32 s10, s6;
	s22 =	spop (v2sf)  }
0x2c7: {  	v3 =	vmov s1;
	s18 =	sadd.s32 $0x1, s1;
	s12 =	sadd.f32 s17, s19;
	s16 =	spop (v2sf)  }
0x2c8: {  	vm0 =	veq.s32 v3, v1;
	v3 =	vmov s18;
	s19 =	sadd.s32 $0x2, s1;
	s10 =	sadd.f32 s22, s11;
	s22 =	spop (v2sf)  }
0x2c9: {  	v2 =	vsel vm0, s13, v2;
	s18 =	sadd.s32 $0x3, s1;
	vm10 =	veq.s32 v3, v1;
	v4 =	vmov s19;
	s11 =	sadd.f32 s16, s22;
	s19 =	spop (v2sf)  }
0x2ca: {  	v3 =	vmov s18;
	v2 =	vsel vm10, s14, v2;
	vm11 =	veq.s32 v4, v1;
	s22 =	sadd.f32 s15, s19  }
0x2cb: {  	s13 =	sadd.s32 $0x1, s0;
	vm1 =	veq.s32 v3, v1;
	v3 =	vmov s0;
	v2 =	vsel vm11, s4, v2;
	s11 =	sadd.f32 s12, s11  }
0x2cc: {  	s14 =	sadd.s32 $0x2, s0;
	vm12 =	veq.s32 v3, v1;
	v3 =	vmov s13;
	v2 =	vsel vm1, s9, v2;
	s1 =	sadd.f32 s22, s10  }
0x2cd: {  	vm13 =	veq.s32 v3, v1;
	v3 =	vmov s14;
	s6 =	sadd.f32 s6, s7;
	s15 =	sadd.s32 $0x3, s0;
	v2 =	vsel vm12, s2, v2  }
0x2ce: {  	vm14 =	veq.s32 v3, v1;
	v4 =	vmov s15;
	v2 =	vsel vm13, s5, v2;
	s1 =	sadd.f32 s11, s1  }
0x2cf: {  	vm15 =	veq.s32 v4, v1;
	v2 =	vsel vm14, s6, v2  }
0x2d0: {  	v2 =	vsel vm15, s1, v2  }
0x2d1: {  	[tilespmem:s26+$0xEE40] =	vst v2  }
0x2d2: {  	v2 =	vld [tilespmem:s30+$0xFFFFFF10]  }
0x2d3: {  	v3 =	vld [tilespmem:s31+$0xFFFFFF20]  }
0x2d4: {  	v4 =	vld [tilespmem:s30+$0xFFFFFF20]  }
0x2d5: {  	v5 =	vld [tilespmem:s31+$0xFFFFFF10]  }
0x2d6: {  	v6 =	vld [tilespmem:s31+$0xFFFFFF30]  }
0x2d7: {  	v7 =	vld [tilespmem:s30+$0xFFFFFF30]  }
0x2d8: {  	v45 =	vld [tilespmem:s31+$0xFFFFFF40]  }
0x2d9: {  	v46 =	vld [tilespmem:s30+$0xFFFFFF40]  }
0x2da: {  	v3 =	vmul.f32 v3, v4;
	v2 =	vmul.f32 v5, v2;
	_ =	sdelay $0x1  }
0x2db: {  	v2 =	vadd.f32 v3, v2;
	v3 =	vmul.f32 v6, v7;
	_ =	sdelay $0x1  }
0x2dc: {  	v2 =	vadd.f32 v3, v2;
	v3 =	vmul.f32 v45, v46;
	_ =	sdelay $0x1  }
0x2dd: {  	v2 =	vadd.f32 v3, v2;
	_ =	sdelay $0x1  }
0x2de: {  	[tilespmem:$0x11530] =	vst v2  }
0x2df: {  	v3 =	vld [tilespmem:s31+$0xFFFFFF60]  }
0x2e0: {  	v4 =	vld [tilespmem:s30+$0xFFFFFF50]  }
0x2e1: {  	v5 =	vld [tilespmem:s30+$0xFFFFFF60]  }
0x2e2: {  	v6 =	vld [tilespmem:s31+$0xFFFFFF50]  }
0x2e3: {  	v7 =	vld [tilespmem:s31+$0xFFFFFF70]  }
0x2e4: {  	v47 =	vld [tilespmem:s30+$0xFFFFFF70]  }
0x2e5: {  	v48 =	vld [tilespmem:s31+$0xFFFFFF80]  }
0x2e6: {  	v49 =	vld [tilespmem:s30+$0xFFFFFF80]  }
0x2e7: {  	v3 =	vmul.f32 v3, v5;
	v4 =	vmul.f32 v6, v4;
	_ =	sdelay $0x1  }
0x2e8: {  	v3 =	vadd.f32 v3, v4;
	v4 =	vmul.f32 v7, v47;
	_ =	sdelay $0x1  }
0x2e9: {  	v3 =	vadd.f32 v4, v3;
	v4 =	vmul.f32 v48, v49;
	_ =	sdelay $0x1  }
0x2ea: {  	v3 =	vadd.f32 v4, v3;
	_ =	sdelay $0x1  }
0x2eb: {  	[tilespmem:$0x11548] =	vst v3  }
0x2ec: {  	v4 =	vld [tilespmem:s30+$0xFFFFFF90]  }
0x2ed: {  	v5 =	vld [tilespmem:s31+$0xFFFFFF90]  }
0x2ee: {  	v6 =	vld [tilespmem:s31+$0xFFFFFFA0]  }
0x2ef: {  	v7 =	vld [tilespmem:s30+$0xFFFFFFA0]  }
0x2f0: {  	v50 =	vld [tilespmem:s31+$0xFFFFFFB0]  }
0x2f1: {  	v51 =	vld [tilespmem:s30+$0xFFFFFFB0]  }
0x2f2: {  	v52 =	vld [tilespmem:s31+$0xFFFFFFC0]  }
0x2f3: {  	v53 =	vld [tilespmem:s30+$0xFFFFFFC0]  }
0x2f4: {  	v4 =	vmul.f32 v5, v4;
	v5 =	vmul.f32 v6, v7;
	_ =	sdelay $0x1  }
0x2f5: {  	v6 =	vld [tilespmem:$0x11538];
	v4 =	vadd.f32 v5, v4;
	v5 =	vmul.f32 v50, v51;
	_ =	sdelay $0x1  }
0x2f6: {  	v4 =	vadd.f32 v5, v4;
	v5 =	vmul.f32 v52, v53;
	_ =	sdelay $0x1  }
0x2f7: {  	v4 =	vadd.f32 v5, v4  }
0x2f8: {  	v2 =	vadd.f32 v6, v2  }
0x2f9: {  	v5 =	vld [tilespmem:$0x11550];
	[tilespmem:$0x11560] =	vst v4  }
0x2fa: {  	(v2sf) =	vpush v2, $0x4;
	v6 =	vld [tilespmem:s30+$0xFFFFFFD0]  }
0x2fb: {  	(v2sf) =	vpush v2, $0x7;
	v7 =	vld [tilespmem:s30+$0xFFFFFFE0]  }
0x2fc: {  	(v2sf) =	vpush v2, $0x3;
	v54 =	vld [tilespmem:s31+$0xFFFFFFD0]  }
0x2fd: {  	v55 =	vld [tilespmem:s31+$0xFFFFFFE0];
	(v2sf) =	vpush v2, $0x6  }
0x2fe: {  	v56 =	vld [tilespmem:s30+$0xFFFFFFF0];
	(v2sf) =	vpush v2, $0x5  }
0x2ff: {  	v3 =	vadd.f32 v5, v3;
	v5 =	vld [tilespmem:s31+$0xFFFFFFF0];
	(v2sf) =	vpush v2, $0x2  }
0x300: {  	v57 =	vld [tilespmem:s31+$0x0];
	(v2sf) =	vpush v2, $0x0  }
0x301: {  	(v2sf) =	vpush v2, $0x1;
	v2 =	vld [tilespmem:s30+$0x0]  }
0x302: {  	v58 =	vld [tilespmem:$0x11568];
	v6 =	vmul.f32 v54, v6;
	v7 =	vmul.f32 v55, v7;
	(v2sf) =	vpush v3, $0x7  }
0x303: {  	(v2sf) =	vpush v3, $0x6  }
0x304: {  	v6 =	vadd.f32 v7, v6;
	v5 =	vmul.f32 v5, v56;
	(v2sf) =	vpush v3, $0x5  }
0x305: {  	(v2sf) =	vpush v3, $0x2  }
0x306: {  	v5 =	vadd.f32 v5, v6;
	(v2sf) =	vpush v3, $0x4;
	v2 =	vmul.f32 v57, v2  }
0x307: {  	v4 =	vadd.f32 v58, v4;
	(v2sf) =	vpush v3, $0x1  }
0x308: {  	(v2sf) =	vpush v3, $0x0;
	v2 =	vadd.f32 v2, v5  }
0x309: {  	s16 =	spop (v2sf);
	(v2sf) =	vpush v3, $0x3  }
0x30a: {  	s17 =	spop (v2sf);
	(v2sf) =	vpush v4, $0x0;
	[tilespmem:$0x11578] =	vst v2  }
0x30b: {  	s12 =	sadd.s32 $0x100, s31;
	s18 =	spop (v2sf);
	(v2sf) =	vpush v4, $0x1;
	v3 =	vld [tilespmem:$0x11580]  }
0x30c: {  	s11 =	sadd.s32 $0x100, s30;
	v6 =	vld [tilespmem:s12+$0xFFFFFF20];
	s19 =	spop (v2sf)  }
0x30d: {  	v7 =	vld [tilespmem:s11+$0xFFFFFF20];
	(v2sf) =	vpush v4, $0x2;
	s22 =	spop (v2sf)  }
0x30e: {  	(v2sf) =	vpush v4, $0x3;
	s30 =	spop (v2sf)  }
0x30f: {  	(v2sf) =	vpush v4, $0x4;
	s31 =	spop (v2sf)  }
0x310: {  	v5 =	vld [tilespmem:s11+$0xFFFFFF10];
	s1 =	sadd.f32 s17, s19;
	(v2sf) =	vpush v4, $0x5;
	s6 =	spop (v2sf)  }
0x311: {  	v59 =	vld [tilespmem:s12+$0xFFFFFF10];
	s0 =	sadd.f32 s22, s16;
	(v2sf) =	vpush v4, $0x6;
	s7 =	spop (v2sf)  }
0x312: {  	v60 =	vld [tilespmem:s12+$0xFFFFFF30];
	s2 =	sadd.f32 s18, s30;
	v6 =	vmul.f32 v6, v7;
	v7 =	vadd.f32 v3, v2;
	(v2sf) =	vpush v4, $0x7;
	s9 =	spop (v2sf)  }
0x313: {  	v61 =	vld [tilespmem:s11+$0xFFFFFF30];
	s4 =	sadd.f32 s6, s31;
	s10 =	spop (v2sf)  }
0x314: {  	v62 =	vld [tilespmem:s12+$0xFFFFFF40];
	s0 =	sadd.f32 s1, s0;
	(v2sf) =	vpush v7, $0x7;
	s14 =	spop (v2sf)  }
0x315: {  	v63 =	vld [tilespmem:s11+$0xFFFFFF40];
	s2 =	sadd.f32 s2, s4;
	(v2sf) =	vpush v7, $0x0;
	s15 =	spop (v2sf)  }
0x316: {  	v5 =	vmul.f32 v59, v5;
	s1 =	sadd.f32 s7, s9;
	(v2sf) =	vpush v7, $0x3;
	s16 =	spop (v2sf)  }
0x317: {  	s13 =	sadd.f32 s0, s2;
	(v2sf) =	vpush v7, $0x6;
	s17 =	spop (v2sf)  }
0x318: {  	v3 =	vmul.f32 v60, v61;
	v2 =	vadd.f32 v6, v5;
	s0 =	sadd.f32 s10, s15;
	s18 =	spop (v2sf);
	(v2sf) =	vpush v7, $0x1  }
0x319: {  	s2 =	sadd.f32 s16, s17;
	s19 =	spop (v2sf);
	(v2sf) =	vpush v7, $0x5  }
0x31a: {  	v2 =	vadd.f32 v3, v2;
	v3 =	vmul.f32 v62, v63;
	s4 =	sadd.f32 s18, s14;
	s22 =	spop (v2sf);
	(v2sf) =	vpush v7, $0x4  }
0x31b: {  	s6 =	sadd.f32 s1, s0;
	(v2sf) =	vpush v7, $0x2  }
0x31c: {  	v3 =	vadd.f32 v3, v2;
	s2 =	sadd.f32 s4, s2;
	s30 =	spop (v2sf)  }
0x31d: {  	s5 =	sadd.f32 s22, s19;
	s31 =	spop (v2sf)  }
0x31e: {  	s15 =	simm.s32 $0x8;
	[tilespmem:$0x11530] =	vst v3;
	s4 =	sadd.f32 s31, s30;
	s17 =	spop (v2sf)  }
0x31f: {  	s1 =	simm.s32 $0x0;
	v4 =	vld [tilespmem:s12+$0xFFFFFF60];
	s14 =	sadd.f32 s6, s2;
	s9 =	spop (v2sf)  }
0x320: {  	v2 =	vimm.f32 $0.0e+00;
	s0 =	simm.s32 $0x4;
	v5 =	vld [tilespmem:s11+$0xFFFFFF50];
	s16 =	sadd.f32 s4, s5;
	s4 =	spop (v2sf)  }
.LBB2_9:
0x321: {  	p0 =	sne.s32 s15, $0xC;
	v6 =	vld [tilespmem:s11+$0xFFFFFF60];
	s2 =	sadd.f32 s9, s17;
	s5 =	spop (v2sf)  }
0x322: {  	v7 =	vld [tilespmem:s12+$0xFFFFFF50];
	s4 =	sadd.f32 s5, s4;
	s5 =	smov.u32 s15;
	s15 =	sadd.s32 $0x4, s15  }
0x323: {  	v8 =	vld [tilespmem:s12+$0xFFFFFF70];
	s6 =	spop (v2sf)  }
0x324: {  	v9 =	vld [tilespmem:s11+$0xFFFFFF70];
	s7 =	spop (v2sf)  }
0x325: {  	v10 =	vld [tilespmem:s12+$0xFFFFFF80];
	s9 =	spop (v2sf)  }
0x326: {  	s2 =	sadd.f32 s4, s2;
	v4 =	vmul.f32 v4, v6;
	v6 =	vld [tilespmem:s11+$0xFFFFFF80];
	s4 =	spop (v2sf)  }
0x327: {  	v11 =	vld [tilespmem:$0x11538];
	v5 =	vmul.f32 v7, v5;
	s4 =	sadd.f32 s6, s4;
	s6 =	spop (v2sf)  }
0x328: {  	s6 =	sadd.f32 s6, s7;
	s7 =	spop (v2sf)  }
0x329: {  	s2 =	sadd.f32 s2, s16;
	v4 =	vadd.f32 v4, v5;
	v5 =	vmul.f32 v8, v9;
	s10 =	spop (v2sf)  }
0x32a: {  	s7 =	sadd.f32 s7, s10;
	s10 =	spop (v2sf)  }
0x32b: {  	v4 =	vadd.f32 v5, v4;
	v5 =	vmul.f32 v10, v6;
	s9 =	sadd.f32 s9, s10  }
0x32c: {  	v6 =	vmov s1;
	s10 =	sadd.s32 $0x1, s1;
	v3 =	vadd.f32 v11, v3;
	s4 =	sadd.f32 s4, s7  }
0x32d: {  	vm0 =	veq.s32 v6, v1;
	s7 =	sadd.s32 $0x2, s1;
	v4 =	vadd.f32 v5, v4;
	v5 =	vmov s10;
	s6 =	sadd.f32 s9, s6  }
0x32e: {  	v2 =	vsel vm0, s13, v2;
	s9 =	sadd.s32 $0x3, s1;
	s1 =	smov.u32 s0;
	s0 =	smov.u32 s5;
	(v2sf) =	vpush v3, $0x4;
	vm0 =	veq.s32 v5, v1  }
0x32f: {  	v5 =	vmov s9;
	[tilespmem:$0x11548] =	vst v4;
	(v2sf) =	vpush v3, $0x7;
	v2 =	vsel vm0, s14, v2;
	s4 =	sadd.f32 s4, s6  }
0x330: {  	v7 =	vmov s7;
	v6 =	vld [tilespmem:s11+$0xFFFFFF90];
	(v2sf) =	vpush v3, $0x3  }
0x331: {  	vm0 =	veq.s32 v7, v1;
	vm1 =	veq.s32 v5, v1;
	v8 =	vld [tilespmem:s12+$0xFFFFFF90];
	(v2sf) =	vpush v3, $0x6  }
0x332: {  	v2 =	vsel vm0, s2, v2;
	v5 =	vld [tilespmem:s12+$0xFFFFFFA0];
	(v2sf) =	vpush v3, $0x5  }
0x333: {  	v2 =	vsel vm1, s4, v2;
	v7 =	vld [tilespmem:s11+$0xFFFFFFA0];
	(v2sf) =	vpush v3, $0x2  }
0x334: {  	v9 =	vld [tilespmem:s12+$0xFFFFFFB0];
	(v2sf) =	vpush v3, $0x0  }
0x335: {  	v10 =	vld [tilespmem:s11+$0xFFFFFFB0];
	(v2sf) =	vpush v3, $0x1  }
0x336: {  	v3 =	vld [tilespmem:s12+$0xFFFFFFC0]  }
0x337: {  	v6 =	vmul.f32 v8, v6;
	v8 =	vld [tilespmem:s11+$0xFFFFFFC0]  }
0x338: {  	v11 =	vld [tilespmem:$0x11550];
	v5 =	vmul.f32 v5, v7;
	_ =	sdelay $0x1  }
0x339: {  	v5 =	vadd.f32 v5, v6;
	v6 =	vmul.f32 v9, v10;
	_ =	sdelay $0x1  }
0x33a: {  	v5 =	vadd.f32 v6, v5;
	v3 =	vmul.f32 v3, v8  }
0x33b: {  	v4 =	vadd.f32 v11, v4;
	s2 =	spop (v2sf)  }
0x33c: {  	v3 =	vadd.f32 v3, v5;
	s4 =	spop (v2sf)  }
0x33d: {  	s5 =	spop (v2sf);
	(v2sf) =	vpush v4, $0x7  }
0x33e: {  	[tilespmem:$0x11560] =	vst v3;
	s6 =	spop (v2sf);
	(v2sf) =	vpush v4, $0x6  }
0x33f: {  	s4 =	sadd.f32 s4, s6;
	v5 =	vld [tilespmem:s11+$0xFFFFFFD0];
	s6 =	spop (v2sf);
	(v2sf) =	vpush v4, $0x5  }
0x340: {  	s2 =	sadd.f32 s6, s2;
	v6 =	vld [tilespmem:s11+$0xFFFFFFE0];
	s6 =	spop (v2sf);
	(v2sf) =	vpush v4, $0x2  }
0x341: {  	s5 =	sadd.f32 s5, s6;
	v7 =	vld [tilespmem:s12+$0xFFFFFFD0];
	s6 =	spop (v2sf);
	(v2sf) =	vpush v4, $0x4  }
0x342: {  	s2 =	sadd.f32 s4, s2;
	v8 =	vld [tilespmem:s12+$0xFFFFFFE0];
	s4 =	spop (v2sf);
	(v2sf) =	vpush v4, $0x1  }
0x343: {  	s4 =	sadd.f32 s4, s6;
	v9 =	vld [tilespmem:s11+$0xFFFFFFF0];
	(v2sf) =	vpush v4, $0x0  }
0x344: {  	v10 =	vld [tilespmem:s12+$0xFFFFFFF0];
	(v2sf) =	vpush v4, $0x3  }
0x345: {  	s4 =	sadd.f32 s5, s4;
	v4 =	vld [tilespmem:s11+$0x0]  }
0x346: {  	v5 =	vmul.f32 v7, v5;
	v7 =	vld [tilespmem:s12+$0x0]  }
0x347: {  	s13 =	sadd.f32 s2, s4;
	v11 =	vld [tilespmem:$0x11568];
	v6 =	vmul.f32 v8, v6;
	_ =	sdelay $0x1  }
0x348: {  	v5 =	vadd.f32 v6, v5;
	v6 =	vmul.f32 v10, v9;
	_ =	sdelay $0x1  }
0x349: {  	v5 =	vadd.f32 v6, v5;
	v4 =	vmul.f32 v7, v4  }
0x34a: {  	v3 =	vadd.f32 v11, v3;
	s2 =	spop (v2sf)  }
0x34b: {  	v4 =	vadd.f32 v4, v5;
	s4 =	spop (v2sf)  }
0x34c: {  	s2 =	sadd.f32 s2, s4;
	s4 =	spop (v2sf);
	(v2sf) =	vpush v3, $0x0  }
0x34d: {  	[tilespmem:$0x11578] =	vst v4;
	s5 =	spop (v2sf);
	(v2sf) =	vpush v3, $0x1  }
0x34e: {  	s11 =	sadd.s32 $0x100, s11;
	v5 =	vld [tilespmem:$0x11580];
	s6 =	spop (v2sf);
	(v2sf) =	vpush v3, $0x2  }
0x34f: {  	s12 =	sadd.s32 $0x100, s12;
	v6 =	vld [tilespmem:s11+$0xFFFFFF10];
	s4 =	sadd.f32 s4, s6;
	s6 =	spop (v2sf);
	(v2sf) =	vpush v3, $0x3  }
0x350: {  	v7 =	vld [tilespmem:s12+$0xFFFFFF20];
	s7 =	spop (v2sf);
	(v2sf) =	vpush v3, $0x4  }
0x351: {  	v8 =	vld [tilespmem:s11+$0xFFFFFF20];
	s6 =	sadd.f32 s6, s7;
	s7 =	spop (v2sf);
	(v2sf) =	vpush v3, $0x5  }
0x352: {  	v9 =	vld [tilespmem:s12+$0xFFFFFF10];
	s5 =	sadd.f32 s7, s5;
	(v2sf) =	vpush v3, $0x6  }
0x353: {  	s2 =	sadd.f32 s2, s4;
	v10 =	vld [tilespmem:s12+$0xFFFFFF30];
	v4 =	vadd.f32 v5, v4;
	(v2sf) =	vpush v3, $0x7  }
0x354: {  	v3 =	vld [tilespmem:s11+$0xFFFFFF30];
	s4 =	sadd.f32 s5, s6  }
0x355: {  	v5 =	vld [tilespmem:s12+$0xFFFFFF40];
	(v2sf) =	vpush v4, $0x7  }
0x356: {  	v7 =	vmul.f32 v7, v8;
	v8 =	vld [tilespmem:s11+$0xFFFFFF40];
	s14 =	sadd.f32 s2, s4;
	(v2sf) =	vpush v4, $0x0  }
0x357: {  	v6 =	vmul.f32 v9, v6;
	(v2sf) =	vpush v4, $0x3  }
0x358: {  	(v2sf) =	vpush v4, $0x6  }
0x359: {  	v6 =	vadd.f32 v7, v6;
	v3 =	vmul.f32 v10, v3;
	(v2sf) =	vpush v4, $0x1  }
0x35a: {  	(v2sf) =	vpush v4, $0x5  }
0x35b: {  	v3 =	vadd.f32 v3, v6;
	v5 =	vmul.f32 v5, v8;
	s2 =	spop (v2sf);
	(v2sf) =	vpush v4, $0x4  }
0x35c: {  	s4 =	spop (v2sf);
	(v2sf) =	vpush v4, $0x2  }
.Ltmp3:
0x35d: {  	v3 =	vadd.f32 v5, v3;
	s5 =	spop (v2sf);
	(pc) =	sbr.rel @p0 .LBB2_9-.Ltmp3, $4  }
0x35e: {  	s2 =	sadd.f32 s4, s2;
	s4 =	spop (v2sf)  }
0x35f: {  	[tilespmem:$0x11530] =	vst v3;
	s4 =	sadd.f32 s4, s5;
	s17 =	spop (v2sf)  }
0x360: {  	v4 =	vld [tilespmem:s12+$0xFFFFFF60];
	s9 =	spop (v2sf)  }
0x361: {  	v5 =	vld [tilespmem:s11+$0xFFFFFF50];
	s16 =	sadd.f32 s4, s2;
	s4 =	spop (v2sf)  }
0x362: {  	v6 =	vld [tilespmem:s11+$0xFFFFFF60]  }
0x363: {  	v7 =	vld [tilespmem:s12+$0xFFFFFF50]  }
0x364: {  	v8 =	vld [tilespmem:s12+$0xFFFFFF70]  }
0x365: {  	v9 =	vld [tilespmem:s11+$0xFFFFFF70]  }
0x366: {  	v10 =	vld [tilespmem:s12+$0xFFFFFF80]  }
0x367: {  	v11 =	vld [tilespmem:s11+$0xFFFFFF80]  }
0x368: {  	v4 =	vmul.f32 v4, v6;
	v5 =	vmul.f32 v7, v5;
	_ =	sdelay $0x1  }
0x369: {  	v4 =	vadd.f32 v4, v5;
	v5 =	vmul.f32 v8, v9;
	_ =	sdelay $0x1  }
0x36a: {  	v4 =	vadd.f32 v5, v4;
	v5 =	vmul.f32 v10, v11;
	_ =	sdelay $0x1  }
0x36b: {  	v4 =	vadd.f32 v5, v4;
	_ =	sdelay $0x1  }
0x36c: {  	[tilespmem:$0x11548] =	vst v4  }
0x36d: {  	v5 =	vld [tilespmem:s11+$0xFFFFFF90]  }
0x36e: {  	v6 =	vld [tilespmem:s12+$0xFFFFFF90]  }
0x36f: {  	v7 =	vld [tilespmem:s12+$0xFFFFFFA0]  }
0x370: {  	v35 =	vld [tilespmem:s11+$0xFFFFFFA0]  }
0x371: {  	v36 =	vld [tilespmem:s12+$0xFFFFFFB0]  }
0x372: {  	v37 =	vld [tilespmem:s11+$0xFFFFFFB0]  }
0x373: {  	v38 =	vld [tilespmem:s12+$0xFFFFFFC0]  }
0x374: {  	v12 =	vld [tilespmem:s11+$0xFFFFFFC0]  }
0x375: {  	v5 =	vmul.f32 v6, v5;
	v6 =	vmul.f32 v7, v35;
	_ =	sdelay $0x1  }
0x376: {  	v7 =	vld [tilespmem:$0x11538];
	v5 =	vadd.f32 v6, v5;
	v6 =	vmul.f32 v36, v37;
	_ =	sdelay $0x1  }
0x377: {  	v5 =	vadd.f32 v6, v5;
	v6 =	vmul.f32 v38, v12;
	_ =	sdelay $0x1  }
0x378: {  	v5 =	vadd.f32 v6, v5  }
0x379: {  	v3 =	vadd.f32 v7, v3  }
0x37a: {  	v6 =	vld [tilespmem:$0x11550];
	[tilespmem:$0x11560] =	vst v5  }
0x37b: {  	(v2sf) =	vpush v3, $0x4;
	v7 =	vld [tilespmem:s11+$0xFFFFFFD0]  }
0x37c: {  	(v2sf) =	vpush v3, $0x7;
	v39 =	vld [tilespmem:s11+$0xFFFFFFE0]  }
0x37d: {  	(v2sf) =	vpush v3, $0x3;
	v40 =	vld [tilespmem:s12+$0xFFFFFFD0]  }
0x37e: {  	v41 =	vld [tilespmem:s12+$0xFFFFFFE0];
	(v2sf) =	vpush v3, $0x6  }
0x37f: {  	v42 =	vld [tilespmem:s11+$0xFFFFFFF0];
	(v2sf) =	vpush v3, $0x5  }
0x380: {  	v4 =	vadd.f32 v6, v4;
	v6 =	vld [tilespmem:s12+$0xFFFFFFF0];
	(v2sf) =	vpush v3, $0x2  }
0x381: {  	s2 =	spop (v2sf);
	v43 =	vld [tilespmem:s12+$0x0];
	(v2sf) =	vpush v3, $0x0  }
0x382: {  	s5 =	spop (v2sf);
	(v2sf) =	vpush v3, $0x1;
	v3 =	vld [tilespmem:s11+$0x0]  }
0x383: {  	s6 =	spop (v2sf);
	v44 =	vld [tilespmem:$0x11568];
	v7 =	vmul.f32 v40, v7;
	v8 =	vmul.f32 v41, v39;
	(v2sf) =	vpush v4, $0x7  }
0x384: {  	s7 =	spop (v2sf);
	(v2sf) =	vpush v4, $0x6  }
0x385: {  	s10 =	spop (v2sf);
	v7 =	vadd.f32 v8, v7;
	v6 =	vmul.f32 v6, v42;
	(v2sf) =	vpush v4, $0x5  }
0x386: {  	s30 =	spop (v2sf);
	(v2sf) =	vpush v4, $0x2  }
0x387: {  	s9 =	sadd.f32 s9, s17;
	s31 =	spop (v2sf);
	v6 =	vadd.f32 v6, v7;
	(v2sf) =	vpush v4, $0x4;
	v3 =	vmul.f32 v43, v3  }
0x388: {  	s2 =	sadd.f32 s2, s4;
	s18 =	spop (v2sf);
	v5 =	vadd.f32 v44, v5;
	(v2sf) =	vpush v4, $0x1  }
0x389: {  	s15 =	spop (v2sf);
	(v2sf) =	vpush v4, $0x0;
	v3 =	vadd.f32 v3, v6  }
0x38a: {  	s2 =	sadd.f32 s2, s9;
	s17 =	spop (v2sf);
	(v2sf) =	vpush v4, $0x3  }
0x38b: {  	s5 =	sadd.f32 s5, s10;
	s10 =	spop (v2sf);
	(v2sf) =	vpush v5, $0x0;
	[tilespmem:$0x11578] =	vst v3  }
0x38c: {  	s6 =	sadd.f32 s30, s6;
	s11 =	spop (v2sf);
	(v2sf) =	vpush v5, $0x1;
	v4 =	vld [tilespmem:$0x11580]  }
0x38d: {  	s4 =	sadd.f32 s31, s18;
	s19 =	spop (v2sf);
	(v2sf) =	vpush v5, $0x2  }
0x38e: {  	s7 =	sadd.f32 s7, s15;
	s22 =	spop (v2sf);
	(v2sf) =	vpush v5, $0x3  }
0x38f: {  	s5 =	sadd.f32 s5, s4;
	s18 =	spop (v2sf);
	(v2sf) =	vpush v5, $0x4  }
0x390: {  	s6 =	sadd.f32 s7, s6;
	s30 =	spop (v2sf);
	(v2sf) =	vpush v5, $0x5  }
0x391: {  	s4 =	sadd.f32 s2, s16;
	s31 =	spop (v2sf);
	(v2sf) =	vpush v5, $0x6;
	v3 =	vadd.f32 v4, v3  }
0x392: {  	s9 =	sadd.f32 s5, s6;
	s5 =	spop (v2sf);
	(v2sf) =	vpush v5, $0x7  }
0x393: {  	s12 =	sadd.f32 s10, s19;
	s10 =	spop (v2sf);
	(v2sf) =	vpush v3, $0x7  }
0x394: {  	s15 =	sadd.f32 s22, s17;
	s16 =	spop (v2sf);
	(v2sf) =	vpush v3, $0x0  }
0x395: {  	s11 =	sadd.f32 s11, s18;
	s19 =	spop (v2sf);
	(v2sf) =	vpush v3, $0x3  }
0x396: {  	s2 =	sadd.f32 s31, s30;
	s22 =	spop (v2sf);
	(v2sf) =	vpush v3, $0x6  }
0x397: {  	s6 =	sadd.f32 s12, s15;
	s30 =	spop (v2sf);
	(v2sf) =	vpush v3, $0x1  }
0x398: {  	s2 =	sadd.f32 s11, s2;
	s31 =	spop (v2sf);
	(v2sf) =	vpush v3, $0x5  }
0x399: {  	s5 =	sadd.f32 s5, s10;
	s17 =	spop (v2sf);
	(v2sf) =	vpush v3, $0x4  }
0x39a: {  	s2 =	sadd.f32 s6, s2;
	s15 =	spop (v2sf);
	(v2sf) =	vpush v3, $0x2  }
0x39b: {  	s7 =	sadd.f32 s16, s22;
	s18 =	spop (v2sf)  }
0x39c: {  	s10 =	sadd.f32 s17, s19;
	s19 =	spop (v2sf)  }
0x39d: {  	s11 =	sadd.f32 s30, s31;
	s22 =	spop (v2sf)  }
0x39e: {  	s5 =	sadd.f32 s5, s7;
	s30 =	spop (v2sf)  }
0x39f: {  	s10 =	sadd.f32 s10, s11;
	s31 =	spop (v2sf)  }
0x3a0: {  	s12 =	sadd.f32 s18, s15;
	s17 =	spop (v2sf)  }
0x3a1: {  	s5 =	sadd.f32 s5, s10;
	s18 =	spop (v2sf)  }
0x3a2: {  	s7 =	sadd.f32 s22, s19;
	s19 =	spop (v2sf)  }
0x3a3: {  	s6 =	sadd.f32 s31, s30;
	s11 =	spop (v2sf)  }
0x3a4: {  	s10 =	sadd.f32 s18, s17;
	s15 =	spop (v2sf)  }
0x3a5: {  	s7 =	sadd.f32 s7, s12;
	s22 =	spop (v2sf)  }
0x3a6: {  	s6 =	sadd.f32 s10, s6;
	s30 =	spop (v2sf)  }
0x3a7: {  	v3 =	vmov s1;
	s31 =	sadd.s32 $0x1, s1;
	s12 =	sadd.f32 s19, s22;
	s18 =	spop (v2sf)  }
0x3a8: {  	vm0 =	veq.s32 v3, v1;
	v3 =	vmov s31;
	s19 =	sadd.s32 $0x2, s1;
	s10 =	sadd.f32 s30, s11;
	s22 =	spop (v2sf)  }
0x3a9: {  	v2 =	vsel vm0, s13, v2;
	vm10 =	veq.s32 v3, v1;
	v4 =	vmov s19;
	s30 =	sadd.s32 $0x3, s1;
	s11 =	sadd.f32 s18, s22;
	s31 =	spop (v2sf)  }
0x3aa: {  	v2 =	vsel vm10, s14, v2;
	v3 =	vmov s30;
	vm11 =	veq.s32 v4, v1;
	s14 =	sadd.f32 s15, s31  }
0x3ab: {  	vm1 =	veq.s32 v3, v1;
	v2 =	vsel vm11, s4, v2;
	v3 =	vmov s0;
	s15 =	sadd.s32 $0x1, s0;
	s11 =	sadd.f32 s12, s11  }
0x3ac: {  	s16 =	sadd.s32 $0x2, s0;
	v2 =	vsel vm1, s9, v2;
	vm12 =	veq.s32 v3, v1;
	v3 =	vmov s15;
	s1 =	sadd.f32 s14, s10  }
0x3ad: {  	s17 =	sadd.s32 $0x3, s0;
	s6 =	sadd.f32 s6, s7;
	v2 =	vsel vm12, s2, v2;
	vm13 =	veq.s32 v3, v1;
	v3 =	vmov s16  }
0x3ae: {  	v4 =	vmov s17;
	v2 =	vsel vm13, s5, v2;
	vm14 =	veq.s32 v3, v1;
	s1 =	sadd.f32 s11, s1  }
0x3af: {  	vm15 =	veq.s32 v4, v1;
	v2 =	vsel vm14, s6, v2  }
0x3b0: {  	v2 =	vsel vm15, s1, v2  }
0x3b1: {  	[tilespmem:s26+$0xEE50] =	vst v2  }
0x3b2: {  	v2 =	vld [tilespmem:s28+$0xFFFFFF10]  }
0x3b3: {  	v3 =	vld [tilespmem:s29+$0xFFFFFF20]  }
0x3b4: {  	v4 =	vld [tilespmem:s28+$0xFFFFFF20]  }
0x3b5: {  	v5 =	vld [tilespmem:s29+$0xFFFFFF10]  }
0x3b6: {  	v6 =	vld [tilespmem:s29+$0xFFFFFF30]  }
0x3b7: {  	v7 =	vld [tilespmem:s28+$0xFFFFFF30]  }
0x3b8: {  	v45 =	vld [tilespmem:s29+$0xFFFFFF40]  }
0x3b9: {  	v46 =	vld [tilespmem:s28+$0xFFFFFF40]  }
0x3ba: {  	v3 =	vmul.f32 v3, v4;
	v2 =	vmul.f32 v5, v2;
	_ =	sdelay $0x1  }
0x3bb: {  	v2 =	vadd.f32 v3, v2;
	v3 =	vmul.f32 v6, v7;
	_ =	sdelay $0x1  }
0x3bc: {  	v2 =	vadd.f32 v3, v2;
	v3 =	vmul.f32 v45, v46;
	_ =	sdelay $0x1  }
0x3bd: {  	v2 =	vadd.f32 v3, v2;
	_ =	sdelay $0x1  }
0x3be: {  	[tilespmem:$0x11530] =	vst v2  }
0x3bf: {  	v3 =	vld [tilespmem:s29+$0xFFFFFF60]  }
0x3c0: {  	v4 =	vld [tilespmem:s28+$0xFFFFFF50]  }
0x3c1: {  	v5 =	vld [tilespmem:s28+$0xFFFFFF60]  }
0x3c2: {  	v6 =	vld [tilespmem:s29+$0xFFFFFF50]  }
0x3c3: {  	v7 =	vld [tilespmem:s29+$0xFFFFFF70]  }
0x3c4: {  	v47 =	vld [tilespmem:s28+$0xFFFFFF70]  }
0x3c5: {  	v48 =	vld [tilespmem:s29+$0xFFFFFF80]  }
0x3c6: {  	v49 =	vld [tilespmem:s28+$0xFFFFFF80]  }
0x3c7: {  	v3 =	vmul.f32 v3, v5;
	v4 =	vmul.f32 v6, v4;
	_ =	sdelay $0x1  }
0x3c8: {  	v3 =	vadd.f32 v3, v4;
	v4 =	vmul.f32 v7, v47;
	_ =	sdelay $0x1  }
0x3c9: {  	v3 =	vadd.f32 v4, v3;
	v4 =	vmul.f32 v48, v49;
	_ =	sdelay $0x1  }
0x3ca: {  	v3 =	vadd.f32 v4, v3;
	_ =	sdelay $0x1  }
0x3cb: {  	[tilespmem:$0x11548] =	vst v3  }
0x3cc: {  	v4 =	vld [tilespmem:s28+$0xFFFFFF90]  }
0x3cd: {  	v5 =	vld [tilespmem:s29+$0xFFFFFF90]  }
0x3ce: {  	v6 =	vld [tilespmem:s29+$0xFFFFFFA0]  }
0x3cf: {  	v7 =	vld [tilespmem:s28+$0xFFFFFFA0]  }
0x3d0: {  	v50 =	vld [tilespmem:s29+$0xFFFFFFB0]  }
0x3d1: {  	v51 =	vld [tilespmem:s28+$0xFFFFFFB0]  }
0x3d2: {  	v52 =	vld [tilespmem:s29+$0xFFFFFFC0]  }
0x3d3: {  	v53 =	vld [tilespmem:s28+$0xFFFFFFC0]  }
0x3d4: {  	v4 =	vmul.f32 v5, v4;
	v5 =	vmul.f32 v6, v7;
	_ =	sdelay $0x1  }
0x3d5: {  	v6 =	vld [tilespmem:$0x11538];
	v4 =	vadd.f32 v5, v4;
	v5 =	vmul.f32 v50, v51;
	_ =	sdelay $0x1  }
0x3d6: {  	v4 =	vadd.f32 v5, v4;
	v5 =	vmul.f32 v52, v53;
	_ =	sdelay $0x1  }
0x3d7: {  	v4 =	vadd.f32 v5, v4  }
0x3d8: {  	v2 =	vadd.f32 v6, v2  }
0x3d9: {  	v5 =	vld [tilespmem:$0x11550];
	[tilespmem:$0x11560] =	vst v4  }
0x3da: {  	(v2sf) =	vpush v2, $0x4;
	v6 =	vld [tilespmem:s28+$0xFFFFFFD0]  }
0x3db: {  	(v2sf) =	vpush v2, $0x7;
	v7 =	vld [tilespmem:s28+$0xFFFFFFE0]  }
0x3dc: {  	(v2sf) =	vpush v2, $0x3;
	v54 =	vld [tilespmem:s29+$0xFFFFFFD0]  }
0x3dd: {  	v55 =	vld [tilespmem:s29+$0xFFFFFFE0];
	(v2sf) =	vpush v2, $0x6  }
0x3de: {  	v56 =	vld [tilespmem:s28+$0xFFFFFFF0];
	(v2sf) =	vpush v2, $0x5  }
0x3df: {  	v3 =	vadd.f32 v5, v3;
	v5 =	vld [tilespmem:s29+$0xFFFFFFF0];
	(v2sf) =	vpush v2, $0x2  }
0x3e0: {  	v57 =	vld [tilespmem:s29+$0x0];
	(v2sf) =	vpush v2, $0x0  }
0x3e1: {  	(v2sf) =	vpush v2, $0x1;
	v2 =	vld [tilespmem:s28+$0x0]  }
0x3e2: {  	v58 =	vld [tilespmem:$0x11568];
	v6 =	vmul.f32 v54, v6;
	v7 =	vmul.f32 v55, v7;
	(v2sf) =	vpush v3, $0x7  }
0x3e3: {  	(v2sf) =	vpush v3, $0x6  }
0x3e4: {  	v6 =	vadd.f32 v7, v6;
	v5 =	vmul.f32 v5, v56;
	(v2sf) =	vpush v3, $0x5  }
0x3e5: {  	(v2sf) =	vpush v3, $0x2  }
0x3e6: {  	v5 =	vadd.f32 v5, v6;
	(v2sf) =	vpush v3, $0x4;
	v2 =	vmul.f32 v57, v2  }
0x3e7: {  	v4 =	vadd.f32 v58, v4;
	(v2sf) =	vpush v3, $0x1  }
0x3e8: {  	(v2sf) =	vpush v3, $0x0;
	v2 =	vadd.f32 v2, v5  }
0x3e9: {  	s18 =	spop (v2sf);
	(v2sf) =	vpush v3, $0x3  }
0x3ea: {  	s19 =	spop (v2sf);
	(v2sf) =	vpush v4, $0x0;
	[tilespmem:$0x11578] =	vst v2  }
0x3eb: {  	s12 =	sadd.s32 $0x100, s29;
	s22 =	spop (v2sf);
	(v2sf) =	vpush v4, $0x1;
	v3 =	vld [tilespmem:$0x11580]  }
0x3ec: {  	s11 =	sadd.s32 $0x100, s28;
	v6 =	vld [tilespmem:s12+$0xFFFFFF20];
	s30 =	spop (v2sf)  }
0x3ed: {  	v7 =	vld [tilespmem:s11+$0xFFFFFF20];
	(v2sf) =	vpush v4, $0x2;
	s31 =	spop (v2sf)  }
0x3ee: {  	(v2sf) =	vpush v4, $0x3;
	s6 =	spop (v2sf)  }
0x3ef: {  	(v2sf) =	vpush v4, $0x4;
	s7 =	spop (v2sf)  }
0x3f0: {  	v5 =	vld [tilespmem:s11+$0xFFFFFF10];
	s1 =	sadd.f32 s19, s30;
	(v2sf) =	vpush v4, $0x5;
	s9 =	spop (v2sf)  }
0x3f1: {  	v59 =	vld [tilespmem:s12+$0xFFFFFF10];
	s0 =	sadd.f32 s31, s18;
	(v2sf) =	vpush v4, $0x6;
	s10 =	spop (v2sf)  }
0x3f2: {  	v60 =	vld [tilespmem:s12+$0xFFFFFF30];
	s2 =	sadd.f32 s22, s6;
	v6 =	vmul.f32 v6, v7;
	v7 =	vadd.f32 v3, v2;
	(v2sf) =	vpush v4, $0x7;
	s14 =	spop (v2sf)  }
0x3f3: {  	v61 =	vld [tilespmem:s11+$0xFFFFFF30];
	s4 =	sadd.f32 s9, s7;
	s15 =	spop (v2sf)  }
0x3f4: {  	v62 =	vld [tilespmem:s12+$0xFFFFFF40];
	s0 =	sadd.f32 s1, s0;
	(v2sf) =	vpush v7, $0x7;
	s16 =	spop (v2sf)  }
0x3f5: {  	v63 =	vld [tilespmem:s11+$0xFFFFFF40];
	s2 =	sadd.f32 s2, s4;
	(v2sf) =	vpush v7, $0x0;
	s17 =	spop (v2sf)  }
0x3f6: {  	v5 =	vmul.f32 v59, v5;
	s1 =	sadd.f32 s10, s14;
	(v2sf) =	vpush v7, $0x3;
	s18 =	spop (v2sf)  }
0x3f7: {  	s13 =	sadd.f32 s0, s2;
	(v2sf) =	vpush v7, $0x6;
	s19 =	spop (v2sf)  }
0x3f8: {  	v3 =	vmul.f32 v60, v61;
	v2 =	vadd.f32 v6, v5;
	s0 =	sadd.f32 s15, s17;
	s22 =	spop (v2sf);
	(v2sf) =	vpush v7, $0x1  }
0x3f9: {  	s2 =	sadd.f32 s18, s19;
	s28 =	spop (v2sf);
	(v2sf) =	vpush v7, $0x5  }
0x3fa: {  	v2 =	vadd.f32 v3, v2;
	v3 =	vmul.f32 v62, v63;
	s4 =	sadd.f32 s22, s16;
	s29 =	spop (v2sf);
	(v2sf) =	vpush v7, $0x4  }
0x3fb: {  	s6 =	sadd.f32 s1, s0;
	(v2sf) =	vpush v7, $0x2  }
0x3fc: {  	v3 =	vadd.f32 v3, v2;
	s2 =	sadd.f32 s4, s2;
	s30 =	spop (v2sf)  }
0x3fd: {  	s5 =	sadd.f32 s29, s28;
	s31 =	spop (v2sf)  }
0x3fe: {  	s15 =	simm.s32 $0x8;
	[tilespmem:$0x11530] =	vst v3;
	s4 =	sadd.f32 s31, s30;
	s17 =	spop (v2sf)  }
0x3ff: {  	s1 =	simm.s32 $0x0;
	v4 =	vld [tilespmem:s12+$0xFFFFFF60];
	s14 =	sadd.f32 s6, s2;
	s9 =	spop (v2sf)  }
0x400: {  	v2 =	vimm.f32 $0.0e+00;
	s0 =	simm.s32 $0x4;
	v5 =	vld [tilespmem:s11+$0xFFFFFF50];
	s16 =	sadd.f32 s4, s5;
	s4 =	spop (v2sf)  }
.LBB2_11:
0x401: {  	p0 =	sne.s32 s15, $0xC;
	v6 =	vld [tilespmem:s11+$0xFFFFFF60];
	s2 =	sadd.f32 s9, s17;
	s5 =	spop (v2sf)  }
0x402: {  	v7 =	vld [tilespmem:s12+$0xFFFFFF50];
	s4 =	sadd.f32 s5, s4;
	s5 =	smov.u32 s15;
	s15 =	sadd.s32 $0x4, s15  }
0x403: {  	v8 =	vld [tilespmem:s12+$0xFFFFFF70];
	s6 =	spop (v2sf)  }
0x404: {  	v9 =	vld [tilespmem:s11+$0xFFFFFF70];
	s7 =	spop (v2sf)  }
0x405: {  	v10 =	vld [tilespmem:s12+$0xFFFFFF80];
	s9 =	spop (v2sf)  }
0x406: {  	s2 =	sadd.f32 s4, s2;
	v4 =	vmul.f32 v4, v6;
	v6 =	vld [tilespmem:s11+$0xFFFFFF80];
	s4 =	spop (v2sf)  }
0x407: {  	v11 =	vld [tilespmem:$0x11538];
	v5 =	vmul.f32 v7, v5;
	s4 =	sadd.f32 s6, s4;
	s6 =	spop (v2sf)  }
0x408: {  	s6 =	sadd.f32 s6, s7;
	s7 =	spop (v2sf)  }
0x409: {  	s2 =	sadd.f32 s2, s16;
	v4 =	vadd.f32 v4, v5;
	v5 =	vmul.f32 v8, v9;
	s10 =	spop (v2sf)  }
0x40a: {  	s7 =	sadd.f32 s7, s10;
	s10 =	spop (v2sf)  }
0x40b: {  	v4 =	vadd.f32 v5, v4;
	v5 =	vmul.f32 v10, v6;
	s9 =	sadd.f32 s9, s10  }
0x40c: {  	v6 =	vmov s1;
	s10 =	sadd.s32 $0x1, s1;
	v3 =	vadd.f32 v11, v3;
	s4 =	sadd.f32 s4, s7  }
0x40d: {  	vm0 =	veq.s32 v6, v1;
	s7 =	sadd.s32 $0x2, s1;
	v4 =	vadd.f32 v5, v4;
	v5 =	vmov s10;
	s6 =	sadd.f32 s9, s6  }
0x40e: {  	v2 =	vsel vm0, s13, v2;
	s9 =	sadd.s32 $0x3, s1;
	s1 =	smov.u32 s0;
	s0 =	smov.u32 s5;
	(v2sf) =	vpush v3, $0x4;
	vm0 =	veq.s32 v5, v1  }
0x40f: {  	v5 =	vmov s9;
	[tilespmem:$0x11548] =	vst v4;
	(v2sf) =	vpush v3, $0x7;
	v2 =	vsel vm0, s14, v2;
	s4 =	sadd.f32 s4, s6  }
0x410: {  	v7 =	vmov s7;
	v6 =	vld [tilespmem:s11+$0xFFFFFF90];
	(v2sf) =	vpush v3, $0x3  }
0x411: {  	vm0 =	veq.s32 v7, v1;
	vm1 =	veq.s32 v5, v1;
	v8 =	vld [tilespmem:s12+$0xFFFFFF90];
	(v2sf) =	vpush v3, $0x6  }
0x412: {  	v2 =	vsel vm0, s2, v2;
	v5 =	vld [tilespmem:s12+$0xFFFFFFA0];
	(v2sf) =	vpush v3, $0x5  }
0x413: {  	v2 =	vsel vm1, s4, v2;
	v7 =	vld [tilespmem:s11+$0xFFFFFFA0];
	(v2sf) =	vpush v3, $0x2  }
0x414: {  	v9 =	vld [tilespmem:s12+$0xFFFFFFB0];
	(v2sf) =	vpush v3, $0x0  }
0x415: {  	v10 =	vld [tilespmem:s11+$0xFFFFFFB0];
	(v2sf) =	vpush v3, $0x1  }
0x416: {  	v3 =	vld [tilespmem:s12+$0xFFFFFFC0]  }
0x417: {  	v6 =	vmul.f32 v8, v6;
	v8 =	vld [tilespmem:s11+$0xFFFFFFC0]  }
0x418: {  	v11 =	vld [tilespmem:$0x11550];
	v5 =	vmul.f32 v5, v7;
	_ =	sdelay $0x1  }
0x419: {  	v5 =	vadd.f32 v5, v6;
	v6 =	vmul.f32 v9, v10;
	_ =	sdelay $0x1  }
0x41a: {  	v5 =	vadd.f32 v6, v5;
	v3 =	vmul.f32 v3, v8  }
0x41b: {  	v4 =	vadd.f32 v11, v4;
	s2 =	spop (v2sf)  }
0x41c: {  	v3 =	vadd.f32 v3, v5;
	s4 =	spop (v2sf)  }
0x41d: {  	s5 =	spop (v2sf);
	(v2sf) =	vpush v4, $0x7  }
0x41e: {  	[tilespmem:$0x11560] =	vst v3;
	s6 =	spop (v2sf);
	(v2sf) =	vpush v4, $0x6  }
0x41f: {  	s4 =	sadd.f32 s4, s6;
	v5 =	vld [tilespmem:s11+$0xFFFFFFD0];
	s6 =	spop (v2sf);
	(v2sf) =	vpush v4, $0x5  }
0x420: {  	s2 =	sadd.f32 s6, s2;
	v6 =	vld [tilespmem:s11+$0xFFFFFFE0];
	s6 =	spop (v2sf);
	(v2sf) =	vpush v4, $0x2  }
0x421: {  	s5 =	sadd.f32 s5, s6;
	v7 =	vld [tilespmem:s12+$0xFFFFFFD0];
	s6 =	spop (v2sf);
	(v2sf) =	vpush v4, $0x4  }
0x422: {  	s2 =	sadd.f32 s4, s2;
	v8 =	vld [tilespmem:s12+$0xFFFFFFE0];
	s4 =	spop (v2sf);
	(v2sf) =	vpush v4, $0x1  }
0x423: {  	s4 =	sadd.f32 s4, s6;
	v9 =	vld [tilespmem:s11+$0xFFFFFFF0];
	(v2sf) =	vpush v4, $0x0  }
0x424: {  	v10 =	vld [tilespmem:s12+$0xFFFFFFF0];
	(v2sf) =	vpush v4, $0x3  }
0x425: {  	s4 =	sadd.f32 s5, s4;
	v4 =	vld [tilespmem:s11+$0x0]  }
0x426: {  	v5 =	vmul.f32 v7, v5;
	v7 =	vld [tilespmem:s12+$0x0]  }
0x427: {  	s13 =	sadd.f32 s2, s4;
	v11 =	vld [tilespmem:$0x11568];
	v6 =	vmul.f32 v8, v6;
	_ =	sdelay $0x1  }
0x428: {  	v5 =	vadd.f32 v6, v5;
	v6 =	vmul.f32 v10, v9;
	_ =	sdelay $0x1  }
0x429: {  	v5 =	vadd.f32 v6, v5;
	v4 =	vmul.f32 v7, v4  }
0x42a: {  	v3 =	vadd.f32 v11, v3;
	s2 =	spop (v2sf)  }
0x42b: {  	v4 =	vadd.f32 v4, v5;
	s4 =	spop (v2sf)  }
0x42c: {  	s2 =	sadd.f32 s2, s4;
	s4 =	spop (v2sf);
	(v2sf) =	vpush v3, $0x0  }
0x42d: {  	[tilespmem:$0x11578] =	vst v4;
	s5 =	spop (v2sf);
	(v2sf) =	vpush v3, $0x1  }
0x42e: {  	s11 =	sadd.s32 $0x100, s11;
	v5 =	vld [tilespmem:$0x11580];
	s6 =	spop (v2sf);
	(v2sf) =	vpush v3, $0x2  }
0x42f: {  	s12 =	sadd.s32 $0x100, s12;
	v6 =	vld [tilespmem:s11+$0xFFFFFF10];
	s4 =	sadd.f32 s4, s6;
	s6 =	spop (v2sf);
	(v2sf) =	vpush v3, $0x3  }
0x430: {  	v7 =	vld [tilespmem:s12+$0xFFFFFF20];
	s7 =	spop (v2sf);
	(v2sf) =	vpush v3, $0x4  }
0x431: {  	v8 =	vld [tilespmem:s11+$0xFFFFFF20];
	s6 =	sadd.f32 s6, s7;
	s7 =	spop (v2sf);
	(v2sf) =	vpush v3, $0x5  }
0x432: {  	v9 =	vld [tilespmem:s12+$0xFFFFFF10];
	s5 =	sadd.f32 s7, s5;
	(v2sf) =	vpush v3, $0x6  }
0x433: {  	s2 =	sadd.f32 s2, s4;
	v10 =	vld [tilespmem:s12+$0xFFFFFF30];
	v4 =	vadd.f32 v5, v4;
	(v2sf) =	vpush v3, $0x7  }
0x434: {  	v3 =	vld [tilespmem:s11+$0xFFFFFF30];
	s4 =	sadd.f32 s5, s6  }
0x435: {  	v5 =	vld [tilespmem:s12+$0xFFFFFF40];
	(v2sf) =	vpush v4, $0x7  }
0x436: {  	v7 =	vmul.f32 v7, v8;
	v8 =	vld [tilespmem:s11+$0xFFFFFF40];
	s14 =	sadd.f32 s2, s4;
	(v2sf) =	vpush v4, $0x0  }
0x437: {  	v6 =	vmul.f32 v9, v6;
	(v2sf) =	vpush v4, $0x3  }
0x438: {  	(v2sf) =	vpush v4, $0x6  }
0x439: {  	v6 =	vadd.f32 v7, v6;
	v3 =	vmul.f32 v10, v3;
	(v2sf) =	vpush v4, $0x1  }
0x43a: {  	(v2sf) =	vpush v4, $0x5  }
0x43b: {  	v3 =	vadd.f32 v3, v6;
	v5 =	vmul.f32 v5, v8;
	s2 =	spop (v2sf);
	(v2sf) =	vpush v4, $0x4  }
0x43c: {  	s4 =	spop (v2sf);
	(v2sf) =	vpush v4, $0x2  }
.Ltmp4:
0x43d: {  	v3 =	vadd.f32 v5, v3;
	s5 =	spop (v2sf);
	(pc) =	sbr.rel @p0 .LBB2_11-.Ltmp4, $4  }
0x43e: {  	s2 =	sadd.f32 s4, s2;
	s4 =	spop (v2sf)  }
0x43f: {  	[tilespmem:$0x11530] =	vst v3;
	s4 =	sadd.f32 s4, s5;
	s17 =	spop (v2sf)  }
0x440: {  	v4 =	vld [tilespmem:s12+$0xFFFFFF60];
	s9 =	spop (v2sf)  }
0x441: {  	v5 =	vld [tilespmem:s11+$0xFFFFFF50];
	s16 =	sadd.f32 s4, s2;
	s4 =	spop (v2sf)  }
0x442: {  	v6 =	vld [tilespmem:s11+$0xFFFFFF60]  }
0x443: {  	v7 =	vld [tilespmem:s12+$0xFFFFFF50]  }
0x444: {  	v8 =	vld [tilespmem:s12+$0xFFFFFF70]  }
0x445: {  	v9 =	vld [tilespmem:s11+$0xFFFFFF70]  }
0x446: {  	v10 =	vld [tilespmem:s12+$0xFFFFFF80]  }
0x447: {  	v11 =	vld [tilespmem:s11+$0xFFFFFF80]  }
0x448: {  	v4 =	vmul.f32 v4, v6;
	v5 =	vmul.f32 v7, v5;
	_ =	sdelay $0x1  }
0x449: {  	v39 =	vmul.f32 v8, v9;
	v4 =	vadd.f32 v4, v5;
	_ =	sdelay $0x1  }
0x44a: {  	v40 =	vmul.f32 v10, v11;
	v4 =	vadd.f32 v39, v4;
	_ =	sdelay $0x1  }
0x44b: {  	v4 =	vadd.f32 v40, v4;
	_ =	sdelay $0x1  }
0x44c: {  	[tilespmem:$0x11548] =	vst v4  }
0x44d: {  	v41 =	vld [tilespmem:s11+$0xFFFFFF90]  }
0x44e: {  	v42 =	vld [tilespmem:s12+$0xFFFFFF90]  }
0x44f: {  	v43 =	vld [tilespmem:s12+$0xFFFFFFA0]  }
0x450: {  	v44 =	vld [tilespmem:s11+$0xFFFFFFA0]  }
0x451: {  	v45 =	vld [tilespmem:s12+$0xFFFFFFB0]  }
0x452: {  	v46 =	vld [tilespmem:s11+$0xFFFFFFB0]  }
0x453: {  	v47 =	vld [tilespmem:s12+$0xFFFFFFC0]  }
0x454: {  	v12 =	vld [tilespmem:s11+$0xFFFFFFC0]  }
0x455: {  	v5 =	vmul.f32 v42, v41;
	v48 =	vmul.f32 v43, v44  }
0x456: {  	v49 =	vld [tilespmem:$0x11538]  }
0x457: {  	v50 =	vmul.f32 v45, v46;
	v5 =	vadd.f32 v48, v5;
	_ =	sdelay $0x1  }
0x458: {  	v51 =	vmul.f32 v47, v12;
	v5 =	vadd.f32 v50, v5;
	_ =	sdelay $0x1  }
0x459: {  	v3 =	vadd.f32 v49, v3;
	v5 =	vadd.f32 v51, v5;
	_ =	sdelay $0x1  }
0x45a: {  	(v2sf) =	vpush v3, $0x4;
	v52 =	vld [tilespmem:$0x11550];
	[tilespmem:$0x11560] =	vst v5  }
0x45b: {  	(v2sf) =	vpush v3, $0x7;
	v53 =	vld [tilespmem:s11+$0xFFFFFFD0]  }
0x45c: {  	(v2sf) =	vpush v3, $0x3;
	v54 =	vld [tilespmem:s11+$0xFFFFFFE0]  }
0x45d: {  	(v2sf) =	vpush v3, $0x6;
	v55 =	vld [tilespmem:s12+$0xFFFFFFD0]  }
0x45e: {  	(v2sf) =	vpush v3, $0x5;
	v56 =	vld [tilespmem:s12+$0xFFFFFFE0]  }
0x45f: {  	(v2sf) =	vpush v3, $0x2;
	v57 =	vld [tilespmem:s11+$0xFFFFFFF0]  }
0x460: {  	(v2sf) =	vpush v3, $0x0;
	v4 =	vadd.f32 v52, v4;
	v58 =	vld [tilespmem:s12+$0xFFFFFFF0]  }
0x461: {  	s2 =	spop (v2sf);
	(v2sf) =	vpush v3, $0x1;
	v3 =	vld [tilespmem:s11+$0x0]  }
0x462: {  	s5 =	spop (v2sf);
	(v2sf) =	vpush v4, $0x7;
	v59 =	vld [tilespmem:s12+$0x0]  }
0x463: {  	s6 =	spop (v2sf);
	(v2sf) =	vpush v4, $0x6;
	v7 =	vmul.f32 v55, v53;
	v8 =	vmul.f32 v56, v54  }
0x464: {  	s7 =	spop (v2sf);
	(v2sf) =	vpush v4, $0x5;
	v60 =	vld [tilespmem:$0x11568]  }
0x465: {  	s10 =	spop (v2sf);
	(v2sf) =	vpush v4, $0x2;
	v6 =	vmul.f32 v58, v57;
	v7 =	vadd.f32 v8, v7  }
0x466: {  	s12 =	spop (v2sf);
	(v2sf) =	vpush v4, $0x4  }
0x467: {  	s9 =	sadd.f32 s9, s17;
	s18 =	spop (v2sf);
	(v2sf) =	vpush v4, $0x1;
	v3 =	vmul.f32 v59, v3;
	v6 =	vadd.f32 v6, v7  }
0x468: {  	s2 =	sadd.f32 s2, s4;
	s19 =	spop (v2sf);
	(v2sf) =	vpush v4, $0x0  }
0x469: {  	s15 =	spop (v2sf);
	v5 =	vadd.f32 v60, v5;
	v3 =	vadd.f32 v3, v6  }
0x46a: {  	s2 =	sadd.f32 s2, s9;
	(v2sf) =	vpush v4, $0x3;
	s17 =	spop (v2sf)  }
0x46b: {  	s5 =	sadd.f32 s5, s10;
	s22 =	spop (v2sf);
	(v2sf) =	vpush v5, $0x0;
	[tilespmem:$0x11578] =	vst v3  }
0x46c: {  	s6 =	sadd.f32 s12, s6;
	s11 =	spop (v2sf);
	(v2sf) =	vpush v5, $0x1;
	v61 =	vld [tilespmem:$0x11580]  }
0x46d: {  	s4 =	sadd.f32 s18, s19;
	s28 =	spop (v2sf);
	(v2sf) =	vpush v5, $0x2  }
0x46e: {  	s7 =	sadd.f32 s7, s15;
	s29 =	spop (v2sf);
	(v2sf) =	vpush v5, $0x3  }
0x46f: {  	s5 =	sadd.f32 s5, s4;
	s18 =	spop (v2sf);
	(v2sf) =	vpush v5, $0x4  }
0x470: {  	s6 =	sadd.f32 s7, s6;
	s30 =	spop (v2sf);
	(v2sf) =	vpush v5, $0x5  }
0x471: {  	s4 =	sadd.f32 s2, s16;
	s31 =	spop (v2sf);
	(v2sf) =	vpush v5, $0x6;
	v3 =	vadd.f32 v61, v3  }
0x472: {  	s9 =	sadd.f32 s5, s6;
	s5 =	spop (v2sf);
	(v2sf) =	vpush v5, $0x7  }
0x473: {  	s16 =	sadd.f32 s22, s28;
	s19 =	spop (v2sf);
	(v2sf) =	vpush v3, $0x7  }
0x474: {  	s22 =	sadd.f32 s29, s17;
	s28 =	spop (v2sf);
	(v2sf) =	vpush v3, $0x0  }
0x475: {  	s11 =	sadd.f32 s11, s18;
	s29 =	spop (v2sf);
	(v2sf) =	vpush v3, $0x3  }
0x476: {  	s2 =	sadd.f32 s31, s30;
	s30 =	spop (v2sf);
	(v2sf) =	vpush v3, $0x6  }
0x477: {  	s6 =	sadd.f32 s16, s22;
	s31 =	spop (v2sf);
	(v2sf) =	vpush v3, $0x1  }
0x478: {  	s2 =	sadd.f32 s11, s2;
	s17 =	spop (v2sf);
	(v2sf) =	vpush v3, $0x5  }
0x479: {  	s5 =	sadd.f32 s5, s19;
	s18 =	spop (v2sf);
	(v2sf) =	vpush v3, $0x4  }
0x47a: {  	s7 =	sadd.f32 s28, s30;
	s19 =	spop (v2sf);
	(v2sf) =	vpush v3, $0x2  }
0x47b: {  	s11 =	sadd.f32 s31, s17;
	s22 =	spop (v2sf)  }
0x47c: {  	s10 =	sadd.f32 s18, s29;
	s28 =	spop (v2sf)  }
0x47d: {  	s5 =	sadd.f32 s5, s7;
	s29 =	spop (v2sf)  }
0x47e: {  	s10 =	sadd.f32 s10, s11;
	s30 =	spop (v2sf)  }
0x47f: {  	s2 =	sadd.f32 s6, s2;
	s31 =	spop (v2sf)  }
0x480: {  	s5 =	sadd.f32 s5, s10;
	s16 =	spop (v2sf)  }
0x481: {  	s15 =	sadd.f32 s22, s19;
	s17 =	spop (v2sf)  }
0x482: {  	s7 =	sadd.f32 s29, s28;
	s18 =	spop (v2sf)  }
0x483: {  	s6 =	sadd.f32 s31, s30;
	s19 =	spop (v2sf)  }
0x484: {  	s10 =	sadd.f32 s17, s16;
	s16 =	spop (v2sf)  }
0x485: {  	s7 =	sadd.f32 s7, s15;
	s22 =	spop (v2sf)  }
0x486: {  	s6 =	sadd.f32 s10, s6;
	s28 =	spop (v2sf)  }
0x487: {  	s29 =	sadd.s32 $0x1, s1;
	v3 =	vmov s1;
	s12 =	sadd.f32 s18, s22;
	s30 =	spop (v2sf)  }
0x488: {  	s31 =	sadd.s32 $0x2, s1;
	vm0 =	veq.s32 v3, v1;
	v3 =	vmov s29;
	s10 =	sadd.f32 s28, s19;
	s18 =	spop (v2sf)  }
0x489: {  	v62 =	vmov s31;
	v2 =	vsel vm0, s13, v2;
	vm10 =	veq.s32 v3, v1;
	s19 =	sadd.s32 $0x3, s1;
	s11 =	sadd.f32 s30, s18;
	s22 =	spop (v2sf)  }
0x48a: {  	vm11 =	veq.s32 v62, v1;
	v2 =	vsel vm10, s14, v2;
	v3 =	vmov s19;
	s28 =	sadd.f32 s16, s22  }
0x48b: {  	s25 =	sadd.s32 $0x1, s25;
	s29 =	sadd.s32 $0x1, s0;
	v2 =	vsel vm11, s4, v2;
	vm1 =	veq.s32 v3, v1;
	v3 =	vmov s0;
	s11 =	sadd.f32 s12, s11  }
0x48c: {  	p0 =	sne.s32 s25, $0x7D;
	s30 =	sadd.s32 $0x2, s0;
	v2 =	vsel vm1, s9, v2;
	vm12 =	veq.s32 v3, v1;
	v3 =	vmov s29;
	s1 =	sadd.f32 s28, s10  }
.Ltmp5:
0x48d: {  	s31 =	sadd.s32 $0x3, s0;
	s6 =	sadd.f32 s6, s7;
	v2 =	vsel vm12, s2, v2;
	vm13 =	veq.s32 v3, v1;
	v3 =	vmov s30;
	(pc) =	sbr.rel @p0 .LBB2_2-.Ltmp5, $4  }
0x48e: {  	v63 =	vmov s31;
	v2 =	vsel vm13, s5, v2;
	vm14 =	veq.s32 v3, v1;
	s1 =	sadd.f32 s11, s1  }
0x48f: {  	vm15 =	veq.s32 v63, v1;
	v2 =	vsel vm14, s6, v2  }
0x490: {  	v2 =	vsel vm15, s1, v2  }
0x491: {  	s24 =	sadd.s32 $0x1, s24;
	[tilespmem:s26+$0xEE60] =	vst v2  }
0x492: {  	s7 =	simm.s32 $0x0;
	s0 =	rddreg [dreg:$0x5];
	s1 =	simm.s32 $0xEE20  }
0x493: {  	[hbm4b:s0+s7] =	stream.linear.scatter [tilespmem:s1], [sflag:$0x3], $0x2710, $0x38;
	[tilespmem:$0x11590] =	vst v63  }
0x494: {  	_ =	swait.ge [sflag:s8], $0x2710  }
0x495: {  	s23 =	sadd.s32 $0x1, s23;
	s31 =	rddreg [dreg:$0x6]  }
0x496: {  	p0 =	sne.s32 s23, s31  }
.Ltmp6:
0x497: {  	_ = 	snop;
	(pc) =	sbr.rel @p0 .LBB2_1-.Ltmp6, $3  }
0x498: {  	_ =	sdelay $0x1  }
0x499: {  	[sflag:s8] =	ssyncset.done $0x0  }
0x49a: {  	[sflag:s8] =	ssyncadd.s32 $0xFFFFD8F0  }
0x49b: {  	_ =	sfence.sel $0x180000  }
0x49c: {  	[bflag:$0x0] =	sbarrier.arrive $0xFFFF  }
0x49d: {  	_ =	strace $0x9000004D  }
0x49e: {  	s0 =	stileid.u32;
	[bflag:$0x2] =	sbarrier.arrive $0xFFFF  }
0x49f: {  	p0 =	sne.s32 s0, $0x0;
	s0 =	rddreg [dreg:$0x2]  }
0x4a0: {  	s0 =	sadd.s32 @!p0 $0x100000, s0  }
0x4a1: {  	[sflag:s0] =	ssyncadd.tile.s32 @!p0 $0x1;
	_ =	shalt  }
.Lfunc_end2:
_tile_overlayer_lowered:
.L_overlay_start_2:
0x4a2: {  	(tag) =	ssettag $0x2  }
0x4a3: {  	s0 =	rddreg [dreg:$0x0];
	s2 =	stileid.u32  }
0x4a4: {  	s1 =	rddreg [dreg:$0x1];
	p0 =	sne.s32 s2, $0x0  }
0x4a5: {  	s3 =	rddreg [dreg:$0x2];
	[bflag:$0x3] =	sbarrier.arrive $0xFFFF;
	s2 =	simm.s32 @!p0 $0x1C03  }
0x4a6: {  	[timem:s3], [sflag:s2] =	dma.local @!p0 [hbm:s0], s1  }
0x4a7: {  	s0 =	simm.s32 @!p0 $0x3  }
0x4a8: {  	_ =	swait.ge @!p0 [sflag:s0], s1  }
0x4a9: {  	s1 =	ssub.s32 @!p0 $0x0, s1;
	[sflag:s0] =	ssyncset.done @!p0 $0x0  }
0x4aa: {  	[sflag:s0] =	ssyncadd.s32 @!p0 s1  }
0x4ab: {  	[bflag:$0x3] =	sbarrier.arrive $0xFFFF  }
0x4ac: {  	_ =	shalt  }

// kernel: kernel.8.cloned.1.call-start
scs
__scs_entry_jumppad:
0x0: {  	(pc) =	sbr.rel $0x88, $3  }
0x1: {  	(tag) =	ssettag $0x0;
	lr =	simm.s32 $0x1  }
0x2: {  	[smem:$0x3F94] =	sst lr;
	_ =	strace $0xD0000000  }
0x3: {  	_ = 	snop  }
0x4: {  	_ = 	snop  }
0x5: {  	_ = 	snop  }
0x6: {  	_ = 	snop  }
0x7: {  	_ = 	snop  }
__scs_overlays_trampoline_lowered:
0x8: {  	[smem:$0x3FA3] =	sst s0  }
0x9: {  	[smem:$0x3FA4] =	sst s1  }
0xa: {  	[smem:$0x3FA5] =	sst s2  }
0xb: {  	[smem:$0x3FA6] =	sst s3  }
0xc: {  	[smem:$0x3FA7] =	sst s4  }
0xd: {  	[smem:$0x3FA8] =	sst s5  }
0xe: {  	[smem:$0x3FA9] =	sst s6  }
0xf: {  	[smem:$0x3FAA] =	sst s7  }
0x10: {  	[smem:$0x3FAB] =	sst s8  }
0x11: {  	[smem:$0x3FAC] =	sst s9;
	s0 =	simm.s32 @!p0 $0x0  }
0x12: {  	s1 =	sld [smem:$0x3F92];
	s0 =	simm.s32 @p0 $0x1  }
0x13: {  	[smem:$0x3FAD] =	sst s0;
	s0 =	simm.s32 @!p1 $0x0  }
0x14: {  	s2 =	sld [smem:$0x3F91];
	s0 =	simm.s32 @p1 $0x1  }
0x15: {  	[smem:$0x3FAE] =	sst s0;
	s0 =	simm.s32 @!p2 $0x0  }
0x16: {  	s3 =	sld [smem:$0x3FDB];
	s0 =	simm.s32 @p2 $0x1  }
0x17: {  	s4 =	simm.s32 $0x1BF5;
	[smem:$0x3FB0] =	sst s0  }
0x18: {  	s0 =	sld [smem:$0x3F93];
	_ =	swait.ge [sflag:s4], $0x0  }
0x19: {  	s7 =	sld [smem:$0x3F94]  }
0x1a: {  	s8 =	sadd.s32 $0xFFFFE003, lr  }
0x1b: {  	s9 =	sadd.s32 $0xFFFFFEF7, lr;
	s5 =	simm.s32 $0xFFFFFFFF;
	p2 =	slt.u32 s8, $0xFFFFF086  }
0x1c: {  	p1 =	slt.u32 s9, $0xF7A;
	s5 =	simm.s32 @!p2 $0x0  }
0x1d: {  	s5 =	simm.s32 @p1 $0x1;
	p0 =	seq.s32 s7, s2  }
0x1e: {  	s7 =	smul.u32 @!p0 $0xF7A, s2;
	p2 =	seq.s32 @!p0 s5, $0x0  }
0x1f: {  	s9 =	smul.u32 $0xF7A, s1;
	s8 =	simm.s32 @!p0 $0x1BF5;
	p2 =	por !p2, p0  }
0x20: {  	[sflag:s8] =	ssyncset.s32 @!p0 $0xFFFFF086;
	s6 =	sadd.s32 @!p0 s3, s7;
	s7 =	simm.s32 @!p0 $0x108  }
0x21: {  	s3 =	sadd.s32 s3, s9;
	s6 =	sadd.s32 @!p0 $0x88, s6;
	s7 =	simm.s32 @p2 $0x1082  }
0x22: {  	[simem:s7], [sflag:s8] =	dma.local @!p0 [hbm:s6], $0xF7A  }
0x23: {  	s9 =	sor.u32 $0xD0000000, s2;
	s6 =	simm.s32 $0x108;
	_ =	swait.ge @!p0 [sflag:s8], $0x0  }
0x24: {  	s3 =	sadd.s32 $0x88, s3;
	s6 =	simm.s32 @!p1 $0x1082;
	[sflag:s4] =	ssyncset.s32 $0xFFFFF086  }
0x25: {  	[simem:s6], [sflag:s4] =	dma.local [hbm:s3], $0xF7A  }
0x26: {  	[smem:$0x3F94] =	sst s1;
	(tag) =	ssettag s2;
	_ =	strace s9  }
0x27: {  	s1 =	sld [smem:$0x3FA4]  }
0x28: {  	s2 =	sld [smem:$0x3FA5]  }
0x29: {  	s4 =	sld [smem:$0x3FA7]  }
0x2a: {  	p0 =	seq.s32 s5, $0x0;
	s5 =	sld [smem:$0x3FA8]  }
0x2b: {  	s6 =	sld [smem:$0x3FA9]  }
0x2c: {  	s7 =	sld [smem:$0x3FAA]  }
0x2d: {  	s3 =	simm.s32 $0x108;
	s8 =	sld [smem:$0x3FAB]  }
0x2e: {  	s3 =	simm.s32 @!p0 $0x1082;
	s9 =	sld [smem:$0x3FAC]  }
0x2f: {  	lr =	sadd.s32 s0, s3;
	s0 =	sld [smem:$0x3FA3]  }
0x30: {  	s3 =	sld [smem:$0x3FA6]  }
0x31: {  	[smem:$0x3FAF] =	sst s10  }
0x32: {  	s10 =	sld [smem:$0x3FAD];
	_ =	sdelay $0x3  }
0x33: {  	p0 =	seq.s32 s10, $0x1;
	s10 =	sld [smem:$0x3FAF];
	_ =	sdelay $0x3  }
0x34: {  	[smem:$0x3FAF] =	sst s10  }
0x35: {  	s10 =	sld [smem:$0x3FAE];
	_ =	sdelay $0x3  }
0x36: {  	p1 =	seq.s32 s10, $0x1;
	s10 =	sld [smem:$0x3FAF];
	_ =	sdelay $0x3  }
0x37: {  	[smem:$0x3FAF] =	sst s10  }
0x38: {  	s10 =	sld [smem:$0x3FB0]  }
0x39: {  	_ = 	snop;
	(pc) =	sbr.ind lr, $3  }
0x3a: {  	_ = 	snop  }
0x3b: {  	_ = 	snop  }
0x3c: {  	p2 =	seq.s32 s10, $0x1;
	s10 =	sld [smem:$0x3FAF]  }
0x3d: {  	_ =	shalt  }
0x3e: {  	_ =	shalt  }
0x3f: {  	_ =	shalt  }
0x40: {  	_ =	shalt  }
0x41: {  	_ =	shalt  }
0x42: {  	_ =	shalt  }
0x43: {  	_ =	shalt  }
0x44: {  	_ =	shalt  }
0x45: {  	_ =	shalt  }
0x46: {  	_ =	shalt  }
0x47: {  	_ =	shalt  }
0x48: {  	_ =	shalt  }
0x49: {  	_ =	shalt  }
0x4a: {  	_ =	shalt  }
0x4b: {  	_ =	shalt  }
0x4c: {  	_ =	shalt  }
0x4d: {  	_ =	shalt  }
0x4e: {  	_ =	shalt  }
0x4f: {  	_ =	shalt  }
0x50: {  	_ =	shalt  }
0x51: {  	_ =	shalt  }
0x52: {  	_ =	shalt  }
0x53: {  	_ =	shalt  }
0x54: {  	_ =	shalt  }
0x55: {  	_ =	shalt  }
0x56: {  	_ =	shalt  }
0x57: {  	_ =	shalt  }
0x58: {  	_ =	shalt  }
0x59: {  	_ =	shalt  }
0x5a: {  	_ =	shalt  }
0x5b: {  	_ =	shalt  }
0x5c: {  	_ =	shalt  }
0x5d: {  	_ =	shalt  }
0x5e: {  	_ =	shalt  }
0x5f: {  	_ =	shalt  }
0x60: {  	_ =	shalt  }
0x61: {  	_ =	shalt  }
0x62: {  	_ =	shalt  }
0x63: {  	_ =	shalt  }
0x64: {  	_ =	shalt  }
0x65: {  	_ =	shalt  }
0x66: {  	_ =	shalt  }
0x67: {  	_ =	shalt  }
0x68: {  	_ =	shalt  }
0x69: {  	_ =	shalt  }
0x6a: {  	_ =	shalt  }
0x6b: {  	_ =	shalt  }
0x6c: {  	_ =	shalt  }
0x6d: {  	_ =	shalt  }
0x6e: {  	_ =	shalt  }
0x6f: {  	_ =	shalt  }
0x70: {  	_ =	shalt  }
0x71: {  	_ =	shalt  }
0x72: {  	_ =	shalt  }
0x73: {  	_ =	shalt  }
0x74: {  	_ =	shalt  }
0x75: {  	_ =	shalt  }
0x76: {  	_ =	shalt  }
0x77: {  	_ =	shalt  }
0x78: {  	_ =	shalt  }
0x79: {  	_ =	shalt  }
0x7a: {  	_ =	shalt  }
0x7b: {  	_ =	shalt  }
0x7c: {  	_ =	shalt  }
0x7d: {  	_ =	shalt  }
0x7e: {  	_ =	shalt  }
0x7f: {  	_ =	shalt  }
0x80: {  	_ =	shalt  }
0x81: {  	_ =	shalt  }
0x82: {  	_ =	shalt  }
0x83: {  	_ =	shalt  }
0x84: {  	_ =	shalt  }
0x85: {  	_ =	shalt  }
0x86: {  	_ =	shalt  }
0x87: {  	_ =	shalt  }
.Lfunc_end0:
.L_simem_size_0:
called_computation_lowered:
.L_overlay_start_0:
0x88: {  	s2 =	sld [smem:$0x3FD9]  }
0x89: {  	s3 =	sld [smem:$0x3FFE];
	_ =	sdelay $0x1  }
0x8a: {  	s1 =	srdreg.scid  }
0x8b: {  	s0 =	sand.u32 $0x1, s1  }
0x8c: {  	s17 =	sshll.u32 s0, $0xA;
	s2 =	sadd.s32 s3, s2  }
0x8d: {  	s2 =	sadd.s32 s2, s17  }
0x8e: {  	[smem:$0x3FBB] =	sst s2  }
0x8f: {  	_ = 	snop  }
0x90: {  	s2 =	sld [smem:$0x3FD0];
	(tm) =	ssettm $0x1  }
0x91: {  	s18 =	sld [smem:$0x3FFB];
	_ =	sdelay $0x3  }
0x92: {  	_ =	strace s18  }
0x93: {  	s3 =	sld [smem:$0x3FFC];
	_ =	sdelay $0x3  }
0x94: {  	_ =	strace s3  }
0x95: {  	s3 =	sld [smem:$0x3FFD];
	_ =	sdelay $0x3  }
0x96: {  	_ =	strace s3  }
0x97: {  	_ =	strace $0x8FFFFFFF  }
0x98: {  	s19 =	sld [smem:$0x3FDB];
	_ =	sdelay $0x1  }
0x99: {  	s4 =	simm.s32 $_scs_section_size  }
0x9a: {  	s5 =	simm.s32 $_size__tile_overlayer_lowered;
	s6 =	simm.s32 $_tile_overlayer_lowered  }
0x9b: {  	s22 =	simm.s32 $0x1BFF;
	s21 =	sshll.u32 s6, $0x1;
	s3 =	sadd.s32 s4, s19  }
0x9c: {  	s7 =	simm.s32 $0x0;
	s20 =	sshll.u32 s5, $0x1;
	s5 =	sadd.s32 s21, s3  }
0x9d: {  	[timem:s7], [sflag:s22] =	dma.local [hbm:s5], s20  }
0x9e: {  	_ =	swait.ge [sflag:s22], s20  }
0x9f: {  	s4 =	ssub.s32 $0x0, s20;
	[sflag:s22] =	ssyncset.done $0x0  }
0xa0: {  	[sflag:s22] =	ssyncadd.s32 s4;
	_ =	sdelay $0x1  }
0xa1: {  	s23 =	simm.s32 $0x1B8B  }
0xa2: {  	_ =	swait.ge [sflag:s23], $0x1  }
0xa3: {  	[sflag:s23] =	ssyncset.done $0x0  }
0xa4: {  	s25 =	simm.s32 $0x1B8E;
	s24 =	sld [smem:$0x3FFE];
	[sflag:s23] =	ssyncadd.s32 $0xFFFFFFFF  }
0xa5: {  	s26 =	simm.s32 $execute0_lowered;
	[smem:$0x3FD2] =	sst s25  }
0xa6: {  	s5 =	sshll.u32 s26, $0x1;
	_ =	strace $0x80000046;
	[dreg:$0x1] =	wrdreg $0xFFFFFFFF  }
0xa7: {  	s28 =	simm.s32 $_size_execute0_lowered;
	s3 =	sadd.s32 s3, s5;
	[dreg:$0x0] =	wrdreg $0x0  }
0xa8: {  	s5 =	sshll.u32 s28, $0x1;
	[dreg:$0x2] =	wrdreg s3  }
0xa9: {  	[dreg:$0x3] =	wrdreg s5  }
0xaa: {  	[dreg:$0x4] =	wrdreg $0xC0  }
0xab: {  	_ =	task [dreg:s7], $0x5FFFF  }
0xac: {  	[dreg:$0x1] =	wrdreg $0xFFFFFFFF  }
0xad: {  	[dreg:$0x0] =	wrdreg $0x60  }
0xae: {  	[dreg:$0x2] =	wrdreg s24  }
0xaf: {  	[dreg:$0x3] =	wrdreg s2  }
0xb0: {  	[dreg:$0x4] =	wrdreg $0xA8000  }
0xb1: {  	[dreg:$0x5] =	wrdreg $0x9  }
0xb2: {  	_ =	task.clear_ibuf [dreg:s7], $0x6FFFF;
	_ =	strace $0x90000046  }
0xb3: {  	s29 =	simm.s32 $0x9;
	_ =	strace $0x80000048  }
0xb4: {  	_ =	swait.ge [sflag:s29], $0x1  }
0xb5: {  	[sflag:s29] =	ssyncadd.s32 $0xFFFFFFFF  }
0xb6: {  	_ =	strace $0x90000048  }
0xb7: {  	_ =	sfence  }
0xb8: {  	s30 =	sld [smem:$0x0];
	_ =	sdelay $0x2  }
0xb9: {  	s31 =	sshll.u32 s1, $0xD;
	s1 =	sshrl.u32 s1, $0x2  }
0xba: {  	s3 =	sand.u32 $0x4000, s31;
	s1 =	sadd.s32 s1, s30  }
0xbb: {  	s0 =	sor.u32 s3, s0;
	s1 =	sshll.u32 s1, $0x11  }
0xbc: {  	s0 =	sor.u32 s1, s0  }
0xbd: {  	s0 =	sadd.s32 $0x8F2B, s0  }
0xbe: {  	[sflag:s0] =	ssyncadd.remote.s32 $0x1  }
0xbf: {  	_ =	sfence.sel $0xFFFF  }
0xc0: {  	[dreg:$0x0] =	wrdreg $0xFFFFFFFF;
	(pc) =	sbr.abs _section_cstart, $3  }
0xc1: {  	[dreg:$0x1] =	wrdreg $0xFFFFFFFF  }
0xc2: {  	_ =	task.clear_ibuf [dreg:s7], $0x2FFFF;
	_ =	strace $0x9FFFFFFF  }
0xc3: {  	(tm) =	ssettm $0x7FFFFFFF  }
tec
execute0_lowered:
.L_overlay_start_1:
0x0: {  	(tag) =	ssettag $0x1  }
0x1: {  	s0 =	rddreg [dreg:$0x0]  }
0x2: {  	s2 =	rddreg [dreg:$0x2];
	s3 =	simm.s32 $0x0  }
0x3: {  	s5 =	srdreg.scid;
	s1 =	stileid.u32;
	s19 =	simm.s32 $0x50  }
0x4: {  	s23 =	simm.s32 $0x1;
	s24 =	simm.s32 $0x2;
	s25 =	simm.s32 $0x0  }
0x5: {  	[smem:$0x7FF] =	sst s3;
	s4 =	sadd.s32 $0x2A600, s0;
	s6 =	sadd.s32 $0x2600, s0  }
0x6: {  	s7 =	sadd.s32 $0x16600, s0;
	s0 =	sadd.s32 $0x51800, s0;
	s10 =	smul.u32 $0x4E000, s1  }
0x7: {  	s5 =	sand.u32 $0x1, s5;
	s12 =	smul.u32 $0x2700, s1;
	s26 =	sshll.u32 s1, $0x6  }
0x8: {  	s17 =	sadd.s32 $0x138000, s2;
	p0 =	sne.s32 s1, $0xF;
	_ =	strace $0x80000047  }
0x9: {  	s8 =	ssub.s32 $0x2, s5;
	s9 =	sshll.u32 s5, $0x4;
	s28 =	smul.u32 $0x138800, s5  }
0xa: {  	s5 =	smul.u32 $0x27100, s5;
	s17 =	sshrl.u32 @!p0 s17, $0x3;
	s11 =	sshrl.u32 s8, $0x1  }
0xb: {  	s9 =	sor.u32 s1, s9;
	s10 =	sshrl.u32 s10, $0x2;
	s14 =	ssub.s32 s8, s11  }
0xc: {  	s8 =	smul.u32 $0x5000, s9;
	s15 =	sadd.s32 s10, s2;
	s9 =	sor.u32 $0x1C03, s26  }
.Ltmp0:
0xd: {  	s16 =	sshrl.u32 s28, $0x3;
	s5 =	sadd.s32 s12, s5;
	(pc) =	sbr.rel .LBB2_1-.Ltmp0, $4  }
0xe: {  	s31 =	sadd.s32 s0, s16;
	s0 =	sadd.s32 s0, s5;
	s13 =	sshrl.u32 s8, $0x3  }
0xf: {  	s14 =	smax.u32 s14, $0x1;
	[dreg:$0x8] =	wrdreg s0;
	s29 =	sadd.s32 s6, s13  }
0x10: {  	s15 =	sshrl.u32 s15, $0x3;
	s30 =	sadd.s32 s7, s13;
	[dreg:$0x6] =	wrdreg s29  }
0x11: {  	s16 =	simm.s32 $0x3;
	s13 =	sadd.s32 $0x27000, s31;
	[dreg:$0x7] =	wrdreg s30  }
.LBB2_10:
0x12: {  	_ =	swait.ge [sflag:s24], $0x2800  }
0x13: {  	[sflag:s24] =	ssyncset.done $0x0  }
0x14: {  	[sflag:s24] =	ssyncadd.s32 $0xFFFFD800  }
0x15: {  	[bflag:$0x0] =	sbarrier.arrive $0xFFFF  }
0x16: {  	s0 =	rddreg [dreg:$0x8]  }
0x17: {  	[hbm:s0], [sflag:s9] =	dma.local [spmem:s15], $0x2700  }
0x18: {  	s25 =	sadd.s32 $0x1, s25;
	_ =	swait.ge [sflag:s16], $0x2700  }
0x19: {  	p1 =	sne.s32 s25, s14;
	[sflag:s16] =	ssyncset.done $0x0  }
.Ltmp1:
0x1a: {  	s0 =	simm.s32 @!p0 $0x3;
	[sflag:s16] =	ssyncadd.s32 $0xFFFFD900;
	(pc) =	sbr.rel @!p1 .LBB2_11-.Ltmp1, $4  }
0x1b: {  	[hbm:s13], [sflag:s9] =	dma.local @!p0 [spmem:s17], $0x100  }
0x1c: {  	_ =	swait.ge @!p0 [sflag:s0], $0x100  }
0x1d: {  	[sflag:s0] =	ssyncset.done @!p0 $0x0  }
0x1e: {  	[sflag:s0] =	ssyncadd.s32 @!p0 $0xFFFFFF00  }
.LBB2_1:
0x1f: {  	s0 =	rddreg [dreg:$0x1]  }
0x20: {  	[spmem:s15], [sflag:s9] =	dma.local [hbm:s0], $0x2700  }
0x21: {  	_ =	swait.ge [sflag:s16], $0x2700  }
0x22: {  	[sflag:s16] =	ssyncset.done $0x0  }
0x23: {  	[sflag:s16] =	ssyncadd.s32 $0xFFFFD900  }
0x24: {  	[spmem:s17], [sflag:s9] =	dma.local @!p0 [hbm:s0], $0x100  }
0x25: {  	s0 =	simm.s32 @!p0 $0x3  }
0x26: {  	_ =	swait.ge @!p0 [sflag:s0], $0x100  }
0x27: {  	[sflag:s0] =	ssyncset.done @!p0 $0x0  }
0x28: {  	[sflag:s0] =	ssyncadd.s32 @!p0 $0xFFFFFF00  }
0x29: {  	[bflag:$0x0] =	sbarrier.arrive $0xFFFF  }
0x2a: {  	s26 =	rddreg [dreg:$0x6]  }
0x2b: {  	[tilespmem:s3], [sflag:$0x3] =	stream.linear.gather [hbm4b:s26+s3], $0xC80, $0x38;
	[tilespmem:$0x1E080] =	vst v63  }
0x2c: {  	_ =	swait.ge [sflag:s16], $0xC80  }
0x2d: {  	[sflag:s16] =	ssyncset.done $0x0  }
0x2e: {  	s1 =	simm.s32 $0x1000;
	s28 =	rddreg [dreg:$0x7];
	[sflag:s16] =	ssyncadd.s32 $0xFFFFF380  }
0x2f: {  	[tilespmem:s1], [sflag:$0x3] =	stream.linear.gather [hbm4b:s28+s3], $0xC80, $0x38;
	[tilespmem:$0x1E080] =	vst v63  }
0x30: {  	_ =	swait.ge [sflag:s16], $0xC80  }
0x31: {  	[sflag:s16] =	ssyncset.done $0x0  }
0x32: {  	s29 =	simm.s32 $0x3000;
	[sflag:s16] =	ssyncadd.s32 $0xFFFFF380  }
0x33: {  	[tilespmem:s29], [sflag:$0x1] =	stream.indirect.gather [hbm4b:s4+s19], $0x80, s3, s19, $0xb8;
	[tilespmem:$0x1E080] =	vst v63  }
0x34: {  	s30 =	simm.s32 $0x80;
	s31 =	simm.s32 $0x5800;
	s5 =	simm.s32 $0x0  }
0x35: {  	[tilespmem:s31], [sflag:$0x1] =	stream.indirect.gather [hbm4b:s4+s19], $0x80, s30, s19, $0xb8;
	[tilespmem:$0x1E080] =	vst v63  }
.LBB2_3:
0x36: {  	p1 =	seq.s32 s5, $0x0  }
0x37: {  	s0 =	simm.s32 @!p1 $0x2  }
0x38: {  	s18 =	sshll.u32 @!p1 s5, $0xC;
	_ =	swait.ge @!p1 [sflag:s0], $0x2800  }
0x39: {  	s18 =	sadd.s32 @!p1 s8, s18;
	[sflag:s0] =	ssyncset.done @!p1 $0x0  }
0x3a: {  	[sflag:s0] =	ssyncadd.s32 @!p1 $0xFFFFD800;
	s0 =	sshrl.u32 @!p1 s18, $0x3  }
0x3b: {  	s20 =	simm.s32 @!p1 $0x1000;
	s18 =	sadd.s32 @!p1 s7, s0;
	s0 =	simm.s32 @!p1 $0x0  }
0x3c: {  	[tilespmem:s20], [sflag:$0x3] =	stream.linear.gather @!p1 [hbm4b:s18+s0], $0xC80, $0x38;
	[tilespmem:$0x1E080] =	vst v63  }
0x3d: {  	s18 =	sand.u32 @!p1 $0x1, s5  }
0x3e: {  	p2 =	seq.s32 @!p1 s18, $0x1  }
0x3f: {  	p2 =	por p1, !p2  }
.Ltmp2:
0x40: {  	_ = 	snop;
	(pc) =	sbr.rel @!p2 .LBB2_6-.Ltmp2, $4  }
0x41: {  	s20 =	simm.s32 @!p1 $0x3  }
0x42: {  	_ =	swait.ge @!p1 [sflag:s20], $0xC80  }
0x43: {  	[sflag:s20] =	ssyncset.done @!p1 $0x0  }
0x44: {  	s26 =	sadd.s32 @!p1 $0x1, s5;
	[sflag:s20] =	ssyncadd.s32 @!p1 $0xFFFFF380  }
0x45: {  	p3 =	sne.s32 @!p1 s5, $0x4;
	p2 =	por $0x1, $0x1  }
0x46: {  	s18 =	simm.s32 @p1 $0x0;
	p2 =	por @!p1 p3, p3  }
0x47: {  	p3 =	sne.s32 @p2 s18, $0x0  }
0x48: {  	p3 =	por !p2, p3  }
.Ltmp3:
0x49: {  	_ = 	snop;
	(pc) =	sbr.rel @p3 .LBB2_12-.Ltmp3, $2  }
0x4a: {  	_ =	sdelay $0x2  }
0x4b: {  	s26 =	simm.s32 @p1 $0x1  }
0x4c: {  	s0 =	simm.s32 $0x2000  }
.LBB2_6:
0x4d: {  	s18 =	sshll.u32 s26, $0xC  }
0x4e: {  	s18 =	sadd.s32 s8, s18  }
0x4f: {  	s18 =	sshrl.u32 s18, $0x3  }
0x50: {  	s18 =	sadd.s32 s6, s18  }
0x51: {  	[tilespmem:s0], [sflag:$0x3] =	stream.linear.gather [hbm4b:s18+s3], $0xC80, $0x38;
	[tilespmem:$0x1E080] =	vst v63  }
0x52: {  	_ =	swait.ge [sflag:s16], $0xC80  }
0x53: {  	[sflag:s16] =	ssyncset.done $0x0  }
0x54: {  	[sflag:s16] =	ssyncadd.s32 $0xFFFFF380  }
.LBB2_7:
0x55: {  	s0 =	smul.u32 $0x19, s5  }
0x56: {  	s18 =	smul.u32 $0xFA000, s5  }
0x57: {  	s10 =	smul.u32 $0x3200, s5;
	s20 =	sadd.s32 $0x2, s0  }
0x58: {  	s28 =	simm.s32 $0x200;
	s21 =	smulhi.u32 $0x51EB851F, s20  }
0x59: {  	s31 =	simm.s32 $0x400;
	s18 =	sshra.s32 s18, $0x2;
	s5 =	sshra.s32 s10, $0x2  }
0x5a: {  	p1 =	sgt.u32 s0, $0x7A;
	s30 =	sadd.s32 $0x3000, s18;
	s11 =	sshrl.u32 s21, $0x3  }
0x5b: {  	s12 =	sadd.s32 $0x100, s5;
	s5 =	sadd.s32 $0x2100, s5;
	s22 =	sand.u32 $0x1, s11  }
0x5c: {  	[dreg:$0x4] =	wrdreg s12;
	s12 =	smulhi.u32 $0xAAAAAAAB, s0;
	p2 =	sne.s32 @!p1 s22, $0x0  }
0x5d: {  	s1 =	smul.u32 $0xFFFFCE00, s11;
	p3 =	seq.s32 s22, $0x1;
	p2 =	por p2, p1  }
0x5e: {  	[dreg:$0x5] =	wrdreg s5;
	p1 =	por !p3, p1;
	s21 =	smul.u32 @!p2 $0xAB, s20  }
0x5f: {  	s10 =	rddreg [dreg:$0x4];
	s5 =	sshra.s32 s1, $0x2;
	s29 =	smul.u32 @!p1 $0xAB, s20  }
0x60: {  	s11 =	rddreg [dreg:$0x5];
	s18 =	sadd.s32 s5, s10;
	s21 =	sshrl.u32 @!p2 s21, $0x9  }
0x61: {  	s5 =	sadd.s32 s5, s11;
	s22 =	sshrl.u32 @!p1 s29, $0x9;
	s21 =	sand.u32 @!p2 $0x7F, s21  }
0x62: {  	s1 =	sadd.s32 @!p1 $0x0, s5;
	s5 =	sand.u32 @!p1 $0x7F, s22;
	s21 =	smul.u32 @!p2 $0x3, s21  }
0x63: {  	s0 =	sadd.s32 $0x1, s0;
	p3 =	por $0x1, $0x1;
	s22 =	smul.u32 @!p1 $0x3, s5  }
0x64: {  	s10 =	simm.s32 @!p3 $0x2;
	s18 =	sadd.s32 @!p2 $0x0, s18;
	s21 =	ssub.s32 @!p2 s20, s21  }
0x65: {  	s5 =	sadd.s32 $0x1, s20;
	s20 =	ssub.s32 @!p1 s20, s22;
	s21 =	sand.u32 @!p2 $0xFF, s21  }
0x66: {  	_ =	swait.ge @!p3 [sflag:s10], $0x2800;
	s20 =	sand.u32 @!p1 $0xFF, s20;
	s21 =	smul.u32 @!p2 $0xA000, s21  }
0x67: {  	s29 =	sadd.s32 $0x2800, s30;
	[sflag:s10] =	ssyncset.done @!p3 $0x0;
	s11 =	smul.u32 @!p1 $0xA000, s20  }
0x68: {  	[sflag:s10] =	ssyncadd.s32 @!p3 $0xFFFFD800;
	s22 =	sshrl.u32 s12, $0x1;
	s21 =	sshrl.u32 @!p2 s21, $0x2  }
0x69: {  	s20 =	simm.s32 @!p2 $0x50;
	s11 =	sshrl.u32 @!p1 s11, $0x2;
	s10 =	sadd.s32 @!p2 $0x3000, s21  }
0x6a: {  	[tilespmem:s10], [sflag:$0x1] =	stream.indirect.gather @!p2 [hbm4b:s4+s20], $0x80, s18, s20, $0xb8;
	[tilespmem:$0x1E080] =	vst v63  }
0x6b: {  	s11 =	sadd.s32 @!p1 $0x3000, s11;
	s10 =	smul.u32 $0xFFFE2000, s22;
	s18 =	simm.s32 @!p1 $0x50  }
0x6c: {  	[tilespmem:s11], [sflag:$0x1] =	stream.indirect.gather @!p1 [hbm4b:s4+s18], $0x80, s1, s18, $0xb8;
	[tilespmem:$0x1E080] =	vst v63  }
0x6d: {  	s21 =	smulhi.u32 $0x51EB851F, s5;
	s20 =	simm.s32 $0x1000;
	_ =	swait.ge [sflag:s23], $0x2800  }
0x6e: {  	s22 =	sshra.s32 s10, $0x2;
	s18 =	sadd.s32 $0x2, s0;
	[sflag:s23] =	ssyncset.done $0x0  }
.LBB2_8:
0x6f: {  	s1 =	smulhi.u32 $0x51EB851F, s18;
	s10 =	sadd.s32 s22, s30  }
0x70: {  	[sflag:s23] =	ssyncadd.s32 $0xFFFFD800;
	s11 =	smov.u32 s28;
	s28 =	smov.u32 s31  }
0x71: {  	[spmem:s2] =	stream.indirect.scatter.add.f32 [tilespmem:s10], [sflag:$0x2], $0x80, s20, s19, $0xb8;
	[tilespmem:$0x1E080] =	vst v63  }
0x72: {  	s30 =	smov.u32 s29;
	p2 =	sgt.u32 s0, $0x7A;
	s1 =	sshrl.u32 s1, $0x3  }
0x73: {  	s12 =	rddreg [dreg:$0x4];
	s22 =	sshrl.u32 s21, $0x3;
	s1 =	sand.u32 $0x1, s1  }
0x74: {  	s31 =	sadd.s32 $0x200, s31;
	s10 =	smul.u32 $0xFFFFCE00, s22;
	p1 =	sne.s32 @!p2 s1, $0x0  }
0x75: {  	s29 =	sadd.s32 $0x2800, s29;
	p4 =	seq.s32 s1, $0x1;
	p3 =	por p1, p2  }
0x76: {  	s1 =	sshra.s32 s10, $0x2;
	s10 =	rddreg [dreg:$0x5];
	s21 =	smul.u32 @!p3 $0xAB, s18  }
0x77: {  	s20 =	sadd.s32 s1, s12;
	p2 =	por !p4, p2;
	s22 =	sshra.s32 @!p3 s11, $0x2  }
0x78: {  	s22 =	sadd.s32 @!p3 s22, s20;
	s20 =	sshrl.u32 @!p3 s21, $0x9;
	s21 =	smul.u32 @!p2 $0xAB, s18  }
0x79: {  	s1 =	sadd.s32 s1, s10;
	p4 =	seq.s32 s11, $0x0;
	s10 =	sand.u32 @!p3 $0x7F, s20  }
0x7a: {  	s12 =	sshra.s32 @!p2 s11, $0x2;
	s10 =	smul.u32 @!p3 $0x3, s10;
	s20 =	sshrl.u32 @!p2 s21, $0x9  }
0x7b: {  	s1 =	sadd.s32 @!p2 s12, s1;
	s21 =	sshra.s32 s11, $0x2;
	s12 =	sand.u32 @!p2 $0x7F, s20  }
0x7c: {  	s20 =	sadd.s32 $0x1000, s21;
	s21 =	smulhi.u32 $0xAAAAAAAB, s0;
	s10 =	ssub.s32 @!p3 s18, s10  }
0x7d: {  	s11 =	simm.s32 @!p4 $0x2;
	s12 =	smul.u32 @!p2 $0x3, s12;
	s10 =	sand.u32 @!p3 $0xFF, s10  }
0x7e: {  	p1 =	seq.s32 s31, $0x3200;
	_ =	swait.ge @!p4 [sflag:s11], $0x2800;
	s10 =	smul.u32 @!p3 $0xA000, s10  }
0x7f: {  	s0 =	sadd.s32 $0x1, s0;
	[sflag:s11] =	ssyncset.done @!p4 $0x0;
	s12 =	ssub.s32 @!p2 s18, s12  }
0x80: {  	[sflag:s11] =	ssyncadd.s32 @!p4 $0xFFFFD800;
	s12 =	sand.u32 @!p2 $0xFF, s12;
	s10 =	sshrl.u32 @!p3 s10, $0x2  }
0x81: {  	s11 =	simm.s32 @!p3 $0x50;
	s12 =	smul.u32 @!p2 $0xA000, s12;
	s10 =	sadd.s32 @!p3 $0x3000, s10  }
0x82: {  	[tilespmem:s10], [sflag:$0x1] =	stream.indirect.gather @!p3 [hbm4b:s4+s11], $0x80, s22, s11, $0xb8;
	[tilespmem:$0x1E080] =	vst v63  }
.Ltmp4:
0x83: {  	s22 =	sshrl.u32 s21, $0x1;
	s11 =	sshrl.u32 @!p2 s12, $0x2;
	(pc) =	sbr.rel @!p1 .LBB2_8-.Ltmp4, $4  }
0x84: {  	s12 =	simm.s32 @!p2 $0x50;
	s10 =	smul.u32 $0xFFFE2000, s22;
	s11 =	sadd.s32 @!p2 $0x3000, s11  }
0x85: {  	[tilespmem:s11], [sflag:$0x1] =	stream.indirect.gather @!p2 [hbm4b:s4+s12], $0x80, s1, s12, $0xb8;
	[tilespmem:$0x1E080] =	vst v63  }
0x86: {  	s5 =	sadd.s32 $0x1, s5;
	s18 =	sadd.s32 $0x2, s0;
	_ =	swait.ge [sflag:s23], $0x2800  }
0x87: {  	s21 =	smulhi.u32 $0x51EB851F, s5;
	s22 =	sshra.s32 s10, $0x2;
	[sflag:s23] =	ssyncset.done $0x0  }
0x88: {  	s1 =	smulhi.u32 $0x51EB851F, s18;
	s5 =	sadd.s32 s22, s30;
	[sflag:s23] =	ssyncadd.s32 $0xFFFFD800  }
0x89: {  	[spmem:s2] =	stream.indirect.scatter.add.f32 [tilespmem:s5], [sflag:$0x2], $0x80, s20, s19, $0xb8;
	[tilespmem:$0x1E080] =	vst v63  }
0x8a: {  	s1 =	sshrl.u32 s1, $0x3  }
0x8b: {  	p1 =	sgt.u32 s0, $0x7A;
	s1 =	sand.u32 $0x1, s1  }
0x8c: {  	p2 =	sne.s32 @!p1 s1, $0x0  }
0x8d: {  	p2 =	por p2, p1  }
0x8e: {  	s22 =	sshrl.u32 s21, $0x3;
	p3 =	seq.s32 s1, $0x1;
	s1 =	smul.u32 @!p2 $0xAB, s18  }
0x8f: {  	s10 =	rddreg [dreg:$0x4];
	s5 =	smul.u32 $0xFFFFCE00, s22  }
0x90: {  	s30 =	smulhi.u32 $0xAAAAAAAB, s0;
	p1 =	por !p3, p1;
	s1 =	sshrl.u32 @!p2 s1, $0x9  }
0x91: {  	s5 =	sshra.s32 s5, $0x2;
	s11 =	smul.u32 @!p1 $0xAB, s18;
	s1 =	sand.u32 @!p2 $0x7F, s1  }
0x92: {  	s12 =	rddreg [dreg:$0x5];
	s10 =	sadd.s32 s5, s10;
	s1 =	smul.u32 @!p2 $0x3, s1  }
0x93: {  	s5 =	sadd.s32 s5, s12;
	p3 =	seq.s32 s28, $0x0;
	s11 =	sshrl.u32 @!p1 s11, $0x9  }
0x94: {  	s20 =	sshra.s32 @!p2 s28, $0x2;
	s11 =	sand.u32 @!p1 $0x7F, s11;
	s1 =	ssub.s32 @!p2 s18, s1  }
0x95: {  	s12 =	simm.s32 @!p3 $0x2;
	s11 =	smul.u32 @!p1 $0x3, s11;
	s1 =	sand.u32 @!p2 $0xFF, s1  }
0x96: {  	s10 =	sadd.s32 @!p2 s20, s10;
	_ =	swait.ge @!p3 [sflag:s12], $0x2800;
	s1 =	smul.u32 @!p2 $0xA000, s1  }
0x97: {  	s20 =	sshra.s32 @!p1 s28, $0x2;
	[sflag:s12] =	ssyncset.done @!p3 $0x0;
	s11 =	ssub.s32 @!p1 s18, s11  }
0x98: {  	[sflag:s12] =	ssyncadd.s32 @!p3 $0xFFFFD800;
	s11 =	sand.u32 @!p1 $0xFF, s11;
	s1 =	sshrl.u32 @!p2 s1, $0x2  }
0x99: {  	s12 =	simm.s32 @!p2 $0x50;
	s11 =	smul.u32 @!p1 $0xA000, s11;
	s1 =	sadd.s32 @!p2 $0x3000, s1  }
0x9a: {  	[tilespmem:s1], [sflag:$0x1] =	stream.indirect.gather @!p2 [hbm4b:s4+s12], $0x80, s10, s12, $0xb8;
	[tilespmem:$0x1E080] =	vst v63  }
0x9b: {  	s0 =	sshrl.u32 s30, $0x1;
	s1 =	sadd.s32 @!p1 s20, s5;
	s5 =	sshrl.u32 @!p1 s11, $0x2  }
0x9c: {  	s0 =	smul.u32 $0xFFFE2000, s0;
	s10 =	simm.s32 @!p1 $0x50;
	s5 =	sadd.s32 @!p1 $0x3000, s5  }
0x9d: {  	[tilespmem:s5], [sflag:$0x1] =	stream.indirect.gather @!p1 [hbm4b:s4+s10], $0x80, s1, s10, $0xb8;
	[tilespmem:$0x1E080] =	vst v63  }
0x9e: {  	_ =	swait.ge [sflag:s23], $0x2800  }
0x9f: {  	s31 =	sshra.s32 s28, $0x2;
	s0 =	sshra.s32 s0, $0x2;
	[sflag:s23] =	ssyncset.done $0x0  }
0xa0: {  	s0 =	sadd.s32 s0, s29;
	s1 =	sadd.s32 $0x1000, s31;
	[sflag:s23] =	ssyncadd.s32 $0xFFFFD800  }
0xa1: {  	[spmem:s2] =	stream.indirect.scatter.add.f32 [tilespmem:s0], [sflag:$0x2], $0x80, s1, s19, $0xb8;
	[tilespmem:$0x1E080] =	vst v63  }
0xa2: {  	p1 =	sgt.u32 s26, $0x4  }
.Ltmp5:
0xa3: {  	_ = 	snop;
	(pc) =	sbr.rel @!p1 .LBB2_3-.Ltmp5, $4  }
.Ltmp6:
0xa4: {  	_ = 	snop;
	(pc) =	sbr.rel @p1 .LBB2_10-.Ltmp6, $4  }
0xa5: {  	_ = 	snop  }
0xa6: {  	_ = 	snop  }
0xa7: {  	s5 =	smov.u32 s26  }
0xa8: {  	_ = 	snop  }
.LBB2_12:
.Ltmp7:
0xa9: {  	(pc) =	sbr.rel .LBB2_7-.Ltmp7, $2  }
0xaa: {  	_ =	sdelay $0x2  }
0xab: {  	s26 =	smov.u32 @p2 s26  }
.LBB2_11:
0xac: {  	_ =	sfence.sel $0x180000  }
0xad: {  	[bflag:$0x0] =	sbarrier.arrive $0xFFFF  }
0xae: {  	_ =	strace $0x90000047  }
0xaf: {  	s0 =	stileid.u32;
	[bflag:$0x2] =	sbarrier.arrive $0xFFFF  }
0xb0: {  	p0 =	sne.s32 s0, $0x0;
	s0 =	rddreg [dreg:$0x3]  }
0xb1: {  	s0 =	sadd.s32 @!p0 $0x100000, s0  }
0xb2: {  	[sflag:s0] =	ssyncadd.tile.s32 @!p0 $0x1;
	_ =	shalt  }
.Lfunc_end2:
_tile_overlayer_lowered:
.L_overlay_start_2:
0xb3: {  	(tag) =	ssettag $0x2  }
0xb4: {  	s0 =	rddreg [dreg:$0x0];
	s2 =	stileid.u32  }
0xb5: {  	s1 =	rddreg [dreg:$0x1];
	p0 =	sne.s32 s2, $0x0  }
0xb6: {  	s3 =	rddreg [dreg:$0x2];
	[bflag:$0x3] =	sbarrier.arrive $0xFFFF;
	s2 =	simm.s32 @!p0 $0x1C03  }
0xb7: {  	[timem:s3], [sflag:s2] =	dma.local @!p0 [hbm:s0], s1  }
0xb8: {  	s0 =	simm.s32 @!p0 $0x3  }
0xb9: {  	_ =	swait.ge @!p0 [sflag:s0], s1  }
0xba: {  	s1 =	ssub.s32 @!p0 $0x0, s1;
	[sflag:s0] =	ssyncset.done @!p0 $0x0  }
0xbb: {  	[sflag:s0] =	ssyncadd.s32 @!p0 s1  }
0xbc: {  	[bflag:$0x3] =	sbarrier.arrive $0xFFFF  }
0xbd: {  	_ =	shalt  }

</sc_bundles>
